<compile_context>
chip_gen: v7x
topology: tpu7x:2x2x1
jax: 0.10.2.dev20260603
libtpu: 0.0.44.dev20260713+nightly
codegen_flags: <defaults>
</compile_context>

<pallas_src>
import jax
import jax.numpy as jnp
from jax import lax
from jax.experimental import pallas as pl
from jax.experimental.pallas import tpu as pltpu
from jax.experimental.pallas import tpu_sc as plsc

B, S, F = 4, 2048, 4096
FW = 128
CH = 64
NG = FW // 16
F_PER_W = F // 8
NSTRIP = F_PER_W // FW
NCHUNK = S // CH
T = NSTRIP * NCHUNK
NBUF = 4
UNROLL = 8


def _sc_body(x_hbm, o_hbm,
             in0, in1, in2, in3, out0, out1, out2, out3,
             isem0, isem1, isem2, isem3, osem0, osem1, osem2, osem3):
    cid = lax.axis_index("c")
    sid = lax.axis_index("s")
    wid = sid * 2 + cid
    b = wid // 8
    f_base = (wid % 8) * F_PER_W

    ins = (in0, in1, in2, in3)
    outs = (out0, out1, out2, out3)
    isems = (isem0, isem1, isem2, isem3)
    osems = (osem0, osem1, osem2, osem3)

    def src_at(t):
        k = t // NCHUNK
        ci = lax.rem(t, NCHUNK)
        return ci * CH, f_base + k * FW

    def start_in(slot, t):
        s0, f0 = src_at(t)
        pltpu.async_copy(
            x_hbm.at[b, pl.ds(s0, CH), pl.ds(f0, FW)], ins[slot], isems[slot]
        )

    def start_out(slot, t):
        s0, f0 = src_at(t)
        pltpu.async_copy(
            outs[slot], o_hbm.at[b, pl.ds(s0, CH), pl.ds(f0, FW)], osems[slot]
        )

    def wait_in(slot):
        pltpu.make_async_copy(x_hbm.at[b, pl.ds(0, CH), pl.ds(0, FW)],
                              ins[slot], isems[slot]).wait()

    def wait_out(slot):
        pltpu.make_async_copy(outs[slot],
                              o_hbm.at[b, pl.ds(0, CH), pl.ds(0, FW)],
                              osems[slot]).wait()

    for slot in range(NBUF):
        start_in(slot, slot)

    def ring_body(i4, carries):
        for par in range(NBUF):
            t = i4 * NBUF + par
            ci = lax.rem(t, NCHUNK)
            wait_in(par)

            @pl.when(t >= NBUF)
            def _():
                wait_out(par)

            zero = jnp.zeros((16,), jnp.float32)
            carries = tuple(jnp.where(ci == 0, zero, c) for c in carries)

            def s_body(sj, carr):
                for u in range(UNROLL):
                    si = sj * UNROLL + u
                    nxt = []
                    for g in range(NG):
                        v = ins[par][si, pl.ds(g * 16, 16)]
                        nc = carr[g] + v
                        outs[par][si, pl.ds(g * 16, 16)] = nc
                        nxt.append(nc)
                    carr = tuple(nxt)
                return carr

            carries = lax.fori_loop(0, CH // UNROLL, s_body, carries)
            start_out(par, t)

            @pl.when(t + NBUF < T)
            def _():
                start_in(par, t + NBUF)
        return carries

    zero = jnp.zeros((16,), jnp.float32)
    lax.fori_loop(0, T // NBUF, ring_body, tuple(zero for _ in range(NG)))
    for slot in range(NBUF):
        wait_out(slot)


def kernel(x):
    mesh = plsc.VectorSubcoreMesh(core_axis_name="c", subcore_axis_name="s")
    kfn = pl.kernel(
        _sc_body,
        mesh=mesh,
        out_type=jax.ShapeDtypeStruct((B, S, F), jnp.float32),
        scratch_types=(
            [pltpu.VMEM((CH, FW), jnp.float32)] * 8
            + [pltpu.SemaphoreType.DMA] * 8
        ),
    )
    return kfn(x)

# --- scband reference (transcript-rebuilt; emitter-appended) ---
"""Pipeline reference for scband-model-new-4810363372070 (READ-ONLY COPY).

The authoritative reference and input builder live on the scoring server;
editing this copy changes nothing except your own understanding.
"""

import jax, jax.numpy as jnp
import numpy as np

DIM = 1

def setup_inputs(seed: int = 0) -> dict:
    key = jax.random.key(seed)
    x = jax.random.normal(key, (4, 2048, 4096), dtype=jnp.float32)
    return {"x": x}

def reference(x):
    # Faithful translation of the custom CUDA scan kernel's intent: an inclusive
    # prefix-sum (cumulative sum) along dimension DIM.
    return jnp.cumsum(x, axis=DIM)

if __name__ == "__main__":
    import jax
    _d = setup_inputs()
    print(jax.jit(kernel)(*tuple(_d.values())))

</pallas_src>

<mosaic_0001>
#map = affine_map<(d0, d1) -> (0, 0, 0)>
module attributes {stable_mosaic.version = 14 : i64} {
  func.func @_sc_body(%arg0: i32, %arg1: i32, %arg2: memref<4x2048x4096xf32, #tpu.memory_space<hbm>>, %arg3: memref<4x2048x4096xf32, #tpu.memory_space<hbm>>, %arg4: memref<64x128xf32, #tpu.memory_space<vmem>>, %arg5: memref<64x128xf32, #tpu.memory_space<vmem>>, %arg6: memref<64x128xf32, #tpu.memory_space<vmem>>, %arg7: memref<64x128xf32, #tpu.memory_space<vmem>>, %arg8: memref<64x128xf32, #tpu.memory_space<vmem>>, %arg9: memref<64x128xf32, #tpu.memory_space<vmem>>, %arg10: memref<64x128xf32, #tpu.memory_space<vmem>>, %arg11: memref<64x128xf32, #tpu.memory_space<vmem>>, %arg12: memref<!tpu.dma_semaphore, #tpu.memory_space<semaphore_mem>>, %arg13: memref<!tpu.dma_semaphore, #tpu.memory_space<semaphore_mem>>, %arg14: memref<!tpu.dma_semaphore, #tpu.memory_space<semaphore_mem>>, %arg15: memref<!tpu.dma_semaphore, #tpu.memory_space<semaphore_mem>>, %arg16: memref<!tpu.dma_semaphore, #tpu.memory_space<semaphore_mem>>, %arg17: memref<!tpu.dma_semaphore, #tpu.memory_space<semaphore_mem>>, %arg18: memref<!tpu.dma_semaphore, #tpu.memory_space<semaphore_mem>>, %arg19: memref<!tpu.dma_semaphore, #tpu.memory_space<semaphore_mem>>) attributes {dimension_semantics = [#tpu.dimension_semantics<core_parallel>, #tpu.dimension_semantics<subcore_parallel>], iteration_bounds = array<i64: 2, 16>, scalar_prefetch = 0 : i64, scratch_operands = 16 : i64, tpu.core_type = #tpu.core_type<sc_vector_subcore>, window_params = [{transform_indices = #map}, {transform_indices = #map}]} {
    %mul3A = arith.constant 2 : i32
    %mul3A_0 = arith.muli %arg1, %mul3A : i32
    %add3A = arith.addi %mul3A_0, %arg0 : i32
    %jit3A = arith.constant 8 : i32
    %div3A = arith.divsi %add3A, %jit3A : i32
    %sign3A = arith.constant 0 : i32
    %sign3A_1 = arith.cmpi sgt, %add3A, %sign3A : i32
    %sign3A_2 = arith.extui %sign3A_1 : i1 to i32
    %sign3A_3 = arith.constant 0 : i32
    %sign3A_4 = arith.cmpi slt, %add3A, %sign3A_3 : i32
    %sign3A_5 = arith.extui %sign3A_4 : i1 to i32
    %sign3A_6 = arith.subi %sign3A_2, %sign3A_5 : i32
    %sign3A_7 = arith.constant 0 : i32
    %sign3A_8 = arith.cmpi sgt, %jit3A, %sign3A_7 : i32
    %sign3A_9 = arith.extui %sign3A_8 : i1 to i32
    %sign3A_10 = arith.constant 0 : i32
    %sign3A_11 = arith.cmpi slt, %jit3A, %sign3A_10 : i32
    %sign3A_12 = arith.extui %sign3A_11 : i1 to i32
    %sign3A_13 = arith.subi %sign3A_9, %sign3A_12 : i32
    %ne3A = arith.cmpi ne, %sign3A_6, %sign3A_13 : i32
    %rem3A = arith.remsi %add3A, %jit3A : i32
    %ne3A_14 = arith.constant 0 : i32
    %ne3A_15 = arith.cmpi ne, %rem3A, %ne3A_14 : i32
    %and3A = arith.andi %ne3A, %ne3A_15 : i1
    %sub3A = arith.constant 1 : i32
    %sub3A_16 = arith.subi %div3A, %sub3A : i32
    %select_n3A = arith.select %and3A, %sub3A_16, %div3A : i32
    %jit3A_17 = arith.constant 8 : i32
    %eq3A = arith.constant 0 : i32
    %eq3A_18 = arith.cmpi eq, %jit3A_17, %eq3A : i32
    %jit3A_19 = arith.constant 1 : i32
    %select_n3A_20 = arith.select %eq3A_18, %jit3A_19, %jit3A_17 : i32
    %rem3A_21 = arith.remsi %add3A, %select_n3A_20 : i32
    %ne3A_22 = arith.constant 0 : i32
    %ne3A_23 = arith.cmpi ne, %rem3A_21, %ne3A_22 : i32
    %lt3A = arith.constant 0 : i32
    %lt3A_24 = arith.cmpi slt, %rem3A_21, %lt3A : i32
    %lt3A_25 = arith.constant 0 : i32
    %lt3A_26 = arith.cmpi slt, %select_n3A_20, %lt3A_25 : i32
    %ne3A_27 = arith.xori %lt3A_24, %lt3A_26 : i1
    %and3A_28 = arith.andi %ne3A_27, %ne3A_23 : i1
    %add3A_29 = arith.addi %rem3A_21, %select_n3A_20 : i32
    %select_n3A_30 = arith.select %and3A_28, %add3A_29, %rem3A_21 : i32
    %mul3A_31 = arith.constant 512 : i32
    %mul3A_32 = arith.muli %select_n3A_30, %mul3A_31 : i32
    %rem3A_33 = arith.constant 0 : i32
    %rem3A_34 = arith.constant 32 : i32
    %rem3A_35 = arith.remsi %rem3A_33, %rem3A_34 : i32
    %mul3A_36 = arith.constant 64 : i32
    %mul3A_37 = arith.muli %rem3A_35, %mul3A_36 : i32
    %add3A_38 = arith.constant 0 : i32
    %add3A_39 = arith.addi %mul3A_32, %add3A_38 : i32
    %dma_start3A = tpu.memref_slice %arg2[%select_n3A, %mul3A_37, %add3A_39] : memref<4x2048x4096xf32, #tpu.memory_space<hbm>> -> memref<1x64x128xf32, #tpu.memory_space<hbm>>
    %dma_start3A_40 = tpu.memref_squeeze %dma_start3A : memref<1x64x128xf32, #tpu.memory_space<hbm>> -> memref<64x128xf32, #tpu.memory_space<hbm>>
    %dma_start3A_41 = tpu.memref_slice %arg2[%select_n3A, %mul3A_37, %add3A_39] : memref<4x2048x4096xf32, #tpu.memory_space<hbm>> -> memref<1x64x128xf32, #tpu.memory_space<hbm>>
    %dma_start3A_42 = tpu.memref_squeeze %dma_start3A_41 : memref<1x64x128xf32, #tpu.memory_space<hbm>> -> memref<64x128xf32, #tpu.memory_space<hbm>>
    tpu.enqueue_dma source(%dma_start3A_42 : memref<64x128xf32, #tpu.memory_space<hbm>>) target(%arg4 : memref<64x128xf32, #tpu.memory_space<vmem>>) target_semaphore(%arg12 : memref<!tpu.dma_semaphore, #tpu.memory_space<semaphore_mem>>)
    %rem3A_43 = arith.constant 1 : i32
    %rem3A_44 = arith.constant 32 : i32
    %rem3A_45 = arith.remsi %rem3A_43, %rem3A_44 : i32
    %mul3A_46 = arith.constant 64 : i32
    %mul3A_47 = arith.muli %rem3A_45, %mul3A_46 : i32
    %add3A_48 = arith.constant 0 : i32
    %add3A_49 = arith.addi %mul3A_32, %add3A_48 : i32
    %dma_start3A_50 = tpu.memref_slice %arg2[%select_n3A, %mul3A_47, %add3A_49] : memref<4x2048x4096xf32, #tpu.memory_space<hbm>> -> memref<1x64x128xf32, #tpu.memory_space<hbm>>
    %dma_start3A_51 = tpu.memref_squeeze %dma_start3A_50 : memref<1x64x128xf32, #tpu.memory_space<hbm>> -> memref<64x128xf32, #tpu.memory_space<hbm>>
    %dma_start3A_52 = tpu.memref_slice %arg2[%select_n3A, %mul3A_47, %add3A_49] : memref<4x2048x4096xf32, #tpu.memory_space<hbm>> -> memref<1x64x128xf32, #tpu.memory_space<hbm>>
    %dma_start3A_53 = tpu.memref_squeeze %dma_start3A_52 : memref<1x64x128xf32, #tpu.memory_space<hbm>> -> memref<64x128xf32, #tpu.memory_space<hbm>>
    tpu.enqueue_dma source(%dma_start3A_53 : memref<64x128xf32, #tpu.memory_space<hbm>>) target(%arg5 : memref<64x128xf32, #tpu.memory_space<vmem>>) target_semaphore(%arg13 : memref<!tpu.dma_semaphore, #tpu.memory_space<semaphore_mem>>)
    %rem3A_54 = arith.constant 2 : i32
    %rem3A_55 = arith.constant 32 : i32
    %rem3A_56 = arith.remsi %rem3A_54, %rem3A_55 : i32
    %mul3A_57 = arith.constant 64 : i32
    %mul3A_58 = arith.muli %rem3A_56, %mul3A_57 : i32
    %add3A_59 = arith.constant 0 : i32
    %add3A_60 = arith.addi %mul3A_32, %add3A_59 : i32
    %dma_start3A_61 = tpu.memref_slice %arg2[%select_n3A, %mul3A_58, %add3A_60] : memref<4x2048x4096xf32, #tpu.memory_space<hbm>> -> memref<1x64x128xf32, #tpu.memory_space<hbm>>
    %dma_start3A_62 = tpu.memref_squeeze %dma_start3A_61 : memref<1x64x128xf32, #tpu.memory_space<hbm>> -> memref<64x128xf32, #tpu.memory_space<hbm>>
    %dma_start3A_63 = tpu.memref_slice %arg2[%select_n3A, %mul3A_58, %add3A_60] : memref<4x2048x4096xf32, #tpu.memory_space<hbm>> -> memref<1x64x128xf32, #tpu.memory_space<hbm>>
    %dma_start3A_64 = tpu.memref_squeeze %dma_start3A_63 : memref<1x64x128xf32, #tpu.memory_space<hbm>> -> memref<64x128xf32, #tpu.memory_space<hbm>>
    tpu.enqueue_dma source(%dma_start3A_64 : memref<64x128xf32, #tpu.memory_space<hbm>>) target(%arg6 : memref<64x128xf32, #tpu.memory_space<vmem>>) target_semaphore(%arg14 : memref<!tpu.dma_semaphore, #tpu.memory_space<semaphore_mem>>)
    %rem3A_65 = arith.constant 3 : i32
    %rem3A_66 = arith.constant 32 : i32
    %rem3A_67 = arith.remsi %rem3A_65, %rem3A_66 : i32
    %mul3A_68 = arith.constant 64 : i32
    %mul3A_69 = arith.muli %rem3A_67, %mul3A_68 : i32
    %add3A_70 = arith.constant 0 : i32
    %add3A_71 = arith.addi %mul3A_32, %add3A_70 : i32
    %dma_start3A_72 = tpu.memref_slice %arg2[%select_n3A, %mul3A_69, %add3A_71] : memref<4x2048x4096xf32, #tpu.memory_space<hbm>> -> memref<1x64x128xf32, #tpu.memory_space<hbm>>
    %dma_start3A_73 = tpu.memref_squeeze %dma_start3A_72 : memref<1x64x128xf32, #tpu.memory_space<hbm>> -> memref<64x128xf32, #tpu.memory_space<hbm>>
    %dma_start3A_74 = tpu.memref_slice %arg2[%select_n3A, %mul3A_69, %add3A_71] : memref<4x2048x4096xf32, #tpu.memory_space<hbm>> -> memref<1x64x128xf32, #tpu.memory_space<hbm>>
    %dma_start3A_75 = tpu.memref_squeeze %dma_start3A_74 : memref<1x64x128xf32, #tpu.memory_space<hbm>> -> memref<64x128xf32, #tpu.memory_space<hbm>>
    tpu.enqueue_dma source(%dma_start3A_75 : memref<64x128xf32, #tpu.memory_space<hbm>>) target(%arg7 : memref<64x128xf32, #tpu.memory_space<vmem>>) target_semaphore(%arg15 : memref<!tpu.dma_semaphore, #tpu.memory_space<semaphore_mem>>)
    %broadcast_in_dim3A = arith.constant 0.000000e+00 : f32
    %broadcast_in_dim3A_76 = vector.broadcast %broadcast_in_dim3A : f32 to vector<16xf32>
    %scan3A = arith.constant 0 : i32
    %scan3A_77 = arith.constant 32 : i32
    %scan3A_78 = arith.addi %scan3A, %scan3A_77 : i32
    %scan3A_79 = arith.constant 1 : i32
    %scan3A_80:8 = scf.for %scan3A_113 = %scan3A to %scan3A_78 step %scan3A_79 iter_args(%scan3A_114 = %broadcast_in_dim3A_76, %scan3A_115 = %broadcast_in_dim3A_76, %scan3A_116 = %broadcast_in_dim3A_76, %scan3A_117 = %broadcast_in_dim3A_76, %scan3A_118 = %broadcast_in_dim3A_76, %scan3A_119 = %broadcast_in_dim3A_76, %scan3A_120 = %broadcast_in_dim3A_76, %scan3A_121 = %broadcast_in_dim3A_76) -> (vector<16xf32>, vector<16xf32>, vector<16xf32>, vector<16xf32>, vector<16xf32>, vector<16xf32>, vector<16xf32>, vector<16xf32>)  : i32 {
      %mul3A_122 = arith.constant 4 : i32
      %mul3A_123 = arith.muli %scan3A_113, %mul3A_122 : i32
      %add3A_124 = arith.constant 0 : i32
      %add3A_125 = arith.addi %mul3A_123, %add3A_124 : i32
      %rem3A_126 = arith.constant 32 : i32
      %rem3A_127 = arith.remsi %add3A_125, %rem3A_126 : i32
      %dma_wait3A_128 = arith.constant 0 : i32
      %dma_wait3A_129 = arith.constant 0 : i32
      %dma_wait3A_130 = tpu.memref_slice %arg2[%select_n3A, %dma_wait3A_128, %dma_wait3A_129] : memref<4x2048x4096xf32, #tpu.memory_space<hbm>> -> memref<1x64x128xf32, #tpu.memory_space<hbm>>
      %dma_wait3A_131 = tpu.memref_squeeze %dma_wait3A_130 : memref<1x64x128xf32, #tpu.memory_space<hbm>> -> memref<64x128xf32, #tpu.memory_space<hbm>>
      %dma_wait3A_132 = arith.constant 0 : i32
      %dma_wait3A_133 = arith.constant 0 : i32
      %dma_wait3A_134 = tpu.memref_slice %arg2[%select_n3A, %dma_wait3A_132, %dma_wait3A_133] : memref<4x2048x4096xf32, #tpu.memory_space<hbm>> -> memref<1x64x128xf32, #tpu.memory_space<hbm>>
      %dma_wait3A_135 = tpu.memref_squeeze %dma_wait3A_134 : memref<1x64x128xf32, #tpu.memory_space<hbm>> -> memref<64x128xf32, #tpu.memory_space<hbm>>
      tpu.wait_dma2 semaphore(%arg12 : memref<!tpu.dma_semaphore, #tpu.memory_space<semaphore_mem>>) src(%dma_wait3A_135 : memref<64x128xf32, #tpu.memory_space<hbm>>) dst(%arg4 : memref<64x128xf32, #tpu.memory_space<vmem>>)
      %ge3A = arith.constant 4 : i32
      %ge3A_136 = arith.cmpi sge, %add3A_125, %ge3A : i32
      %convert_element_type3A = arith.extui %ge3A_136 : i1 to i32
      %cond3A = arith.constant 0 : i32
      %cond3A_137 = arith.cmpi ne, %convert_element_type3A, %cond3A : i32
      scf.if %cond3A_137 {
        %dma_wait3A_491 = arith.constant 0 : i32
        %dma_wait3A_492 = arith.constant 0 : i32
        %dma_wait3A_493 = tpu.memref_slice %arg3[%select_n3A, %dma_wait3A_491, %dma_wait3A_492] : memref<4x2048x4096xf32, #tpu.memory_space<hbm>> -> memref<1x64x128xf32, #tpu.memory_space<hbm>>
        %dma_wait3A_494 = tpu.memref_squeeze %dma_wait3A_493 : memref<1x64x128xf32, #tpu.memory_space<hbm>> -> memref<64x128xf32, #tpu.memory_space<hbm>>
        %dma_wait3A_495 = arith.constant 0 : i32
        %dma_wait3A_496 = arith.constant 0 : i32
        %dma_wait3A_497 = tpu.memref_slice %arg3[%select_n3A, %dma_wait3A_495, %dma_wait3A_496] : memref<4x2048x4096xf32, #tpu.memory_space<hbm>> -> memref<1x64x128xf32, #tpu.memory_space<hbm>>
        %dma_wait3A_498 = tpu.memref_squeeze %dma_wait3A_497 : memref<1x64x128xf32, #tpu.memory_space<hbm>> -> memref<64x128xf32, #tpu.memory_space<hbm>>
        tpu.wait_dma2 semaphore(%arg16 : memref<!tpu.dma_semaphore, #tpu.memory_space<semaphore_mem>>) src(%arg8 : memref<64x128xf32, #tpu.memory_space<vmem>>) dst(%dma_wait3A_498 : memref<64x128xf32, #tpu.memory_space<hbm>>)
      } else {
      }
      %broadcast_in_dim3A_138 = arith.constant 0.000000e+00 : f32
      %broadcast_in_dim3A_139 = vector.broadcast %broadcast_in_dim3A_138 : f32 to vector<16xf32>
      %eq3A_140 = arith.constant 0 : i32
      %eq3A_141 = arith.cmpi eq, %rem3A_127, %eq3A_140 : i32
      %select_n3A_142 = arith.select %eq3A_141, %broadcast_in_dim3A_139, %scan3A_114 : vector<16xf32>
      %eq3A_143 = arith.constant 0 : i32
      %eq3A_144 = arith.cmpi eq, %rem3A_127, %eq3A_143 : i32
      %select_n3A_145 = arith.select %eq3A_144, %broadcast_in_dim3A_139, %scan3A_115 : vector<16xf32>
      %eq3A_146 = arith.constant 0 : i32
      %eq3A_147 = arith.cmpi eq, %rem3A_127, %eq3A_146 : i32
      %select_n3A_148 = arith.select %eq3A_147, %broadcast_in_dim3A_139, %scan3A_116 : vector<16xf32>
      %eq3A_149 = arith.constant 0 : i32
      %eq3A_150 = arith.cmpi eq, %rem3A_127, %eq3A_149 : i32
      %select_n3A_151 = arith.select %eq3A_150, %broadcast_in_dim3A_139, %scan3A_117 : vector<16xf32>
      %eq3A_152 = arith.constant 0 : i32
      %eq3A_153 = arith.cmpi eq, %rem3A_127, %eq3A_152 : i32
      %select_n3A_154 = arith.select %eq3A_153, %broadcast_in_dim3A_139, %scan3A_118 : vector<16xf32>
      %eq3A_155 = arith.constant 0 : i32
      %eq3A_156 = arith.cmpi eq, %rem3A_127, %eq3A_155 : i32
      %select_n3A_157 = arith.select %eq3A_156, %broadcast_in_dim3A_139, %scan3A_119 : vector<16xf32>
      %eq3A_158 = arith.constant 0 : i32
      %eq3A_159 = arith.cmpi eq, %rem3A_127, %eq3A_158 : i32
      %select_n3A_160 = arith.select %eq3A_159, %broadcast_in_dim3A_139, %scan3A_120 : vector<16xf32>
      %eq3A_161 = arith.constant 0 : i32
      %eq3A_162 = arith.cmpi eq, %rem3A_127, %eq3A_161 : i32
      %select_n3A_163 = arith.select %eq3A_162, %broadcast_in_dim3A_139, %scan3A_121 : vector<16xf32>
      %scan3A_164 = arith.constant 0 : i32
      %scan3A_165 = arith.constant 8 : i32
      %scan3A_166 = arith.addi %scan3A_164, %scan3A_165 : i32
      %scan3A_167 = arith.constant 1 : i32
      %scan3A_168:8 = scf.for %scan3A_491 = %scan3A_164 to %scan3A_166 step %scan3A_167 iter_args(%scan3A_492 = %select_n3A_142, %scan3A_493 = %select_n3A_145, %scan3A_494 = %select_n3A_148, %scan3A_495 = %select_n3A_151, %scan3A_496 = %select_n3A_154, %scan3A_497 = %select_n3A_157, %scan3A_498 = %select_n3A_160, %scan3A_499 = %select_n3A_163) -> (vector<16xf32>, vector<16xf32>, vector<16xf32>, vector<16xf32>, vector<16xf32>, vector<16xf32>, vector<16xf32>, vector<16xf32>)  : i32 {
        %mul3A_500 = arith.constant 8 : i32
        %mul3A_501 = arith.muli %scan3A_491, %mul3A_500 : i32
        %add3A_502 = arith.constant 0 : i32
        %add3A_503 = arith.addi %mul3A_501, %add3A_502 : i32
        %get3A = arith.index_cast %add3A_503 : i32 to index
        %get3A_504 = arith.constant 0 : index
        %get3A_505 = tpu.vector_load %arg4[%get3A, %get3A_504] {strides = array<i32>} : memref<64x128xf32, #tpu.memory_space<vmem>>, vector<1x16xf32>,
        %get3A_506 = vector.shape_cast %get3A_505 : vector<1x16xf32> to vector<16xf32>
        %add3A_507 = arith.addf %scan3A_492, %get3A_506 : vector<16xf32>
        %swap3A = arith.index_cast %add3A_503 : i32 to index
        %swap3A_508 = arith.constant 0 : index
        %swap3A_509 = tpu.vector_load %arg8[%swap3A, %swap3A_508] {strides = array<i32>} : memref<64x128xf32, #tpu.memory_space<vmem>>, vector<1x16xf32>,
        %swap3A_510 = vector.shape_cast %swap3A_509 : vector<1x16xf32> to vector<16xf32>
        %swap3A_511 = vector.shape_cast %add3A_507 : vector<16xf32> to vector<1x16xf32>
        tpu.vector_store %arg8[%swap3A, %swap3A_508], %swap3A_511 {strides = array<i32>} : memref<64x128xf32, #tpu.memory_space<vmem>>, vector<1x16xf32>,
        %get3A_512 = arith.index_cast %add3A_503 : i32 to index
        %get3A_513 = arith.constant 16 : index
        %get3A_514 = tpu.vector_load %arg4[%get3A_512, %get3A_513] {strides = array<i32>} : memref<64x128xf32, #tpu.memory_space<vmem>>, vector<1x16xf32>,
        %get3A_515 = vector.shape_cast %get3A_514 : vector<1x16xf32> to vector<16xf32>
        %add3A_516 = arith.addf %scan3A_493, %get3A_515 : vector<16xf32>
        %swap3A_517 = arith.index_cast %add3A_503 : i32 to index
        %swap3A_518 = arith.constant 16 : index
        %swap3A_519 = tpu.vector_load %arg8[%swap3A_517, %swap3A_518] {strides = array<i32>} : memref<64x128xf32, #tpu.memory_space<vmem>>, vector<1x16xf32>,
        %swap3A_520 = vector.shape_cast %swap3A_519 : vector<1x16xf32> to vector<16xf32>
        %swap3A_521 = vector.shape_cast %add3A_516 : vector<16xf32> to vector<1x16xf32>
        tpu.vector_store %arg8[%swap3A_517, %swap3A_518], %swap3A_521 {strides = array<i32>} : memref<64x128xf32, #tpu.memory_space<vmem>>, vector<1x16xf32>,
        %get3A_522 = arith.index_cast %add3A_503 : i32 to index
        %get3A_523 = arith.constant 32 : index
        %get3A_524 = tpu.vector_load %arg4[%get3A_522, %get3A_523] {strides = array<i32>} : memref<64x128xf32, #tpu.memory_space<vmem>>, vector<1x16xf32>,
        %get3A_525 = vector.shape_cast %get3A_524 : vector<1x16xf32> to vector<16xf32>
        %add3A_526 = arith.addf %scan3A_494, %get3A_525 : vector<16xf32>
        %swap3A_527 = arith.index_cast %add3A_503 : i32 to index
        %swap3A_528 = arith.constant 32 : index
        %swap3A_529 = tpu.vector_load %arg8[%swap3A_527, %swap3A_528] {strides = array<i32>} : memref<64x128xf32, #tpu.memory_space<vmem>>, vector<1x16xf32>,
        %swap3A_530 = vector.shape_cast %swap3A_529 : vector<1x16xf32> to vector<16xf32>
        %swap3A_531 = vector.shape_cast %add3A_526 : vector<16xf32> to vector<1x16xf32>
        tpu.vector_store %arg8[%swap3A_527, %swap3A_528], %swap3A_531 {strides = array<i32>} : memref<64x128xf32, #tpu.memory_space<vmem>>, vector<1x16xf32>,
        %get3A_532 = arith.index_cast %add3A_503 : i32 to index
        %get3A_533 = arith.constant 48 : index
        %get3A_534 = tpu.vector_load %arg4[%get3A_532, %get3A_533] {strides = array<i32>} : memref<64x128xf32, #tpu.memory_space<vmem>>, vector<1x16xf32>,
        %get3A_535 = vector.shape_cast %get3A_534 : vector<1x16xf32> to vector<16xf32>
        %add3A_536 = arith.addf %scan3A_495, %get3A_535 : vector<16xf32>
        %swap3A_537 = arith.index_cast %add3A_503 : i32 to index
        %swap3A_538 = arith.constant 48 : index
        %swap3A_539 = tpu.vector_load %arg8[%swap3A_537, %swap3A_538] {strides = array<i32>} : memref<64x128xf32, #tpu.memory_space<vmem>>, vector<1x16xf32>,
        %swap3A_540 = vector.shape_cast %swap3A_539 : vector<1x16xf32> to vector<16xf32>
        %swap3A_541 = vector.shape_cast %add3A_536 : vector<16xf32> to vector<1x16xf32>
        tpu.vector_store %arg8[%swap3A_537, %swap3A_538], %swap3A_541 {strides = array<i32>} : memref<64x128xf32, #tpu.memory_space<vmem>>, vector<1x16xf32>,
        %get3A_542 = arith.index_cast %add3A_503 : i32 to index
        %get3A_543 = arith.constant 64 : index
        %get3A_544 = tpu.vector_load %arg4[%get3A_542, %get3A_543] {strides = array<i32>} : memref<64x128xf32, #tpu.memory_space<vmem>>, vector<1x16xf32>,
        %get3A_545 = vector.shape_cast %get3A_544 : vector<1x16xf32> to vector<16xf32>
        %add3A_546 = arith.addf %scan3A_496, %get3A_545 : vector<16xf32>
        %swap3A_547 = arith.index_cast %add3A_503 : i32 to index
        %swap3A_548 = arith.constant 64 : index
        %swap3A_549 = tpu.vector_load %arg8[%swap3A_547, %swap3A_548] {strides = array<i32>} : memref<64x128xf32, #tpu.memory_space<vmem>>, vector<1x16xf32>,
        %swap3A_550 = vector.shape_cast %swap3A_549 : vector<1x16xf32> to vector<16xf32>
        %swap3A_551 = vector.shape_cast %add3A_546 : vector<16xf32> to vector<1x16xf32>
        tpu.vector_store %arg8[%swap3A_547, %swap3A_548], %swap3A_551 {strides = array<i32>} : memref<64x128xf32, #tpu.memory_space<vmem>>, vector<1x16xf32>,
        %get3A_552 = arith.index_cast %add3A_503 : i32 to index
        %get3A_553 = arith.constant 80 : index
        %get3A_554 = tpu.vector_load %arg4[%get3A_552, %get3A_553] {strides = array<i32>} : memref<64x128xf32, #tpu.memory_space<vmem>>, vector<1x16xf32>,
        %get3A_555 = vector.shape_cast %get3A_554 : vector<1x16xf32> to vector<16xf32>
        %add3A_556 = arith.addf %scan3A_497, %get3A_555 : vector<16xf32>
        %swap3A_557 = arith.index_cast %add3A_503 : i32 to index
        %swap3A_558 = arith.constant 80 : index
        %swap3A_559 = tpu.vector_load %arg8[%swap3A_557, %swap3A_558] {strides = array<i32>} : memref<64x128xf32, #tpu.memory_space<vmem>>, vector<1x16xf32>,
        %swap3A_560 = vector.shape_cast %swap3A_559 : vector<1x16xf32> to vector<16xf32>
        %swap3A_561 = vector.shape_cast %add3A_556 : vector<16xf32> to vector<1x16xf32>
        tpu.vector_store %arg8[%swap3A_557, %swap3A_558], %swap3A_561 {strides = array<i32>} : memref<64x128xf32, #tpu.memory_space<vmem>>, vector<1x16xf32>,
        %get3A_562 = arith.index_cast %add3A_503 : i32 to index
        %get3A_563 = arith.constant 96 : index
        %get3A_564 = tpu.vector_load %arg4[%get3A_562, %get3A_563] {strides = array<i32>} : memref<64x128xf32, #tpu.memory_space<vmem>>, vector<1x16xf32>,
        %get3A_565 = vector.shape_cast %get3A_564 : vector<1x16xf32> to vector<16xf32>
        %add3A_566 = arith.addf %scan3A_498, %get3A_565 : vector<16xf32>
        %swap3A_567 = arith.index_cast %add3A_503 : i32 to index
        %swap3A_568 = arith.constant 96 : index
        %swap3A_569 = tpu.vector_load %arg8[%swap3A_567, %swap3A_568] {strides = array<i32>} : memref<64x128xf32, #tpu.memory_space<vmem>>, vector<1x16xf32>,
        %swap3A_570 = vector.shape_cast %swap3A_569 : vector<1x16xf32> to vector<16xf32>
        %swap3A_571 = vector.shape_cast %add3A_566 : vector<16xf32> to vector<1x16xf32>
        tpu.vector_store %arg8[%swap3A_567, %swap3A_568], %swap3A_571 {strides = array<i32>} : memref<64x128xf32, #tpu.memory_space<vmem>>, vector<1x16xf32>,
        %get3A_572 = arith.index_cast %add3A_503 : i32 to index
        %get3A_573 = arith.constant 112 : index
        %get3A_574 = tpu.vector_load %arg4[%get3A_572, %get3A_573] {strides = array<i32>} : memref<64x128xf32, #tpu.memory_space<vmem>>, vector<1x16xf32>,
        %get3A_575 = vector.shape_cast %get3A_574 : vector<1x16xf32> to vector<16xf32>
        %add3A_576 = arith.addf %scan3A_499, %get3A_575 : vector<16xf32>
        %swap3A_577 = arith.index_cast %add3A_503 : i32 to index
        %swap3A_578 = arith.constant 112 : index
        %swap3A_579 = tpu.vector_load %arg8[%swap3A_577, %swap3A_578] {strides = array<i32>} : memref<64x128xf32, #tpu.memory_space<vmem>>, vector<1x16xf32>,
        %swap3A_580 = vector.shape_cast %swap3A_579 : vector<1x16xf32> to vector<16xf32>
        %swap3A_581 = vector.shape_cast %add3A_576 : vector<16xf32> to vector<1x16xf32>
        tpu.vector_store %arg8[%swap3A_577, %swap3A_578], %swap3A_581 {strides = array<i32>} : memref<64x128xf32, #tpu.memory_space<vmem>>, vector<1x16xf32>,
        %mul3A_582 = arith.constant 8 : i32
        %mul3A_583 = arith.muli %scan3A_491, %mul3A_582 : i32
        %add3A_584 = arith.constant 1 : i32
        %add3A_585 = arith.addi %mul3A_583, %add3A_584 : i32
        %get3A_586 = arith.index_cast %add3A_585 : i32 to index
        %get3A_587 = arith.constant 0 : index
        %get3A_588 = tpu.vector_load %arg4[%get3A_586, %get3A_587] {strides = array<i32>} : memref<64x128xf32, #tpu.memory_space<vmem>>, vector<1x16xf32>,
        %get3A_589 = vector.shape_cast %get3A_588 : vector<1x16xf32> to vector<16xf32>
        %add3A_590 = arith.addf %add3A_507, %get3A_589 : vector<16xf32>
        %swap3A_591 = arith.index_cast %add3A_585 : i32 to index
        %swap3A_592 = arith.constant 0 : index
        %swap3A_593 = tpu.vector_load %arg8[%swap3A_591, %swap3A_592] {strides = array<i32>} : memref<64x128xf32, #tpu.memory_space<vmem>>, vector<1x16xf32>,
        %swap3A_594 = vector.shape_cast %swap3A_593 : vector<1x16xf32> to vector<16xf32>
        %swap3A_595 = vector.shape_cast %add3A_590 : vector<16xf32> to vector<1x16xf32>
        tpu.vector_store %arg8[%swap3A_591, %swap3A_592], %swap3A_595 {strides = array<i32>} : memref<64x128xf32, #tpu.memory_space<vmem>>, vector<1x16xf32>,
        %get3A_596 = arith.index_cast %add3A_585 : i32 to index
        %get3A_597 = arith.constant 16 : index
        %get3A_598 = tpu.vector_load %arg4[%get3A_596, %get3A_597] {strides = array<i32>} : memref<64x128xf32, #tpu.memory_space<vmem>>, vector<1x16xf32>,
        %get3A_599 = vector.shape_cast %get3A_598 : vector<1x16xf32> to vector<16xf32>
        %add3A_600 = arith.addf %add3A_516, %get3A_599 : vector<16xf32>
        %swap3A_601 = arith.index_cast %add3A_585 : i32 to index
        %swap3A_602 = arith.constant 16 : index
        %swap3A_603 = tpu.vector_load %arg8[%swap3A_601, %swap3A_602] {strides = array<i32>} : memref<64x128xf32, #tpu.memory_space<vmem>>, vector<1x16xf32>,
        %swap3A_604 = vector.shape_cast %swap3A_603 : vector<1x16xf32> to vector<16xf32>
        %swap3A_605 = vector.shape_cast %add3A_600 : vector<16xf32> to vector<1x16xf32>
        tpu.vector_store %arg8[%swap3A_601, %swap3A_602], %swap3A_605 {strides = array<i32>} : memref<64x128xf32, #tpu.memory_space<vmem>>, vector<1x16xf32>,
        %get3A_606 = arith.index_cast %add3A_585 : i32 to index
        %get3A_607 = arith.constant 32 : index
        %get3A_608 = tpu.vector_load %arg4[%get3A_606, %get3A_607] {strides = array<i32>} : memref<64x128xf32, #tpu.memory_space<vmem>>, vector<1x16xf32>,
        %get3A_609 = vector.shape_cast %get3A_608 : vector<1x16xf32> to vector<16xf32>
        %add3A_610 = arith.addf %add3A_526, %get3A_609 : vector<16xf32>
        %swap3A_611 = arith.index_cast %add3A_585 : i32 to index
        %swap3A_612 = arith.constant 32 : index
        %swap3A_613 = tpu.vector_load %arg8[%swap3A_611, %swap3A_612] {strides = array<i32>} : memref<64x128xf32, #tpu.memory_space<vmem>>, vector<1x16xf32>,
        %swap3A_614 = vector.shape_cast %swap3A_613 : vector<1x16xf32> to vector<16xf32>
        %swap3A_615 = vector.shape_cast %add3A_610 : vector<16xf32> to vector<1x16xf32>
        tpu.vector_store %arg8[%swap3A_611, %swap3A_612], %swap3A_615 {strides = array<i32>} : memref<64x128xf32, #tpu.memory_space<vmem>>, vector<1x16xf32>,
        %get3A_616 = arith.index_cast %add3A_585 : i32 to index
        %get3A_617 = arith.constant 48 : index
        %get3A_618 = tpu.vector_load %arg4[%get3A_616, %get3A_617] {strides = array<i32>} : memref<64x128xf32, #tpu.memory_space<vmem>>, vector<1x16xf32>,
        %get3A_619 = vector.shape_cast %get3A_618 : vector<1x16xf32> to vector<16xf32>
        %add3A_620 = arith.addf %add3A_536, %get3A_619 : vector<16xf32>
        %swap3A_621 = arith.index_cast %add3A_585 : i32 to index
        %swap3A_622 = arith.constant 48 : index
        %swap3A_623 = tpu.vector_load %arg8[%swap3A_621, %swap3A_622] {strides = array<i32>} : memref<64x128xf32, #tpu.memory_space<vmem>>, vector<1x16xf32>,
        %swap3A_624 = vector.shape_cast %swap3A_623 : vector<1x16xf32> to vector<16xf32>
        %swap3A_625 = vector.shape_cast %add3A_620 : vector<16xf32> to vector<1x16xf32>
        tpu.vector_store %arg8[%swap3A_621, %swap3A_622], %swap3A_625 {strides = array<i32>} : memref<64x128xf32, #tpu.memory_space<vmem>>, vector<1x16xf32>,
        %get3A_626 = arith.index_cast %add3A_585 : i32 to index
        %get3A_627 = arith.constant 64 : index
        %get3A_628 = tpu.vector_load %arg4[%get3A_626, %get3A_627] {strides = array<i32>} : memref<64x128xf32, #tpu.memory_space<vmem>>, vector<1x16xf32>,
        %get3A_629 = vector.shape_cast %get3A_628 : vector<1x16xf32> to vector<16xf32>
        %add3A_630 = arith.addf %add3A_546, %get3A_629 : vector<16xf32>
        %swap3A_631 = arith.index_cast %add3A_585 : i32 to index
        %swap3A_632 = arith.constant 64 : index
        %swap3A_633 = tpu.vector_load %arg8[%swap3A_631, %swap3A_632] {strides = array<i32>} : memref<64x128xf32, #tpu.memory_space<vmem>>, vector<1x16xf32>,
        %swap3A_634 = vector.shape_cast %swap3A_633 : vector<1x16xf32> to vector<16xf32>
        %swap3A_635 = vector.shape_cast %add3A_630 : vector<16xf32> to vector<1x16xf32>
        tpu.vector_store %arg8[%swap3A_631, %swap3A_632], %swap3A_635 {strides = array<i32>} : memref<64x128xf32, #tpu.memory_space<vmem>>, vector<1x16xf32>,
        %get3A_636 = arith.index_cast %add3A_585 : i32 to index
        %get3A_637 = arith.constant 80 : index
        %get3A_638 = tpu.vector_load %arg4[%get3A_636, %get3A_637] {strides = array<i32>} : memref<64x128xf32, #tpu.memory_space<vmem>>, vector<1x16xf32>,
        %get3A_639 = vector.shape_cast %get3A_638 : vector<1x16xf32> to vector<16xf32>
        %add3A_640 = arith.addf %add3A_556, %get3A_639 : vector<16xf32>
        %swap3A_641 = arith.index_cast %add3A_585 : i32 to index
        %swap3A_642 = arith.constant 80 : index
        %swap3A_643 = tpu.vector_load %arg8[%swap3A_641, %swap3A_642] {strides = array<i32>} : memref<64x128xf32, #tpu.memory_space<vmem>>, vector<1x16xf32>,
        %swap3A_644 = vector.shape_cast %swap3A_643 : vector<1x16xf32> to vector<16xf32>
        %swap3A_645 = vector.shape_cast %add3A_640 : vector<16xf32> to vector<1x16xf32>
        tpu.vector_store %arg8[%swap3A_641, %swap3A_642], %swap3A_645 {strides = array<i32>} : memref<64x128xf32, #tpu.memory_space<vmem>>, vector<1x16xf32>,
        %get3A_646 = arith.index_cast %add3A_585 : i32 to index
        %get3A_647 = arith.constant 96 : index
        %get3A_648 = tpu.vector_load %arg4[%get3A_646, %get3A_647] {strides = array<i32>} : memref<64x128xf32, #tpu.memory_space<vmem>>, vector<1x16xf32>,
        %get3A_649 = vector.shape_cast %get3A_648 : vector<1x16xf32> to vector<16xf32>
        %add3A_650 = arith.addf %add3A_566, %get3A_649 : vector<16xf32>
        %swap3A_651 = arith.index_cast %add3A_585 : i32 to index
        %swap3A_652 = arith.constant 96 : index
        %swap3A_653 = tpu.vector_load %arg8[%swap3A_651, %swap3A_652] {strides = array<i32>} : memref<64x128xf32, #tpu.memory_space<vmem>>, vector<1x16xf32>,
        %swap3A_654 = vector.shape_cast %swap3A_653 : vector<1x16xf32> to vector<16xf32>
        %swap3A_655 = vector.shape_cast %add3A_650 : vector<16xf32> to vector<1x16xf32>
        tpu.vector_store %arg8[%swap3A_651, %swap3A_652], %swap3A_655 {strides = array<i32>} : memref<64x128xf32, #tpu.memory_space<vmem>>, vector<1x16xf32>,
        %get3A_656 = arith.index_cast %add3A_585 : i32 to index
        %get3A_657 = arith.constant 112 : index
        %get3A_658 = tpu.vector_load %arg4[%get3A_656, %get3A_657] {strides = array<i32>} : memref<64x128xf32, #tpu.memory_space<vmem>>, vector<1x16xf32>,
        %get3A_659 = vector.shape_cast %get3A_658 : vector<1x16xf32> to vector<16xf32>
        %add3A_660 = arith.addf %add3A_576, %get3A_659 : vector<16xf32>
        %swap3A_661 = arith.index_cast %add3A_585 : i32 to index
        %swap3A_662 = arith.constant 112 : index
        %swap3A_663 = tpu.vector_load %arg8[%swap3A_661, %swap3A_662] {strides = array<i32>} : memref<64x128xf32, #tpu.memory_space<vmem>>, vector<1x16xf32>,
        %swap3A_664 = vector.shape_cast %swap3A_663 : vector<1x16xf32> to vector<16xf32>
        %swap3A_665 = vector.shape_cast %add3A_660 : vector<16xf32> to vector<1x16xf32>
        tpu.vector_store %arg8[%swap3A_661, %swap3A_662], %swap3A_665 {strides = array<i32>} : memref<64x128xf32, #tpu.memory_space<vmem>>, vector<1x16xf32>,
        %mul3A_666 = arith.constant 8 : i32
        %mul3A_667 = arith.muli %scan3A_491, %mul3A_666 : i32
        %add3A_668 = arith.constant 2 : i32
        %add3A_669 = arith.addi %mul3A_667, %add3A_668 : i32
        %get3A_670 = arith.index_cast %add3A_669 : i32 to index
        %get3A_671 = arith.constant 0 : index
        %get3A_672 = tpu.vector_load %arg4[%get3A_670, %get3A_671] {strides = array<i32>} : memref<64x128xf32, #tpu.memory_space<vmem>>, vector<1x16xf32>,
        %get3A_673 = vector.shape_cast %get3A_672 : vector<1x16xf32> to vector<16xf32>
        %add3A_674 = arith.addf %add3A_590, %get3A_673 : vector<16xf32>
        %swap3A_675 = arith.index_cast %add3A_669 : i32 to index
        %swap3A_676 = arith.constant 0 : index
        %swap3A_677 = tpu.vector_load %arg8[%swap3A_675, %swap3A_676] {strides = array<i32>} : memref<64x128xf32, #tpu.memory_space<vmem>>, vector<1x16xf32>,
        %swap3A_678 = vector.shape_cast %swap3A_677 : vector<1x16xf32> to vector<16xf32>
        %swap3A_679 = vector.shape_cast %add3A_674 : vector<16xf32> to vector<1x16xf32>
        tpu.vector_store %arg8[%swap3A_675, %swap3A_676], %swap3A_679 {strides = array<i32>} : memref<64x128xf32, #tpu.memory_space<vmem>>, vector<1x16xf32>,
        %get3A_680 = arith.index_cast %add3A_669 : i32 to index
        %get3A_681 = arith.constant 16 : index
        %get3A_682 = tpu.vector_load %arg4[%get3A_680, %get3A_681] {strides = array<i32>} : memref<64x128xf32, #tpu.memory_space<vmem>>, vector<1x16xf32>,
        %get3A_683 = vector.shape_cast %get3A_682 : vector<1x16xf32> to vector<16xf32>
        %add3A_684 = arith.addf %add3A_600, %get3A_683 : vector<16xf32>
        %swap3A_685 = arith.index_cast %add3A_669 : i32 to index
        %swap3A_686 = arith.constant 16 : index
        %swap3A_687 = tpu.vector_load %arg8[%swap3A_685, %swap3A_686] {strides = array<i32>} : memref<64x128xf32, #tpu.memory_space<vmem>>, vector<1x16xf32>,
        %swap3A_688 = vector.shape_cast %swap3A_687 : vector<1x16xf32> to vector<16xf32>
        %swap3A_689 = vector.shape_cast %add3A_684 : vector<16xf32> to vector<1x16xf32>
        tpu.vector_store %arg8[%swap3A_685, %swap3A_686], %swap3A_689 {strides = array<i32>} : memref<64x128xf32, #tpu.memory_space<vmem>>, vector<1x16xf32>,
        %get3A_690 = arith.index_cast %add3A_669 : i32 to index
        %get3A_691 = arith.constant 32 : index
        %get3A_692 = tpu.vector_load %arg4[%get3A_690, %get3A_691] {strides = array<i32>} : memref<64x128xf32, #tpu.memory_space<vmem>>, vector<1x16xf32>,
        %get3A_693 = vector.shape_cast %get3A_692 : vector<1x16xf32> to vector<16xf32>
        %add3A_694 = arith.addf %add3A_610, %get3A_693 : vector<16xf32>
        %swap3A_695 = arith.index_cast %add3A_669 : i32 to index
        %swap3A_696 = arith.constant 32 : index
        %swap3A_697 = tpu.vector_load %arg8[%swap3A_695, %swap3A_696] {strides = array<i32>} : memref<64x128xf32, #tpu.memory_space<vmem>>, vector<1x16xf32>,
        %swap3A_698 = vector.shape_cast %swap3A_697 : vector<1x16xf32> to vector<16xf32>
        %swap3A_699 = vector.shape_cast %add3A_694 : vector<16xf32> to vector<1x16xf32>
        tpu.vector_store %arg8[%swap3A_695, %swap3A_696], %swap3A_699 {strides = array<i32>} : memref<64x128xf32, #tpu.memory_space<vmem>>, vector<1x16xf32>,
        %get3A_700 = arith.index_cast %add3A_669 : i32 to index
        %get3A_701 = arith.constant 48 : index
        %get3A_702 = tpu.vector_load %arg4[%get3A_700, %get3A_701] {strides = array<i32>} : memref<64x128xf32, #tpu.memory_space<vmem>>, vector<1x16xf32>,
        %get3A_703 = vector.shape_cast %get3A_702 : vector<1x16xf32> to vector<16xf32>
        %add3A_704 = arith.addf %add3A_620, %get3A_703 : vector<16xf32>
        %swap3A_705 = arith.index_cast %add3A_669 : i32 to index
        %swap3A_706 = arith.constant 48 : index
        %swap3A_707 = tpu.vector_load %arg8[%swap3A_705, %swap3A_706] {strides = array<i32>} : memref<64x128xf32, #tpu.memory_space<vmem>>, vector<1x16xf32>,
        %swap3A_708 = vector.shape_cast %swap3A_707 : vector<1x16xf32> to vector<16xf32>
        %swap3A_709 = vector.shape_cast %add3A_704 : vector<16xf32> to vector<1x16xf32>
        tpu.vector_store %arg8[%swap3A_705, %swap3A_706], %swap3A_709 {strides = array<i32>} : memref<64x128xf32, #tpu.memory_space<vmem>>, vector<1x16xf32>,
        %get3A_710 = arith.index_cast %add3A_669 : i32 to index
        %get3A_711 = arith.constant 64 : index
        %get3A_712 = tpu.vector_load %arg4[%get3A_710, %get3A_711] {strides = array<i32>} : memref<64x128xf32, #tpu.memory_space<vmem>>, vector<1x16xf32>,
        %get3A_713 = vector.shape_cast %get3A_712 : vector<1x16xf32> to vector<16xf32>
        %add3A_714 = arith.addf %add3A_630, %get3A_713 : vector<16xf32>
        %swap3A_715 = arith.index_cast %add3A_669 : i32 to index
        %swap3A_716 = arith.constant 64 : index
        %swap3A_717 = tpu.vector_load %arg8[%swap3A_715, %swap3A_716] {strides = array<i32>} : memref<64x128xf32, #tpu.memory_space<vmem>>, vector<1x16xf32>,
        %swap3A_718 = vector.shape_cast %swap3A_717 : vector<1x16xf32> to vector<16xf32>
        %swap3A_719 = vector.shape_cast %add3A_714 : vector<16xf32> to vector<1x16xf32>
        tpu.vector_store %arg8[%swap3A_715, %swap3A_716], %swap3A_719 {strides = array<i32>} : memref<64x128xf32, #tpu.memory_space<vmem>>, vector<1x16xf32>,
        %get3A_720 = arith.index_cast %add3A_669 : i32 to index
        %get3A_721 = arith.constant 80 : index
        %get3A_722 = tpu.vector_load %arg4[%get3A_720, %get3A_721] {strides = array<i32>} : memref<64x128xf32, #tpu.memory_space<vmem>>, vector<1x16xf32>,
        %get3A_723 = vector.shape_cast %get3A_722 : vector<1x16xf32> to vector<16xf32>
        %add3A_724 = arith.addf %add3A_640, %get3A_723 : vector<16xf32>
        %swap3A_725 = arith.index_cast %add3A_669 : i32 to index
        %swap3A_726 = arith.constant 80 : index
        %swap3A_727 = tpu.vector_load %arg8[%swap3A_725, %swap3A_726] {strides = array<i32>} : memref<64x128xf32, #tpu.memory_space<vmem>>, vector<1x16xf32>,
        %swap3A_728 = vector.shape_cast %swap3A_727 : vector<1x16xf32> to vector<16xf32>
        %swap3A_729 = vector.shape_cast %add3A_724 : vector<16xf32> to vector<1x16xf32>
        tpu.vector_store %arg8[%swap3A_725, %swap3A_726], %swap3A_729 {strides = array<i32>} : memref<64x128xf32, #tpu.memory_space<vmem>>, vector<1x16xf32>,
        %get3A_730 = arith.index_cast %add3A_669 : i32 to index
        %get3A_731 = arith.constant 96 : index
        %get3A_732 = tpu.vector_load %arg4[%get3A_730, %get3A_731] {strides = array<i32>} : memref<64x128xf32, #tpu.memory_space<vmem>>, vector<1x16xf32>,
        %get3A_733 = vector.shape_cast %get3A_732 : vector<1x16xf32> to vector<16xf32>
        %add3A_734 = arith.addf %add3A_650, %get3A_733 : vector<16xf32>
        %swap3A_735 = arith.index_cast %add3A_669 : i32 to index
        %swap3A_736 = arith.constant 96 : index
        %swap3A_737 = tpu.vector_load %arg8[%swap3A_735, %swap3A_736] {strides = array<i32>} : memref<64x128xf32, #tpu.memory_space<vmem>>, vector<1x16xf32>,
        %swap3A_738 = vector.shape_cast %swap3A_737 : vector<1x16xf32> to vector<16xf32>
        %swap3A_739 = vector.shape_cast %add3A_734 : vector<16xf32> to vector<1x16xf32>
        tpu.vector_store %arg8[%swap3A_735, %swap3A_736], %swap3A_739 {strides = array<i32>} : memref<64x128xf32, #tpu.memory_space<vmem>>, vector<1x16xf32>,
        %get3A_740 = arith.index_cast %add3A_669 : i32 to index
        %get3A_741 = arith.constant 112 : index
        %get3A_742 = tpu.vector_load %arg4[%get3A_740, %get3A_741] {strides = array<i32>} : memref<64x128xf32, #tpu.memory_space<vmem>>, vector<1x16xf32>,
        %get3A_743 = vector.shape_cast %get3A_742 : vector<1x16xf32> to vector<16xf32>
        %add3A_744 = arith.addf %add3A_660, %get3A_743 : vector<16xf32>
        %swap3A_745 = arith.index_cast %add3A_669 : i32 to index
        %swap3A_746 = arith.constant 112 : index
        %swap3A_747 = tpu.vector_load %arg8[%swap3A_745, %swap3A_746] {strides = array<i32>} : memref<64x128xf32, #tpu.memory_space<vmem>>, vector<1x16xf32>,
        %swap3A_748 = vector.shape_cast %swap3A_747 : vector<1x16xf32> to vector<16xf32>
        %swap3A_749 = vector.shape_cast %add3A_744 : vector<16xf32> to vector<1x16xf32>
        tpu.vector_store %arg8[%swap3A_745, %swap3A_746], %swap3A_749 {strides = array<i32>} : memref<64x128xf32, #tpu.memory_space<vmem>>, vector<1x16xf32>,
        %mul3A_750 = arith.constant 8 : i32
        %mul3A_751 = arith.muli %scan3A_491, %mul3A_750 : i32
        %add3A_752 = arith.constant 3 : i32
        %add3A_753 = arith.addi %mul3A_751, %add3A_752 : i32
        %get3A_754 = arith.index_cast %add3A_753 : i32 to index
        %get3A_755 = arith.constant 0 : index
        %get3A_756 = tpu.vector_load %arg4[%get3A_754, %get3A_755] {strides = array<i32>} : memref<64x128xf32, #tpu.memory_space<vmem>>, vector<1x16xf32>,
        %get3A_757 = vector.shape_cast %get3A_756 : vector<1x16xf32> to vector<16xf32>
        %add3A_758 = arith.addf %add3A_674, %get3A_757 : vector<16xf32>
        %swap3A_759 = arith.index_cast %add3A_753 : i32 to index
        %swap3A_760 = arith.constant 0 : index
        %swap3A_761 = tpu.vector_load %arg8[%swap3A_759, %swap3A_760] {strides = array<i32>} : memref<64x128xf32, #tpu.memory_space<vmem>>, vector<1x16xf32>,
        %swap3A_762 = vector.shape_cast %swap3A_761 : vector<1x16xf32> to vector<16xf32>
        %swap3A_763 = vector.shape_cast %add3A_758 : vector<16xf32> to vector<1x16xf32>
        tpu.vector_store %arg8[%swap3A_759, %swap3A_760], %swap3A_763 {strides = array<i32>} : memref<64x128xf32, #tpu.memory_space<vmem>>, vector<1x16xf32>,
        %get3A_764 = arith.index_cast %add3A_753 : i32 to index
        %get3A_765 = arith.constant 16 : index
        %get3A_766 = tpu.vector_load %arg4[%get3A_764, %get3A_765] {strides = array<i32>} : memref<64x128xf32, #tpu.memory_space<vmem>>, vector<1x16xf32>,
        %get3A_767 = vector.shape_cast %get3A_766 : vector<1x16xf32> to vector<16xf32>
        %add3A_768 = arith.addf %add3A_684, %get3A_767 : vector<16xf32>
        %swap3A_769 = arith.index_cast %add3A_753 : i32 to index
        %swap3A_770 = arith.constant 16 : index
        %swap3A_771 = tpu.vector_load %arg8[%swap3A_769, %swap3A_770] {strides = array<i32>} : memref<64x128xf32, #tpu.memory_space<vmem>>, vector<1x16xf32>,
        %swap3A_772 = vector.shape_cast %swap3A_771 : vector<1x16xf32> to vector<16xf32>
        %swap3A_773 = vector.shape_cast %add3A_768 : vector<16xf32> to vector<1x16xf32>
        tpu.vector_store %arg8[%swap3A_769, %swap3A_770], %swap3A_773 {strides = array<i32>} : memref<64x128xf32, #tpu.memory_space<vmem>>, vector<1x16xf32>,
        %get3A_774 = arith.index_cast %add3A_753 : i32 to index
        %get3A_775 = arith.constant 32 : index
        %get3A_776 = tpu.vector_load %arg4[%get3A_774, %get3A_775] {strides = array<i32>} : memref<64x128xf32, #tpu.memory_space<vmem>>, vector<1x16xf32>,
        %get3A_777 = vector.shape_cast %get3A_776 : vector<1x16xf32> to vector<16xf32>
        %add3A_778 = arith.addf %add3A_694, %get3A_777 : vector<16xf32>
        %swap3A_779 = arith.index_cast %add3A_753 : i32 to index
        %swap3A_780 = arith.constant 32 : index
        %swap3A_781 = tpu.vector_load %arg8[%swap3A_779, %swap3A_780] {strides = array<i32>} : memref<64x128xf32, #tpu.memory_space<vmem>>, vector<1x16xf32>,
        %swap3A_782 = vector.shape_cast %swap3A_781 : vector<1x16xf32> to vector<16xf32>
        %swap3A_783 = vector.shape_cast %add3A_778 : vector<16xf32> to vector<1x16xf32>
        tpu.vector_store %arg8[%swap3A_779, %swap3A_780], %swap3A_783 {strides = array<i32>} : memref<64x128xf32, #tpu.memory_space<vmem>>, vector<1x16xf32>,
        %get3A_784 = arith.index_cast %add3A_753 : i32 to index
        %get3A_785 = arith.constant 48 : index
        %get3A_786 = tpu.vector_load %arg4[%get3A_784, %get3A_785] {strides = array<i32>} : memref<64x128xf32, #tpu.memory_space<vmem>>, vector<1x16xf32>,
        %get3A_787 = vector.shape_cast %get3A_786 : vector<1x16xf32> to vector<16xf32>
        %add3A_788 = arith.addf %add3A_704, %get3A_787 : vector<16xf32>
        %swap3A_789 = arith.index_cast %add3A_753 : i32 to index
        %swap3A_790 = arith.constant 48 : index
        %swap3A_791 = tpu.vector_load %arg8[%swap3A_789, %swap3A_790] {strides = array<i32>} : memref<64x128xf32, #tpu.memory_space<vmem>>, vector<1x16xf32>,
        %swap3A_792 = vector.shape_cast %swap3A_791 : vector<1x16xf32> to vector<16xf32>
        %swap3A_793 = vector.shape_cast %add3A_788 : vector<16xf32> to vector<1x16xf32>
        tpu.vector_store %arg8[%swap3A_789, %swap3A_790], %swap3A_793 {strides = array<i32>} : memref<64x128xf32, #tpu.memory_space<vmem>>, vector<1x16xf32>,
        %get3A_794 = arith.index_cast %add3A_753 : i32 to index
        %get3A_795 = arith.constant 64 : index
        %get3A_796 = tpu.vector_load %arg4[%get3A_794, %get3A_795] {strides = array<i32>} : memref<64x128xf32, #tpu.memory_space<vmem>>, vector<1x16xf32>,
        %get3A_797 = vector.shape_cast %get3A_796 : vector<1x16xf32> to vector<16xf32>
        %add3A_798 = arith.addf %add3A_714, %get3A_797 : vector<16xf32>
        %swap3A_799 = arith.index_cast %add3A_753 : i32 to index
        %swap3A_800 = arith.constant 64 : index
        %swap3A_801 = tpu.vector_load %arg8[%swap3A_799, %swap3A_800] {strides = array<i32>} : memref<64x128xf32, #tpu.memory_space<vmem>>, vector<1x16xf32>,
        %swap3A_802 = vector.shape_cast %swap3A_801 : vector<1x16xf32> to vector<16xf32>
        %swap3A_803 = vector.shape_cast %add3A_798 : vector<16xf32> to vector<1x16xf32>
        tpu.vector_store %arg8[%swap3A_799, %swap3A_800], %swap3A_803 {strides = array<i32>} : memref<64x128xf32, #tpu.memory_space<vmem>>, vector<1x16xf32>,
        %get3A_804 = arith.index_cast %add3A_753 : i32 to index
        %get3A_805 = arith.constant 80 : index
        %get3A_806 = tpu.vector_load %arg4[%get3A_804, %get3A_805] {strides = array<i32>} : memref<64x128xf32, #tpu.memory_space<vmem>>, vector<1x16xf32>,
        %get3A_807 = vector.shape_cast %get3A_806 : vector<1x16xf32> to vector<16xf32>
        %add3A_808 = arith.addf %add3A_724, %get3A_807 : vector<16xf32>
        %swap3A_809 = arith.index_cast %add3A_753 : i32 to index
        %swap3A_810 = arith.constant 80 : index
        %swap3A_811 = tpu.vector_load %arg8[%swap3A_809, %swap3A_810] {strides = array<i32>} : memref<64x128xf32, #tpu.memory_space<vmem>>, vector<1x16xf32>,
        %swap3A_812 = vector.shape_cast %swap3A_811 : vector<1x16xf32> to vector<16xf32>
        %swap3A_813 = vector.shape_cast %add3A_808 : vector<16xf32> to vector<1x16xf32>
        tpu.vector_store %arg8[%swap3A_809, %swap3A_810], %swap3A_813 {strides = array<i32>} : memref<64x128xf32, #tpu.memory_space<vmem>>, vector<1x16xf32>,
        %get3A_814 = arith.index_cast %add3A_753 : i32 to index
        %get3A_815 = arith.constant 96 : index
        %get3A_816 = tpu.vector_load %arg4[%get3A_814, %get3A_815] {strides = array<i32>} : memref<64x128xf32, #tpu.memory_space<vmem>>, vector<1x16xf32>,
        %get3A_817 = vector.shape_cast %get3A_816 : vector<1x16xf32> to vector<16xf32>
        %add3A_818 = arith.addf %add3A_734, %get3A_817 : vector<16xf32>
        %swap3A_819 = arith.index_cast %add3A_753 : i32 to index
        %swap3A_820 = arith.constant 96 : index
        %swap3A_821 = tpu.vector_load %arg8[%swap3A_819, %swap3A_820] {strides = array<i32>} : memref<64x128xf32, #tpu.memory_space<vmem>>, vector<1x16xf32>,
        %swap3A_822 = vector.shape_cast %swap3A_821 : vector<1x16xf32> to vector<16xf32>
        %swap3A_823 = vector.shape_cast %add3A_818 : vector<16xf32> to vector<1x16xf32>
        tpu.vector_store %arg8[%swap3A_819, %swap3A_820], %swap3A_823 {strides = array<i32>} : memref<64x128xf32, #tpu.memory_space<vmem>>, vector<1x16xf32>,
        %get3A_824 = arith.index_cast %add3A_753 : i32 to index
        %get3A_825 = arith.constant 112 : index
        %get3A_826 = tpu.vector_load %arg4[%get3A_824, %get3A_825] {strides = array<i32>} : memref<64x128xf32, #tpu.memory_space<vmem>>, vector<1x16xf32>,
        %get3A_827 = vector.shape_cast %get3A_826 : vector<1x16xf32> to vector<16xf32>
        %add3A_828 = arith.addf %add3A_744, %get3A_827 : vector<16xf32>
        %swap3A_829 = arith.index_cast %add3A_753 : i32 to index
        %swap3A_830 = arith.constant 112 : index
        %swap3A_831 = tpu.vector_load %arg8[%swap3A_829, %swap3A_830] {strides = array<i32>} : memref<64x128xf32, #tpu.memory_space<vmem>>, vector<1x16xf32>,
        %swap3A_832 = vector.shape_cast %swap3A_831 : vector<1x16xf32> to vector<16xf32>
        %swap3A_833 = vector.shape_cast %add3A_828 : vector<16xf32> to vector<1x16xf32>
        tpu.vector_store %arg8[%swap3A_829, %swap3A_830], %swap3A_833 {strides = array<i32>} : memref<64x128xf32, #tpu.memory_space<vmem>>, vector<1x16xf32>,
        %mul3A_834 = arith.constant 8 : i32
        %mul3A_835 = arith.muli %scan3A_491, %mul3A_834 : i32
        %add3A_836 = arith.constant 4 : i32
        %add3A_837 = arith.addi %mul3A_835, %add3A_836 : i32
        %get3A_838 = arith.index_cast %add3A_837 : i32 to index
        %get3A_839 = arith.constant 0 : index
        %get3A_840 = tpu.vector_load %arg4[%get3A_838, %get3A_839] {strides = array<i32>} : memref<64x128xf32, #tpu.memory_space<vmem>>, vector<1x16xf32>,
        %get3A_841 = vector.shape_cast %get3A_840 : vector<1x16xf32> to vector<16xf32>
        %add3A_842 = arith.addf %add3A_758, %get3A_841 : vector<16xf32>
        %swap3A_843 = arith.index_cast %add3A_837 : i32 to index
        %swap3A_844 = arith.constant 0 : index
        %swap3A_845 = tpu.vector_load %arg8[%swap3A_843, %swap3A_844] {strides = array<i32>} : memref<64x128xf32, #tpu.memory_space<vmem>>, vector<1x16xf32>,
        %swap3A_846 = vector.shape_cast %swap3A_845 : vector<1x16xf32> to vector<16xf32>
        %swap3A_847 = vector.shape_cast %add3A_842 : vector<16xf32> to vector<1x16xf32>
        tpu.vector_store %arg8[%swap3A_843, %swap3A_844], %swap3A_847 {strides = array<i32>} : memref<64x128xf32, #tpu.memory_space<vmem>>, vector<1x16xf32>,
        %get3A_848 = arith.index_cast %add3A_837 : i32 to index
        %get3A_849 = arith.constant 16 : index
        %get3A_850 = tpu.vector_load %arg4[%get3A_848, %get3A_849] {strides = array<i32>} : memref<64x128xf32, #tpu.memory_space<vmem>>, vector<1x16xf32>,
        %get3A_851 = vector.shape_cast %get3A_850 : vector<1x16xf32> to vector<16xf32>
        %add3A_852 = arith.addf %add3A_768, %get3A_851 : vector<16xf32>
        %swap3A_853 = arith.index_cast %add3A_837 : i32 to index
        %swap3A_854 = arith.constant 16 : index
        %swap3A_855 = tpu.vector_load %arg8[%swap3A_853, %swap3A_854] {strides = array<i32>} : memref<64x128xf32, #tpu.memory_space<vmem>>, vector<1x16xf32>,
        %swap3A_856 = vector.shape_cast %swap3A_855 : vector<1x16xf32> to vector<16xf32>
        %swap3A_857 = vector.shape_cast %add3A_852 : vector<16xf32> to vector<1x16xf32>
        tpu.vector_store %arg8[%swap3A_853, %swap3A_854], %swap3A_857 {strides = array<i32>} : memref<64x128xf32, #tpu.memory_space<vmem>>, vector<1x16xf32>,
        %get3A_858 = arith.index_cast %add3A_837 : i32 to index
        %get3A_859 = arith.constant 32 : index
        %get3A_860 = tpu.vector_load %arg4[%get3A_858, %get3A_859] {strides = array<i32>} : memref<64x128xf32, #tpu.memory_space<vmem>>, vector<1x16xf32>,
        %get3A_861 = vector.shape_cast %get3A_860 : vector<1x16xf32> to vector<16xf32>
        %add3A_862 = arith.addf %add3A_778, %get3A_861 : vector<16xf32>
        %swap3A_863 = arith.index_cast %add3A_837 : i32 to index
        %swap3A_864 = arith.constant 32 : index
        %swap3A_865 = tpu.vector_load %arg8[%swap3A_863, %swap3A_864] {strides = array<i32>} : memref<64x128xf32, #tpu.memory_space<vmem>>, vector<1x16xf32>,
        %swap3A_866 = vector.shape_cast %swap3A_865 : vector<1x16xf32> to vector<16xf32>
        %swap3A_867 = vector.shape_cast %add3A_862 : vector<16xf32> to vector<1x16xf32>
        tpu.vector_store %arg8[%swap3A_863, %swap3A_864], %swap3A_867 {strides = array<i32>} : memref<64x128xf32, #tpu.memory_space<vmem>>, vector<1x16xf32>,
        %get3A_868 = arith.index_cast %add3A_837 : i32 to index
        %get3A_869 = arith.constant 48 : index
        %get3A_870 = tpu.vector_load %arg4[%get3A_868, %get3A_869] {strides = array<i32>} : memref<64x128xf32, #tpu.memory_space<vmem>>, vector<1x16xf32>,
        %get3A_871 = vector.shape_cast %get3A_870 : vector<1x16xf32> to vector<16xf32>
        %add3A_872 = arith.addf %add3A_788, %get3A_871 : vector<16xf32>
        %swap3A_873 = arith.index_cast %add3A_837 : i32 to index
        %swap3A_874 = arith.constant 48 : index
        %swap3A_875 = tpu.vector_load %arg8[%swap3A_873, %swap3A_874] {strides = array<i32>} : memref<64x128xf32, #tpu.memory_space<vmem>>, vector<1x16xf32>,
        %swap3A_876 = vector.shape_cast %swap3A_875 : vector<1x16xf32> to vector<16xf32>
        %swap3A_877 = vector.shape_cast %add3A_872 : vector<16xf32> to vector<1x16xf32>
        tpu.vector_store %arg8[%swap3A_873, %swap3A_874], %swap3A_877 {strides = array<i32>} : memref<64x128xf32, #tpu.memory_space<vmem>>, vector<1x16xf32>,
        %get3A_878 = arith.index_cast %add3A_837 : i32 to index
        %get3A_879 = arith.constant 64 : index
        %get3A_880 = tpu.vector_load %arg4[%get3A_878, %get3A_879] {strides = array<i32>} : memref<64x128xf32, #tpu.memory_space<vmem>>, vector<1x16xf32>,
        %get3A_881 = vector.shape_cast %get3A_880 : vector<1x16xf32> to vector<16xf32>
        %add3A_882 = arith.addf %add3A_798, %get3A_881 : vector<16xf32>
        %swap3A_883 = arith.index_cast %add3A_837 : i32 to index
        %swap3A_884 = arith.constant 64 : index
        %swap3A_885 = tpu.vector_load %arg8[%swap3A_883, %swap3A_884] {strides = array<i32>} : memref<64x128xf32, #tpu.memory_space<vmem>>, vector<1x16xf32>,
        %swap3A_886 = vector.shape_cast %swap3A_885 : vector<1x16xf32> to vector<16xf32>
        %swap3A_887 = vector.shape_cast %add3A_882 : vector<16xf32> to vector<1x16xf32>
        tpu.vector_store %arg8[%swap3A_883, %swap3A_884], %swap3A_887 {strides = array<i32>} : memref<64x128xf32, #tpu.memory_space<vmem>>, vector<1x16xf32>,
        %get3A_888 = arith.index_cast %add3A_837 : i32 to index
        %get3A_889 = arith.constant 80 : index
        %get3A_890 = tpu.vector_load %arg4[%get3A_888, %get3A_889] {strides = array<i32>} : memref<64x128xf32, #tpu.memory_space<vmem>>, vector<1x16xf32>,
        %get3A_891 = vector.shape_cast %get3A_890 : vector<1x16xf32> to vector<16xf32>
        %add3A_892 = arith.addf %add3A_808, %get3A_891 : vector<16xf32>
        %swap3A_893 = arith.index_cast %add3A_837 : i32 to index
        %swap3A_894 = arith.constant 80 : index
        %swap3A_895 = tpu.vector_load %arg8[%swap3A_893, %swap3A_894] {strides = array<i32>} : memref<64x128xf32, #tpu.memory_space<vmem>>, vector<1x16xf32>,
        %swap3A_896 = vector.shape_cast %swap3A_895 : vector<1x16xf32> to vector<16xf32>
        %swap3A_897 = vector.shape_cast %add3A_892 : vector<16xf32> to vector<1x16xf32>
        tpu.vector_store %arg8[%swap3A_893, %swap3A_894], %swap3A_897 {strides = array<i32>} : memref<64x128xf32, #tpu.memory_space<vmem>>, vector<1x16xf32>,
        %get3A_898 = arith.index_cast %add3A_837 : i32 to index
        %get3A_899 = arith.constant 96 : index
        %get3A_900 = tpu.vector_load %arg4[%get3A_898, %get3A_899] {strides = array<i32>} : memref<64x128xf32, #tpu.memory_space<vmem>>, vector<1x16xf32>,
        %get3A_901 = vector.shape_cast %get3A_900 : vector<1x16xf32> to vector<16xf32>
        %add3A_902 = arith.addf %add3A_818, %get3A_901 : vector<16xf32>
        %swap3A_903 = arith.index_cast %add3A_837 : i32 to index
        %swap3A_904 = arith.constant 96 : index
        %swap3A_905 = tpu.vector_load %arg8[%swap3A_903, %swap3A_904] {strides = array<i32>} : memref<64x128xf32, #tpu.memory_space<vmem>>, vector<1x16xf32>,
        %swap3A_906 = vector.shape_cast %swap3A_905 : vector<1x16xf32> to vector<16xf32>
        %swap3A_907 = vector.shape_cast %add3A_902 : vector<16xf32> to vector<1x16xf32>
        tpu.vector_store %arg8[%swap3A_903, %swap3A_904], %swap3A_907 {strides = array<i32>} : memref<64x128xf32, #tpu.memory_space<vmem>>, vector<1x16xf32>,
        %get3A_908 = arith.index_cast %add3A_837 : i32 to index
        %get3A_909 = arith.constant 112 : index
        %get3A_910 = tpu.vector_load %arg4[%get3A_908, %get3A_909] {strides = array<i32>} : memref<64x128xf32, #tpu.memory_space<vmem>>, vector<1x16xf32>,
        %get3A_911 = vector.shape_cast %get3A_910 : vector<1x16xf32> to vector<16xf32>
        %add3A_912 = arith.addf %add3A_828, %get3A_911 : vector<16xf32>
        %swap3A_913 = arith.index_cast %add3A_837 : i32 to index
        %swap3A_914 = arith.constant 112 : index
        %swap3A_915 = tpu.vector_load %arg8[%swap3A_913, %swap3A_914] {strides = array<i32>} : memref<64x128xf32, #tpu.memory_space<vmem>>, vector<1x16xf32>,
        %swap3A_916 = vector.shape_cast %swap3A_915 : vector<1x16xf32> to vector<16xf32>
        %swap3A_917 = vector.shape_cast %add3A_912 : vector<16xf32> to vector<1x16xf32>
        tpu.vector_store %arg8[%swap3A_913, %swap3A_914], %swap3A_917 {strides = array<i32>} : memref<64x128xf32, #tpu.memory_space<vmem>>, vector<1x16xf32>,
        %mul3A_918 = arith.constant 8 : i32
        %mul3A_919 = arith.muli %scan3A_491, %mul3A_918 : i32
        %add3A_920 = arith.constant 5 : i32
        %add3A_921 = arith.addi %mul3A_919, %add3A_920 : i32
        %get3A_922 = arith.index_cast %add3A_921 : i32 to index
        %get3A_923 = arith.constant 0 : index
        %get3A_924 = tpu.vector_load %arg4[%get3A_922, %get3A_923] {strides = array<i32>} : memref<64x128xf32, #tpu.memory_space<vmem>>, vector<1x16xf32>,
        %get3A_925 = vector.shape_cast %get3A_924 : vector<1x16xf32> to vector<16xf32>
        %add3A_926 = arith.addf %add3A_842, %get3A_925 : vector<16xf32>
        %swap3A_927 = arith.index_cast %add3A_921 : i32 to index
        %swap3A_928 = arith.constant 0 : index
        %swap3A_929 = tpu.vector_load %arg8[%swap3A_927, %swap3A_928] {strides = array<i32>} : memref<64x128xf32, #tpu.memory_space<vmem>>, vector<1x16xf32>,
        %swap3A_930 = vector.shape_cast %swap3A_929 : vector<1x16xf32> to vector<16xf32>
        %swap3A_931 = vector.shape_cast %add3A_926 : vector<16xf32> to vector<1x16xf32>
        tpu.vector_store %arg8[%swap3A_927, %swap3A_928], %swap3A_931 {strides = array<i32>} : memref<64x128xf32, #tpu.memory_space<vmem>>, vector<1x16xf32>,
        %get3A_932 = arith.index_cast %add3A_921 : i32 to index
        %get3A_933 = arith.constant 16 : index
        %get3A_934 = tpu.vector_load %arg4[%get3A_932, %get3A_933] {strides = array<i32>} : memref<64x128xf32, #tpu.memory_space<vmem>>, vector<1x16xf32>,
        %get3A_935 = vector.shape_cast %get3A_934 : vector<1x16xf32> to vector<16xf32>
        %add3A_936 = arith.addf %add3A_852, %get3A_935 : vector<16xf32>
        %swap3A_937 = arith.index_cast %add3A_921 : i32 to index
        %swap3A_938 = arith.constant 16 : index
        %swap3A_939 = tpu.vector_load %arg8[%swap3A_937, %swap3A_938] {strides = array<i32>} : memref<64x128xf32, #tpu.memory_space<vmem>>, vector<1x16xf32>,
        %swap3A_940 = vector.shape_cast %swap3A_939 : vector<1x16xf32> to vector<16xf32>
        %swap3A_941 = vector.shape_cast %add3A_936 : vector<16xf32> to vector<1x16xf32>
        tpu.vector_store %arg8[%swap3A_937, %swap3A_938], %swap3A_941 {strides = array<i32>} : memref<64x128xf32, #tpu.memory_space<vmem>>, vector<1x16xf32>,
        %get3A_942 = arith.index_cast %add3A_921 : i32 to index
        %get3A_943 = arith.constant 32 : index
        %get3A_944 = tpu.vector_load %arg4[%get3A_942, %get3A_943] {strides = array<i32>} : memref<64x128xf32, #tpu.memory_space<vmem>>, vector<1x16xf32>,
        %get3A_945 = vector.shape_cast %get3A_944 : vector<1x16xf32> to vector<16xf32>
        %add3A_946 = arith.addf %add3A_862, %get3A_945 : vector<16xf32>
        %swap3A_947 = arith.index_cast %add3A_921 : i32 to index
        %swap3A_948 = arith.constant 32 : index
        %swap3A_949 = tpu.vector_load %arg8[%swap3A_947, %swap3A_948] {strides = array<i32>} : memref<64x128xf32, #tpu.memory_space<vmem>>, vector<1x16xf32>,
        %swap3A_950 = vector.shape_cast %swap3A_949 : vector<1x16xf32> to vector<16xf32>
        %swap3A_951 = vector.shape_cast %add3A_946 : vector<16xf32> to vector<1x16xf32>
        tpu.vector_store %arg8[%swap3A_947, %swap3A_948], %swap3A_951 {strides = array<i32>} : memref<64x128xf32, #tpu.memory_space<vmem>>, vector<1x16xf32>,
        %get3A_952 = arith.index_cast %add3A_921 : i32 to index
        %get3A_953 = arith.constant 48 : index
        %get3A_954 = tpu.vector_load %arg4[%get3A_952, %get3A_953] {strides = array<i32>} : memref<64x128xf32, #tpu.memory_space<vmem>>, vector<1x16xf32>,
        %get3A_955 = vector.shape_cast %get3A_954 : vector<1x16xf32> to vector<16xf32>
        %add3A_956 = arith.addf %add3A_872, %get3A_955 : vector<16xf32>
        %swap3A_957 = arith.index_cast %add3A_921 : i32 to index
        %swap3A_958 = arith.constant 48 : index
        %swap3A_959 = tpu.vector_load %arg8[%swap3A_957, %swap3A_958] {strides = array<i32>} : memref<64x128xf32, #tpu.memory_space<vmem>>, vector<1x16xf32>,
        %swap3A_960 = vector.shape_cast %swap3A_959 : vector<1x16xf32> to vector<16xf32>
        %swap3A_961 = vector.shape_cast %add3A_956 : vector<16xf32> to vector<1x16xf32>
        tpu.vector_store %arg8[%swap3A_957, %swap3A_958], %swap3A_961 {strides = array<i32>} : memref<64x128xf32, #tpu.memory_space<vmem>>, vector<1x16xf32>,
        %get3A_962 = arith.index_cast %add3A_921 : i32 to index
        %get3A_963 = arith.constant 64 : index
        %get3A_964 = tpu.vector_load %arg4[%get3A_962, %get3A_963] {strides = array<i32>} : memref<64x128xf32, #tpu.memory_space<vmem>>, vector<1x16xf32>,
        %get3A_965 = vector.shape_cast %get3A_964 : vector<1x16xf32> to vector<16xf32>
        %add3A_966 = arith.addf %add3A_882, %get3A_965 : vector<16xf32>
        %swap3A_967 = arith.index_cast %add3A_921 : i32 to index
        %swap3A_968 = arith.constant 64 : index
        %swap3A_969 = tpu.vector_load %arg8[%swap3A_967, %swap3A_968] {strides = array<i32>} : memref<64x128xf32, #tpu.memory_space<vmem>>, vector<1x16xf32>,
        %swap3A_970 = vector.shape_cast %swap3A_969 : vector<1x16xf32> to vector<16xf32>
        %swap3A_971 = vector.shape_cast %add3A_966 : vector<16xf32> to vector<1x16xf32>
        tpu.vector_store %arg8[%swap3A_967, %swap3A_968], %swap3A_971 {strides = array<i32>} : memref<64x128xf32, #tpu.memory_space<vmem>>, vector<1x16xf32>,
        %get3A_972 = arith.index_cast %add3A_921 : i32 to index
        %get3A_973 = arith.constant 80 : index
        %get3A_974 = tpu.vector_load %arg4[%get3A_972, %get3A_973] {strides = array<i32>} : memref<64x128xf32, #tpu.memory_space<vmem>>, vector<1x16xf32>,
        %get3A_975 = vector.shape_cast %get3A_974 : vector<1x16xf32> to vector<16xf32>
        %add3A_976 = arith.addf %add3A_892, %get3A_975 : vector<16xf32>
        %swap3A_977 = arith.index_cast %add3A_921 : i32 to index
        %swap3A_978 = arith.constant 80 : index
        %swap3A_979 = tpu.vector_load %arg8[%swap3A_977, %swap3A_978] {strides = array<i32>} : memref<64x128xf32, #tpu.memory_space<vmem>>, vector<1x16xf32>,
        %swap3A_980 = vector.shape_cast %swap3A_979 : vector<1x16xf32> to vector<16xf32>
        %swap3A_981 = vector.shape_cast %add3A_976 : vector<16xf32> to vector<1x16xf32>
        tpu.vector_store %arg8[%swap3A_977, %swap3A_978], %swap3A_981 {strides = array<i32>} : memref<64x128xf32, #tpu.memory_space<vmem>>, vector<1x16xf32>,
        %get3A_982 = arith.index_cast %add3A_921 : i32 to index
        %get3A_983 = arith.constant 96 : index
        %get3A_984 = tpu.vector_load %arg4[%get3A_982, %get3A_983] {strides = array<i32>} : memref<64x128xf32, #tpu.memory_space<vmem>>, vector<1x16xf32>,
        %get3A_985 = vector.shape_cast %get3A_984 : vector<1x16xf32> to vector<16xf32>
        %add3A_986 = arith.addf %add3A_902, %get3A_985 : vector<16xf32>
        %swap3A_987 = arith.index_cast %add3A_921 : i32 to index
        %swap3A_988 = arith.constant 96 : index
        %swap3A_989 = tpu.vector_load %arg8[%swap3A_987, %swap3A_988] {strides = array<i32>} : memref<64x128xf32, #tpu.memory_space<vmem>>, vector<1x16xf32>,
        %swap3A_990 = vector.shape_cast %swap3A_989 : vector<1x16xf32> to vector<16xf32>
        %swap3A_991 = vector.shape_cast %add3A_986 : vector<16xf32> to vector<1x16xf32>
        tpu.vector_store %arg8[%swap3A_987, %swap3A_988], %swap3A_991 {strides = array<i32>} : memref<64x128xf32, #tpu.memory_space<vmem>>, vector<1x16xf32>,
        %get3A_992 = arith.index_cast %add3A_921 : i32 to index
        %get3A_993 = arith.constant 112 : index
        %get3A_994 = tpu.vector_load %arg4[%get3A_992, %get3A_993] {strides = array<i32>} : memref<64x128xf32, #tpu.memory_space<vmem>>, vector<1x16xf32>,
        %get3A_995 = vector.shape_cast %get3A_994 : vector<1x16xf32> to vector<16xf32>
        %add3A_996 = arith.addf %add3A_912, %get3A_995 : vector<16xf32>
        %swap3A_997 = arith.index_cast %add3A_921 : i32 to index
        %swap3A_998 = arith.constant 112 : index
        %swap3A_999 = tpu.vector_load %arg8[%swap3A_997, %swap3A_998] {strides = array<i32>} : memref<64x128xf32, #tpu.memory_space<vmem>>, vector<1x16xf32>,
        %swap3A_1000 = vector.shape_cast %swap3A_999 : vector<1x16xf32> to vector<16xf32>
        %swap3A_1001 = vector.shape_cast %add3A_996 : vector<16xf32> to vector<1x16xf32>
        tpu.vector_store %arg8[%swap3A_997, %swap3A_998], %swap3A_1001 {strides = array<i32>} : memref<64x128xf32, #tpu.memory_space<vmem>>, vector<1x16xf32>,
        %mul3A_1002 = arith.constant 8 : i32
        %mul3A_1003 = arith.muli %scan3A_491, %mul3A_1002 : i32
        %add3A_1004 = arith.constant 6 : i32
        %add3A_1005 = arith.addi %mul3A_1003, %add3A_1004 : i32
        %get3A_1006 = arith.index_cast %add3A_1005 : i32 to index
        %get3A_1007 = arith.constant 0 : index
        %get3A_1008 = tpu.vector_load %arg4[%get3A_1006, %get3A_1007] {strides = array<i32>} : memref<64x128xf32, #tpu.memory_space<vmem>>, vector<1x16xf32>,
        %get3A_1009 = vector.shape_cast %get3A_1008 : vector<1x16xf32> to vector<16xf32>
        %add3A_1010 = arith.addf %add3A_926, %get3A_1009 : vector<16xf32>
        %swap3A_1011 = arith.index_cast %add3A_1005 : i32 to index
        %swap3A_1012 = arith.constant 0 : index
        %swap3A_1013 = tpu.vector_load %arg8[%swap3A_1011, %swap3A_1012] {strides = array<i32>} : memref<64x128xf32, #tpu.memory_space<vmem>>, vector<1x16xf32>,
        %swap3A_1014 = vector.shape_cast %swap3A_1013 : vector<1x16xf32> to vector<16xf32>
        %swap3A_1015 = vector.shape_cast %add3A_1010 : vector<16xf32> to vector<1x16xf32>
        tpu.vector_store %arg8[%swap3A_1011, %swap3A_1012], %swap3A_1015 {strides = array<i32>} : memref<64x128xf32, #tpu.memory_space<vmem>>, vector<1x16xf32>,
        %get3A_1016 = arith.index_cast %add3A_1005 : i32 to index
        %get3A_1017 = arith.constant 16 : index
        %get3A_1018 = tpu.vector_load %arg4[%get3A_1016, %get3A_1017] {strides = array<i32>} : memref<64x128xf32, #tpu.memory_space<vmem>>, vector<1x16xf32>,
        %get3A_1019 = vector.shape_cast %get3A_1018 : vector<1x16xf32> to vector<16xf32>
        %add3A_1020 = arith.addf %add3A_936, %get3A_1019 : vector<16xf32>
        %swap3A_1021 = arith.index_cast %add3A_1005 : i32 to index
        %swap3A_1022 = arith.constant 16 : index
        %swap3A_1023 = tpu.vector_load %arg8[%swap3A_1021, %swap3A_1022] {strides = array<i32>} : memref<64x128xf32, #tpu.memory_space<vmem>>, vector<1x16xf32>,
        %swap3A_1024 = vector.shape_cast %swap3A_1023 : vector<1x16xf32> to vector<16xf32>
        %swap3A_1025 = vector.shape_cast %add3A_1020 : vector<16xf32> to vector<1x16xf32>
        tpu.vector_store %arg8[%swap3A_1021, %swap3A_1022], %swap3A_1025 {strides = array<i32>} : memref<64x128xf32, #tpu.memory_space<vmem>>, vector<1x16xf32>,
        %get3A_1026 = arith.index_cast %add3A_1005 : i32 to index
        %get3A_1027 = arith.constant 32 : index
        %get3A_1028 = tpu.vector_load %arg4[%get3A_1026, %get3A_1027] {strides = array<i32>} : memref<64x128xf32, #tpu.memory_space<vmem>>, vector<1x16xf32>,
        %get3A_1029 = vector.shape_cast %get3A_1028 : vector<1x16xf32> to vector<16xf32>
        %add3A_1030 = arith.addf %add3A_946, %get3A_1029 : vector<16xf32>
        %swap3A_1031 = arith.index_cast %add3A_1005 : i32 to index
        %swap3A_1032 = arith.constant 32 : index
        %swap3A_1033 = tpu.vector_load %arg8[%swap3A_1031, %swap3A_1032] {strides = array<i32>} : memref<64x128xf32, #tpu.memory_space<vmem>>, vector<1x16xf32>,
        %swap3A_1034 = vector.shape_cast %swap3A_1033 : vector<1x16xf32> to vector<16xf32>
        %swap3A_1035 = vector.shape_cast %add3A_1030 : vector<16xf32> to vector<1x16xf32>
        tpu.vector_store %arg8[%swap3A_1031, %swap3A_1032], %swap3A_1035 {strides = array<i32>} : memref<64x128xf32, #tpu.memory_space<vmem>>, vector<1x16xf32>,
        %get3A_1036 = arith.index_cast %add3A_1005 : i32 to index
        %get3A_1037 = arith.constant 48 : index
        %get3A_1038 = tpu.vector_load %arg4[%get3A_1036, %get3A_1037] {strides = array<i32>} : memref<64x128xf32, #tpu.memory_space<vmem>>, vector<1x16xf32>,
        %get3A_1039 = vector.shape_cast %get3A_1038 : vector<1x16xf32> to vector<16xf32>
        %add3A_1040 = arith.addf %add3A_956, %get3A_1039 : vector<16xf32>
        %swap3A_1041 = arith.index_cast %add3A_1005 : i32 to index
        %swap3A_1042 = arith.constant 48 : index
        %swap3A_1043 = tpu.vector_load %arg8[%swap3A_1041, %swap3A_1042] {strides = array<i32>} : memref<64x128xf32, #tpu.memory_space<vmem>>, vector<1x16xf32>,
        %swap3A_1044 = vector.shape_cast %swap3A_1043 : vector<1x16xf32> to vector<16xf32>
        %swap3A_1045 = vector.shape_cast %add3A_1040 : vector<16xf32> to vector<1x16xf32>
        tpu.vector_store %arg8[%swap3A_1041, %swap3A_1042], %swap3A_1045 {strides = array<i32>} : memref<64x128xf32, #tpu.memory_space<vmem>>, vector<1x16xf32>,
        %get3A_1046 = arith.index_cast %add3A_1005 : i32 to index
        %get3A_1047 = arith.constant 64 : index
        %get3A_1048 = tpu.vector_load %arg4[%get3A_1046, %get3A_1047] {strides = array<i32>} : memref<64x128xf32, #tpu.memory_space<vmem>>, vector<1x16xf32>,
        %get3A_1049 = vector.shape_cast %get3A_1048 : vector<1x16xf32> to vector<16xf32>
        %add3A_1050 = arith.addf %add3A_966, %get3A_1049 : vector<16xf32>
        %swap3A_1051 = arith.index_cast %add3A_1005 : i32 to index
        %swap3A_1052 = arith.constant 64 : index
        %swap3A_1053 = tpu.vector_load %arg8[%swap3A_1051, %swap3A_1052] {strides = array<i32>} : memref<64x128xf32, #tpu.memory_space<vmem>>, vector<1x16xf32>,
        %swap3A_1054 = vector.shape_cast %swap3A_1053 : vector<1x16xf32> to vector<16xf32>
        %swap3A_1055 = vector.shape_cast %add3A_1050 : vector<16xf32> to vector<1x16xf32>
        tpu.vector_store %arg8[%swap3A_1051, %swap3A_1052], %swap3A_1055 {strides = array<i32>} : memref<64x128xf32, #tpu.memory_space<vmem>>, vector<1x16xf32>,
        %get3A_1056 = arith.index_cast %add3A_1005 : i32 to index
        %get3A_1057 = arith.constant 80 : index
        %get3A_1058 = tpu.vector_load %arg4[%get3A_1056, %get3A_1057] {strides = array<i32>} : memref<64x128xf32, #tpu.memory_space<vmem>>, vector<1x16xf32>,
        %get3A_1059 = vector.shape_cast %get3A_1058 : vector<1x16xf32> to vector<16xf32>
        %add3A_1060 = arith.addf %add3A_976, %get3A_1059 : vector<16xf32>
        %swap3A_1061 = arith.index_cast %add3A_1005 : i32 to index
        %swap3A_1062 = arith.constant 80 : index
        %swap3A_1063 = tpu.vector_load %arg8[%swap3A_1061, %swap3A_1062] {strides = array<i32>} : memref<64x128xf32, #tpu.memory_space<vmem>>, vector<1x16xf32>,
        %swap3A_1064 = vector.shape_cast %swap3A_1063 : vector<1x16xf32> to vector<16xf32>
        %swap3A_1065 = vector.shape_cast %add3A_1060 : vector<16xf32> to vector<1x16xf32>
        tpu.vector_store %arg8[%swap3A_1061, %swap3A_1062], %swap3A_1065 {strides = array<i32>} : memref<64x128xf32, #tpu.memory_space<vmem>>, vector<1x16xf32>,
        %get3A_1066 = arith.index_cast %add3A_1005 : i32 to index
        %get3A_1067 = arith.constant 96 : index
        %get3A_1068 = tpu.vector_load %arg4[%get3A_1066, %get3A_1067] {strides = array<i32>} : memref<64x128xf32, #tpu.memory_space<vmem>>, vector<1x16xf32>,
        %get3A_1069 = vector.shape_cast %get3A_1068 : vector<1x16xf32> to vector<16xf32>
        %add3A_1070 = arith.addf %add3A_986, %get3A_1069 : vector<16xf32>
        %swap3A_1071 = arith.index_cast %add3A_1005 : i32 to index
        %swap3A_1072 = arith.constant 96 : index
        %swap3A_1073 = tpu.vector_load %arg8[%swap3A_1071, %swap3A_1072] {strides = array<i32>} : memref<64x128xf32, #tpu.memory_space<vmem>>, vector<1x16xf32>,
        %swap3A_1074 = vector.shape_cast %swap3A_1073 : vector<1x16xf32> to vector<16xf32>
        %swap3A_1075 = vector.shape_cast %add3A_1070 : vector<16xf32> to vector<1x16xf32>
        tpu.vector_store %arg8[%swap3A_1071, %swap3A_1072], %swap3A_1075 {strides = array<i32>} : memref<64x128xf32, #tpu.memory_space<vmem>>, vector<1x16xf32>,
        %get3A_1076 = arith.index_cast %add3A_1005 : i32 to index
        %get3A_1077 = arith.constant 112 : index
        %get3A_1078 = tpu.vector_load %arg4[%get3A_1076, %get3A_1077] {strides = array<i32>} : memref<64x128xf32, #tpu.memory_space<vmem>>, vector<1x16xf32>,
        %get3A_1079 = vector.shape_cast %get3A_1078 : vector<1x16xf32> to vector<16xf32>
        %add3A_1080 = arith.addf %add3A_996, %get3A_1079 : vector<16xf32>
        %swap3A_1081 = arith.index_cast %add3A_1005 : i32 to index
        %swap3A_1082 = arith.constant 112 : index
        %swap3A_1083 = tpu.vector_load %arg8[%swap3A_1081, %swap3A_1082] {strides = array<i32>} : memref<64x128xf32, #tpu.memory_space<vmem>>, vector<1x16xf32>,
        %swap3A_1084 = vector.shape_cast %swap3A_1083 : vector<1x16xf32> to vector<16xf32>
        %swap3A_1085 = vector.shape_cast %add3A_1080 : vector<16xf32> to vector<1x16xf32>
        tpu.vector_store %arg8[%swap3A_1081, %swap3A_1082], %swap3A_1085 {strides = array<i32>} : memref<64x128xf32, #tpu.memory_space<vmem>>, vector<1x16xf32>,
        %mul3A_1086 = arith.constant 8 : i32
        %mul3A_1087 = arith.muli %scan3A_491, %mul3A_1086 : i32
        %add3A_1088 = arith.constant 7 : i32
        %add3A_1089 = arith.addi %mul3A_1087, %add3A_1088 : i32
        %get3A_1090 = arith.index_cast %add3A_1089 : i32 to index
        %get3A_1091 = arith.constant 0 : index
        %get3A_1092 = tpu.vector_load %arg4[%get3A_1090, %get3A_1091] {strides = array<i32>} : memref<64x128xf32, #tpu.memory_space<vmem>>, vector<1x16xf32>,
        %get3A_1093 = vector.shape_cast %get3A_1092 : vector<1x16xf32> to vector<16xf32>
        %add3A_1094 = arith.addf %add3A_1010, %get3A_1093 : vector<16xf32>
        %swap3A_1095 = arith.index_cast %add3A_1089 : i32 to index
        %swap3A_1096 = arith.constant 0 : index
        %swap3A_1097 = tpu.vector_load %arg8[%swap3A_1095, %swap3A_1096] {strides = array<i32>} : memref<64x128xf32, #tpu.memory_space<vmem>>, vector<1x16xf32>,
        %swap3A_1098 = vector.shape_cast %swap3A_1097 : vector<1x16xf32> to vector<16xf32>
        %swap3A_1099 = vector.shape_cast %add3A_1094 : vector<16xf32> to vector<1x16xf32>
        tpu.vector_store %arg8[%swap3A_1095, %swap3A_1096], %swap3A_1099 {strides = array<i32>} : memref<64x128xf32, #tpu.memory_space<vmem>>, vector<1x16xf32>,
        %get3A_1100 = arith.index_cast %add3A_1089 : i32 to index
        %get3A_1101 = arith.constant 16 : index
        %get3A_1102 = tpu.vector_load %arg4[%get3A_1100, %get3A_1101] {strides = array<i32>} : memref<64x128xf32, #tpu.memory_space<vmem>>, vector<1x16xf32>,
        %get3A_1103 = vector.shape_cast %get3A_1102 : vector<1x16xf32> to vector<16xf32>
        %add3A_1104 = arith.addf %add3A_1020, %get3A_1103 : vector<16xf32>
        %swap3A_1105 = arith.index_cast %add3A_1089 : i32 to index
        %swap3A_1106 = arith.constant 16 : index
        %swap3A_1107 = tpu.vector_load %arg8[%swap3A_1105, %swap3A_1106] {strides = array<i32>} : memref<64x128xf32, #tpu.memory_space<vmem>>, vector<1x16xf32>,
        %swap3A_1108 = vector.shape_cast %swap3A_1107 : vector<1x16xf32> to vector<16xf32>
        %swap3A_1109 = vector.shape_cast %add3A_1104 : vector<16xf32> to vector<1x16xf32>
        tpu.vector_store %arg8[%swap3A_1105, %swap3A_1106], %swap3A_1109 {strides = array<i32>} : memref<64x128xf32, #tpu.memory_space<vmem>>, vector<1x16xf32>,
        %get3A_1110 = arith.index_cast %add3A_1089 : i32 to index
        %get3A_1111 = arith.constant 32 : index
        %get3A_1112 = tpu.vector_load %arg4[%get3A_1110, %get3A_1111] {strides = array<i32>} : memref<64x128xf32, #tpu.memory_space<vmem>>, vector<1x16xf32>,
        %get3A_1113 = vector.shape_cast %get3A_1112 : vector<1x16xf32> to vector<16xf32>
        %add3A_1114 = arith.addf %add3A_1030, %get3A_1113 : vector<16xf32>
        %swap3A_1115 = arith.index_cast %add3A_1089 : i32 to index
        %swap3A_1116 = arith.constant 32 : index
        %swap3A_1117 = tpu.vector_load %arg8[%swap3A_1115, %swap3A_1116] {strides = array<i32>} : memref<64x128xf32, #tpu.memory_space<vmem>>, vector<1x16xf32>,
        %swap3A_1118 = vector.shape_cast %swap3A_1117 : vector<1x16xf32> to vector<16xf32>
        %swap3A_1119 = vector.shape_cast %add3A_1114 : vector<16xf32> to vector<1x16xf32>
        tpu.vector_store %arg8[%swap3A_1115, %swap3A_1116], %swap3A_1119 {strides = array<i32>} : memref<64x128xf32, #tpu.memory_space<vmem>>, vector<1x16xf32>,
        %get3A_1120 = arith.index_cast %add3A_1089 : i32 to index
        %get3A_1121 = arith.constant 48 : index
        %get3A_1122 = tpu.vector_load %arg4[%get3A_1120, %get3A_1121] {strides = array<i32>} : memref<64x128xf32, #tpu.memory_space<vmem>>, vector<1x16xf32>,
        %get3A_1123 = vector.shape_cast %get3A_1122 : vector<1x16xf32> to vector<16xf32>
        %add3A_1124 = arith.addf %add3A_1040, %get3A_1123 : vector<16xf32>
        %swap3A_1125 = arith.index_cast %add3A_1089 : i32 to index
        %swap3A_1126 = arith.constant 48 : index
        %swap3A_1127 = tpu.vector_load %arg8[%swap3A_1125, %swap3A_1126] {strides = array<i32>} : memref<64x128xf32, #tpu.memory_space<vmem>>, vector<1x16xf32>,
        %swap3A_1128 = vector.shape_cast %swap3A_1127 : vector<1x16xf32> to vector<16xf32>
        %swap3A_1129 = vector.shape_cast %add3A_1124 : vector<16xf32> to vector<1x16xf32>
        tpu.vector_store %arg8[%swap3A_1125, %swap3A_1126], %swap3A_1129 {strides = array<i32>} : memref<64x128xf32, #tpu.memory_space<vmem>>, vector<1x16xf32>,
        %get3A_1130 = arith.index_cast %add3A_1089 : i32 to index
        %get3A_1131 = arith.constant 64 : index
        %get3A_1132 = tpu.vector_load %arg4[%get3A_1130, %get3A_1131] {strides = array<i32>} : memref<64x128xf32, #tpu.memory_space<vmem>>, vector<1x16xf32>,
        %get3A_1133 = vector.shape_cast %get3A_1132 : vector<1x16xf32> to vector<16xf32>
        %add3A_1134 = arith.addf %add3A_1050, %get3A_1133 : vector<16xf32>
        %swap3A_1135 = arith.index_cast %add3A_1089 : i32 to index
        %swap3A_1136 = arith.constant 64 : index
        %swap3A_1137 = tpu.vector_load %arg8[%swap3A_1135, %swap3A_1136] {strides = array<i32>} : memref<64x128xf32, #tpu.memory_space<vmem>>, vector<1x16xf32>,
        %swap3A_1138 = vector.shape_cast %swap3A_1137 : vector<1x16xf32> to vector<16xf32>
        %swap3A_1139 = vector.shape_cast %add3A_1134 : vector<16xf32> to vector<1x16xf32>
        tpu.vector_store %arg8[%swap3A_1135, %swap3A_1136], %swap3A_1139 {strides = array<i32>} : memref<64x128xf32, #tpu.memory_space<vmem>>, vector<1x16xf32>,
        %get3A_1140 = arith.index_cast %add3A_1089 : i32 to index
        %get3A_1141 = arith.constant 80 : index
        %get3A_1142 = tpu.vector_load %arg4[%get3A_1140, %get3A_1141] {strides = array<i32>} : memref<64x128xf32, #tpu.memory_space<vmem>>, vector<1x16xf32>,
        %get3A_1143 = vector.shape_cast %get3A_1142 : vector<1x16xf32> to vector<16xf32>
        %add3A_1144 = arith.addf %add3A_1060, %get3A_1143 : vector<16xf32>
        %swap3A_1145 = arith.index_cast %add3A_1089 : i32 to index
        %swap3A_1146 = arith.constant 80 : index
        %swap3A_1147 = tpu.vector_load %arg8[%swap3A_1145, %swap3A_1146] {strides = array<i32>} : memref<64x128xf32, #tpu.memory_space<vmem>>, vector<1x16xf32>,
        %swap3A_1148 = vector.shape_cast %swap3A_1147 : vector<1x16xf32> to vector<16xf32>
        %swap3A_1149 = vector.shape_cast %add3A_1144 : vector<16xf32> to vector<1x16xf32>
        tpu.vector_store %arg8[%swap3A_1145, %swap3A_1146], %swap3A_1149 {strides = array<i32>} : memref<64x128xf32, #tpu.memory_space<vmem>>, vector<1x16xf32>,
        %get3A_1150 = arith.index_cast %add3A_1089 : i32 to index
        %get3A_1151 = arith.constant 96 : index
        %get3A_1152 = tpu.vector_load %arg4[%get3A_1150, %get3A_1151] {strides = array<i32>} : memref<64x128xf32, #tpu.memory_space<vmem>>, vector<1x16xf32>,
        %get3A_1153 = vector.shape_cast %get3A_1152 : vector<1x16xf32> to vector<16xf32>
        %add3A_1154 = arith.addf %add3A_1070, %get3A_1153 : vector<16xf32>
        %swap3A_1155 = arith.index_cast %add3A_1089 : i32 to index
        %swap3A_1156 = arith.constant 96 : index
        %swap3A_1157 = tpu.vector_load %arg8[%swap3A_1155, %swap3A_1156] {strides = array<i32>} : memref<64x128xf32, #tpu.memory_space<vmem>>, vector<1x16xf32>,
        %swap3A_1158 = vector.shape_cast %swap3A_1157 : vector<1x16xf32> to vector<16xf32>
        %swap3A_1159 = vector.shape_cast %add3A_1154 : vector<16xf32> to vector<1x16xf32>
        tpu.vector_store %arg8[%swap3A_1155, %swap3A_1156], %swap3A_1159 {strides = array<i32>} : memref<64x128xf32, #tpu.memory_space<vmem>>, vector<1x16xf32>,
        %get3A_1160 = arith.index_cast %add3A_1089 : i32 to index
        %get3A_1161 = arith.constant 112 : index
        %get3A_1162 = tpu.vector_load %arg4[%get3A_1160, %get3A_1161] {strides = array<i32>} : memref<64x128xf32, #tpu.memory_space<vmem>>, vector<1x16xf32>,
        %get3A_1163 = vector.shape_cast %get3A_1162 : vector<1x16xf32> to vector<16xf32>
        %add3A_1164 = arith.addf %add3A_1080, %get3A_1163 : vector<16xf32>
        %swap3A_1165 = arith.index_cast %add3A_1089 : i32 to index
        %swap3A_1166 = arith.constant 112 : index
        %swap3A_1167 = tpu.vector_load %arg8[%swap3A_1165, %swap3A_1166] {strides = array<i32>} : memref<64x128xf32, #tpu.memory_space<vmem>>, vector<1x16xf32>,
        %swap3A_1168 = vector.shape_cast %swap3A_1167 : vector<1x16xf32> to vector<16xf32>
        %swap3A_1169 = vector.shape_cast %add3A_1164 : vector<16xf32> to vector<1x16xf32>
        tpu.vector_store %arg8[%swap3A_1165, %swap3A_1166], %swap3A_1169 {strides = array<i32>} : memref<64x128xf32, #tpu.memory_space<vmem>>, vector<1x16xf32>,
        scf.yield %add3A_1094, %add3A_1104, %add3A_1114, %add3A_1124, %add3A_1134, %add3A_1144, %add3A_1154, %add3A_1164 : vector<16xf32>, vector<16xf32>, vector<16xf32>, vector<16xf32>, vector<16xf32>, vector<16xf32>, vector<16xf32>, vector<16xf32>
      }
      %scan3A_169 = arith.constant 8 : i32
      %jit3A_170 = arith.constant 32 : i32
      %div3A_171 = arith.divsi %add3A_125, %jit3A_170 : i32
      %sign3A_172 = arith.constant 0 : i32
      %sign3A_173 = arith.cmpi sgt, %add3A_125, %sign3A_172 : i32
      %sign3A_174 = arith.extui %sign3A_173 : i1 to i32
      %sign3A_175 = arith.constant 0 : i32
      %sign3A_176 = arith.cmpi slt, %add3A_125, %sign3A_175 : i32
      %sign3A_177 = arith.extui %sign3A_176 : i1 to i32
      %sign3A_178 = arith.subi %sign3A_174, %sign3A_177 : i32
      %sign3A_179 = arith.constant 0 : i32
      %sign3A_180 = arith.cmpi sgt, %jit3A_170, %sign3A_179 : i32
      %sign3A_181 = arith.extui %sign3A_180 : i1 to i32
      %sign3A_182 = arith.constant 0 : i32
      %sign3A_183 = arith.cmpi slt, %jit3A_170, %sign3A_182 : i32
      %sign3A_184 = arith.extui %sign3A_183 : i1 to i32
      %sign3A_185 = arith.subi %sign3A_181, %sign3A_184 : i32
      %ne3A_186 = arith.cmpi ne, %sign3A_178, %sign3A_185 : i32
      %rem3A_187 = arith.remsi %add3A_125, %jit3A_170 : i32
      %ne3A_188 = arith.constant 0 : i32
      %ne3A_189 = arith.cmpi ne, %rem3A_187, %ne3A_188 : i32
      %and3A_190 = arith.andi %ne3A_186, %ne3A_189 : i1
      %sub3A_191 = arith.constant 1 : i32
      %sub3A_192 = arith.subi %div3A_171, %sub3A_191 : i32
      %select_n3A_193 = arith.select %and3A_190, %sub3A_192, %div3A_171 : i32
      %rem3A_194 = arith.constant 32 : i32
      %rem3A_195 = arith.remsi %add3A_125, %rem3A_194 : i32
      %mul3A_196 = arith.constant 64 : i32
      %mul3A_197 = arith.muli %rem3A_195, %mul3A_196 : i32
      %mul3A_198 = arith.constant 128 : i32
      %mul3A_199 = arith.muli %select_n3A_193, %mul3A_198 : i32
      %add3A_200 = arith.addi %mul3A_32, %mul3A_199 : i32
      %dma_start3A_201 = tpu.memref_slice %arg3[%select_n3A, %mul3A_197, %add3A_200] : memref<4x2048x4096xf32, #tpu.memory_space<hbm>> -> memref<1x64x128xf32, #tpu.memory_space<hbm>>
      %dma_start3A_202 = tpu.memref_squeeze %dma_start3A_201 : memref<1x64x128xf32, #tpu.memory_space<hbm>> -> memref<64x128xf32, #tpu.memory_space<hbm>>
      %dma_start3A_203 = tpu.memref_slice %arg3[%select_n3A, %mul3A_197, %add3A_200] : memref<4x2048x4096xf32, #tpu.memory_space<hbm>> -> memref<1x64x128xf32, #tpu.memory_space<hbm>>
      %dma_start3A_204 = tpu.memref_squeeze %dma_start3A_203 : memref<1x64x128xf32, #tpu.memory_space<hbm>> -> memref<64x128xf32, #tpu.memory_space<hbm>>
      tpu.enqueue_dma source(%arg8 : memref<64x128xf32, #tpu.memory_space<vmem>>) target(%dma_start3A_204 : memref<64x128xf32, #tpu.memory_space<hbm>>) target_semaphore(%arg16 : memref<!tpu.dma_semaphore, #tpu.memory_space<semaphore_mem>>)
      %add3A_205 = arith.constant 4 : i32
      %add3A_206 = arith.addi %add3A_125, %add3A_205 : i32
      %lt3A_207 = arith.constant 128 : i32
      %lt3A_208 = arith.cmpi slt, %add3A_206, %lt3A_207 : i32
      %convert_element_type3A_209 = arith.extui %lt3A_208 : i1 to i32
      %cond3A_210 = arith.constant 0 : i32
      %cond3A_211 = arith.cmpi ne, %convert_element_type3A_209, %cond3A_210 : i32
      scf.if %cond3A_211 {
        %add3A_491 = arith.constant 4 : i32
        %add3A_492 = arith.addi %add3A_125, %add3A_491 : i32
        %jit3A_493 = arith.constant 32 : i32
        %div3A_494 = arith.divsi %add3A_492, %jit3A_493 : i32
        %sign3A_495 = arith.constant 0 : i32
        %sign3A_496 = arith.cmpi sgt, %add3A_492, %sign3A_495 : i32
        %sign3A_497 = arith.extui %sign3A_496 : i1 to i32
        %sign3A_498 = arith.constant 0 : i32
        %sign3A_499 = arith.cmpi slt, %add3A_492, %sign3A_498 : i32
        %sign3A_500 = arith.extui %sign3A_499 : i1 to i32
        %sign3A_501 = arith.subi %sign3A_497, %sign3A_500 : i32
        %sign3A_502 = arith.constant 0 : i32
        %sign3A_503 = arith.cmpi sgt, %jit3A_493, %sign3A_502 : i32
        %sign3A_504 = arith.extui %sign3A_503 : i1 to i32
        %sign3A_505 = arith.constant 0 : i32
        %sign3A_506 = arith.cmpi slt, %jit3A_493, %sign3A_505 : i32
        %sign3A_507 = arith.extui %sign3A_506 : i1 to i32
        %sign3A_508 = arith.subi %sign3A_504, %sign3A_507 : i32
        %ne3A_509 = arith.cmpi ne, %sign3A_501, %sign3A_508 : i32
        %rem3A_510 = arith.remsi %add3A_492, %jit3A_493 : i32
        %ne3A_511 = arith.constant 0 : i32
        %ne3A_512 = arith.cmpi ne, %rem3A_510, %ne3A_511 : i32
        %and3A_513 = arith.andi %ne3A_509, %ne3A_512 : i1
        %sub3A_514 = arith.constant 1 : i32
        %sub3A_515 = arith.subi %div3A_494, %sub3A_514 : i32
        %select_n3A_516 = arith.select %and3A_513, %sub3A_515, %div3A_494 : i32
        %rem3A_517 = arith.constant 32 : i32
        %rem3A_518 = arith.remsi %add3A_492, %rem3A_517 : i32
        %mul3A_519 = arith.constant 64 : i32
        %mul3A_520 = arith.muli %rem3A_518, %mul3A_519 : i32
        %mul3A_521 = arith.constant 128 : i32
        %mul3A_522 = arith.muli %select_n3A_516, %mul3A_521 : i32
        %add3A_523 = arith.addi %mul3A_32, %mul3A_522 : i32
        %dma_start3A_524 = tpu.memref_slice %arg2[%select_n3A, %mul3A_520, %add3A_523] : memref<4x2048x4096xf32, #tpu.memory_space<hbm>> -> memref<1x64x128xf32, #tpu.memory_space<hbm>>
        %dma_start3A_525 = tpu.memref_squeeze %dma_start3A_524 : memref<1x64x128xf32, #tpu.memory_space<hbm>> -> memref<64x128xf32, #tpu.memory_space<hbm>>
        %dma_start3A_526 = tpu.memref_slice %arg2[%select_n3A, %mul3A_520, %add3A_523] : memref<4x2048x4096xf32, #tpu.memory_space<hbm>> -> memref<1x64x128xf32, #tpu.memory_space<hbm>>
        %dma_start3A_527 = tpu.memref_squeeze %dma_start3A_526 : memref<1x64x128xf32, #tpu.memory_space<hbm>> -> memref<64x128xf32, #tpu.memory_space<hbm>>
        tpu.enqueue_dma source(%dma_start3A_527 : memref<64x128xf32, #tpu.memory_space<hbm>>) target(%arg4 : memref<64x128xf32, #tpu.memory_space<vmem>>) target_semaphore(%arg12 : memref<!tpu.dma_semaphore, #tpu.memory_space<semaphore_mem>>)
      } else {
      }
      %mul3A_212 = arith.constant 4 : i32
      %mul3A_213 = arith.muli %scan3A_113, %mul3A_212 : i32
      %add3A_214 = arith.constant 1 : i32
      %add3A_215 = arith.addi %mul3A_213, %add3A_214 : i32
      %rem3A_216 = arith.constant 32 : i32
      %rem3A_217 = arith.remsi %add3A_215, %rem3A_216 : i32
      %dma_wait3A_218 = arith.constant 0 : i32
      %dma_wait3A_219 = arith.constant 0 : i32
      %dma_wait3A_220 = tpu.memref_slice %arg2[%select_n3A, %dma_wait3A_218, %dma_wait3A_219] : memref<4x2048x4096xf32, #tpu.memory_space<hbm>> -> memref<1x64x128xf32, #tpu.memory_space<hbm>>
      %dma_wait3A_221 = tpu.memref_squeeze %dma_wait3A_220 : memref<1x64x128xf32, #tpu.memory_space<hbm>> -> memref<64x128xf32, #tpu.memory_space<hbm>>
      %dma_wait3A_222 = arith.constant 0 : i32
      %dma_wait3A_223 = arith.constant 0 : i32
      %dma_wait3A_224 = tpu.memref_slice %arg2[%select_n3A, %dma_wait3A_222, %dma_wait3A_223] : memref<4x2048x4096xf32, #tpu.memory_space<hbm>> -> memref<1x64x128xf32, #tpu.memory_space<hbm>>
      %dma_wait3A_225 = tpu.memref_squeeze %dma_wait3A_224 : memref<1x64x128xf32, #tpu.memory_space<hbm>> -> memref<64x128xf32, #tpu.memory_space<hbm>>
      tpu.wait_dma2 semaphore(%arg13 : memref<!tpu.dma_semaphore, #tpu.memory_space<semaphore_mem>>) src(%dma_wait3A_225 : memref<64x128xf32, #tpu.memory_space<hbm>>) dst(%arg5 : memref<64x128xf32, #tpu.memory_space<vmem>>)
      %ge3A_226 = arith.constant 4 : i32
      %ge3A_227 = arith.cmpi sge, %add3A_215, %ge3A_226 : i32
      %convert_element_type3A_228 = arith.extui %ge3A_227 : i1 to i32
      %cond3A_229 = arith.constant 0 : i32
      %cond3A_230 = arith.cmpi ne, %convert_element_type3A_228, %cond3A_229 : i32
      scf.if %cond3A_230 {
        %dma_wait3A_491 = arith.constant 0 : i32
        %dma_wait3A_492 = arith.constant 0 : i32
        %dma_wait3A_493 = tpu.memref_slice %arg3[%select_n3A, %dma_wait3A_491, %dma_wait3A_492] : memref<4x2048x4096xf32, #tpu.memory_space<hbm>> -> memref<1x64x128xf32, #tpu.memory_space<hbm>>
        %dma_wait3A_494 = tpu.memref_squeeze %dma_wait3A_493 : memref<1x64x128xf32, #tpu.memory_space<hbm>> -> memref<64x128xf32, #tpu.memory_space<hbm>>
        %dma_wait3A_495 = arith.constant 0 : i32
        %dma_wait3A_496 = arith.constant 0 : i32
        %dma_wait3A_497 = tpu.memref_slice %arg3[%select_n3A, %dma_wait3A_495, %dma_wait3A_496] : memref<4x2048x4096xf32, #tpu.memory_space<hbm>> -> memref<1x64x128xf32, #tpu.memory_space<hbm>>
        %dma_wait3A_498 = tpu.memref_squeeze %dma_wait3A_497 : memref<1x64x128xf32, #tpu.memory_space<hbm>> -> memref<64x128xf32, #tpu.memory_space<hbm>>
        tpu.wait_dma2 semaphore(%arg17 : memref<!tpu.dma_semaphore, #tpu.memory_space<semaphore_mem>>) src(%arg9 : memref<64x128xf32, #tpu.memory_space<vmem>>) dst(%dma_wait3A_498 : memref<64x128xf32, #tpu.memory_space<hbm>>)
      } else {
      }
      %broadcast_in_dim3A_231 = arith.constant 0.000000e+00 : f32
      %broadcast_in_dim3A_232 = vector.broadcast %broadcast_in_dim3A_231 : f32 to vector<16xf32>
      %eq3A_233 = arith.constant 0 : i32
      %eq3A_234 = arith.cmpi eq, %rem3A_217, %eq3A_233 : i32
      %select_n3A_235 = arith.select %eq3A_234, %broadcast_in_dim3A_232, %scan3A_168#0 : vector<16xf32>
      %eq3A_236 = arith.constant 0 : i32
      %eq3A_237 = arith.cmpi eq, %rem3A_217, %eq3A_236 : i32
      %select_n3A_238 = arith.select %eq3A_237, %broadcast_in_dim3A_232, %scan3A_168#1 : vector<16xf32>
      %eq3A_239 = arith.constant 0 : i32
      %eq3A_240 = arith.cmpi eq, %rem3A_217, %eq3A_239 : i32
      %select_n3A_241 = arith.select %eq3A_240, %broadcast_in_dim3A_232, %scan3A_168#2 : vector<16xf32>
      %eq3A_242 = arith.constant 0 : i32
      %eq3A_243 = arith.cmpi eq, %rem3A_217, %eq3A_242 : i32
      %select_n3A_244 = arith.select %eq3A_243, %broadcast_in_dim3A_232, %scan3A_168#3 : vector<16xf32>
      %eq3A_245 = arith.constant 0 : i32
      %eq3A_246 = arith.cmpi eq, %rem3A_217, %eq3A_245 : i32
      %select_n3A_247 = arith.select %eq3A_246, %broadcast_in_dim3A_232, %scan3A_168#4 : vector<16xf32>
      %eq3A_248 = arith.constant 0 : i32
      %eq3A_249 = arith.cmpi eq, %rem3A_217, %eq3A_248 : i32
      %select_n3A_250 = arith.select %eq3A_249, %broadcast_in_dim3A_232, %scan3A_168#5 : vector<16xf32>
      %eq3A_251 = arith.constant 0 : i32
      %eq3A_252 = arith.cmpi eq, %rem3A_217, %eq3A_251 : i32
      %select_n3A_253 = arith.select %eq3A_252, %broadcast_in_dim3A_232, %scan3A_168#6 : vector<16xf32>
      %eq3A_254 = arith.constant 0 : i32
      %eq3A_255 = arith.cmpi eq, %rem3A_217, %eq3A_254 : i32
      %select_n3A_256 = arith.select %eq3A_255, %broadcast_in_dim3A_232, %scan3A_168#7 : vector<16xf32>
      %scan3A_257 = arith.constant 0 : i32
      %scan3A_258 = arith.constant 8 : i32
      %scan3A_259 = arith.addi %scan3A_257, %scan3A_258 : i32
      %scan3A_260 = arith.constant 1 : i32
      %scan3A_261:8 = scf.for %scan3A_491 = %scan3A_257 to %scan3A_259 step %scan3A_260 iter_args(%scan3A_492 = %select_n3A_235, %scan3A_493 = %select_n3A_238, %scan3A_494 = %select_n3A_241, %scan3A_495 = %select_n3A_244, %scan3A_496 = %select_n3A_247, %scan3A_497 = %select_n3A_250, %scan3A_498 = %select_n3A_253, %scan3A_499 = %select_n3A_256) -> (vector<16xf32>, vector<16xf32>, vector<16xf32>, vector<16xf32>, vector<16xf32>, vector<16xf32>, vector<16xf32>, vector<16xf32>)  : i32 {
        %mul3A_500 = arith.constant 8 : i32
        %mul3A_501 = arith.muli %scan3A_491, %mul3A_500 : i32
        %add3A_502 = arith.constant 0 : i32
        %add3A_503 = arith.addi %mul3A_501, %add3A_502 : i32
        %get3A = arith.index_cast %add3A_503 : i32 to index
        %get3A_504 = arith.constant 0 : index
        %get3A_505 = tpu.vector_load %arg5[%get3A, %get3A_504] {strides = array<i32>} : memref<64x128xf32, #tpu.memory_space<vmem>>, vector<1x16xf32>,
        %get3A_506 = vector.shape_cast %get3A_505 : vector<1x16xf32> to vector<16xf32>
        %add3A_507 = arith.addf %scan3A_492, %get3A_506 : vector<16xf32>
        %swap3A = arith.index_cast %add3A_503 : i32 to index
        %swap3A_508 = arith.constant 0 : index
        %swap3A_509 = tpu.vector_load %arg9[%swap3A, %swap3A_508] {strides = array<i32>} : memref<64x128xf32, #tpu.memory_space<vmem>>, vector<1x16xf32>,
        %swap3A_510 = vector.shape_cast %swap3A_509 : vector<1x16xf32> to vector<16xf32>
        %swap3A_511 = vector.shape_cast %add3A_507 : vector<16xf32> to vector<1x16xf32>
        tpu.vector_store %arg9[%swap3A, %swap3A_508], %swap3A_511 {strides = array<i32>} : memref<64x128xf32, #tpu.memory_space<vmem>>, vector<1x16xf32>,
        %get3A_512 = arith.index_cast %add3A_503 : i32 to index
        %get3A_513 = arith.constant 16 : index
        %get3A_514 = tpu.vector_load %arg5[%get3A_512, %get3A_513] {strides = array<i32>} : memref<64x128xf32, #tpu.memory_space<vmem>>, vector<1x16xf32>,
        %get3A_515 = vector.shape_cast %get3A_514 : vector<1x16xf32> to vector<16xf32>
        %add3A_516 = arith.addf %scan3A_493, %get3A_515 : vector<16xf32>
        %swap3A_517 = arith.index_cast %add3A_503 : i32 to index
        %swap3A_518 = arith.constant 16 : index
        %swap3A_519 = tpu.vector_load %arg9[%swap3A_517, %swap3A_518] {strides = array<i32>} : memref<64x128xf32, #tpu.memory_space<vmem>>, vector<1x16xf32>,
        %swap3A_520 = vector.shape_cast %swap3A_519 : vector<1x16xf32> to vector<16xf32>
        %swap3A_521 = vector.shape_cast %add3A_516 : vector<16xf32> to vector<1x16xf32>
        tpu.vector_store %arg9[%swap3A_517, %swap3A_518], %swap3A_521 {strides = array<i32>} : memref<64x128xf32, #tpu.memory_space<vmem>>, vector<1x16xf32>,
        %get3A_522 = arith.index_cast %add3A_503 : i32 to index
        %get3A_523 = arith.constant 32 : index
        %get3A_524 = tpu.vector_load %arg5[%get3A_522, %get3A_523] {strides = array<i32>} : memref<64x128xf32, #tpu.memory_space<vmem>>, vector<1x16xf32>,
        %get3A_525 = vector.shape_cast %get3A_524 : vector<1x16xf32> to vector<16xf32>
        %add3A_526 = arith.addf %scan3A_494, %get3A_525 : vector<16xf32>
        %swap3A_527 = arith.index_cast %add3A_503 : i32 to index
        %swap3A_528 = arith.constant 32 : index
        %swap3A_529 = tpu.vector_load %arg9[%swap3A_527, %swap3A_528] {strides = array<i32>} : memref<64x128xf32, #tpu.memory_space<vmem>>, vector<1x16xf32>,
        %swap3A_530 = vector.shape_cast %swap3A_529 : vector<1x16xf32> to vector<16xf32>
        %swap3A_531 = vector.shape_cast %add3A_526 : vector<16xf32> to vector<1x16xf32>
        tpu.vector_store %arg9[%swap3A_527, %swap3A_528], %swap3A_531 {strides = array<i32>} : memref<64x128xf32, #tpu.memory_space<vmem>>, vector<1x16xf32>,
        %get3A_532 = arith.index_cast %add3A_503 : i32 to index
        %get3A_533 = arith.constant 48 : index
        %get3A_534 = tpu.vector_load %arg5[%get3A_532, %get3A_533] {strides = array<i32>} : memref<64x128xf32, #tpu.memory_space<vmem>>, vector<1x16xf32>,
        %get3A_535 = vector.shape_cast %get3A_534 : vector<1x16xf32> to vector<16xf32>
        %add3A_536 = arith.addf %scan3A_495, %get3A_535 : vector<16xf32>
        %swap3A_537 = arith.index_cast %add3A_503 : i32 to index
        %swap3A_538 = arith.constant 48 : index
        %swap3A_539 = tpu.vector_load %arg9[%swap3A_537, %swap3A_538] {strides = array<i32>} : memref<64x128xf32, #tpu.memory_space<vmem>>, vector<1x16xf32>,
        %swap3A_540 = vector.shape_cast %swap3A_539 : vector<1x16xf32> to vector<16xf32>
        %swap3A_541 = vector.shape_cast %add3A_536 : vector<16xf32> to vector<1x16xf32>
        tpu.vector_store %arg9[%swap3A_537, %swap3A_538], %swap3A_541 {strides = array<i32>} : memref<64x128xf32, #tpu.memory_space<vmem>>, vector<1x16xf32>,
        %get3A_542 = arith.index_cast %add3A_503 : i32 to index
        %get3A_543 = arith.constant 64 : index
        %get3A_544 = tpu.vector_load %arg5[%get3A_542, %get3A_543] {strides = array<i32>} : memref<64x128xf32, #tpu.memory_space<vmem>>, vector<1x16xf32>,
        %get3A_545 = vector.shape_cast %get3A_544 : vector<1x16xf32> to vector<16xf32>
        %add3A_546 = arith.addf %scan3A_496, %get3A_545 : vector<16xf32>
        %swap3A_547 = arith.index_cast %add3A_503 : i32 to index
        %swap3A_548 = arith.constant 64 : index
        %swap3A_549 = tpu.vector_load %arg9[%swap3A_547, %swap3A_548] {strides = array<i32>} : memref<64x128xf32, #tpu.memory_space<vmem>>, vector<1x16xf32>,
        %swap3A_550 = vector.shape_cast %swap3A_549 : vector<1x16xf32> to vector<16xf32>
        %swap3A_551 = vector.shape_cast %add3A_546 : vector<16xf32> to vector<1x16xf32>
        tpu.vector_store %arg9[%swap3A_547, %swap3A_548], %swap3A_551 {strides = array<i32>} : memref<64x128xf32, #tpu.memory_space<vmem>>, vector<1x16xf32>,
        %get3A_552 = arith.index_cast %add3A_503 : i32 to index
        %get3A_553 = arith.constant 80 : index
        %get3A_554 = tpu.vector_load %arg5[%get3A_552, %get3A_553] {strides = array<i32>} : memref<64x128xf32, #tpu.memory_space<vmem>>, vector<1x16xf32>,
        %get3A_555 = vector.shape_cast %get3A_554 : vector<1x16xf32> to vector<16xf32>
        %add3A_556 = arith.addf %scan3A_497, %get3A_555 : vector<16xf32>
        %swap3A_557 = arith.index_cast %add3A_503 : i32 to index
        %swap3A_558 = arith.constant 80 : index
        %swap3A_559 = tpu.vector_load %arg9[%swap3A_557, %swap3A_558] {strides = array<i32>} : memref<64x128xf32, #tpu.memory_space<vmem>>, vector<1x16xf32>,
        %swap3A_560 = vector.shape_cast %swap3A_559 : vector<1x16xf32> to vector<16xf32>
        %swap3A_561 = vector.shape_cast %add3A_556 : vector<16xf32> to vector<1x16xf32>
        tpu.vector_store %arg9[%swap3A_557, %swap3A_558], %swap3A_561 {strides = array<i32>} : memref<64x128xf32, #tpu.memory_space<vmem>>, vector<1x16xf32>,
        %get3A_562 = arith.index_cast %add3A_503 : i32 to index
        %get3A_563 = arith.constant 96 : index
        %get3A_564 = tpu.vector_load %arg5[%get3A_562, %get3A_563] {strides = array<i32>} : memref<64x128xf32, #tpu.memory_space<vmem>>, vector<1x16xf32>,
        %get3A_565 = vector.shape_cast %get3A_564 : vector<1x16xf32> to vector<16xf32>
        %add3A_566 = arith.addf %scan3A_498, %get3A_565 : vector<16xf32>
        %swap3A_567 = arith.index_cast %add3A_503 : i32 to index
        %swap3A_568 = arith.constant 96 : index
        %swap3A_569 = tpu.vector_load %arg9[%swap3A_567, %swap3A_568] {strides = array<i32>} : memref<64x128xf32, #tpu.memory_space<vmem>>, vector<1x16xf32>,
        %swap3A_570 = vector.shape_cast %swap3A_569 : vector<1x16xf32> to vector<16xf32>
        %swap3A_571 = vector.shape_cast %add3A_566 : vector<16xf32> to vector<1x16xf32>
        tpu.vector_store %arg9[%swap3A_567, %swap3A_568], %swap3A_571 {strides = array<i32>} : memref<64x128xf32, #tpu.memory_space<vmem>>, vector<1x16xf32>,
        %get3A_572 = arith.index_cast %add3A_503 : i32 to index
        %get3A_573 = arith.constant 112 : index
        %get3A_574 = tpu.vector_load %arg5[%get3A_572, %get3A_573] {strides = array<i32>} : memref<64x128xf32, #tpu.memory_space<vmem>>, vector<1x16xf32>,
        %get3A_575 = vector.shape_cast %get3A_574 : vector<1x16xf32> to vector<16xf32>
        %add3A_576 = arith.addf %scan3A_499, %get3A_575 : vector<16xf32>
        %swap3A_577 = arith.index_cast %add3A_503 : i32 to index
        %swap3A_578 = arith.constant 112 : index
        %swap3A_579 = tpu.vector_load %arg9[%swap3A_577, %swap3A_578] {strides = array<i32>} : memref<64x128xf32, #tpu.memory_space<vmem>>, vector<1x16xf32>,
        %swap3A_580 = vector.shape_cast %swap3A_579 : vector<1x16xf32> to vector<16xf32>
        %swap3A_581 = vector.shape_cast %add3A_576 : vector<16xf32> to vector<1x16xf32>
        tpu.vector_store %arg9[%swap3A_577, %swap3A_578], %swap3A_581 {strides = array<i32>} : memref<64x128xf32, #tpu.memory_space<vmem>>, vector<1x16xf32>,
        %mul3A_582 = arith.constant 8 : i32
        %mul3A_583 = arith.muli %scan3A_491, %mul3A_582 : i32
        %add3A_584 = arith.constant 1 : i32
        %add3A_585 = arith.addi %mul3A_583, %add3A_584 : i32
        %get3A_586 = arith.index_cast %add3A_585 : i32 to index
        %get3A_587 = arith.constant 0 : index
        %get3A_588 = tpu.vector_load %arg5[%get3A_586, %get3A_587] {strides = array<i32>} : memref<64x128xf32, #tpu.memory_space<vmem>>, vector<1x16xf32>,
        %get3A_589 = vector.shape_cast %get3A_588 : vector<1x16xf32> to vector<16xf32>
        %add3A_590 = arith.addf %add3A_507, %get3A_589 : vector<16xf32>
        %swap3A_591 = arith.index_cast %add3A_585 : i32 to index
        %swap3A_592 = arith.constant 0 : index
        %swap3A_593 = tpu.vector_load %arg9[%swap3A_591, %swap3A_592] {strides = array<i32>} : memref<64x128xf32, #tpu.memory_space<vmem>>, vector<1x16xf32>,
        %swap3A_594 = vector.shape_cast %swap3A_593 : vector<1x16xf32> to vector<16xf32>
        %swap3A_595 = vector.shape_cast %add3A_590 : vector<16xf32> to vector<1x16xf32>
        tpu.vector_store %arg9[%swap3A_591, %swap3A_592], %swap3A_595 {strides = array<i32>} : memref<64x128xf32, #tpu.memory_space<vmem>>, vector<1x16xf32>,
        %get3A_596 = arith.index_cast %add3A_585 : i32 to index
        %get3A_597 = arith.constant 16 : index
        %get3A_598 = tpu.vector_load %arg5[%get3A_596, %get3A_597] {strides = array<i32>} : memref<64x128xf32, #tpu.memory_space<vmem>>, vector<1x16xf32>,
        %get3A_599 = vector.shape_cast %get3A_598 : vector<1x16xf32> to vector<16xf32>
        %add3A_600 = arith.addf %add3A_516, %get3A_599 : vector<16xf32>
        %swap3A_601 = arith.index_cast %add3A_585 : i32 to index
        %swap3A_602 = arith.constant 16 : index
        %swap3A_603 = tpu.vector_load %arg9[%swap3A_601, %swap3A_602] {strides = array<i32>} : memref<64x128xf32, #tpu.memory_space<vmem>>, vector<1x16xf32>,
        %swap3A_604 = vector.shape_cast %swap3A_603 : vector<1x16xf32> to vector<16xf32>
        %swap3A_605 = vector.shape_cast %add3A_600 : vector<16xf32> to vector<1x16xf32>
        tpu.vector_store %arg9[%swap3A_601, %swap3A_602], %swap3A_605 {strides = array<i32>} : memref<64x128xf32, #tpu.memory_space<vmem>>, vector<1x16xf32>,
        %get3A_606 = arith.index_cast %add3A_585 : i32 to index
        %get3A_607 = arith.constant 32 : index
        %get3A_608 = tpu.vector_load %arg5[%get3A_606, %get3A_607] {strides = array<i32>} : memref<64x128xf32, #tpu.memory_space<vmem>>, vector<1x16xf32>,
        %get3A_609 = vector.shape_cast %get3A_608 : vector<1x16xf32> to vector<16xf32>
        %add3A_610 = arith.addf %add3A_526, %get3A_609 : vector<16xf32>
        %swap3A_611 = arith.index_cast %add3A_585 : i32 to index
        %swap3A_612 = arith.constant 32 : index
        %swap3A_613 = tpu.vector_load %arg9[%swap3A_611, %swap3A_612] {strides = array<i32>} : memref<64x128xf32, #tpu.memory_space<vmem>>, vector<1x16xf32>,
        %swap3A_614 = vector.shape_cast %swap3A_613 : vector<1x16xf32> to vector<16xf32>
        %swap3A_615 = vector.shape_cast %add3A_610 : vector<16xf32> to vector<1x16xf32>
        tpu.vector_store %arg9[%swap3A_611, %swap3A_612], %swap3A_615 {strides = array<i32>} : memref<64x128xf32, #tpu.memory_space<vmem>>, vector<1x16xf32>,
        %get3A_616 = arith.index_cast %add3A_585 : i32 to index
        %get3A_617 = arith.constant 48 : index
        %get3A_618 = tpu.vector_load %arg5[%get3A_616, %get3A_617] {strides = array<i32>} : memref<64x128xf32, #tpu.memory_space<vmem>>, vector<1x16xf32>,
        %get3A_619 = vector.shape_cast %get3A_618 : vector<1x16xf32> to vector<16xf32>
        %add3A_620 = arith.addf %add3A_536, %get3A_619 : vector<16xf32>
        %swap3A_621 = arith.index_cast %add3A_585 : i32 to index
        %swap3A_622 = arith.constant 48 : index
        %swap3A_623 = tpu.vector_load %arg9[%swap3A_621, %swap3A_622] {strides = array<i32>} : memref<64x128xf32, #tpu.memory_space<vmem>>, vector<1x16xf32>,
        %swap3A_624 = vector.shape_cast %swap3A_623 : vector<1x16xf32> to vector<16xf32>
        %swap3A_625 = vector.shape_cast %add3A_620 : vector<16xf32> to vector<1x16xf32>
        tpu.vector_store %arg9[%swap3A_621, %swap3A_622], %swap3A_625 {strides = array<i32>} : memref<64x128xf32, #tpu.memory_space<vmem>>, vector<1x16xf32>,
        %get3A_626 = arith.index_cast %add3A_585 : i32 to index
        %get3A_627 = arith.constant 64 : index
        %get3A_628 = tpu.vector_load %arg5[%get3A_626, %get3A_627] {strides = array<i32>} : memref<64x128xf32, #tpu.memory_space<vmem>>, vector<1x16xf32>,
        %get3A_629 = vector.shape_cast %get3A_628 : vector<1x16xf32> to vector<16xf32>
        %add3A_630 = arith.addf %add3A_546, %get3A_629 : vector<16xf32>
        %swap3A_631 = arith.index_cast %add3A_585 : i32 to index
        %swap3A_632 = arith.constant 64 : index
        %swap3A_633 = tpu.vector_load %arg9[%swap3A_631, %swap3A_632] {strides = array<i32>} : memref<64x128xf32, #tpu.memory_space<vmem>>, vector<1x16xf32>,
        %swap3A_634 = vector.shape_cast %swap3A_633 : vector<1x16xf32> to vector<16xf32>
        %swap3A_635 = vector.shape_cast %add3A_630 : vector<16xf32> to vector<1x16xf32>
        tpu.vector_store %arg9[%swap3A_631, %swap3A_632], %swap3A_635 {strides = array<i32>} : memref<64x128xf32, #tpu.memory_space<vmem>>, vector<1x16xf32>,
        %get3A_636 = arith.index_cast %add3A_585 : i32 to index
        %get3A_637 = arith.constant 80 : index
        %get3A_638 = tpu.vector_load %arg5[%get3A_636, %get3A_637] {strides = array<i32>} : memref<64x128xf32, #tpu.memory_space<vmem>>, vector<1x16xf32>,
        %get3A_639 = vector.shape_cast %get3A_638 : vector<1x16xf32> to vector<16xf32>
        %add3A_640 = arith.addf %add3A_556, %get3A_639 : vector<16xf32>
        %swap3A_641 = arith.index_cast %add3A_585 : i32 to index
        %swap3A_642 = arith.constant 80 : index
        %swap3A_643 = tpu.vector_load %arg9[%swap3A_641, %swap3A_642] {strides = array<i32>} : memref<64x128xf32, #tpu.memory_space<vmem>>, vector<1x16xf32>,
        %swap3A_644 = vector.shape_cast %swap3A_643 : vector<1x16xf32> to vector<16xf32>
        %swap3A_645 = vector.shape_cast %add3A_640 : vector<16xf32> to vector<1x16xf32>
        tpu.vector_store %arg9[%swap3A_641, %swap3A_642], %swap3A_645 {strides = array<i32>} : memref<64x128xf32, #tpu.memory_space<vmem>>, vector<1x16xf32>,
        %get3A_646 = arith.index_cast %add3A_585 : i32 to index
        %get3A_647 = arith.constant 96 : index
        %get3A_648 = tpu.vector_load %arg5[%get3A_646, %get3A_647] {strides = array<i32>} : memref<64x128xf32, #tpu.memory_space<vmem>>, vector<1x16xf32>,
        %get3A_649 = vector.shape_cast %get3A_648 : vector<1x16xf32> to vector<16xf32>
        %add3A_650 = arith.addf %add3A_566, %get3A_649 : vector<16xf32>
        %swap3A_651 = arith.index_cast %add3A_585 : i32 to index
        %swap3A_652 = arith.constant 96 : index
        %swap3A_653 = tpu.vector_load %arg9[%swap3A_651, %swap3A_652] {strides = array<i32>} : memref<64x128xf32, #tpu.memory_space<vmem>>, vector<1x16xf32>,
        %swap3A_654 = vector.shape_cast %swap3A_653 : vector<1x16xf32> to vector<16xf32>
        %swap3A_655 = vector.shape_cast %add3A_650 : vector<16xf32> to vector<1x16xf32>
        tpu.vector_store %arg9[%swap3A_651, %swap3A_652], %swap3A_655 {strides = array<i32>} : memref<64x128xf32, #tpu.memory_space<vmem>>, vector<1x16xf32>,
        %get3A_656 = arith.index_cast %add3A_585 : i32 to index
        %get3A_657 = arith.constant 112 : index
        %get3A_658 = tpu.vector_load %arg5[%get3A_656, %get3A_657] {strides = array<i32>} : memref<64x128xf32, #tpu.memory_space<vmem>>, vector<1x16xf32>,
        %get3A_659 = vector.shape_cast %get3A_658 : vector<1x16xf32> to vector<16xf32>
        %add3A_660 = arith.addf %add3A_576, %get3A_659 : vector<16xf32>
        %swap3A_661 = arith.index_cast %add3A_585 : i32 to index
        %swap3A_662 = arith.constant 112 : index
        %swap3A_663 = tpu.vector_load %arg9[%swap3A_661, %swap3A_662] {strides = array<i32>} : memref<64x128xf32, #tpu.memory_space<vmem>>, vector<1x16xf32>,
        %swap3A_664 = vector.shape_cast %swap3A_663 : vector<1x16xf32> to vector<16xf32>
        %swap3A_665 = vector.shape_cast %add3A_660 : vector<16xf32> to vector<1x16xf32>
        tpu.vector_store %arg9[%swap3A_661, %swap3A_662], %swap3A_665 {strides = array<i32>} : memref<64x128xf32, #tpu.memory_space<vmem>>, vector<1x16xf32>,
        %mul3A_666 = arith.constant 8 : i32
        %mul3A_667 = arith.muli %scan3A_491, %mul3A_666 : i32
        %add3A_668 = arith.constant 2 : i32
        %add3A_669 = arith.addi %mul3A_667, %add3A_668 : i32
        %get3A_670 = arith.index_cast %add3A_669 : i32 to index
        %get3A_671 = arith.constant 0 : index
        %get3A_672 = tpu.vector_load %arg5[%get3A_670, %get3A_671] {strides = array<i32>} : memref<64x128xf32, #tpu.memory_space<vmem>>, vector<1x16xf32>,
        %get3A_673 = vector.shape_cast %get3A_672 : vector<1x16xf32> to vector<16xf32>
        %add3A_674 = arith.addf %add3A_590, %get3A_673 : vector<16xf32>
        %swap3A_675 = arith.index_cast %add3A_669 : i32 to index
        %swap3A_676 = arith.constant 0 : index
        %swap3A_677 = tpu.vector_load %arg9[%swap3A_675, %swap3A_676] {strides = array<i32>} : memref<64x128xf32, #tpu.memory_space<vmem>>, vector<1x16xf32>,
        %swap3A_678 = vector.shape_cast %swap3A_677 : vector<1x16xf32> to vector<16xf32>
        %swap3A_679 = vector.shape_cast %add3A_674 : vector<16xf32> to vector<1x16xf32>
        tpu.vector_store %arg9[%swap3A_675, %swap3A_676], %swap3A_679 {strides = array<i32>} : memref<64x128xf32, #tpu.memory_space<vmem>>, vector<1x16xf32>,
        %get3A_680 = arith.index_cast %add3A_669 : i32 to index
        %get3A_681 = arith.constant 16 : index
        %get3A_682 = tpu.vector_load %arg5[%get3A_680, %get3A_681] {strides = array<i32>} : memref<64x128xf32, #tpu.memory_space<vmem>>, vector<1x16xf32>,
        %get3A_683 = vector.shape_cast %get3A_682 : vector<1x16xf32> to vector<16xf32>
        %add3A_684 = arith.addf %add3A_600, %get3A_683 : vector<16xf32>
        %swap3A_685 = arith.index_cast %add3A_669 : i32 to index
        %swap3A_686 = arith.constant 16 : index
        %swap3A_687 = tpu.vector_load %arg9[%swap3A_685, %swap3A_686] {strides = array<i32>} : memref<64x128xf32, #tpu.memory_space<vmem>>, vector<1x16xf32>,
        %swap3A_688 = vector.shape_cast %swap3A_687 : vector<1x16xf32> to vector<16xf32>
        %swap3A_689 = vector.shape_cast %add3A_684 : vector<16xf32> to vector<1x16xf32>
        tpu.vector_store %arg9[%swap3A_685, %swap3A_686], %swap3A_689 {strides = array<i32>} : memref<64x128xf32, #tpu.memory_space<vmem>>, vector<1x16xf32>,
        %get3A_690 = arith.index_cast %add3A_669 : i32 to index
        %get3A_691 = arith.constant 32 : index
        %get3A_692 = tpu.vector_load %arg5[%get3A_690, %get3A_691] {strides = array<i32>} : memref<64x128xf32, #tpu.memory_space<vmem>>, vector<1x16xf32>,
        %get3A_693 = vector.shape_cast %get3A_692 : vector<1x16xf32> to vector<16xf32>
        %add3A_694 = arith.addf %add3A_610, %get3A_693 : vector<16xf32>
        %swap3A_695 = arith.index_cast %add3A_669 : i32 to index
        %swap3A_696 = arith.constant 32 : index
        %swap3A_697 = tpu.vector_load %arg9[%swap3A_695, %swap3A_696] {strides = array<i32>} : memref<64x128xf32, #tpu.memory_space<vmem>>, vector<1x16xf32>,
        %swap3A_698 = vector.shape_cast %swap3A_697 : vector<1x16xf32> to vector<16xf32>
        %swap3A_699 = vector.shape_cast %add3A_694 : vector<16xf32> to vector<1x16xf32>
        tpu.vector_store %arg9[%swap3A_695, %swap3A_696], %swap3A_699 {strides = array<i32>} : memref<64x128xf32, #tpu.memory_space<vmem>>, vector<1x16xf32>,
        %get3A_700 = arith.index_cast %add3A_669 : i32 to index
        %get3A_701 = arith.constant 48 : index
        %get3A_702 = tpu.vector_load %arg5[%get3A_700, %get3A_701] {strides = array<i32>} : memref<64x128xf32, #tpu.memory_space<vmem>>, vector<1x16xf32>,
        %get3A_703 = vector.shape_cast %get3A_702 : vector<1x16xf32> to vector<16xf32>
        %add3A_704 = arith.addf %add3A_620, %get3A_703 : vector<16xf32>
        %swap3A_705 = arith.index_cast %add3A_669 : i32 to index
        %swap3A_706 = arith.constant 48 : index
        %swap3A_707 = tpu.vector_load %arg9[%swap3A_705, %swap3A_706] {strides = array<i32>} : memref<64x128xf32, #tpu.memory_space<vmem>>, vector<1x16xf32>,
        %swap3A_708 = vector.shape_cast %swap3A_707 : vector<1x16xf32> to vector<16xf32>
        %swap3A_709 = vector.shape_cast %add3A_704 : vector<16xf32> to vector<1x16xf32>
        tpu.vector_store %arg9[%swap3A_705, %swap3A_706], %swap3A_709 {strides = array<i32>} : memref<64x128xf32, #tpu.memory_space<vmem>>, vector<1x16xf32>,
        %get3A_710 = arith.index_cast %add3A_669 : i32 to index
        %get3A_711 = arith.constant 64 : index
        %get3A_712 = tpu.vector_load %arg5[%get3A_710, %get3A_711] {strides = array<i32>} : memref<64x128xf32, #tpu.memory_space<vmem>>, vector<1x16xf32>,
        %get3A_713 = vector.shape_cast %get3A_712 : vector<1x16xf32> to vector<16xf32>
        %add3A_714 = arith.addf %add3A_630, %get3A_713 : vector<16xf32>
        %swap3A_715 = arith.index_cast %add3A_669 : i32 to index
        %swap3A_716 = arith.constant 64 : index
        %swap3A_717 = tpu.vector_load %arg9[%swap3A_715, %swap3A_716] {strides = array<i32>} : memref<64x128xf32, #tpu.memory_space<vmem>>, vector<1x16xf32>,
        %swap3A_718 = vector.shape_cast %swap3A_717 : vector<1x16xf32> to vector<16xf32>
        %swap3A_719 = vector.shape_cast %add3A_714 : vector<16xf32> to vector<1x16xf32>
        tpu.vector_store %arg9[%swap3A_715, %swap3A_716], %swap3A_719 {strides = array<i32>} : memref<64x128xf32, #tpu.memory_space<vmem>>, vector<1x16xf32>,
        %get3A_720 = arith.index_cast %add3A_669 : i32 to index
        %get3A_721 = arith.constant 80 : index
        %get3A_722 = tpu.vector_load %arg5[%get3A_720, %get3A_721] {strides = array<i32>} : memref<64x128xf32, #tpu.memory_space<vmem>>, vector<1x16xf32>,
        %get3A_723 = vector.shape_cast %get3A_722 : vector<1x16xf32> to vector<16xf32>
        %add3A_724 = arith.addf %add3A_640, %get3A_723 : vector<16xf32>
        %swap3A_725 = arith.index_cast %add3A_669 : i32 to index
        %swap3A_726 = arith.constant 80 : index
        %swap3A_727 = tpu.vector_load %arg9[%swap3A_725, %swap3A_726] {strides = array<i32>} : memref<64x128xf32, #tpu.memory_space<vmem>>, vector<1x16xf32>,
        %swap3A_728 = vector.shape_cast %swap3A_727 : vector<1x16xf32> to vector<16xf32>
        %swap3A_729 = vector.shape_cast %add3A_724 : vector<16xf32> to vector<1x16xf32>
        tpu.vector_store %arg9[%swap3A_725, %swap3A_726], %swap3A_729 {strides = array<i32>} : memref<64x128xf32, #tpu.memory_space<vmem>>, vector<1x16xf32>,
        %get3A_730 = arith.index_cast %add3A_669 : i32 to index
        %get3A_731 = arith.constant 96 : index
        %get3A_732 = tpu.vector_load %arg5[%get3A_730, %get3A_731] {strides = array<i32>} : memref<64x128xf32, #tpu.memory_space<vmem>>, vector<1x16xf32>,
        %get3A_733 = vector.shape_cast %get3A_732 : vector<1x16xf32> to vector<16xf32>
        %add3A_734 = arith.addf %add3A_650, %get3A_733 : vector<16xf32>
        %swap3A_735 = arith.index_cast %add3A_669 : i32 to index
        %swap3A_736 = arith.constant 96 : index
        %swap3A_737 = tpu.vector_load %arg9[%swap3A_735, %swap3A_736] {strides = array<i32>} : memref<64x128xf32, #tpu.memory_space<vmem>>, vector<1x16xf32>,
        %swap3A_738 = vector.shape_cast %swap3A_737 : vector<1x16xf32> to vector<16xf32>
        %swap3A_739 = vector.shape_cast %add3A_734 : vector<16xf32> to vector<1x16xf32>
        tpu.vector_store %arg9[%swap3A_735, %swap3A_736], %swap3A_739 {strides = array<i32>} : memref<64x128xf32, #tpu.memory_space<vmem>>, vector<1x16xf32>,
        %get3A_740 = arith.index_cast %add3A_669 : i32 to index
        %get3A_741 = arith.constant 112 : index
        %get3A_742 = tpu.vector_load %arg5[%get3A_740, %get3A_741] {strides = array<i32>} : memref<64x128xf32, #tpu.memory_space<vmem>>, vector<1x16xf32>,
        %get3A_743 = vector.shape_cast %get3A_742 : vector<1x16xf32> to vector<16xf32>
        %add3A_744 = arith.addf %add3A_660, %get3A_743 : vector<16xf32>
        %swap3A_745 = arith.index_cast %add3A_669 : i32 to index
        %swap3A_746 = arith.constant 112 : index
        %swap3A_747 = tpu.vector_load %arg9[%swap3A_745, %swap3A_746] {strides = array<i32>} : memref<64x128xf32, #tpu.memory_space<vmem>>, vector<1x16xf32>,
        %swap3A_748 = vector.shape_cast %swap3A_747 : vector<1x16xf32> to vector<16xf32>
        %swap3A_749 = vector.shape_cast %add3A_744 : vector<16xf32> to vector<1x16xf32>
        tpu.vector_store %arg9[%swap3A_745, %swap3A_746], %swap3A_749 {strides = array<i32>} : memref<64x128xf32, #tpu.memory_space<vmem>>, vector<1x16xf32>,
        %mul3A_750 = arith.constant 8 : i32
        %mul3A_751 = arith.muli %scan3A_491, %mul3A_750 : i32
        %add3A_752 = arith.constant 3 : i32
        %add3A_753 = arith.addi %mul3A_751, %add3A_752 : i32
        %get3A_754 = arith.index_cast %add3A_753 : i32 to index
        %get3A_755 = arith.constant 0 : index
        %get3A_756 = tpu.vector_load %arg5[%get3A_754, %get3A_755] {strides = array<i32>} : memref<64x128xf32, #tpu.memory_space<vmem>>, vector<1x16xf32>,
        %get3A_757 = vector.shape_cast %get3A_756 : vector<1x16xf32> to vector<16xf32>
        %add3A_758 = arith.addf %add3A_674, %get3A_757 : vector<16xf32>
        %swap3A_759 = arith.index_cast %add3A_753 : i32 to index
        %swap3A_760 = arith.constant 0 : index
        %swap3A_761 = tpu.vector_load %arg9[%swap3A_759, %swap3A_760] {strides = array<i32>} : memref<64x128xf32, #tpu.memory_space<vmem>>, vector<1x16xf32>,
        %swap3A_762 = vector.shape_cast %swap3A_761 : vector<1x16xf32> to vector<16xf32>
        %swap3A_763 = vector.shape_cast %add3A_758 : vector<16xf32> to vector<1x16xf32>
        tpu.vector_store %arg9[%swap3A_759, %swap3A_760], %swap3A_763 {strides = array<i32>} : memref<64x128xf32, #tpu.memory_space<vmem>>, vector<1x16xf32>,
        %get3A_764 = arith.index_cast %add3A_753 : i32 to index
        %get3A_765 = arith.constant 16 : index
        %get3A_766 = tpu.vector_load %arg5[%get3A_764, %get3A_765] {strides = array<i32>} : memref<64x128xf32, #tpu.memory_space<vmem>>, vector<1x16xf32>,
        %get3A_767 = vector.shape_cast %get3A_766 : vector<1x16xf32> to vector<16xf32>
        %add3A_768 = arith.addf %add3A_684, %get3A_767 : vector<16xf32>
        %swap3A_769 = arith.index_cast %add3A_753 : i32 to index
        %swap3A_770 = arith.constant 16 : index
        %swap3A_771 = tpu.vector_load %arg9[%swap3A_769, %swap3A_770] {strides = array<i32>} : memref<64x128xf32, #tpu.memory_space<vmem>>, vector<1x16xf32>,
        %swap3A_772 = vector.shape_cast %swap3A_771 : vector<1x16xf32> to vector<16xf32>
        %swap3A_773 = vector.shape_cast %add3A_768 : vector<16xf32> to vector<1x16xf32>
        tpu.vector_store %arg9[%swap3A_769, %swap3A_770], %swap3A_773 {strides = array<i32>} : memref<64x128xf32, #tpu.memory_space<vmem>>, vector<1x16xf32>,
        %get3A_774 = arith.index_cast %add3A_753 : i32 to index
        %get3A_775 = arith.constant 32 : index
        %get3A_776 = tpu.vector_load %arg5[%get3A_774, %get3A_775] {strides = array<i32>} : memref<64x128xf32, #tpu.memory_space<vmem>>, vector<1x16xf32>,
        %get3A_777 = vector.shape_cast %get3A_776 : vector<1x16xf32> to vector<16xf32>
        %add3A_778 = arith.addf %add3A_694, %get3A_777 : vector<16xf32>
        %swap3A_779 = arith.index_cast %add3A_753 : i32 to index
        %swap3A_780 = arith.constant 32 : index
        %swap3A_781 = tpu.vector_load %arg9[%swap3A_779, %swap3A_780] {strides = array<i32>} : memref<64x128xf32, #tpu.memory_space<vmem>>, vector<1x16xf32>,
        %swap3A_782 = vector.shape_cast %swap3A_781 : vector<1x16xf32> to vector<16xf32>
        %swap3A_783 = vector.shape_cast %add3A_778 : vector<16xf32> to vector<1x16xf32>
        tpu.vector_store %arg9[%swap3A_779, %swap3A_780], %swap3A_783 {strides = array<i32>} : memref<64x128xf32, #tpu.memory_space<vmem>>, vector<1x16xf32>,
        %get3A_784 = arith.index_cast %add3A_753 : i32 to index
        %get3A_785 = arith.constant 48 : index
        %get3A_786 = tpu.vector_load %arg5[%get3A_784, %get3A_785] {strides = array<i32>} : memref<64x128xf32, #tpu.memory_space<vmem>>, vector<1x16xf32>,
        %get3A_787 = vector.shape_cast %get3A_786 : vector<1x16xf32> to vector<16xf32>
        %add3A_788 = arith.addf %add3A_704, %get3A_787 : vector<16xf32>
        %swap3A_789 = arith.index_cast %add3A_753 : i32 to index
        %swap3A_790 = arith.constant 48 : index
        %swap3A_791 = tpu.vector_load %arg9[%swap3A_789, %swap3A_790] {strides = array<i32>} : memref<64x128xf32, #tpu.memory_space<vmem>>, vector<1x16xf32>,
        %swap3A_792 = vector.shape_cast %swap3A_791 : vector<1x16xf32> to vector<16xf32>
        %swap3A_793 = vector.shape_cast %add3A_788 : vector<16xf32> to vector<1x16xf32>
        tpu.vector_store %arg9[%swap3A_789, %swap3A_790], %swap3A_793 {strides = array<i32>} : memref<64x128xf32, #tpu.memory_space<vmem>>, vector<1x16xf32>,
        %get3A_794 = arith.index_cast %add3A_753 : i32 to index
        %get3A_795 = arith.constant 64 : index
        %get3A_796 = tpu.vector_load %arg5[%get3A_794, %get3A_795] {strides = array<i32>} : memref<64x128xf32, #tpu.memory_space<vmem>>, vector<1x16xf32>,
        %get3A_797 = vector.shape_cast %get3A_796 : vector<1x16xf32> to vector<16xf32>
        %add3A_798 = arith.addf %add3A_714, %get3A_797 : vector<16xf32>
        %swap3A_799 = arith.index_cast %add3A_753 : i32 to index
        %swap3A_800 = arith.constant 64 : index
        %swap3A_801 = tpu.vector_load %arg9[%swap3A_799, %swap3A_800] {strides = array<i32>} : memref<64x128xf32, #tpu.memory_space<vmem>>, vector<1x16xf32>,
        %swap3A_802 = vector.shape_cast %swap3A_801 : vector<1x16xf32> to vector<16xf32>
        %swap3A_803 = vector.shape_cast %add3A_798 : vector<16xf32> to vector<1x16xf32>
        tpu.vector_store %arg9[%swap3A_799, %swap3A_800], %swap3A_803 {strides = array<i32>} : memref<64x128xf32, #tpu.memory_space<vmem>>, vector<1x16xf32>,
        %get3A_804 = arith.index_cast %add3A_753 : i32 to index
        %get3A_805 = arith.constant 80 : index
        %get3A_806 = tpu.vector_load %arg5[%get3A_804, %get3A_805] {strides = array<i32>} : memref<64x128xf32, #tpu.memory_space<vmem>>, vector<1x16xf32>,
        %get3A_807 = vector.shape_cast %get3A_806 : vector<1x16xf32> to vector<16xf32>
        %add3A_808 = arith.addf %add3A_724, %get3A_807 : vector<16xf32>
        %swap3A_809 = arith.index_cast %add3A_753 : i32 to index
        %swap3A_810 = arith.constant 80 : index
        %swap3A_811 = tpu.vector_load %arg9[%swap3A_809, %swap3A_810] {strides = array<i32>} : memref<64x128xf32, #tpu.memory_space<vmem>>, vector<1x16xf32>,
        %swap3A_812 = vector.shape_cast %swap3A_811 : vector<1x16xf32> to vector<16xf32>
        %swap3A_813 = vector.shape_cast %add3A_808 : vector<16xf32> to vector<1x16xf32>
        tpu.vector_store %arg9[%swap3A_809, %swap3A_810], %swap3A_813 {strides = array<i32>} : memref<64x128xf32, #tpu.memory_space<vmem>>, vector<1x16xf32>,
        %get3A_814 = arith.index_cast %add3A_753 : i32 to index
        %get3A_815 = arith.constant 96 : index
        %get3A_816 = tpu.vector_load %arg5[%get3A_814, %get3A_815] {strides = array<i32>} : memref<64x128xf32, #tpu.memory_space<vmem>>, vector<1x16xf32>,
        %get3A_817 = vector.shape_cast %get3A_816 : vector<1x16xf32> to vector<16xf32>
        %add3A_818 = arith.addf %add3A_734, %get3A_817 : vector<16xf32>
        %swap3A_819 = arith.index_cast %add3A_753 : i32 to index
        %swap3A_820 = arith.constant 96 : index
        %swap3A_821 = tpu.vector_load %arg9[%swap3A_819, %swap3A_820] {strides = array<i32>} : memref<64x128xf32, #tpu.memory_space<vmem>>, vector<1x16xf32>,
        %swap3A_822 = vector.shape_cast %swap3A_821 : vector<1x16xf32> to vector<16xf32>
        %swap3A_823 = vector.shape_cast %add3A_818 : vector<16xf32> to vector<1x16xf32>
        tpu.vector_store %arg9[%swap3A_819, %swap3A_820], %swap3A_823 {strides = array<i32>} : memref<64x128xf32, #tpu.memory_space<vmem>>, vector<1x16xf32>,
        %get3A_824 = arith.index_cast %add3A_753 : i32 to index
        %get3A_825 = arith.constant 112 : index
        %get3A_826 = tpu.vector_load %arg5[%get3A_824, %get3A_825] {strides = array<i32>} : memref<64x128xf32, #tpu.memory_space<vmem>>, vector<1x16xf32>,
        %get3A_827 = vector.shape_cast %get3A_826 : vector<1x16xf32> to vector<16xf32>
        %add3A_828 = arith.addf %add3A_744, %get3A_827 : vector<16xf32>
        %swap3A_829 = arith.index_cast %add3A_753 : i32 to index
        %swap3A_830 = arith.constant 112 : index
        %swap3A_831 = tpu.vector_load %arg9[%swap3A_829, %swap3A_830] {strides = array<i32>} : memref<64x128xf32, #tpu.memory_space<vmem>>, vector<1x16xf32>,
        %swap3A_832 = vector.shape_cast %swap3A_831 : vector<1x16xf32> to vector<16xf32>
        %swap3A_833 = vector.shape_cast %add3A_828 : vector<16xf32> to vector<1x16xf32>
        tpu.vector_store %arg9[%swap3A_829, %swap3A_830], %swap3A_833 {strides = array<i32>} : memref<64x128xf32, #tpu.memory_space<vmem>>, vector<1x16xf32>,
        %mul3A_834 = arith.constant 8 : i32
        %mul3A_835 = arith.muli %scan3A_491, %mul3A_834 : i32
        %add3A_836 = arith.constant 4 : i32
        %add3A_837 = arith.addi %mul3A_835, %add3A_836 : i32
        %get3A_838 = arith.index_cast %add3A_837 : i32 to index
        %get3A_839 = arith.constant 0 : index
        %get3A_840 = tpu.vector_load %arg5[%get3A_838, %get3A_839] {strides = array<i32>} : memref<64x128xf32, #tpu.memory_space<vmem>>, vector<1x16xf32>,
        %get3A_841 = vector.shape_cast %get3A_840 : vector<1x16xf32> to vector<16xf32>
        %add3A_842 = arith.addf %add3A_758, %get3A_841 : vector<16xf32>
        %swap3A_843 = arith.index_cast %add3A_837 : i32 to index
        %swap3A_844 = arith.constant 0 : index
        %swap3A_845 = tpu.vector_load %arg9[%swap3A_843, %swap3A_844] {strides = array<i32>} : memref<64x128xf32, #tpu.memory_space<vmem>>, vector<1x16xf32>,
        %swap3A_846 = vector.shape_cast %swap3A_845 : vector<1x16xf32> to vector<16xf32>
        %swap3A_847 = vector.shape_cast %add3A_842 : vector<16xf32> to vector<1x16xf32>
        tpu.vector_store %arg9[%swap3A_843, %swap3A_844], %swap3A_847 {strides = array<i32>} : memref<64x128xf32, #tpu.memory_space<vmem>>, vector<1x16xf32>,
        %get3A_848 = arith.index_cast %add3A_837 : i32 to index
        %get3A_849 = arith.constant 16 : index
        %get3A_850 = tpu.vector_load %arg5[%get3A_848, %get3A_849] {strides = array<i32>} : memref<64x128xf32, #tpu.memory_space<vmem>>, vector<1x16xf32>,
        %get3A_851 = vector.shape_cast %get3A_850 : vector<1x16xf32> to vector<16xf32>
        %add3A_852 = arith.addf %add3A_768, %get3A_851 : vector<16xf32>
        %swap3A_853 = arith.index_cast %add3A_837 : i32 to index
        %swap3A_854 = arith.constant 16 : index
        %swap3A_855 = tpu.vector_load %arg9[%swap3A_853, %swap3A_854] {strides = array<i32>} : memref<64x128xf32, #tpu.memory_space<vmem>>, vector<1x16xf32>,
        %swap3A_856 = vector.shape_cast %swap3A_855 : vector<1x16xf32> to vector<16xf32>
        %swap3A_857 = vector.shape_cast %add3A_852 : vector<16xf32> to vector<1x16xf32>
        tpu.vector_store %arg9[%swap3A_853, %swap3A_854], %swap3A_857 {strides = array<i32>} : memref<64x128xf32, #tpu.memory_space<vmem>>, vector<1x16xf32>,
        %get3A_858 = arith.index_cast %add3A_837 : i32 to index
        %get3A_859 = arith.constant 32 : index
        %get3A_860 = tpu.vector_load %arg5[%get3A_858, %get3A_859] {strides = array<i32>} : memref<64x128xf32, #tpu.memory_space<vmem>>, vector<1x16xf32>,
        %get3A_861 = vector.shape_cast %get3A_860 : vector<1x16xf32> to vector<16xf32>
        %add3A_862 = arith.addf %add3A_778, %get3A_861 : vector<16xf32>
        %swap3A_863 = arith.index_cast %add3A_837 : i32 to index
        %swap3A_864 = arith.constant 32 : index
        %swap3A_865 = tpu.vector_load %arg9[%swap3A_863, %swap3A_864] {strides = array<i32>} : memref<64x128xf32, #tpu.memory_space<vmem>>, vector<1x16xf32>,
        %swap3A_866 = vector.shape_cast %swap3A_865 : vector<1x16xf32> to vector<16xf32>
        %swap3A_867 = vector.shape_cast %add3A_862 : vector<16xf32> to vector<1x16xf32>
        tpu.vector_store %arg9[%swap3A_863, %swap3A_864], %swap3A_867 {strides = array<i32>} : memref<64x128xf32, #tpu.memory_space<vmem>>, vector<1x16xf32>,
        %get3A_868 = arith.index_cast %add3A_837 : i32 to index
        %get3A_869 = arith.constant 48 : index
        %get3A_870 = tpu.vector_load %arg5[%get3A_868, %get3A_869] {strides = array<i32>} : memref<64x128xf32, #tpu.memory_space<vmem>>, vector<1x16xf32>,
        %get3A_871 = vector.shape_cast %get3A_870 : vector<1x16xf32> to vector<16xf32>
        %add3A_872 = arith.addf %add3A_788, %get3A_871 : vector<16xf32>
        %swap3A_873 = arith.index_cast %add3A_837 : i32 to index
        %swap3A_874 = arith.constant 48 : index
        %swap3A_875 = tpu.vector_load %arg9[%swap3A_873, %swap3A_874] {strides = array<i32>} : memref<64x128xf32, #tpu.memory_space<vmem>>, vector<1x16xf32>,
        %swap3A_876 = vector.shape_cast %swap3A_875 : vector<1x16xf32> to vector<16xf32>
        %swap3A_877 = vector.shape_cast %add3A_872 : vector<16xf32> to vector<1x16xf32>
        tpu.vector_store %arg9[%swap3A_873, %swap3A_874], %swap3A_877 {strides = array<i32>} : memref<64x128xf32, #tpu.memory_space<vmem>>, vector<1x16xf32>,
        %get3A_878 = arith.index_cast %add3A_837 : i32 to index
        %get3A_879 = arith.constant 64 : index
        %get3A_880 = tpu.vector_load %arg5[%get3A_878, %get3A_879] {strides = array<i32>} : memref<64x128xf32, #tpu.memory_space<vmem>>, vector<1x16xf32>,
        %get3A_881 = vector.shape_cast %get3A_880 : vector<1x16xf32> to vector<16xf32>
        %add3A_882 = arith.addf %add3A_798, %get3A_881 : vector<16xf32>
        %swap3A_883 = arith.index_cast %add3A_837 : i32 to index
        %swap3A_884 = arith.constant 64 : index
        %swap3A_885 = tpu.vector_load %arg9[%swap3A_883, %swap3A_884] {strides = array<i32>} : memref<64x128xf32, #tpu.memory_space<vmem>>, vector<1x16xf32>,
        %swap3A_886 = vector.shape_cast %swap3A_885 : vector<1x16xf32> to vector<16xf32>
        %swap3A_887 = vector.shape_cast %add3A_882 : vector<16xf32> to vector<1x16xf32>
        tpu.vector_store %arg9[%swap3A_883, %swap3A_884], %swap3A_887 {strides = array<i32>} : memref<64x128xf32, #tpu.memory_space<vmem>>, vector<1x16xf32>,
        %get3A_888 = arith.index_cast %add3A_837 : i32 to index
        %get3A_889 = arith.constant 80 : index
        %get3A_890 = tpu.vector_load %arg5[%get3A_888, %get3A_889] {strides = array<i32>} : memref<64x128xf32, #tpu.memory_space<vmem>>, vector<1x16xf32>,
        %get3A_891 = vector.shape_cast %get3A_890 : vector<1x16xf32> to vector<16xf32>
        %add3A_892 = arith.addf %add3A_808, %get3A_891 : vector<16xf32>
        %swap3A_893 = arith.index_cast %add3A_837 : i32 to index
        %swap3A_894 = arith.constant 80 : index
        %swap3A_895 = tpu.vector_load %arg9[%swap3A_893, %swap3A_894] {strides = array<i32>} : memref<64x128xf32, #tpu.memory_space<vmem>>, vector<1x16xf32>,
        %swap3A_896 = vector.shape_cast %swap3A_895 : vector<1x16xf32> to vector<16xf32>
        %swap3A_897 = vector.shape_cast %add3A_892 : vector<16xf32> to vector<1x16xf32>
        tpu.vector_store %arg9[%swap3A_893, %swap3A_894], %swap3A_897 {strides = array<i32>} : memref<64x128xf32, #tpu.memory_space<vmem>>, vector<1x16xf32>,
        %get3A_898 = arith.index_cast %add3A_837 : i32 to index
        %get3A_899 = arith.constant 96 : index
        %get3A_900 = tpu.vector_load %arg5[%get3A_898, %get3A_899] {strides = array<i32>} : memref<64x128xf32, #tpu.memory_space<vmem>>, vector<1x16xf32>,
        %get3A_901 = vector.shape_cast %get3A_900 : vector<1x16xf32> to vector<16xf32>
        %add3A_902 = arith.addf %add3A_818, %get3A_901 : vector<16xf32>
        %swap3A_903 = arith.index_cast %add3A_837 : i32 to index
        %swap3A_904 = arith.constant 96 : index
        %swap3A_905 = tpu.vector_load %arg9[%swap3A_903, %swap3A_904] {strides = array<i32>} : memref<64x128xf32, #tpu.memory_space<vmem>>, vector<1x16xf32>,
        %swap3A_906 = vector.shape_cast %swap3A_905 : vector<1x16xf32> to vector<16xf32>
        %swap3A_907 = vector.shape_cast %add3A_902 : vector<16xf32> to vector<1x16xf32>
        tpu.vector_store %arg9[%swap3A_903, %swap3A_904], %swap3A_907 {strides = array<i32>} : memref<64x128xf32, #tpu.memory_space<vmem>>, vector<1x16xf32>,
        %get3A_908 = arith.index_cast %add3A_837 : i32 to index
        %get3A_909 = arith.constant 112 : index
        %get3A_910 = tpu.vector_load %arg5[%get3A_908, %get3A_909] {strides = array<i32>} : memref<64x128xf32, #tpu.memory_space<vmem>>, vector<1x16xf32>,
        %get3A_911 = vector.shape_cast %get3A_910 : vector<1x16xf32> to vector<16xf32>
        %add3A_912 = arith.addf %add3A_828, %get3A_911 : vector<16xf32>
        %swap3A_913 = arith.index_cast %add3A_837 : i32 to index
        %swap3A_914 = arith.constant 112 : index
        %swap3A_915 = tpu.vector_load %arg9[%swap3A_913, %swap3A_914] {strides = array<i32>} : memref<64x128xf32, #tpu.memory_space<vmem>>, vector<1x16xf32>,
        %swap3A_916 = vector.shape_cast %swap3A_915 : vector<1x16xf32> to vector<16xf32>
        %swap3A_917 = vector.shape_cast %add3A_912 : vector<16xf32> to vector<1x16xf32>
        tpu.vector_store %arg9[%swap3A_913, %swap3A_914], %swap3A_917 {strides = array<i32>} : memref<64x128xf32, #tpu.memory_space<vmem>>, vector<1x16xf32>,
        %mul3A_918 = arith.constant 8 : i32
        %mul3A_919 = arith.muli %scan3A_491, %mul3A_918 : i32
        %add3A_920 = arith.constant 5 : i32
        %add3A_921 = arith.addi %mul3A_919, %add3A_920 : i32
        %get3A_922 = arith.index_cast %add3A_921 : i32 to index
        %get3A_923 = arith.constant 0 : index
        %get3A_924 = tpu.vector_load %arg5[%get3A_922, %get3A_923] {strides = array<i32>} : memref<64x128xf32, #tpu.memory_space<vmem>>, vector<1x16xf32>,
        %get3A_925 = vector.shape_cast %get3A_924 : vector<1x16xf32> to vector<16xf32>
        %add3A_926 = arith.addf %add3A_842, %get3A_925 : vector<16xf32>
        %swap3A_927 = arith.index_cast %add3A_921 : i32 to index
        %swap3A_928 = arith.constant 0 : index
        %swap3A_929 = tpu.vector_load %arg9[%swap3A_927, %swap3A_928] {strides = array<i32>} : memref<64x128xf32, #tpu.memory_space<vmem>>, vector<1x16xf32>,
        %swap3A_930 = vector.shape_cast %swap3A_929 : vector<1x16xf32> to vector<16xf32>
        %swap3A_931 = vector.shape_cast %add3A_926 : vector<16xf32> to vector<1x16xf32>
        tpu.vector_store %arg9[%swap3A_927, %swap3A_928], %swap3A_931 {strides = array<i32>} : memref<64x128xf32, #tpu.memory_space<vmem>>, vector<1x16xf32>,
        %get3A_932 = arith.index_cast %add3A_921 : i32 to index
        %get3A_933 = arith.constant 16 : index
        %get3A_934 = tpu.vector_load %arg5[%get3A_932, %get3A_933] {strides = array<i32>} : memref<64x128xf32, #tpu.memory_space<vmem>>, vector<1x16xf32>,
        %get3A_935 = vector.shape_cast %get3A_934 : vector<1x16xf32> to vector<16xf32>
        %add3A_936 = arith.addf %add3A_852, %get3A_935 : vector<16xf32>
        %swap3A_937 = arith.index_cast %add3A_921 : i32 to index
        %swap3A_938 = arith.constant 16 : index
        %swap3A_939 = tpu.vector_load %arg9[%swap3A_937, %swap3A_938] {strides = array<i32>} : memref<64x128xf32, #tpu.memory_space<vmem>>, vector<1x16xf32>,
        %swap3A_940 = vector.shape_cast %swap3A_939 : vector<1x16xf32> to vector<16xf32>
        %swap3A_941 = vector.shape_cast %add3A_936 : vector<16xf32> to vector<1x16xf32>
        tpu.vector_store %arg9[%swap3A_937, %swap3A_938], %swap3A_941 {strides = array<i32>} : memref<64x128xf32, #tpu.memory_space<vmem>>, vector<1x16xf32>,
        %get3A_942 = arith.index_cast %add3A_921 : i32 to index
        %get3A_943 = arith.constant 32 : index
        %get3A_944 = tpu.vector_load %arg5[%get3A_942, %get3A_943] {strides = array<i32>} : memref<64x128xf32, #tpu.memory_space<vmem>>, vector<1x16xf32>,
        %get3A_945 = vector.shape_cast %get3A_944 : vector<1x16xf32> to vector<16xf32>
        %add3A_946 = arith.addf %add3A_862, %get3A_945 : vector<16xf32>
        %swap3A_947 = arith.index_cast %add3A_921 : i32 to index
        %swap3A_948 = arith.constant 32 : index
        %swap3A_949 = tpu.vector_load %arg9[%swap3A_947, %swap3A_948] {strides = array<i32>} : memref<64x128xf32, #tpu.memory_space<vmem>>, vector<1x16xf32>,
        %swap3A_950 = vector.shape_cast %swap3A_949 : vector<1x16xf32> to vector<16xf32>
        %swap3A_951 = vector.shape_cast %add3A_946 : vector<16xf32> to vector<1x16xf32>
        tpu.vector_store %arg9[%swap3A_947, %swap3A_948], %swap3A_951 {strides = array<i32>} : memref<64x128xf32, #tpu.memory_space<vmem>>, vector<1x16xf32>,
        %get3A_952 = arith.index_cast %add3A_921 : i32 to index
        %get3A_953 = arith.constant 48 : index
        %get3A_954 = tpu.vector_load %arg5[%get3A_952, %get3A_953] {strides = array<i32>} : memref<64x128xf32, #tpu.memory_space<vmem>>, vector<1x16xf32>,
        %get3A_955 = vector.shape_cast %get3A_954 : vector<1x16xf32> to vector<16xf32>
        %add3A_956 = arith.addf %add3A_872, %get3A_955 : vector<16xf32>
        %swap3A_957 = arith.index_cast %add3A_921 : i32 to index
        %swap3A_958 = arith.constant 48 : index
        %swap3A_959 = tpu.vector_load %arg9[%swap3A_957, %swap3A_958] {strides = array<i32>} : memref<64x128xf32, #tpu.memory_space<vmem>>, vector<1x16xf32>,
        %swap3A_960 = vector.shape_cast %swap3A_959 : vector<1x16xf32> to vector<16xf32>
        %swap3A_961 = vector.shape_cast %add3A_956 : vector<16xf32> to vector<1x16xf32>
        tpu.vector_store %arg9[%swap3A_957, %swap3A_958], %swap3A_961 {strides = array<i32>} : memref<64x128xf32, #tpu.memory_space<vmem>>, vector<1x16xf32>,
        %get3A_962 = arith.index_cast %add3A_921 : i32 to index
        %get3A_963 = arith.constant 64 : index
        %get3A_964 = tpu.vector_load %arg5[%get3A_962, %get3A_963] {strides = array<i32>} : memref<64x128xf32, #tpu.memory_space<vmem>>, vector<1x16xf32>,
        %get3A_965 = vector.shape_cast %get3A_964 : vector<1x16xf32> to vector<16xf32>
        %add3A_966 = arith.addf %add3A_882, %get3A_965 : vector<16xf32>
        %swap3A_967 = arith.index_cast %add3A_921 : i32 to index
        %swap3A_968 = arith.constant 64 : index
        %swap3A_969 = tpu.vector_load %arg9[%swap3A_967, %swap3A_968] {strides = array<i32>} : memref<64x128xf32, #tpu.memory_space<vmem>>, vector<1x16xf32>,
        %swap3A_970 = vector.shape_cast %swap3A_969 : vector<1x16xf32> to vector<16xf32>
        %swap3A_971 = vector.shape_cast %add3A_966 : vector<16xf32> to vector<1x16xf32>
        tpu.vector_store %arg9[%swap3A_967, %swap3A_968], %swap3A_971 {strides = array<i32>} : memref<64x128xf32, #tpu.memory_space<vmem>>, vector<1x16xf32>,
        %get3A_972 = arith.index_cast %add3A_921 : i32 to index
        %get3A_973 = arith.constant 80 : index
        %get3A_974 = tpu.vector_load %arg5[%get3A_972, %get3A_973] {strides = array<i32>} : memref<64x128xf32, #tpu.memory_space<vmem>>, vector<1x16xf32>,
        %get3A_975 = vector.shape_cast %get3A_974 : vector<1x16xf32> to vector<16xf32>
        %add3A_976 = arith.addf %add3A_892, %get3A_975 : vector<16xf32>
        %swap3A_977 = arith.index_cast %add3A_921 : i32 to index
        %swap3A_978 = arith.constant 80 : index
        %swap3A_979 = tpu.vector_load %arg9[%swap3A_977, %swap3A_978] {strides = array<i32>} : memref<64x128xf32, #tpu.memory_space<vmem>>, vector<1x16xf32>,
        %swap3A_980 = vector.shape_cast %swap3A_979 : vector<1x16xf32> to vector<16xf32>
        %swap3A_981 = vector.shape_cast %add3A_976 : vector<16xf32> to vector<1x16xf32>
        tpu.vector_store %arg9[%swap3A_977, %swap3A_978], %swap3A_981 {strides = array<i32>} : memref<64x128xf32, #tpu.memory_space<vmem>>, vector<1x16xf32>,
        %get3A_982 = arith.index_cast %add3A_921 : i32 to index
        %get3A_983 = arith.constant 96 : index
        %get3A_984 = tpu.vector_load %arg5[%get3A_982, %get3A_983] {strides = array<i32>} : memref<64x128xf32, #tpu.memory_space<vmem>>, vector<1x16xf32>,
        %get3A_985 = vector.shape_cast %get3A_984 : vector<1x16xf32> to vector<16xf32>
        %add3A_986 = arith.addf %add3A_902, %get3A_985 : vector<16xf32>
        %swap3A_987 = arith.index_cast %add3A_921 : i32 to index
        %swap3A_988 = arith.constant 96 : index
        %swap3A_989 = tpu.vector_load %arg9[%swap3A_987, %swap3A_988] {strides = array<i32>} : memref<64x128xf32, #tpu.memory_space<vmem>>, vector<1x16xf32>,
        %swap3A_990 = vector.shape_cast %swap3A_989 : vector<1x16xf32> to vector<16xf32>
        %swap3A_991 = vector.shape_cast %add3A_986 : vector<16xf32> to vector<1x16xf32>
        tpu.vector_store %arg9[%swap3A_987, %swap3A_988], %swap3A_991 {strides = array<i32>} : memref<64x128xf32, #tpu.memory_space<vmem>>, vector<1x16xf32>,
        %get3A_992 = arith.index_cast %add3A_921 : i32 to index
        %get3A_993 = arith.constant 112 : index
        %get3A_994 = tpu.vector_load %arg5[%get3A_992, %get3A_993] {strides = array<i32>} : memref<64x128xf32, #tpu.memory_space<vmem>>, vector<1x16xf32>,
        %get3A_995 = vector.shape_cast %get3A_994 : vector<1x16xf32> to vector<16xf32>
        %add3A_996 = arith.addf %add3A_912, %get3A_995 : vector<16xf32>
        %swap3A_997 = arith.index_cast %add3A_921 : i32 to index
        %swap3A_998 = arith.constant 112 : index
        %swap3A_999 = tpu.vector_load %arg9[%swap3A_997, %swap3A_998] {strides = array<i32>} : memref<64x128xf32, #tpu.memory_space<vmem>>, vector<1x16xf32>,
        %swap3A_1000 = vector.shape_cast %swap3A_999 : vector<1x16xf32> to vector<16xf32>
        %swap3A_1001 = vector.shape_cast %add3A_996 : vector<16xf32> to vector<1x16xf32>
        tpu.vector_store %arg9[%swap3A_997, %swap3A_998], %swap3A_1001 {strides = array<i32>} : memref<64x128xf32, #tpu.memory_space<vmem>>, vector<1x16xf32>,
        %mul3A_1002 = arith.constant 8 : i32
        %mul3A_1003 = arith.muli %scan3A_491, %mul3A_1002 : i32
        %add3A_1004 = arith.constant 6 : i32
        %add3A_1005 = arith.addi %mul3A_1003, %add3A_1004 : i32
        %get3A_1006 = arith.index_cast %add3A_1005 : i32 to index
        %get3A_1007 = arith.constant 0 : index
        %get3A_1008 = tpu.vector_load %arg5[%get3A_1006, %get3A_1007] {strides = array<i32>} : memref<64x128xf32, #tpu.memory_space<vmem>>, vector<1x16xf32>,
        %get3A_1009 = vector.shape_cast %get3A_1008 : vector<1x16xf32> to vector<16xf32>
        %add3A_1010 = arith.addf %add3A_926, %get3A_1009 : vector<16xf32>
        %swap3A_1011 = arith.index_cast %add3A_1005 : i32 to index
        %swap3A_1012 = arith.constant 0 : index
        %swap3A_1013 = tpu.vector_load %arg9[%swap3A_1011, %swap3A_1012] {strides = array<i32>} : memref<64x128xf32, #tpu.memory_space<vmem>>, vector<1x16xf32>,
        %swap3A_1014 = vector.shape_cast %swap3A_1013 : vector<1x16xf32> to vector<16xf32>
        %swap3A_1015 = vector.shape_cast %add3A_1010 : vector<16xf32> to vector<1x16xf32>
        tpu.vector_store %arg9[%swap3A_1011, %swap3A_1012], %swap3A_1015 {strides = array<i32>} : memref<64x128xf32, #tpu.memory_space<vmem>>, vector<1x16xf32>,
        %get3A_1016 = arith.index_cast %add3A_1005 : i32 to index
        %get3A_1017 = arith.constant 16 : index
        %get3A_1018 = tpu.vector_load %arg5[%get3A_1016, %get3A_1017] {strides = array<i32>} : memref<64x128xf32, #tpu.memory_space<vmem>>, vector<1x16xf32>,
        %get3A_1019 = vector.shape_cast %get3A_1018 : vector<1x16xf32> to vector<16xf32>
        %add3A_1020 = arith.addf %add3A_936, %get3A_1019 : vector<16xf32>
        %swap3A_1021 = arith.index_cast %add3A_1005 : i32 to index
        %swap3A_1022 = arith.constant 16 : index
        %swap3A_1023 = tpu.vector_load %arg9[%swap3A_1021, %swap3A_1022] {strides = array<i32>} : memref<64x128xf32, #tpu.memory_space<vmem>>, vector<1x16xf32>,
        %swap3A_1024 = vector.shape_cast %swap3A_1023 : vector<1x16xf32> to vector<16xf32>
        %swap3A_1025 = vector.shape_cast %add3A_1020 : vector<16xf32> to vector<1x16xf32>
        tpu.vector_store %arg9[%swap3A_1021, %swap3A_1022], %swap3A_1025 {strides = array<i32>} : memref<64x128xf32, #tpu.memory_space<vmem>>, vector<1x16xf32>,
        %get3A_1026 = arith.index_cast %add3A_1005 : i32 to index
        %get3A_1027 = arith.constant 32 : index
        %get3A_1028 = tpu.vector_load %arg5[%get3A_1026, %get3A_1027] {strides = array<i32>} : memref<64x128xf32, #tpu.memory_space<vmem>>, vector<1x16xf32>,
        %get3A_1029 = vector.shape_cast %get3A_1028 : vector<1x16xf32> to vector<16xf32>
        %add3A_1030 = arith.addf %add3A_946, %get3A_1029 : vector<16xf32>
        %swap3A_1031 = arith.index_cast %add3A_1005 : i32 to index
        %swap3A_1032 = arith.constant 32 : index
        %swap3A_1033 = tpu.vector_load %arg9[%swap3A_1031, %swap3A_1032] {strides = array<i32>} : memref<64x128xf32, #tpu.memory_space<vmem>>, vector<1x16xf32>,
        %swap3A_1034 = vector.shape_cast %swap3A_1033 : vector<1x16xf32> to vector<16xf32>
        %swap3A_1035 = vector.shape_cast %add3A_1030 : vector<16xf32> to vector<1x16xf32>
        tpu.vector_store %arg9[%swap3A_1031, %swap3A_1032], %swap3A_1035 {strides = array<i32>} : memref<64x128xf32, #tpu.memory_space<vmem>>, vector<1x16xf32>,
        %get3A_1036 = arith.index_cast %add3A_1005 : i32 to index
        %get3A_1037 = arith.constant 48 : index
        %get3A_1038 = tpu.vector_load %arg5[%get3A_1036, %get3A_1037] {strides = array<i32>} : memref<64x128xf32, #tpu.memory_space<vmem>>, vector<1x16xf32>,
        %get3A_1039 = vector.shape_cast %get3A_1038 : vector<1x16xf32> to vector<16xf32>
        %add3A_1040 = arith.addf %add3A_956, %get3A_1039 : vector<16xf32>
        %swap3A_1041 = arith.index_cast %add3A_1005 : i32 to index
        %swap3A_1042 = arith.constant 48 : index
        %swap3A_1043 = tpu.vector_load %arg9[%swap3A_1041, %swap3A_1042] {strides = array<i32>} : memref<64x128xf32, #tpu.memory_space<vmem>>, vector<1x16xf32>,
        %swap3A_1044 = vector.shape_cast %swap3A_1043 : vector<1x16xf32> to vector<16xf32>
        %swap3A_1045 = vector.shape_cast %add3A_1040 : vector<16xf32> to vector<1x16xf32>
        tpu.vector_store %arg9[%swap3A_1041, %swap3A_1042], %swap3A_1045 {strides = array<i32>} : memref<64x128xf32, #tpu.memory_space<vmem>>, vector<1x16xf32>,
        %get3A_1046 = arith.index_cast %add3A_1005 : i32 to index
        %get3A_1047 = arith.constant 64 : index
        %get3A_1048 = tpu.vector_load %arg5[%get3A_1046, %get3A_1047] {strides = array<i32>} : memref<64x128xf32, #tpu.memory_space<vmem>>, vector<1x16xf32>,
        %get3A_1049 = vector.shape_cast %get3A_1048 : vector<1x16xf32> to vector<16xf32>
        %add3A_1050 = arith.addf %add3A_966, %get3A_1049 : vector<16xf32>
        %swap3A_1051 = arith.index_cast %add3A_1005 : i32 to index
        %swap3A_1052 = arith.constant 64 : index
        %swap3A_1053 = tpu.vector_load %arg9[%swap3A_1051, %swap3A_1052] {strides = array<i32>} : memref<64x128xf32, #tpu.memory_space<vmem>>, vector<1x16xf32>,
        %swap3A_1054 = vector.shape_cast %swap3A_1053 : vector<1x16xf32> to vector<16xf32>
        %swap3A_1055 = vector.shape_cast %add3A_1050 : vector<16xf32> to vector<1x16xf32>
        tpu.vector_store %arg9[%swap3A_1051, %swap3A_1052], %swap3A_1055 {strides = array<i32>} : memref<64x128xf32, #tpu.memory_space<vmem>>, vector<1x16xf32>,
        %get3A_1056 = arith.index_cast %add3A_1005 : i32 to index
        %get3A_1057 = arith.constant 80 : index
        %get3A_1058 = tpu.vector_load %arg5[%get3A_1056, %get3A_1057] {strides = array<i32>} : memref<64x128xf32, #tpu.memory_space<vmem>>, vector<1x16xf32>,
        %get3A_1059 = vector.shape_cast %get3A_1058 : vector<1x16xf32> to vector<16xf32>
        %add3A_1060 = arith.addf %add3A_976, %get3A_1059 : vector<16xf32>
        %swap3A_1061 = arith.index_cast %add3A_1005 : i32 to index
        %swap3A_1062 = arith.constant 80 : index
        %swap3A_1063 = tpu.vector_load %arg9[%swap3A_1061, %swap3A_1062] {strides = array<i32>} : memref<64x128xf32, #tpu.memory_space<vmem>>, vector<1x16xf32>,
        %swap3A_1064 = vector.shape_cast %swap3A_1063 : vector<1x16xf32> to vector<16xf32>
        %swap3A_1065 = vector.shape_cast %add3A_1060 : vector<16xf32> to vector<1x16xf32>
        tpu.vector_store %arg9[%swap3A_1061, %swap3A_1062], %swap3A_1065 {strides = array<i32>} : memref<64x128xf32, #tpu.memory_space<vmem>>, vector<1x16xf32>,
        %get3A_1066 = arith.index_cast %add3A_1005 : i32 to index
        %get3A_1067 = arith.constant 96 : index
        %get3A_1068 = tpu.vector_load %arg5[%get3A_1066, %get3A_1067] {strides = array<i32>} : memref<64x128xf32, #tpu.memory_space<vmem>>, vector<1x16xf32>,
        %get3A_1069 = vector.shape_cast %get3A_1068 : vector<1x16xf32> to vector<16xf32>
        %add3A_1070 = arith.addf %add3A_986, %get3A_1069 : vector<16xf32>
        %swap3A_1071 = arith.index_cast %add3A_1005 : i32 to index
        %swap3A_1072 = arith.constant 96 : index
        %swap3A_1073 = tpu.vector_load %arg9[%swap3A_1071, %swap3A_1072] {strides = array<i32>} : memref<64x128xf32, #tpu.memory_space<vmem>>, vector<1x16xf32>,
        %swap3A_1074 = vector.shape_cast %swap3A_1073 : vector<1x16xf32> to vector<16xf32>
        %swap3A_1075 = vector.shape_cast %add3A_1070 : vector<16xf32> to vector<1x16xf32>
        tpu.vector_store %arg9[%swap3A_1071, %swap3A_1072], %swap3A_1075 {strides = array<i32>} : memref<64x128xf32, #tpu.memory_space<vmem>>, vector<1x16xf32>,
        %get3A_1076 = arith.index_cast %add3A_1005 : i32 to index
        %get3A_1077 = arith.constant 112 : index
        %get3A_1078 = tpu.vector_load %arg5[%get3A_1076, %get3A_1077] {strides = array<i32>} : memref<64x128xf32, #tpu.memory_space<vmem>>, vector<1x16xf32>,
        %get3A_1079 = vector.shape_cast %get3A_1078 : vector<1x16xf32> to vector<16xf32>
        %add3A_1080 = arith.addf %add3A_996, %get3A_1079 : vector<16xf32>
        %swap3A_1081 = arith.index_cast %add3A_1005 : i32 to index
        %swap3A_1082 = arith.constant 112 : index
        %swap3A_1083 = tpu.vector_load %arg9[%swap3A_1081, %swap3A_1082] {strides = array<i32>} : memref<64x128xf32, #tpu.memory_space<vmem>>, vector<1x16xf32>,
        %swap3A_1084 = vector.shape_cast %swap3A_1083 : vector<1x16xf32> to vector<16xf32>
        %swap3A_1085 = vector.shape_cast %add3A_1080 : vector<16xf32> to vector<1x16xf32>
        tpu.vector_store %arg9[%swap3A_1081, %swap3A_1082], %swap3A_1085 {strides = array<i32>} : memref<64x128xf32, #tpu.memory_space<vmem>>, vector<1x16xf32>,
        %mul3A_1086 = arith.constant 8 : i32
        %mul3A_1087 = arith.muli %scan3A_491, %mul3A_1086 : i32
        %add3A_1088 = arith.constant 7 : i32
        %add3A_1089 = arith.addi %mul3A_1087, %add3A_1088 : i32
        %get3A_1090 = arith.index_cast %add3A_1089 : i32 to index
        %get3A_1091 = arith.constant 0 : index
        %get3A_1092 = tpu.vector_load %arg5[%get3A_1090, %get3A_1091] {strides = array<i32>} : memref<64x128xf32, #tpu.memory_space<vmem>>, vector<1x16xf32>,
        %get3A_1093 = vector.shape_cast %get3A_1092 : vector<1x16xf32> to vector<16xf32>
        %add3A_1094 = arith.addf %add3A_1010, %get3A_1093 : vector<16xf32>
        %swap3A_1095 = arith.index_cast %add3A_1089 : i32 to index
        %swap3A_1096 = arith.constant 0 : index
        %swap3A_1097 = tpu.vector_load %arg9[%swap3A_1095, %swap3A_1096] {strides = array<i32>} : memref<64x128xf32, #tpu.memory_space<vmem>>, vector<1x16xf32>,
        %swap3A_1098 = vector.shape_cast %swap3A_1097 : vector<1x16xf32> to vector<16xf32>
        %swap3A_1099 = vector.shape_cast %add3A_1094 : vector<16xf32> to vector<1x16xf32>
        tpu.vector_store %arg9[%swap3A_1095, %swap3A_1096], %swap3A_1099 {strides = array<i32>} : memref<64x128xf32, #tpu.memory_space<vmem>>, vector<1x16xf32>,
        %get3A_1100 = arith.index_cast %add3A_1089 : i32 to index
        %get3A_1101 = arith.constant 16 : index
        %get3A_1102 = tpu.vector_load %arg5[%get3A_1100, %get3A_1101] {strides = array<i32>} : memref<64x128xf32, #tpu.memory_space<vmem>>, vector<1x16xf32>,
        %get3A_1103 = vector.shape_cast %get3A_1102 : vector<1x16xf32> to vector<16xf32>
        %add3A_1104 = arith.addf %add3A_1020, %get3A_1103 : vector<16xf32>
        %swap3A_1105 = arith.index_cast %add3A_1089 : i32 to index
        %swap3A_1106 = arith.constant 16 : index
        %swap3A_1107 = tpu.vector_load %arg9[%swap3A_1105, %swap3A_1106] {strides = array<i32>} : memref<64x128xf32, #tpu.memory_space<vmem>>, vector<1x16xf32>,
        %swap3A_1108 = vector.shape_cast %swap3A_1107 : vector<1x16xf32> to vector<16xf32>
        %swap3A_1109 = vector.shape_cast %add3A_1104 : vector<16xf32> to vector<1x16xf32>
        tpu.vector_store %arg9[%swap3A_1105, %swap3A_1106], %swap3A_1109 {strides = array<i32>} : memref<64x128xf32, #tpu.memory_space<vmem>>, vector<1x16xf32>,
        %get3A_1110 = arith.index_cast %add3A_1089 : i32 to index
        %get3A_1111 = arith.constant 32 : index
        %get3A_1112 = tpu.vector_load %arg5[%get3A_1110, %get3A_1111] {strides = array<i32>} : memref<64x128xf32, #tpu.memory_space<vmem>>, vector<1x16xf32>,
        %get3A_1113 = vector.shape_cast %get3A_1112 : vector<1x16xf32> to vector<16xf32>
        %add3A_1114 = arith.addf %add3A_1030, %get3A_1113 : vector<16xf32>
        %swap3A_1115 = arith.index_cast %add3A_1089 : i32 to index
        %swap3A_1116 = arith.constant 32 : index
        %swap3A_1117 = tpu.vector_load %arg9[%swap3A_1115, %swap3A_1116] {strides = array<i32>} : memref<64x128xf32, #tpu.memory_space<vmem>>, vector<1x16xf32>,
        %swap3A_1118 = vector.shape_cast %swap3A_1117 : vector<1x16xf32> to vector<16xf32>
        %swap3A_1119 = vector.shape_cast %add3A_1114 : vector<16xf32> to vector<1x16xf32>
        tpu.vector_store %arg9[%swap3A_1115, %swap3A_1116], %swap3A_1119 {strides = array<i32>} : memref<64x128xf32, #tpu.memory_space<vmem>>, vector<1x16xf32>,
        %get3A_1120 = arith.index_cast %add3A_1089 : i32 to index
        %get3A_1121 = arith.constant 48 : index
        %get3A_1122 = tpu.vector_load %arg5[%get3A_1120, %get3A_1121] {strides = array<i32>} : memref<64x128xf32, #tpu.memory_space<vmem>>, vector<1x16xf32>,
        %get3A_1123 = vector.shape_cast %get3A_1122 : vector<1x16xf32> to vector<16xf32>
        %add3A_1124 = arith.addf %add3A_1040, %get3A_1123 : vector<16xf32>
        %swap3A_1125 = arith.index_cast %add3A_1089 : i32 to index
        %swap3A_1126 = arith.constant 48 : index
        %swap3A_1127 = tpu.vector_load %arg9[%swap3A_1125, %swap3A_1126] {strides = array<i32>} : memref<64x128xf32, #tpu.memory_space<vmem>>, vector<1x16xf32>,
        %swap3A_1128 = vector.shape_cast %swap3A_1127 : vector<1x16xf32> to vector<16xf32>
        %swap3A_1129 = vector.shape_cast %add3A_1124 : vector<16xf32> to vector<1x16xf32>
        tpu.vector_store %arg9[%swap3A_1125, %swap3A_1126], %swap3A_1129 {strides = array<i32>} : memref<64x128xf32, #tpu.memory_space<vmem>>, vector<1x16xf32>,
        %get3A_1130 = arith.index_cast %add3A_1089 : i32 to index
        %get3A_1131 = arith.constant 64 : index
        %get3A_1132 = tpu.vector_load %arg5[%get3A_1130, %get3A_1131] {strides = array<i32>} : memref<64x128xf32, #tpu.memory_space<vmem>>, vector<1x16xf32>,
        %get3A_1133 = vector.shape_cast %get3A_1132 : vector<1x16xf32> to vector<16xf32>
        %add3A_1134 = arith.addf %add3A_1050, %get3A_1133 : vector<16xf32>
        %swap3A_1135 = arith.index_cast %add3A_1089 : i32 to index
        %swap3A_1136 = arith.constant 64 : index
        %swap3A_1137 = tpu.vector_load %arg9[%swap3A_1135, %swap3A_1136] {strides = array<i32>} : memref<64x128xf32, #tpu.memory_space<vmem>>, vector<1x16xf32>,
        %swap3A_1138 = vector.shape_cast %swap3A_1137 : vector<1x16xf32> to vector<16xf32>
        %swap3A_1139 = vector.shape_cast %add3A_1134 : vector<16xf32> to vector<1x16xf32>
        tpu.vector_store %arg9[%swap3A_1135, %swap3A_1136], %swap3A_1139 {strides = array<i32>} : memref<64x128xf32, #tpu.memory_space<vmem>>, vector<1x16xf32>,
        %get3A_1140 = arith.index_cast %add3A_1089 : i32 to index
        %get3A_1141 = arith.constant 80 : index
        %get3A_1142 = tpu.vector_load %arg5[%get3A_1140, %get3A_1141] {strides = array<i32>} : memref<64x128xf32, #tpu.memory_space<vmem>>, vector<1x16xf32>,
        %get3A_1143 = vector.shape_cast %get3A_1142 : vector<1x16xf32> to vector<16xf32>
        %add3A_1144 = arith.addf %add3A_1060, %get3A_1143 : vector<16xf32>
        %swap3A_1145 = arith.index_cast %add3A_1089 : i32 to index
        %swap3A_1146 = arith.constant 80 : index
        %swap3A_1147 = tpu.vector_load %arg9[%swap3A_1145, %swap3A_1146] {strides = array<i32>} : memref<64x128xf32, #tpu.memory_space<vmem>>, vector<1x16xf32>,
        %swap3A_1148 = vector.shape_cast %swap3A_1147 : vector<1x16xf32> to vector<16xf32>
        %swap3A_1149 = vector.shape_cast %add3A_1144 : vector<16xf32> to vector<1x16xf32>
        tpu.vector_store %arg9[%swap3A_1145, %swap3A_1146], %swap3A_1149 {strides = array<i32>} : memref<64x128xf32, #tpu.memory_space<vmem>>, vector<1x16xf32>,
        %get3A_1150 = arith.index_cast %add3A_1089 : i32 to index
        %get3A_1151 = arith.constant 96 : index
        %get3A_1152 = tpu.vector_load %arg5[%get3A_1150, %get3A_1151] {strides = array<i32>} : memref<64x128xf32, #tpu.memory_space<vmem>>, vector<1x16xf32>,
        %get3A_1153 = vector.shape_cast %get3A_1152 : vector<1x16xf32> to vector<16xf32>
        %add3A_1154 = arith.addf %add3A_1070, %get3A_1153 : vector<16xf32>
        %swap3A_1155 = arith.index_cast %add3A_1089 : i32 to index
        %swap3A_1156 = arith.constant 96 : index
        %swap3A_1157 = tpu.vector_load %arg9[%swap3A_1155, %swap3A_1156] {strides = array<i32>} : memref<64x128xf32, #tpu.memory_space<vmem>>, vector<1x16xf32>,
        %swap3A_1158 = vector.shape_cast %swap3A_1157 : vector<1x16xf32> to vector<16xf32>
        %swap3A_1159 = vector.shape_cast %add3A_1154 : vector<16xf32> to vector<1x16xf32>
        tpu.vector_store %arg9[%swap3A_1155, %swap3A_1156], %swap3A_1159 {strides = array<i32>} : memref<64x128xf32, #tpu.memory_space<vmem>>, vector<1x16xf32>,
        %get3A_1160 = arith.index_cast %add3A_1089 : i32 to index
        %get3A_1161 = arith.constant 112 : index
        %get3A_1162 = tpu.vector_load %arg5[%get3A_1160, %get3A_1161] {strides = array<i32>} : memref<64x128xf32, #tpu.memory_space<vmem>>, vector<1x16xf32>,
        %get3A_1163 = vector.shape_cast %get3A_1162 : vector<1x16xf32> to vector<16xf32>
        %add3A_1164 = arith.addf %add3A_1080, %get3A_1163 : vector<16xf32>
        %swap3A_1165 = arith.index_cast %add3A_1089 : i32 to index
        %swap3A_1166 = arith.constant 112 : index
        %swap3A_1167 = tpu.vector_load %arg9[%swap3A_1165, %swap3A_1166] {strides = array<i32>} : memref<64x128xf32, #tpu.memory_space<vmem>>, vector<1x16xf32>,
        %swap3A_1168 = vector.shape_cast %swap3A_1167 : vector<1x16xf32> to vector<16xf32>
        %swap3A_1169 = vector.shape_cast %add3A_1164 : vector<16xf32> to vector<1x16xf32>
        tpu.vector_store %arg9[%swap3A_1165, %swap3A_1166], %swap3A_1169 {strides = array<i32>} : memref<64x128xf32, #tpu.memory_space<vmem>>, vector<1x16xf32>,
        scf.yield %add3A_1094, %add3A_1104, %add3A_1114, %add3A_1124, %add3A_1134, %add3A_1144, %add3A_1154, %add3A_1164 : vector<16xf32>, vector<16xf32>, vector<16xf32>, vector<16xf32>, vector<16xf32>, vector<16xf32>, vector<16xf32>, vector<16xf32>
      }
      %scan3A_262 = arith.constant 8 : i32
      %jit3A_263 = arith.constant 32 : i32
      %div3A_264 = arith.divsi %add3A_215, %jit3A_263 : i32
      %sign3A_265 = arith.constant 0 : i32
      %sign3A_266 = arith.cmpi sgt, %add3A_215, %sign3A_265 : i32
      %sign3A_267 = arith.extui %sign3A_266 : i1 to i32
      %sign3A_268 = arith.constant 0 : i32
      %sign3A_269 = arith.cmpi slt, %add3A_215, %sign3A_268 : i32
      %sign3A_270 = arith.extui %sign3A_269 : i1 to i32
      %sign3A_271 = arith.subi %sign3A_267, %sign3A_270 : i32
      %sign3A_272 = arith.constant 0 : i32
      %sign3A_273 = arith.cmpi sgt, %jit3A_263, %sign3A_272 : i32
      %sign3A_274 = arith.extui %sign3A_273 : i1 to i32
      %sign3A_275 = arith.constant 0 : i32
      %sign3A_276 = arith.cmpi slt, %jit3A_263, %sign3A_275 : i32
      %sign3A_277 = arith.extui %sign3A_276 : i1 to i32
      %sign3A_278 = arith.subi %sign3A_274, %sign3A_277 : i32
      %ne3A_279 = arith.cmpi ne, %sign3A_271, %sign3A_278 : i32
      %rem3A_280 = arith.remsi %add3A_215, %jit3A_263 : i32
      %ne3A_281 = arith.constant 0 : i32
      %ne3A_282 = arith.cmpi ne, %rem3A_280, %ne3A_281 : i32
      %and3A_283 = arith.andi %ne3A_279, %ne3A_282 : i1
      %sub3A_284 = arith.constant 1 : i32
      %sub3A_285 = arith.subi %div3A_264, %sub3A_284 : i32
      %select_n3A_286 = arith.select %and3A_283, %sub3A_285, %div3A_264 : i32
      %rem3A_287 = arith.constant 32 : i32
      %rem3A_288 = arith.remsi %add3A_215, %rem3A_287 : i32
      %mul3A_289 = arith.constant 64 : i32
      %mul3A_290 = arith.muli %rem3A_288, %mul3A_289 : i32
      %mul3A_291 = arith.constant 128 : i32
      %mul3A_292 = arith.muli %select_n3A_286, %mul3A_291 : i32
      %add3A_293 = arith.addi %mul3A_32, %mul3A_292 : i32
      %dma_start3A_294 = tpu.memref_slice %arg3[%select_n3A, %mul3A_290, %add3A_293] : memref<4x2048x4096xf32, #tpu.memory_space<hbm>> -> memref<1x64x128xf32, #tpu.memory_space<hbm>>
      %dma_start3A_295 = tpu.memref_squeeze %dma_start3A_294 : memref<1x64x128xf32, #tpu.memory_space<hbm>> -> memref<64x128xf32, #tpu.memory_space<hbm>>
      %dma_start3A_296 = tpu.memref_slice %arg3[%select_n3A, %mul3A_290, %add3A_293] : memref<4x2048x4096xf32, #tpu.memory_space<hbm>> -> memref<1x64x128xf32, #tpu.memory_space<hbm>>
      %dma_start3A_297 = tpu.memref_squeeze %dma_start3A_296 : memref<1x64x128xf32, #tpu.memory_space<hbm>> -> memref<64x128xf32, #tpu.memory_space<hbm>>
      tpu.enqueue_dma source(%arg9 : memref<64x128xf32, #tpu.memory_space<vmem>>) target(%dma_start3A_297 : memref<64x128xf32, #tpu.memory_space<hbm>>) target_semaphore(%arg17 : memref<!tpu.dma_semaphore, #tpu.memory_space<semaphore_mem>>)
      %add3A_298 = arith.constant 4 : i32
      %add3A_299 = arith.addi %add3A_215, %add3A_298 : i32
      %lt3A_300 = arith.constant 128 : i32
      %lt3A_301 = arith.cmpi slt, %add3A_299, %lt3A_300 : i32
      %convert_element_type3A_302 = arith.extui %lt3A_301 : i1 to i32
      %cond3A_303 = arith.constant 0 : i32
      %cond3A_304 = arith.cmpi ne, %convert_element_type3A_302, %cond3A_303 : i32
      scf.if %cond3A_304 {
        %add3A_491 = arith.constant 4 : i32
        %add3A_492 = arith.addi %add3A_215, %add3A_491 : i32
        %jit3A_493 = arith.constant 32 : i32
        %div3A_494 = arith.divsi %add3A_492, %jit3A_493 : i32
        %sign3A_495 = arith.constant 0 : i32
        %sign3A_496 = arith.cmpi sgt, %add3A_492, %sign3A_495 : i32
        %sign3A_497 = arith.extui %sign3A_496 : i1 to i32
        %sign3A_498 = arith.constant 0 : i32
        %sign3A_499 = arith.cmpi slt, %add3A_492, %sign3A_498 : i32
        %sign3A_500 = arith.extui %sign3A_499 : i1 to i32
        %sign3A_501 = arith.subi %sign3A_497, %sign3A_500 : i32
        %sign3A_502 = arith.constant 0 : i32
        %sign3A_503 = arith.cmpi sgt, %jit3A_493, %sign3A_502 : i32
        %sign3A_504 = arith.extui %sign3A_503 : i1 to i32
        %sign3A_505 = arith.constant 0 : i32
        %sign3A_506 = arith.cmpi slt, %jit3A_493, %sign3A_505 : i32
        %sign3A_507 = arith.extui %sign3A_506 : i1 to i32
        %sign3A_508 = arith.subi %sign3A_504, %sign3A_507 : i32
        %ne3A_509 = arith.cmpi ne, %sign3A_501, %sign3A_508 : i32
        %rem3A_510 = arith.remsi %add3A_492, %jit3A_493 : i32
        %ne3A_511 = arith.constant 0 : i32
        %ne3A_512 = arith.cmpi ne, %rem3A_510, %ne3A_511 : i32
        %and3A_513 = arith.andi %ne3A_509, %ne3A_512 : i1
        %sub3A_514 = arith.constant 1 : i32
        %sub3A_515 = arith.subi %div3A_494, %sub3A_514 : i32
        %select_n3A_516 = arith.select %and3A_513, %sub3A_515, %div3A_494 : i32
        %rem3A_517 = arith.constant 32 : i32
        %rem3A_518 = arith.remsi %add3A_492, %rem3A_517 : i32
        %mul3A_519 = arith.constant 64 : i32
        %mul3A_520 = arith.muli %rem3A_518, %mul3A_519 : i32
        %mul3A_521 = arith.constant 128 : i32
        %mul3A_522 = arith.muli %select_n3A_516, %mul3A_521 : i32
        %add3A_523 = arith.addi %mul3A_32, %mul3A_522 : i32
        %dma_start3A_524 = tpu.memref_slice %arg2[%select_n3A, %mul3A_520, %add3A_523] : memref<4x2048x4096xf32, #tpu.memory_space<hbm>> -> memref<1x64x128xf32, #tpu.memory_space<hbm>>
        %dma_start3A_525 = tpu.memref_squeeze %dma_start3A_524 : memref<1x64x128xf32, #tpu.memory_space<hbm>> -> memref<64x128xf32, #tpu.memory_space<hbm>>
        %dma_start3A_526 = tpu.memref_slice %arg2[%select_n3A, %mul3A_520, %add3A_523] : memref<4x2048x4096xf32, #tpu.memory_space<hbm>> -> memref<1x64x128xf32, #tpu.memory_space<hbm>>
        %dma_start3A_527 = tpu.memref_squeeze %dma_start3A_526 : memref<1x64x128xf32, #tpu.memory_space<hbm>> -> memref<64x128xf32, #tpu.memory_space<hbm>>
        tpu.enqueue_dma source(%dma_start3A_527 : memref<64x128xf32, #tpu.memory_space<hbm>>) target(%arg5 : memref<64x128xf32, #tpu.memory_space<vmem>>) target_semaphore(%arg13 : memref<!tpu.dma_semaphore, #tpu.memory_space<semaphore_mem>>)
      } else {
      }
      %mul3A_305 = arith.constant 4 : i32
      %mul3A_306 = arith.muli %scan3A_113, %mul3A_305 : i32
      %add3A_307 = arith.constant 2 : i32
      %add3A_308 = arith.addi %mul3A_306, %add3A_307 : i32
      %rem3A_309 = arith.constant 32 : i32
      %rem3A_310 = arith.remsi %add3A_308, %rem3A_309 : i32
      %dma_wait3A_311 = arith.constant 0 : i32
      %dma_wait3A_312 = arith.constant 0 : i32
      %dma_wait3A_313 = tpu.memref_slice %arg2[%select_n3A, %dma_wait3A_311, %dma_wait3A_312] : memref<4x2048x4096xf32, #tpu.memory_space<hbm>> -> memref<1x64x128xf32, #tpu.memory_space<hbm>>
      %dma_wait3A_314 = tpu.memref_squeeze %dma_wait3A_313 : memref<1x64x128xf32, #tpu.memory_space<hbm>> -> memref<64x128xf32, #tpu.memory_space<hbm>>
      %dma_wait3A_315 = arith.constant 0 : i32
      %dma_wait3A_316 = arith.constant 0 : i32
      %dma_wait3A_317 = tpu.memref_slice %arg2[%select_n3A, %dma_wait3A_315, %dma_wait3A_316] : memref<4x2048x4096xf32, #tpu.memory_space<hbm>> -> memref<1x64x128xf32, #tpu.memory_space<hbm>>
      %dma_wait3A_318 = tpu.memref_squeeze %dma_wait3A_317 : memref<1x64x128xf32, #tpu.memory_space<hbm>> -> memref<64x128xf32, #tpu.memory_space<hbm>>
      tpu.wait_dma2 semaphore(%arg14 : memref<!tpu.dma_semaphore, #tpu.memory_space<semaphore_mem>>) src(%dma_wait3A_318 : memref<64x128xf32, #tpu.memory_space<hbm>>) dst(%arg6 : memref<64x128xf32, #tpu.memory_space<vmem>>)
      %ge3A_319 = arith.constant 4 : i32
      %ge3A_320 = arith.cmpi sge, %add3A_308, %ge3A_319 : i32
      %convert_element_type3A_321 = arith.extui %ge3A_320 : i1 to i32
      %cond3A_322 = arith.constant 0 : i32
      %cond3A_323 = arith.cmpi ne, %convert_element_type3A_321, %cond3A_322 : i32
      scf.if %cond3A_323 {
        %dma_wait3A_491 = arith.constant 0 : i32
        %dma_wait3A_492 = arith.constant 0 : i32
        %dma_wait3A_493 = tpu.memref_slice %arg3[%select_n3A, %dma_wait3A_491, %dma_wait3A_492] : memref<4x2048x4096xf32, #tpu.memory_space<hbm>> -> memref<1x64x128xf32, #tpu.memory_space<hbm>>
        %dma_wait3A_494 = tpu.memref_squeeze %dma_wait3A_493 : memref<1x64x128xf32, #tpu.memory_space<hbm>> -> memref<64x128xf32, #tpu.memory_space<hbm>>
        %dma_wait3A_495 = arith.constant 0 : i32
        %dma_wait3A_496 = arith.constant 0 : i32
        %dma_wait3A_497 = tpu.memref_slice %arg3[%select_n3A, %dma_wait3A_495, %dma_wait3A_496] : memref<4x2048x4096xf32, #tpu.memory_space<hbm>> -> memref<1x64x128xf32, #tpu.memory_space<hbm>>
        %dma_wait3A_498 = tpu.memref_squeeze %dma_wait3A_497 : memref<1x64x128xf32, #tpu.memory_space<hbm>> -> memref<64x128xf32, #tpu.memory_space<hbm>>
        tpu.wait_dma2 semaphore(%arg18 : memref<!tpu.dma_semaphore, #tpu.memory_space<semaphore_mem>>) src(%arg10 : memref<64x128xf32, #tpu.memory_space<vmem>>) dst(%dma_wait3A_498 : memref<64x128xf32, #tpu.memory_space<hbm>>)
      } else {
      }
      %broadcast_in_dim3A_324 = arith.constant 0.000000e+00 : f32
      %broadcast_in_dim3A_325 = vector.broadcast %broadcast_in_dim3A_324 : f32 to vector<16xf32>
      %eq3A_326 = arith.constant 0 : i32
      %eq3A_327 = arith.cmpi eq, %rem3A_310, %eq3A_326 : i32
      %select_n3A_328 = arith.select %eq3A_327, %broadcast_in_dim3A_325, %scan3A_261#0 : vector<16xf32>
      %eq3A_329 = arith.constant 0 : i32
      %eq3A_330 = arith.cmpi eq, %rem3A_310, %eq3A_329 : i32
      %select_n3A_331 = arith.select %eq3A_330, %broadcast_in_dim3A_325, %scan3A_261#1 : vector<16xf32>
      %eq3A_332 = arith.constant 0 : i32
      %eq3A_333 = arith.cmpi eq, %rem3A_310, %eq3A_332 : i32
      %select_n3A_334 = arith.select %eq3A_333, %broadcast_in_dim3A_325, %scan3A_261#2 : vector<16xf32>
      %eq3A_335 = arith.constant 0 : i32
      %eq3A_336 = arith.cmpi eq, %rem3A_310, %eq3A_335 : i32
      %select_n3A_337 = arith.select %eq3A_336, %broadcast_in_dim3A_325, %scan3A_261#3 : vector<16xf32>
      %eq3A_338 = arith.constant 0 : i32
      %eq3A_339 = arith.cmpi eq, %rem3A_310, %eq3A_338 : i32
      %select_n3A_340 = arith.select %eq3A_339, %broadcast_in_dim3A_325, %scan3A_261#4 : vector<16xf32>
      %eq3A_341 = arith.constant 0 : i32
      %eq3A_342 = arith.cmpi eq, %rem3A_310, %eq3A_341 : i32
      %select_n3A_343 = arith.select %eq3A_342, %broadcast_in_dim3A_325, %scan3A_261#5 : vector<16xf32>
      %eq3A_344 = arith.constant 0 : i32
      %eq3A_345 = arith.cmpi eq, %rem3A_310, %eq3A_344 : i32
      %select_n3A_346 = arith.select %eq3A_345, %broadcast_in_dim3A_325, %scan3A_261#6 : vector<16xf32>
      %eq3A_347 = arith.constant 0 : i32
      %eq3A_348 = arith.cmpi eq, %rem3A_310, %eq3A_347 : i32
      %select_n3A_349 = arith.select %eq3A_348, %broadcast_in_dim3A_325, %scan3A_261#7 : vector<16xf32>
      %scan3A_350 = arith.constant 0 : i32
      %scan3A_351 = arith.constant 8 : i32
      %scan3A_352 = arith.addi %scan3A_350, %scan3A_351 : i32
      %scan3A_353 = arith.constant 1 : i32
      %scan3A_354:8 = scf.for %scan3A_491 = %scan3A_350 to %scan3A_352 step %scan3A_353 iter_args(%scan3A_492 = %select_n3A_328, %scan3A_493 = %select_n3A_331, %scan3A_494 = %select_n3A_334, %scan3A_495 = %select_n3A_337, %scan3A_496 = %select_n3A_340, %scan3A_497 = %select_n3A_343, %scan3A_498 = %select_n3A_346, %scan3A_499 = %select_n3A_349) -> (vector<16xf32>, vector<16xf32>, vector<16xf32>, vector<16xf32>, vector<16xf32>, vector<16xf32>, vector<16xf32>, vector<16xf32>)  : i32 {
        %mul3A_500 = arith.constant 8 : i32
        %mul3A_501 = arith.muli %scan3A_491, %mul3A_500 : i32
        %add3A_502 = arith.constant 0 : i32
        %add3A_503 = arith.addi %mul3A_501, %add3A_502 : i32
        %get3A = arith.index_cast %add3A_503 : i32 to index
        %get3A_504 = arith.constant 0 : index
        %get3A_505 = tpu.vector_load %arg6[%get3A, %get3A_504] {strides = array<i32>} : memref<64x128xf32, #tpu.memory_space<vmem>>, vector<1x16xf32>,
        %get3A_506 = vector.shape_cast %get3A_505 : vector<1x16xf32> to vector<16xf32>
        %add3A_507 = arith.addf %scan3A_492, %get3A_506 : vector<16xf32>
        %swap3A = arith.index_cast %add3A_503 : i32 to index
        %swap3A_508 = arith.constant 0 : index
        %swap3A_509 = tpu.vector_load %arg10[%swap3A, %swap3A_508] {strides = array<i32>} : memref<64x128xf32, #tpu.memory_space<vmem>>, vector<1x16xf32>,
        %swap3A_510 = vector.shape_cast %swap3A_509 : vector<1x16xf32> to vector<16xf32>
        %swap3A_511 = vector.shape_cast %add3A_507 : vector<16xf32> to vector<1x16xf32>
        tpu.vector_store %arg10[%swap3A, %swap3A_508], %swap3A_511 {strides = array<i32>} : memref<64x128xf32, #tpu.memory_space<vmem>>, vector<1x16xf32>,
        %get3A_512 = arith.index_cast %add3A_503 : i32 to index
        %get3A_513 = arith.constant 16 : index
        %get3A_514 = tpu.vector_load %arg6[%get3A_512, %get3A_513] {strides = array<i32>} : memref<64x128xf32, #tpu.memory_space<vmem>>, vector<1x16xf32>,
        %get3A_515 = vector.shape_cast %get3A_514 : vector<1x16xf32> to vector<16xf32>
        %add3A_516 = arith.addf %scan3A_493, %get3A_515 : vector<16xf32>
        %swap3A_517 = arith.index_cast %add3A_503 : i32 to index
        %swap3A_518 = arith.constant 16 : index
        %swap3A_519 = tpu.vector_load %arg10[%swap3A_517, %swap3A_518] {strides = array<i32>} : memref<64x128xf32, #tpu.memory_space<vmem>>, vector<1x16xf32>,
        %swap3A_520 = vector.shape_cast %swap3A_519 : vector<1x16xf32> to vector<16xf32>
        %swap3A_521 = vector.shape_cast %add3A_516 : vector<16xf32> to vector<1x16xf32>
        tpu.vector_store %arg10[%swap3A_517, %swap3A_518], %swap3A_521 {strides = array<i32>} : memref<64x128xf32, #tpu.memory_space<vmem>>, vector<1x16xf32>,
        %get3A_522 = arith.index_cast %add3A_503 : i32 to index
        %get3A_523 = arith.constant 32 : index
        %get3A_524 = tpu.vector_load %arg6[%get3A_522, %get3A_523] {strides = array<i32>} : memref<64x128xf32, #tpu.memory_space<vmem>>, vector<1x16xf32>,
        %get3A_525 = vector.shape_cast %get3A_524 : vector<1x16xf32> to vector<16xf32>
        %add3A_526 = arith.addf %scan3A_494, %get3A_525 : vector<16xf32>
        %swap3A_527 = arith.index_cast %add3A_503 : i32 to index
        %swap3A_528 = arith.constant 32 : index
        %swap3A_529 = tpu.vector_load %arg10[%swap3A_527, %swap3A_528] {strides = array<i32>} : memref<64x128xf32, #tpu.memory_space<vmem>>, vector<1x16xf32>,
        %swap3A_530 = vector.shape_cast %swap3A_529 : vector<1x16xf32> to vector<16xf32>
        %swap3A_531 = vector.shape_cast %add3A_526 : vector<16xf32> to vector<1x16xf32>
        tpu.vector_store %arg10[%swap3A_527, %swap3A_528], %swap3A_531 {strides = array<i32>} : memref<64x128xf32, #tpu.memory_space<vmem>>, vector<1x16xf32>,
        %get3A_532 = arith.index_cast %add3A_503 : i32 to index
        %get3A_533 = arith.constant 48 : index
        %get3A_534 = tpu.vector_load %arg6[%get3A_532, %get3A_533] {strides = array<i32>} : memref<64x128xf32, #tpu.memory_space<vmem>>, vector<1x16xf32>,
        %get3A_535 = vector.shape_cast %get3A_534 : vector<1x16xf32> to vector<16xf32>
        %add3A_536 = arith.addf %scan3A_495, %get3A_535 : vector<16xf32>
        %swap3A_537 = arith.index_cast %add3A_503 : i32 to index
        %swap3A_538 = arith.constant 48 : index
        %swap3A_539 = tpu.vector_load %arg10[%swap3A_537, %swap3A_538] {strides = array<i32>} : memref<64x128xf32, #tpu.memory_space<vmem>>, vector<1x16xf32>,
        %swap3A_540 = vector.shape_cast %swap3A_539 : vector<1x16xf32> to vector<16xf32>
        %swap3A_541 = vector.shape_cast %add3A_536 : vector<16xf32> to vector<1x16xf32>
        tpu.vector_store %arg10[%swap3A_537, %swap3A_538], %swap3A_541 {strides = array<i32>} : memref<64x128xf32, #tpu.memory_space<vmem>>, vector<1x16xf32>,
        %get3A_542 = arith.index_cast %add3A_503 : i32 to index
        %get3A_543 = arith.constant 64 : index
        %get3A_544 = tpu.vector_load %arg6[%get3A_542, %get3A_543] {strides = array<i32>} : memref<64x128xf32, #tpu.memory_space<vmem>>, vector<1x16xf32>,
        %get3A_545 = vector.shape_cast %get3A_544 : vector<1x16xf32> to vector<16xf32>
        %add3A_546 = arith.addf %scan3A_496, %get3A_545 : vector<16xf32>
        %swap3A_547 = arith.index_cast %add3A_503 : i32 to index
        %swap3A_548 = arith.constant 64 : index
        %swap3A_549 = tpu.vector_load %arg10[%swap3A_547, %swap3A_548] {strides = array<i32>} : memref<64x128xf32, #tpu.memory_space<vmem>>, vector<1x16xf32>,
        %swap3A_550 = vector.shape_cast %swap3A_549 : vector<1x16xf32> to vector<16xf32>
        %swap3A_551 = vector.shape_cast %add3A_546 : vector<16xf32> to vector<1x16xf32>
        tpu.vector_store %arg10[%swap3A_547, %swap3A_548], %swap3A_551 {strides = array<i32>} : memref<64x128xf32, #tpu.memory_space<vmem>>, vector<1x16xf32>,
        %get3A_552 = arith.index_cast %add3A_503 : i32 to index
        %get3A_553 = arith.constant 80 : index
        %get3A_554 = tpu.vector_load %arg6[%get3A_552, %get3A_553] {strides = array<i32>} : memref<64x128xf32, #tpu.memory_space<vmem>>, vector<1x16xf32>,
        %get3A_555 = vector.shape_cast %get3A_554 : vector<1x16xf32> to vector<16xf32>
        %add3A_556 = arith.addf %scan3A_497, %get3A_555 : vector<16xf32>
        %swap3A_557 = arith.index_cast %add3A_503 : i32 to index
        %swap3A_558 = arith.constant 80 : index
        %swap3A_559 = tpu.vector_load %arg10[%swap3A_557, %swap3A_558] {strides = array<i32>} : memref<64x128xf32, #tpu.memory_space<vmem>>, vector<1x16xf32>,
        %swap3A_560 = vector.shape_cast %swap3A_559 : vector<1x16xf32> to vector<16xf32>
        %swap3A_561 = vector.shape_cast %add3A_556 : vector<16xf32> to vector<1x16xf32>
        tpu.vector_store %arg10[%swap3A_557, %swap3A_558], %swap3A_561 {strides = array<i32>} : memref<64x128xf32, #tpu.memory_space<vmem>>, vector<1x16xf32>,
        %get3A_562 = arith.index_cast %add3A_503 : i32 to index
        %get3A_563 = arith.constant 96 : index
        %get3A_564 = tpu.vector_load %arg6[%get3A_562, %get3A_563] {strides = array<i32>} : memref<64x128xf32, #tpu.memory_space<vmem>>, vector<1x16xf32>,
        %get3A_565 = vector.shape_cast %get3A_564 : vector<1x16xf32> to vector<16xf32>
        %add3A_566 = arith.addf %scan3A_498, %get3A_565 : vector<16xf32>
        %swap3A_567 = arith.index_cast %add3A_503 : i32 to index
        %swap3A_568 = arith.constant 96 : index
        %swap3A_569 = tpu.vector_load %arg10[%swap3A_567, %swap3A_568] {strides = array<i32>} : memref<64x128xf32, #tpu.memory_space<vmem>>, vector<1x16xf32>,
        %swap3A_570 = vector.shape_cast %swap3A_569 : vector<1x16xf32> to vector<16xf32>
        %swap3A_571 = vector.shape_cast %add3A_566 : vector<16xf32> to vector<1x16xf32>
        tpu.vector_store %arg10[%swap3A_567, %swap3A_568], %swap3A_571 {strides = array<i32>} : memref<64x128xf32, #tpu.memory_space<vmem>>, vector<1x16xf32>,
        %get3A_572 = arith.index_cast %add3A_503 : i32 to index
        %get3A_573 = arith.constant 112 : index
        %get3A_574 = tpu.vector_load %arg6[%get3A_572, %get3A_573] {strides = array<i32>} : memref<64x128xf32, #tpu.memory_space<vmem>>, vector<1x16xf32>,
        %get3A_575 = vector.shape_cast %get3A_574 : vector<1x16xf32> to vector<16xf32>
        %add3A_576 = arith.addf %scan3A_499, %get3A_575 : vector<16xf32>
        %swap3A_577 = arith.index_cast %add3A_503 : i32 to index
        %swap3A_578 = arith.constant 112 : index
        %swap3A_579 = tpu.vector_load %arg10[%swap3A_577, %swap3A_578] {strides = array<i32>} : memref<64x128xf32, #tpu.memory_space<vmem>>, vector<1x16xf32>,
        %swap3A_580 = vector.shape_cast %swap3A_579 : vector<1x16xf32> to vector<16xf32>
        %swap3A_581 = vector.shape_cast %add3A_576 : vector<16xf32> to vector<1x16xf32>
        tpu.vector_store %arg10[%swap3A_577, %swap3A_578], %swap3A_581 {strides = array<i32>} : memref<64x128xf32, #tpu.memory_space<vmem>>, vector<1x16xf32>,
        %mul3A_582 = arith.constant 8 : i32
        %mul3A_583 = arith.muli %scan3A_491, %mul3A_582 : i32
        %add3A_584 = arith.constant 1 : i32
        %add3A_585 = arith.addi %mul3A_583, %add3A_584 : i32
        %get3A_586 = arith.index_cast %add3A_585 : i32 to index
        %get3A_587 = arith.constant 0 : index
        %get3A_588 = tpu.vector_load %arg6[%get3A_586, %get3A_587] {strides = array<i32>} : memref<64x128xf32, #tpu.memory_space<vmem>>, vector<1x16xf32>,
        %get3A_589 = vector.shape_cast %get3A_588 : vector<1x16xf32> to vector<16xf32>
        %add3A_590 = arith.addf %add3A_507, %get3A_589 : vector<16xf32>
        %swap3A_591 = arith.index_cast %add3A_585 : i32 to index
        %swap3A_592 = arith.constant 0 : index
        %swap3A_593 = tpu.vector_load %arg10[%swap3A_591, %swap3A_592] {strides = array<i32>} : memref<64x128xf32, #tpu.memory_space<vmem>>, vector<1x16xf32>,
        %swap3A_594 = vector.shape_cast %swap3A_593 : vector<1x16xf32> to vector<16xf32>
        %swap3A_595 = vector.shape_cast %add3A_590 : vector<16xf32> to vector<1x16xf32>
        tpu.vector_store %arg10[%swap3A_591, %swap3A_592], %swap3A_595 {strides = array<i32>} : memref<64x128xf32, #tpu.memory_space<vmem>>, vector<1x16xf32>,
        %get3A_596 = arith.index_cast %add3A_585 : i32 to index
        %get3A_597 = arith.constant 16 : index
        %get3A_598 = tpu.vector_load %arg6[%get3A_596, %get3A_597] {strides = array<i32>} : memref<64x128xf32, #tpu.memory_space<vmem>>, vector<1x16xf32>,
        %get3A_599 = vector.shape_cast %get3A_598 : vector<1x16xf32> to vector<16xf32>
        %add3A_600 = arith.addf %add3A_516, %get3A_599 : vector<16xf32>
        %swap3A_601 = arith.index_cast %add3A_585 : i32 to index
        %swap3A_602 = arith.constant 16 : index
        %swap3A_603 = tpu.vector_load %arg10[%swap3A_601, %swap3A_602] {strides = array<i32>} : memref<64x128xf32, #tpu.memory_space<vmem>>, vector<1x16xf32>,
        %swap3A_604 = vector.shape_cast %swap3A_603 : vector<1x16xf32> to vector<16xf32>
        %swap3A_605 = vector.shape_cast %add3A_600 : vector<16xf32> to vector<1x16xf32>
        tpu.vector_store %arg10[%swap3A_601, %swap3A_602], %swap3A_605 {strides = array<i32>} : memref<64x128xf32, #tpu.memory_space<vmem>>, vector<1x16xf32>,
        %get3A_606 = arith.index_cast %add3A_585 : i32 to index
        %get3A_607 = arith.constant 32 : index
        %get3A_608 = tpu.vector_load %arg6[%get3A_606, %get3A_607] {strides = array<i32>} : memref<64x128xf32, #tpu.memory_space<vmem>>, vector<1x16xf32>,
        %get3A_609 = vector.shape_cast %get3A_608 : vector<1x16xf32> to vector<16xf32>
        %add3A_610 = arith.addf %add3A_526, %get3A_609 : vector<16xf32>
        %swap3A_611 = arith.index_cast %add3A_585 : i32 to index
        %swap3A_612 = arith.constant 32 : index
        %swap3A_613 = tpu.vector_load %arg10[%swap3A_611, %swap3A_612] {strides = array<i32>} : memref<64x128xf32, #tpu.memory_space<vmem>>, vector<1x16xf32>,
        %swap3A_614 = vector.shape_cast %swap3A_613 : vector<1x16xf32> to vector<16xf32>
        %swap3A_615 = vector.shape_cast %add3A_610 : vector<16xf32> to vector<1x16xf32>
        tpu.vector_store %arg10[%swap3A_611, %swap3A_612], %swap3A_615 {strides = array<i32>} : memref<64x128xf32, #tpu.memory_space<vmem>>, vector<1x16xf32>,
        %get3A_616 = arith.index_cast %add3A_585 : i32 to index
        %get3A_617 = arith.constant 48 : index
        %get3A_618 = tpu.vector_load %arg6[%get3A_616, %get3A_617] {strides = array<i32>} : memref<64x128xf32, #tpu.memory_space<vmem>>, vector<1x16xf32>,
        %get3A_619 = vector.shape_cast %get3A_618 : vector<1x16xf32> to vector<16xf32>
        %add3A_620 = arith.addf %add3A_536, %get3A_619 : vector<16xf32>
        %swap3A_621 = arith.index_cast %add3A_585 : i32 to index
        %swap3A_622 = arith.constant 48 : index
        %swap3A_623 = tpu.vector_load %arg10[%swap3A_621, %swap3A_622] {strides = array<i32>} : memref<64x128xf32, #tpu.memory_space<vmem>>, vector<1x16xf32>,
        %swap3A_624 = vector.shape_cast %swap3A_623 : vector<1x16xf32> to vector<16xf32>
        %swap3A_625 = vector.shape_cast %add3A_620 : vector<16xf32> to vector<1x16xf32>
        tpu.vector_store %arg10[%swap3A_621, %swap3A_622], %swap3A_625 {strides = array<i32>} : memref<64x128xf32, #tpu.memory_space<vmem>>, vector<1x16xf32>,
        %get3A_626 = arith.index_cast %add3A_585 : i32 to index
        %get3A_627 = arith.constant 64 : index
        %get3A_628 = tpu.vector_load %arg6[%get3A_626, %get3A_627] {strides = array<i32>} : memref<64x128xf32, #tpu.memory_space<vmem>>, vector<1x16xf32>,
        %get3A_629 = vector.shape_cast %get3A_628 : vector<1x16xf32> to vector<16xf32>
        %add3A_630 = arith.addf %add3A_546, %get3A_629 : vector<16xf32>
        %swap3A_631 = arith.index_cast %add3A_585 : i32 to index
        %swap3A_632 = arith.constant 64 : index
        %swap3A_633 = tpu.vector_load %arg10[%swap3A_631, %swap3A_632] {strides = array<i32>} : memref<64x128xf32, #tpu.memory_space<vmem>>, vector<1x16xf32>,
        %swap3A_634 = vector.shape_cast %swap3A_633 : vector<1x16xf32> to vector<16xf32>
        %swap3A_635 = vector.shape_cast %add3A_630 : vector<16xf32> to vector<1x16xf32>
        tpu.vector_store %arg10[%swap3A_631, %swap3A_632], %swap3A_635 {strides = array<i32>} : memref<64x128xf32, #tpu.memory_space<vmem>>, vector<1x16xf32>,
        %get3A_636 = arith.index_cast %add3A_585 : i32 to index
        %get3A_637 = arith.constant 80 : index
        %get3A_638 = tpu.vector_load %arg6[%get3A_636, %get3A_637] {strides = array<i32>} : memref<64x128xf32, #tpu.memory_space<vmem>>, vector<1x16xf32>,
        %get3A_639 = vector.shape_cast %get3A_638 : vector<1x16xf32> to vector<16xf32>
        %add3A_640 = arith.addf %add3A_556, %get3A_639 : vector<16xf32>
        %swap3A_641 = arith.index_cast %add3A_585 : i32 to index
        %swap3A_642 = arith.constant 80 : index
        %swap3A_643 = tpu.vector_load %arg10[%swap3A_641, %swap3A_642] {strides = array<i32>} : memref<64x128xf32, #tpu.memory_space<vmem>>, vector<1x16xf32>,
        %swap3A_644 = vector.shape_cast %swap3A_643 : vector<1x16xf32> to vector<16xf32>
        %swap3A_645 = vector.shape_cast %add3A_640 : vector<16xf32> to vector<1x16xf32>
        tpu.vector_store %arg10[%swap3A_641, %swap3A_642], %swap3A_645 {strides = array<i32>} : memref<64x128xf32, #tpu.memory_space<vmem>>, vector<1x16xf32>,
        %get3A_646 = arith.index_cast %add3A_585 : i32 to index
        %get3A_647 = arith.constant 96 : index
        %get3A_648 = tpu.vector_load %arg6[%get3A_646, %get3A_647] {strides = array<i32>} : memref<64x128xf32, #tpu.memory_space<vmem>>, vector<1x16xf32>,
        %get3A_649 = vector.shape_cast %get3A_648 : vector<1x16xf32> to vector<16xf32>
        %add3A_650 = arith.addf %add3A_566, %get3A_649 : vector<16xf32>
        %swap3A_651 = arith.index_cast %add3A_585 : i32 to index
        %swap3A_652 = arith.constant 96 : index
        %swap3A_653 = tpu.vector_load %arg10[%swap3A_651, %swap3A_652] {strides = array<i32>} : memref<64x128xf32, #tpu.memory_space<vmem>>, vector<1x16xf32>,
        %swap3A_654 = vector.shape_cast %swap3A_653 : vector<1x16xf32> to vector<16xf32>
        %swap3A_655 = vector.shape_cast %add3A_650 : vector<16xf32> to vector<1x16xf32>
        tpu.vector_store %arg10[%swap3A_651, %swap3A_652], %swap3A_655 {strides = array<i32>} : memref<64x128xf32, #tpu.memory_space<vmem>>, vector<1x16xf32>,
        %get3A_656 = arith.index_cast %add3A_585 : i32 to index
        %get3A_657 = arith.constant 112 : index
        %get3A_658 = tpu.vector_load %arg6[%get3A_656, %get3A_657] {strides = array<i32>} : memref<64x128xf32, #tpu.memory_space<vmem>>, vector<1x16xf32>,
        %get3A_659 = vector.shape_cast %get3A_658 : vector<1x16xf32> to vector<16xf32>
        %add3A_660 = arith.addf %add3A_576, %get3A_659 : vector<16xf32>
        %swap3A_661 = arith.index_cast %add3A_585 : i32 to index
        %swap3A_662 = arith.constant 112 : index
        %swap3A_663 = tpu.vector_load %arg10[%swap3A_661, %swap3A_662] {strides = array<i32>} : memref<64x128xf32, #tpu.memory_space<vmem>>, vector<1x16xf32>,
        %swap3A_664 = vector.shape_cast %swap3A_663 : vector<1x16xf32> to vector<16xf32>
        %swap3A_665 = vector.shape_cast %add3A_660 : vector<16xf32> to vector<1x16xf32>
        tpu.vector_store %arg10[%swap3A_661, %swap3A_662], %swap3A_665 {strides = array<i32>} : memref<64x128xf32, #tpu.memory_space<vmem>>, vector<1x16xf32>,
        %mul3A_666 = arith.constant 8 : i32
        %mul3A_667 = arith.muli %scan3A_491, %mul3A_666 : i32
        %add3A_668 = arith.constant 2 : i32
        %add3A_669 = arith.addi %mul3A_667, %add3A_668 : i32
        %get3A_670 = arith.index_cast %add3A_669 : i32 to index
        %get3A_671 = arith.constant 0 : index
        %get3A_672 = tpu.vector_load %arg6[%get3A_670, %get3A_671] {strides = array<i32>} : memref<64x128xf32, #tpu.memory_space<vmem>>, vector<1x16xf32>,
        %get3A_673 = vector.shape_cast %get3A_672 : vector<1x16xf32> to vector<16xf32>
        %add3A_674 = arith.addf %add3A_590, %get3A_673 : vector<16xf32>
        %swap3A_675 = arith.index_cast %add3A_669 : i32 to index
        %swap3A_676 = arith.constant 0 : index
        %swap3A_677 = tpu.vector_load %arg10[%swap3A_675, %swap3A_676] {strides = array<i32>} : memref<64x128xf32, #tpu.memory_space<vmem>>, vector<1x16xf32>,
        %swap3A_678 = vector.shape_cast %swap3A_677 : vector<1x16xf32> to vector<16xf32>
        %swap3A_679 = vector.shape_cast %add3A_674 : vector<16xf32> to vector<1x16xf32>
        tpu.vector_store %arg10[%swap3A_675, %swap3A_676], %swap3A_679 {strides = array<i32>} : memref<64x128xf32, #tpu.memory_space<vmem>>, vector<1x16xf32>,
        %get3A_680 = arith.index_cast %add3A_669 : i32 to index
        %get3A_681 = arith.constant 16 : index
        %get3A_682 = tpu.vector_load %arg6[%get3A_680, %get3A_681] {strides = array<i32>} : memref<64x128xf32, #tpu.memory_space<vmem>>, vector<1x16xf32>,
        %get3A_683 = vector.shape_cast %get3A_682 : vector<1x16xf32> to vector<16xf32>
        %add3A_684 = arith.addf %add3A_600, %get3A_683 : vector<16xf32>
        %swap3A_685 = arith.index_cast %add3A_669 : i32 to index
        %swap3A_686 = arith.constant 16 : index
        %swap3A_687 = tpu.vector_load %arg10[%swap3A_685, %swap3A_686] {strides = array<i32>} : memref<64x128xf32, #tpu.memory_space<vmem>>, vector<1x16xf32>,
        %swap3A_688 = vector.shape_cast %swap3A_687 : vector<1x16xf32> to vector<16xf32>
        %swap3A_689 = vector.shape_cast %add3A_684 : vector<16xf32> to vector<1x16xf32>
        tpu.vector_store %arg10[%swap3A_685, %swap3A_686], %swap3A_689 {strides = array<i32>} : memref<64x128xf32, #tpu.memory_space<vmem>>, vector<1x16xf32>,
        %get3A_690 = arith.index_cast %add3A_669 : i32 to index
        %get3A_691 = arith.constant 32 : index
        %get3A_692 = tpu.vector_load %arg6[%get3A_690, %get3A_691] {strides = array<i32>} : memref<64x128xf32, #tpu.memory_space<vmem>>, vector<1x16xf32>,
        %get3A_693 = vector.shape_cast %get3A_692 : vector<1x16xf32> to vector<16xf32>
        %add3A_694 = arith.addf %add3A_610, %get3A_693 : vector<16xf32>
        %swap3A_695 = arith.index_cast %add3A_669 : i32 to index
        %swap3A_696 = arith.constant 32 : index
        %swap3A_697 = tpu.vector_load %arg10[%swap3A_695, %swap3A_696] {strides = array<i32>} : memref<64x128xf32, #tpu.memory_space<vmem>>, vector<1x16xf32>,
        %swap3A_698 = vector.shape_cast %swap3A_697 : vector<1x16xf32> to vector<16xf32>
        %swap3A_699 = vector.shape_cast %add3A_694 : vector<16xf32> to vector<1x16xf32>
        tpu.vector_store %arg10[%swap3A_695, %swap3A_696], %swap3A_699 {strides = array<i32>} : memref<64x128xf32, #tpu.memory_space<vmem>>, vector<1x16xf32>,
        %get3A_700 = arith.index_cast %add3A_669 : i32 to index
        %get3A_701 = arith.constant 48 : index
        %get3A_702 = tpu.vector_load %arg6[%get3A_700, %get3A_701] {strides = array<i32>} : memref<64x128xf32, #tpu.memory_space<vmem>>, vector<1x16xf32>,
        %get3A_703 = vector.shape_cast %get3A_702 : vector<1x16xf32> to vector<16xf32>
        %add3A_704 = arith.addf %add3A_620, %get3A_703 : vector<16xf32>
        %swap3A_705 = arith.index_cast %add3A_669 : i32 to index
        %swap3A_706 = arith.constant 48 : index
        %swap3A_707 = tpu.vector_load %arg10[%swap3A_705, %swap3A_706] {strides = array<i32>} : memref<64x128xf32, #tpu.memory_space<vmem>>, vector<1x16xf32>,
        %swap3A_708 = vector.shape_cast %swap3A_707 : vector<1x16xf32> to vector<16xf32>
        %swap3A_709 = vector.shape_cast %add3A_704 : vector<16xf32> to vector<1x16xf32>
        tpu.vector_store %arg10[%swap3A_705, %swap3A_706], %swap3A_709 {strides = array<i32>} : memref<64x128xf32, #tpu.memory_space<vmem>>, vector<1x16xf32>,
        %get3A_710 = arith.index_cast %add3A_669 : i32 to index
        %get3A_711 = arith.constant 64 : index
        %get3A_712 = tpu.vector_load %arg6[%get3A_710, %get3A_711] {strides = array<i32>} : memref<64x128xf32, #tpu.memory_space<vmem>>, vector<1x16xf32>,
        %get3A_713 = vector.shape_cast %get3A_712 : vector<1x16xf32> to vector<16xf32>
        %add3A_714 = arith.addf %add3A_630, %get3A_713 : vector<16xf32>
        %swap3A_715 = arith.index_cast %add3A_669 : i32 to index
        %swap3A_716 = arith.constant 64 : index
        %swap3A_717 = tpu.vector_load %arg10[%swap3A_715, %swap3A_716] {strides = array<i32>} : memref<64x128xf32, #tpu.memory_space<vmem>>, vector<1x16xf32>,
        %swap3A_718 = vector.shape_cast %swap3A_717 : vector<1x16xf32> to vector<16xf32>
        %swap3A_719 = vector.shape_cast %add3A_714 : vector<16xf32> to vector<1x16xf32>
        tpu.vector_store %arg10[%swap3A_715, %swap3A_716], %swap3A_719 {strides = array<i32>} : memref<64x128xf32, #tpu.memory_space<vmem>>, vector<1x16xf32>,
        %get3A_720 = arith.index_cast %add3A_669 : i32 to index
        %get3A_721 = arith.constant 80 : index
        %get3A_722 = tpu.vector_load %arg6[%get3A_720, %get3A_721] {strides = array<i32>} : memref<64x128xf32, #tpu.memory_space<vmem>>, vector<1x16xf32>,
        %get3A_723 = vector.shape_cast %get3A_722 : vector<1x16xf32> to vector<16xf32>
        %add3A_724 = arith.addf %add3A_640, %get3A_723 : vector<16xf32>
        %swap3A_725 = arith.index_cast %add3A_669 : i32 to index
        %swap3A_726 = arith.constant 80 : index
        %swap3A_727 = tpu.vector_load %arg10[%swap3A_725, %swap3A_726] {strides = array<i32>} : memref<64x128xf32, #tpu.memory_space<vmem>>, vector<1x16xf32>,
        %swap3A_728 = vector.shape_cast %swap3A_727 : vector<1x16xf32> to vector<16xf32>
        %swap3A_729 = vector.shape_cast %add3A_724 : vector<16xf32> to vector<1x16xf32>
        tpu.vector_store %arg10[%swap3A_725, %swap3A_726], %swap3A_729 {strides = array<i32>} : memref<64x128xf32, #tpu.memory_space<vmem>>, vector<1x16xf32>,
        %get3A_730 = arith.index_cast %add3A_669 : i32 to index
        %get3A_731 = arith.constant 96 : index
        %get3A_732 = tpu.vector_load %arg6[%get3A_730, %get3A_731] {strides = array<i32>} : memref<64x128xf32, #tpu.memory_space<vmem>>, vector<1x16xf32>,
        %get3A_733 = vector.shape_cast %get3A_732 : vector<1x16xf32> to vector<16xf32>
        %add3A_734 = arith.addf %add3A_650, %get3A_733 : vector<16xf32>
        %swap3A_735 = arith.index_cast %add3A_669 : i32 to index
        %swap3A_736 = arith.constant 96 : index
        %swap3A_737 = tpu.vector_load %arg10[%swap3A_735, %swap3A_736] {strides = array<i32>} : memref<64x128xf32, #tpu.memory_space<vmem>>, vector<1x16xf32>,
        %swap3A_738 = vector.shape_cast %swap3A_737 : vector<1x16xf32> to vector<16xf32>
        %swap3A_739 = vector.shape_cast %add3A_734 : vector<16xf32> to vector<1x16xf32>
        tpu.vector_store %arg10[%swap3A_735, %swap3A_736], %swap3A_739 {strides = array<i32>} : memref<64x128xf32, #tpu.memory_space<vmem>>, vector<1x16xf32>,
        %get3A_740 = arith.index_cast %add3A_669 : i32 to index
        %get3A_741 = arith.constant 112 : index
        %get3A_742 = tpu.vector_load %arg6[%get3A_740, %get3A_741] {strides = array<i32>} : memref<64x128xf32, #tpu.memory_space<vmem>>, vector<1x16xf32>,
        %get3A_743 = vector.shape_cast %get3A_742 : vector<1x16xf32> to vector<16xf32>
        %add3A_744 = arith.addf %add3A_660, %get3A_743 : vector<16xf32>
        %swap3A_745 = arith.index_cast %add3A_669 : i32 to index
        %swap3A_746 = arith.constant 112 : index
        %swap3A_747 = tpu.vector_load %arg10[%swap3A_745, %swap3A_746] {strides = array<i32>} : memref<64x128xf32, #tpu.memory_space<vmem>>, vector<1x16xf32>,
        %swap3A_748 = vector.shape_cast %swap3A_747 : vector<1x16xf32> to vector<16xf32>
        %swap3A_749 = vector.shape_cast %add3A_744 : vector<16xf32> to vector<1x16xf32>
        tpu.vector_store %arg10[%swap3A_745, %swap3A_746], %swap3A_749 {strides = array<i32>} : memref<64x128xf32, #tpu.memory_space<vmem>>, vector<1x16xf32>,
        %mul3A_750 = arith.constant 8 : i32
        %mul3A_751 = arith.muli %scan3A_491, %mul3A_750 : i32
        %add3A_752 = arith.constant 3 : i32
        %add3A_753 = arith.addi %mul3A_751, %add3A_752 : i32
        %get3A_754 = arith.index_cast %add3A_753 : i32 to index
        %get3A_755 = arith.constant 0 : index
        %get3A_756 = tpu.vector_load %arg6[%get3A_754, %get3A_755] {strides = array<i32>} : memref<64x128xf32, #tpu.memory_space<vmem>>, vector<1x16xf32>,
        %get3A_757 = vector.shape_cast %get3A_756 : vector<1x16xf32> to vector<16xf32>
        %add3A_758 = arith.addf %add3A_674, %get3A_757 : vector<16xf32>
        %swap3A_759 = arith.index_cast %add3A_753 : i32 to index
        %swap3A_760 = arith.constant 0 : index
        %swap3A_761 = tpu.vector_load %arg10[%swap3A_759, %swap3A_760] {strides = array<i32>} : memref<64x128xf32, #tpu.memory_space<vmem>>, vector<1x16xf32>,
        %swap3A_762 = vector.shape_cast %swap3A_761 : vector<1x16xf32> to vector<16xf32>
        %swap3A_763 = vector.shape_cast %add3A_758 : vector<16xf32> to vector<1x16xf32>
        tpu.vector_store %arg10[%swap3A_759, %swap3A_760], %swap3A_763 {strides = array<i32>} : memref<64x128xf32, #tpu.memory_space<vmem>>, vector<1x16xf32>,
        %get3A_764 = arith.index_cast %add3A_753 : i32 to index
        %get3A_765 = arith.constant 16 : index
        %get3A_766 = tpu.vector_load %arg6[%get3A_764, %get3A_765] {strides = array<i32>} : memref<64x128xf32, #tpu.memory_space<vmem>>, vector<1x16xf32>,
        %get3A_767 = vector.shape_cast %get3A_766 : vector<1x16xf32> to vector<16xf32>
        %add3A_768 = arith.addf %add3A_684, %get3A_767 : vector<16xf32>
        %swap3A_769 = arith.index_cast %add3A_753 : i32 to index
        %swap3A_770 = arith.constant 16 : index
        %swap3A_771 = tpu.vector_load %arg10[%swap3A_769, %swap3A_770] {strides = array<i32>} : memref<64x128xf32, #tpu.memory_space<vmem>>, vector<1x16xf32>,
        %swap3A_772 = vector.shape_cast %swap3A_771 : vector<1x16xf32> to vector<16xf32>
        %swap3A_773 = vector.shape_cast %add3A_768 : vector<16xf32> to vector<1x16xf32>
        tpu.vector_store %arg10[%swap3A_769, %swap3A_770], %swap3A_773 {strides = array<i32>} : memref<64x128xf32, #tpu.memory_space<vmem>>, vector<1x16xf32>,
        %get3A_774 = arith.index_cast %add3A_753 : i32 to index
        %get3A_775 = arith.constant 32 : index
        %get3A_776 = tpu.vector_load %arg6[%get3A_774, %get3A_775] {strides = array<i32>} : memref<64x128xf32, #tpu.memory_space<vmem>>, vector<1x16xf32>,
        %get3A_777 = vector.shape_cast %get3A_776 : vector<1x16xf32> to vector<16xf32>
        %add3A_778 = arith.addf %add3A_694, %get3A_777 : vector<16xf32>
        %swap3A_779 = arith.index_cast %add3A_753 : i32 to index
        %swap3A_780 = arith.constant 32 : index
        %swap3A_781 = tpu.vector_load %arg10[%swap3A_779, %swap3A_780] {strides = array<i32>} : memref<64x128xf32, #tpu.memory_space<vmem>>, vector<1x16xf32>,
        %swap3A_782 = vector.shape_cast %swap3A_781 : vector<1x16xf32> to vector<16xf32>
        %swap3A_783 = vector.shape_cast %add3A_778 : vector<16xf32> to vector<1x16xf32>
        tpu.vector_store %arg10[%swap3A_779, %swap3A_780], %swap3A_783 {strides = array<i32>} : memref<64x128xf32, #tpu.memory_space<vmem>>, vector<1x16xf32>,
        %get3A_784 = arith.index_cast %add3A_753 : i32 to index
        %get3A_785 = arith.constant 48 : index
        %get3A_786 = tpu.vector_load %arg6[%get3A_784, %get3A_785] {strides = array<i32>} : memref<64x128xf32, #tpu.memory_space<vmem>>, vector<1x16xf32>,
        %get3A_787 = vector.shape_cast %get3A_786 : vector<1x16xf32> to vector<16xf32>
        %add3A_788 = arith.addf %add3A_704, %get3A_787 : vector<16xf32>
        %swap3A_789 = arith.index_cast %add3A_753 : i32 to index
        %swap3A_790 = arith.constant 48 : index
        %swap3A_791 = tpu.vector_load %arg10[%swap3A_789, %swap3A_790] {strides = array<i32>} : memref<64x128xf32, #tpu.memory_space<vmem>>, vector<1x16xf32>,
        %swap3A_792 = vector.shape_cast %swap3A_791 : vector<1x16xf32> to vector<16xf32>
        %swap3A_793 = vector.shape_cast %add3A_788 : vector<16xf32> to vector<1x16xf32>
        tpu.vector_store %arg10[%swap3A_789, %swap3A_790], %swap3A_793 {strides = array<i32>} : memref<64x128xf32, #tpu.memory_space<vmem>>, vector<1x16xf32>,
        %get3A_794 = arith.index_cast %add3A_753 : i32 to index
        %get3A_795 = arith.constant 64 : index
        %get3A_796 = tpu.vector_load %arg6[%get3A_794, %get3A_795] {strides = array<i32>} : memref<64x128xf32, #tpu.memory_space<vmem>>, vector<1x16xf32>,
        %get3A_797 = vector.shape_cast %get3A_796 : vector<1x16xf32> to vector<16xf32>
        %add3A_798 = arith.addf %add3A_714, %get3A_797 : vector<16xf32>
        %swap3A_799 = arith.index_cast %add3A_753 : i32 to index
        %swap3A_800 = arith.constant 64 : index
        %swap3A_801 = tpu.vector_load %arg10[%swap3A_799, %swap3A_800] {strides = array<i32>} : memref<64x128xf32, #tpu.memory_space<vmem>>, vector<1x16xf32>,
        %swap3A_802 = vector.shape_cast %swap3A_801 : vector<1x16xf32> to vector<16xf32>
        %swap3A_803 = vector.shape_cast %add3A_798 : vector<16xf32> to vector<1x16xf32>
        tpu.vector_store %arg10[%swap3A_799, %swap3A_800], %swap3A_803 {strides = array<i32>} : memref<64x128xf32, #tpu.memory_space<vmem>>, vector<1x16xf32>,
        %get3A_804 = arith.index_cast %add3A_753 : i32 to index
        %get3A_805 = arith.constant 80 : index
        %get3A_806 = tpu.vector_load %arg6[%get3A_804, %get3A_805] {strides = array<i32>} : memref<64x128xf32, #tpu.memory_space<vmem>>, vector<1x16xf32>,
        %get3A_807 = vector.shape_cast %get3A_806 : vector<1x16xf32> to vector<16xf32>
        %add3A_808 = arith.addf %add3A_724, %get3A_807 : vector<16xf32>
        %swap3A_809 = arith.index_cast %add3A_753 : i32 to index
        %swap3A_810 = arith.constant 80 : index
        %swap3A_811 = tpu.vector_load %arg10[%swap3A_809, %swap3A_810] {strides = array<i32>} : memref<64x128xf32, #tpu.memory_space<vmem>>, vector<1x16xf32>,
        %swap3A_812 = vector.shape_cast %swap3A_811 : vector<1x16xf32> to vector<16xf32>
        %swap3A_813 = vector.shape_cast %add3A_808 : vector<16xf32> to vector<1x16xf32>
        tpu.vector_store %arg10[%swap3A_809, %swap3A_810], %swap3A_813 {strides = array<i32>} : memref<64x128xf32, #tpu.memory_space<vmem>>, vector<1x16xf32>,
        %get3A_814 = arith.index_cast %add3A_753 : i32 to index
        %get3A_815 = arith.constant 96 : index
        %get3A_816 = tpu.vector_load %arg6[%get3A_814, %get3A_815] {strides = array<i32>} : memref<64x128xf32, #tpu.memory_space<vmem>>, vector<1x16xf32>,
        %get3A_817 = vector.shape_cast %get3A_816 : vector<1x16xf32> to vector<16xf32>
        %add3A_818 = arith.addf %add3A_734, %get3A_817 : vector<16xf32>
        %swap3A_819 = arith.index_cast %add3A_753 : i32 to index
        %swap3A_820 = arith.constant 96 : index
        %swap3A_821 = tpu.vector_load %arg10[%swap3A_819, %swap3A_820] {strides = array<i32>} : memref<64x128xf32, #tpu.memory_space<vmem>>, vector<1x16xf32>,
        %swap3A_822 = vector.shape_cast %swap3A_821 : vector<1x16xf32> to vector<16xf32>
        %swap3A_823 = vector.shape_cast %add3A_818 : vector<16xf32> to vector<1x16xf32>
        tpu.vector_store %arg10[%swap3A_819, %swap3A_820], %swap3A_823 {strides = array<i32>} : memref<64x128xf32, #tpu.memory_space<vmem>>, vector<1x16xf32>,
        %get3A_824 = arith.index_cast %add3A_753 : i32 to index
        %get3A_825 = arith.constant 112 : index
        %get3A_826 = tpu.vector_load %arg6[%get3A_824, %get3A_825] {strides = array<i32>} : memref<64x128xf32, #tpu.memory_space<vmem>>, vector<1x16xf32>,
        %get3A_827 = vector.shape_cast %get3A_826 : vector<1x16xf32> to vector<16xf32>
        %add3A_828 = arith.addf %add3A_744, %get3A_827 : vector<16xf32>
        %swap3A_829 = arith.index_cast %add3A_753 : i32 to index
        %swap3A_830 = arith.constant 112 : index
        %swap3A_831 = tpu.vector_load %arg10[%swap3A_829, %swap3A_830] {strides = array<i32>} : memref<64x128xf32, #tpu.memory_space<vmem>>, vector<1x16xf32>,
        %swap3A_832 = vector.shape_cast %swap3A_831 : vector<1x16xf32> to vector<16xf32>
        %swap3A_833 = vector.shape_cast %add3A_828 : vector<16xf32> to vector<1x16xf32>
        tpu.vector_store %arg10[%swap3A_829, %swap3A_830], %swap3A_833 {strides = array<i32>} : memref<64x128xf32, #tpu.memory_space<vmem>>, vector<1x16xf32>,
        %mul3A_834 = arith.constant 8 : i32
        %mul3A_835 = arith.muli %scan3A_491, %mul3A_834 : i32
        %add3A_836 = arith.constant 4 : i32
        %add3A_837 = arith.addi %mul3A_835, %add3A_836 : i32
        %get3A_838 = arith.index_cast %add3A_837 : i32 to index
        %get3A_839 = arith.constant 0 : index
        %get3A_840 = tpu.vector_load %arg6[%get3A_838, %get3A_839] {strides = array<i32>} : memref<64x128xf32, #tpu.memory_space<vmem>>, vector<1x16xf32>,
        %get3A_841 = vector.shape_cast %get3A_840 : vector<1x16xf32> to vector<16xf32>
        %add3A_842 = arith.addf %add3A_758, %get3A_841 : vector<16xf32>
        %swap3A_843 = arith.index_cast %add3A_837 : i32 to index
        %swap3A_844 = arith.constant 0 : index
        %swap3A_845 = tpu.vector_load %arg10[%swap3A_843, %swap3A_844] {strides = array<i32>} : memref<64x128xf32, #tpu.memory_space<vmem>>, vector<1x16xf32>,
        %swap3A_846 = vector.shape_cast %swap3A_845 : vector<1x16xf32> to vector<16xf32>
        %swap3A_847 = vector.shape_cast %add3A_842 : vector<16xf32> to vector<1x16xf32>
        tpu.vector_store %arg10[%swap3A_843, %swap3A_844], %swap3A_847 {strides = array<i32>} : memref<64x128xf32, #tpu.memory_space<vmem>>, vector<1x16xf32>,
        %get3A_848 = arith.index_cast %add3A_837 : i32 to index
        %get3A_849 = arith.constant 16 : index
        %get3A_850 = tpu.vector_load %arg6[%get3A_848, %get3A_849] {strides = array<i32>} : memref<64x128xf32, #tpu.memory_space<vmem>>, vector<1x16xf32>,
        %get3A_851 = vector.shape_cast %get3A_850 : vector<1x16xf32> to vector<16xf32>
        %add3A_852 = arith.addf %add3A_768, %get3A_851 : vector<16xf32>
        %swap3A_853 = arith.index_cast %add3A_837 : i32 to index
        %swap3A_854 = arith.constant 16 : index
        %swap3A_855 = tpu.vector_load %arg10[%swap3A_853, %swap3A_854] {strides = array<i32>} : memref<64x128xf32, #tpu.memory_space<vmem>>, vector<1x16xf32>,
        %swap3A_856 = vector.shape_cast %swap3A_855 : vector<1x16xf32> to vector<16xf32>
        %swap3A_857 = vector.shape_cast %add3A_852 : vector<16xf32> to vector<1x16xf32>
        tpu.vector_store %arg10[%swap3A_853, %swap3A_854], %swap3A_857 {strides = array<i32>} : memref<64x128xf32, #tpu.memory_space<vmem>>, vector<1x16xf32>,
        %get3A_858 = arith.index_cast %add3A_837 : i32 to index
        %get3A_859 = arith.constant 32 : index
        %get3A_860 = tpu.vector_load %arg6[%get3A_858, %get3A_859] {strides = array<i32>} : memref<64x128xf32, #tpu.memory_space<vmem>>, vector<1x16xf32>,
        %get3A_861 = vector.shape_cast %get3A_860 : vector<1x16xf32> to vector<16xf32>
        %add3A_862 = arith.addf %add3A_778, %get3A_861 : vector<16xf32>
        %swap3A_863 = arith.index_cast %add3A_837 : i32 to index
        %swap3A_864 = arith.constant 32 : index
        %swap3A_865 = tpu.vector_load %arg10[%swap3A_863, %swap3A_864] {strides = array<i32>} : memref<64x128xf32, #tpu.memory_space<vmem>>, vector<1x16xf32>,
        %swap3A_866 = vector.shape_cast %swap3A_865 : vector<1x16xf32> to vector<16xf32>
        %swap3A_867 = vector.shape_cast %add3A_862 : vector<16xf32> to vector<1x16xf32>
        tpu.vector_store %arg10[%swap3A_863, %swap3A_864], %swap3A_867 {strides = array<i32>} : memref<64x128xf32, #tpu.memory_space<vmem>>, vector<1x16xf32>,
        %get3A_868 = arith.index_cast %add3A_837 : i32 to index
        %get3A_869 = arith.constant 48 : index
        %get3A_870 = tpu.vector_load %arg6[%get3A_868, %get3A_869] {strides = array<i32>} : memref<64x128xf32, #tpu.memory_space<vmem>>, vector<1x16xf32>,
        %get3A_871 = vector.shape_cast %get3A_870 : vector<1x16xf32> to vector<16xf32>
        %add3A_872 = arith.addf %add3A_788, %get3A_871 : vector<16xf32>
        %swap3A_873 = arith.index_cast %add3A_837 : i32 to index
        %swap3A_874 = arith.constant 48 : index
        %swap3A_875 = tpu.vector_load %arg10[%swap3A_873, %swap3A_874] {strides = array<i32>} : memref<64x128xf32, #tpu.memory_space<vmem>>, vector<1x16xf32>,
        %swap3A_876 = vector.shape_cast %swap3A_875 : vector<1x16xf32> to vector<16xf32>
        %swap3A_877 = vector.shape_cast %add3A_872 : vector<16xf32> to vector<1x16xf32>
        tpu.vector_store %arg10[%swap3A_873, %swap3A_874], %swap3A_877 {strides = array<i32>} : memref<64x128xf32, #tpu.memory_space<vmem>>, vector<1x16xf32>,
        %get3A_878 = arith.index_cast %add3A_837 : i32 to index
        %get3A_879 = arith.constant 64 : index
        %get3A_880 = tpu.vector_load %arg6[%get3A_878, %get3A_879] {strides = array<i32>} : memref<64x128xf32, #tpu.memory_space<vmem>>, vector<1x16xf32>,
        %get3A_881 = vector.shape_cast %get3A_880 : vector<1x16xf32> to vector<16xf32>
        %add3A_882 = arith.addf %add3A_798, %get3A_881 : vector<16xf32>
        %swap3A_883 = arith.index_cast %add3A_837 : i32 to index
        %swap3A_884 = arith.constant 64 : index
        %swap3A_885 = tpu.vector_load %arg10[%swap3A_883, %swap3A_884] {strides = array<i32>} : memref<64x128xf32, #tpu.memory_space<vmem>>, vector<1x16xf32>,
        %swap3A_886 = vector.shape_cast %swap3A_885 : vector<1x16xf32> to vector<16xf32>
        %swap3A_887 = vector.shape_cast %add3A_882 : vector<16xf32> to vector<1x16xf32>
        tpu.vector_store %arg10[%swap3A_883, %swap3A_884], %swap3A_887 {strides = array<i32>} : memref<64x128xf32, #tpu.memory_space<vmem>>, vector<1x16xf32>,
        %get3A_888 = arith.index_cast %add3A_837 : i32 to index
        %get3A_889 = arith.constant 80 : index
        %get3A_890 = tpu.vector_load %arg6[%get3A_888, %get3A_889] {strides = array<i32>} : memref<64x128xf32, #tpu.memory_space<vmem>>, vector<1x16xf32>,
        %get3A_891 = vector.shape_cast %get3A_890 : vector<1x16xf32> to vector<16xf32>
        %add3A_892 = arith.addf %add3A_808, %get3A_891 : vector<16xf32>
        %swap3A_893 = arith.index_cast %add3A_837 : i32 to index
        %swap3A_894 = arith.constant 80 : index
        %swap3A_895 = tpu.vector_load %arg10[%swap3A_893, %swap3A_894] {strides = array<i32>} : memref<64x128xf32, #tpu.memory_space<vmem>>, vector<1x16xf32>,
        %swap3A_896 = vector.shape_cast %swap3A_895 : vector<1x16xf32> to vector<16xf32>
        %swap3A_897 = vector.shape_cast %add3A_892 : vector<16xf32> to vector<1x16xf32>
        tpu.vector_store %arg10[%swap3A_893, %swap3A_894], %swap3A_897 {strides = array<i32>} : memref<64x128xf32, #tpu.memory_space<vmem>>, vector<1x16xf32>,
        %get3A_898 = arith.index_cast %add3A_837 : i32 to index
        %get3A_899 = arith.constant 96 : index
        %get3A_900 = tpu.vector_load %arg6[%get3A_898, %get3A_899] {strides = array<i32>} : memref<64x128xf32, #tpu.memory_space<vmem>>, vector<1x16xf32>,
        %get3A_901 = vector.shape_cast %get3A_900 : vector<1x16xf32> to vector<16xf32>
        %add3A_902 = arith.addf %add3A_818, %get3A_901 : vector<16xf32>
        %swap3A_903 = arith.index_cast %add3A_837 : i32 to index
        %swap3A_904 = arith.constant 96 : index
        %swap3A_905 = tpu.vector_load %arg10[%swap3A_903, %swap3A_904] {strides = array<i32>} : memref<64x128xf32, #tpu.memory_space<vmem>>, vector<1x16xf32>,
        %swap3A_906 = vector.shape_cast %swap3A_905 : vector<1x16xf32> to vector<16xf32>
        %swap3A_907 = vector.shape_cast %add3A_902 : vector<16xf32> to vector<1x16xf32>
        tpu.vector_store %arg10[%swap3A_903, %swap3A_904], %swap3A_907 {strides = array<i32>} : memref<64x128xf32, #tpu.memory_space<vmem>>, vector<1x16xf32>,
        %get3A_908 = arith.index_cast %add3A_837 : i32 to index
        %get3A_909 = arith.constant 112 : index
        %get3A_910 = tpu.vector_load %arg6[%get3A_908, %get3A_909] {strides = array<i32>} : memref<64x128xf32, #tpu.memory_space<vmem>>, vector<1x16xf32>,
        %get3A_911 = vector.shape_cast %get3A_910 : vector<1x16xf32> to vector<16xf32>
        %add3A_912 = arith.addf %add3A_828, %get3A_911 : vector<16xf32>
        %swap3A_913 = arith.index_cast %add3A_837 : i32 to index
        %swap3A_914 = arith.constant 112 : index
        %swap3A_915 = tpu.vector_load %arg10[%swap3A_913, %swap3A_914] {strides = array<i32>} : memref<64x128xf32, #tpu.memory_space<vmem>>, vector<1x16xf32>,
        %swap3A_916 = vector.shape_cast %swap3A_915 : vector<1x16xf32> to vector<16xf32>
        %swap3A_917 = vector.shape_cast %add3A_912 : vector<16xf32> to vector<1x16xf32>
        tpu.vector_store %arg10[%swap3A_913, %swap3A_914], %swap3A_917 {strides = array<i32>} : memref<64x128xf32, #tpu.memory_space<vmem>>, vector<1x16xf32>,
        %mul3A_918 = arith.constant 8 : i32
        %mul3A_919 = arith.muli %scan3A_491, %mul3A_918 : i32
        %add3A_920 = arith.constant 5 : i32
        %add3A_921 = arith.addi %mul3A_919, %add3A_920 : i32
        %get3A_922 = arith.index_cast %add3A_921 : i32 to index
        %get3A_923 = arith.constant 0 : index
        %get3A_924 = tpu.vector_load %arg6[%get3A_922, %get3A_923] {strides = array<i32>} : memref<64x128xf32, #tpu.memory_space<vmem>>, vector<1x16xf32>,
        %get3A_925 = vector.shape_cast %get3A_924 : vector<1x16xf32> to vector<16xf32>
        %add3A_926 = arith.addf %add3A_842, %get3A_925 : vector<16xf32>
        %swap3A_927 = arith.index_cast %add3A_921 : i32 to index
        %swap3A_928 = arith.constant 0 : index
        %swap3A_929 = tpu.vector_load %arg10[%swap3A_927, %swap3A_928] {strides = array<i32>} : memref<64x128xf32, #tpu.memory_space<vmem>>, vector<1x16xf32>,
        %swap3A_930 = vector.shape_cast %swap3A_929 : vector<1x16xf32> to vector<16xf32>
        %swap3A_931 = vector.shape_cast %add3A_926 : vector<16xf32> to vector<1x16xf32>
        tpu.vector_store %arg10[%swap3A_927, %swap3A_928], %swap3A_931 {strides = array<i32>} : memref<64x128xf32, #tpu.memory_space<vmem>>, vector<1x16xf32>,
        %get3A_932 = arith.index_cast %add3A_921 : i32 to index
        %get3A_933 = arith.constant 16 : index
        %get3A_934 = tpu.vector_load %arg6[%get3A_932, %get3A_933] {strides = array<i32>} : memref<64x128xf32, #tpu.memory_space<vmem>>, vector<1x16xf32>,
        %get3A_935 = vector.shape_cast %get3A_934 : vector<1x16xf32> to vector<16xf32>
        %add3A_936 = arith.addf %add3A_852, %get3A_935 : vector<16xf32>
        %swap3A_937 = arith.index_cast %add3A_921 : i32 to index
        %swap3A_938 = arith.constant 16 : index
        %swap3A_939 = tpu.vector_load %arg10[%swap3A_937, %swap3A_938] {strides = array<i32>} : memref<64x128xf32, #tpu.memory_space<vmem>>, vector<1x16xf32>,
        %swap3A_940 = vector.shape_cast %swap3A_939 : vector<1x16xf32> to vector<16xf32>
        %swap3A_941 = vector.shape_cast %add3A_936 : vector<16xf32> to vector<1x16xf32>
        tpu.vector_store %arg10[%swap3A_937, %swap3A_938], %swap3A_941 {strides = array<i32>} : memref<64x128xf32, #tpu.memory_space<vmem>>, vector<1x16xf32>,
        %get3A_942 = arith.index_cast %add3A_921 : i32 to index
        %get3A_943 = arith.constant 32 : index
        %get3A_944 = tpu.vector_load %arg6[%get3A_942, %get3A_943] {strides = array<i32>} : memref<64x128xf32, #tpu.memory_space<vmem>>, vector<1x16xf32>,
        %get3A_945 = vector.shape_cast %get3A_944 : vector<1x16xf32> to vector<16xf32>
        %add3A_946 = arith.addf %add3A_862, %get3A_945 : vector<16xf32>
        %swap3A_947 = arith.index_cast %add3A_921 : i32 to index
        %swap3A_948 = arith.constant 32 : index
        %swap3A_949 = tpu.vector_load %arg10[%swap3A_947, %swap3A_948] {strides = array<i32>} : memref<64x128xf32, #tpu.memory_space<vmem>>, vector<1x16xf32>,
        %swap3A_950 = vector.shape_cast %swap3A_949 : vector<1x16xf32> to vector<16xf32>
        %swap3A_951 = vector.shape_cast %add3A_946 : vector<16xf32> to vector<1x16xf32>
        tpu.vector_store %arg10[%swap3A_947, %swap3A_948], %swap3A_951 {strides = array<i32>} : memref<64x128xf32, #tpu.memory_space<vmem>>, vector<1x16xf32>,
        %get3A_952 = arith.index_cast %add3A_921 : i32 to index
        %get3A_953 = arith.constant 48 : index
        %get3A_954 = tpu.vector_load %arg6[%get3A_952, %get3A_953] {strides = array<i32>} : memref<64x128xf32, #tpu.memory_space<vmem>>, vector<1x16xf32>,
        %get3A_955 = vector.shape_cast %get3A_954 : vector<1x16xf32> to vector<16xf32>
        %add3A_956 = arith.addf %add3A_872, %get3A_955 : vector<16xf32>
        %swap3A_957 = arith.index_cast %add3A_921 : i32 to index
        %swap3A_958 = arith.constant 48 : index
        %swap3A_959 = tpu.vector_load %arg10[%swap3A_957, %swap3A_958] {strides = array<i32>} : memref<64x128xf32, #tpu.memory_space<vmem>>, vector<1x16xf32>,
        %swap3A_960 = vector.shape_cast %swap3A_959 : vector<1x16xf32> to vector<16xf32>
        %swap3A_961 = vector.shape_cast %add3A_956 : vector<16xf32> to vector<1x16xf32>
        tpu.vector_store %arg10[%swap3A_957, %swap3A_958], %swap3A_961 {strides = array<i32>} : memref<64x128xf32, #tpu.memory_space<vmem>>, vector<1x16xf32>,
        %get3A_962 = arith.index_cast %add3A_921 : i32 to index
        %get3A_963 = arith.constant 64 : index
        %get3A_964 = tpu.vector_load %arg6[%get3A_962, %get3A_963] {strides = array<i32>} : memref<64x128xf32, #tpu.memory_space<vmem>>, vector<1x16xf32>,
        %get3A_965 = vector.shape_cast %get3A_964 : vector<1x16xf32> to vector<16xf32>
        %add3A_966 = arith.addf %add3A_882, %get3A_965 : vector<16xf32>
        %swap3A_967 = arith.index_cast %add3A_921 : i32 to index
        %swap3A_968 = arith.constant 64 : index
        %swap3A_969 = tpu.vector_load %arg10[%swap3A_967, %swap3A_968] {strides = array<i32>} : memref<64x128xf32, #tpu.memory_space<vmem>>, vector<1x16xf32>,
        %swap3A_970 = vector.shape_cast %swap3A_969 : vector<1x16xf32> to vector<16xf32>
        %swap3A_971 = vector.shape_cast %add3A_966 : vector<16xf32> to vector<1x16xf32>
        tpu.vector_store %arg10[%swap3A_967, %swap3A_968], %swap3A_971 {strides = array<i32>} : memref<64x128xf32, #tpu.memory_space<vmem>>, vector<1x16xf32>,
        %get3A_972 = arith.index_cast %add3A_921 : i32 to index
        %get3A_973 = arith.constant 80 : index
        %get3A_974 = tpu.vector_load %arg6[%get3A_972, %get3A_973] {strides = array<i32>} : memref<64x128xf32, #tpu.memory_space<vmem>>, vector<1x16xf32>,
        %get3A_975 = vector.shape_cast %get3A_974 : vector<1x16xf32> to vector<16xf32>
        %add3A_976 = arith.addf %add3A_892, %get3A_975 : vector<16xf32>
        %swap3A_977 = arith.index_cast %add3A_921 : i32 to index
        %swap3A_978 = arith.constant 80 : index
        %swap3A_979 = tpu.vector_load %arg10[%swap3A_977, %swap3A_978] {strides = array<i32>} : memref<64x128xf32, #tpu.memory_space<vmem>>, vector<1x16xf32>,
        %swap3A_980 = vector.shape_cast %swap3A_979 : vector<1x16xf32> to vector<16xf32>
        %swap3A_981 = vector.shape_cast %add3A_976 : vector<16xf32> to vector<1x16xf32>
        tpu.vector_store %arg10[%swap3A_977, %swap3A_978], %swap3A_981 {strides = array<i32>} : memref<64x128xf32, #tpu.memory_space<vmem>>, vector<1x16xf32>,
        %get3A_982 = arith.index_cast %add3A_921 : i32 to index
        %get3A_983 = arith.constant 96 : index
        %get3A_984 = tpu.vector_load %arg6[%get3A_982, %get3A_983] {strides = array<i32>} : memref<64x128xf32, #tpu.memory_space<vmem>>, vector<1x16xf32>,
        %get3A_985 = vector.shape_cast %get3A_984 : vector<1x16xf32> to vector<16xf32>
        %add3A_986 = arith.addf %add3A_902, %get3A_985 : vector<16xf32>
        %swap3A_987 = arith.index_cast %add3A_921 : i32 to index
        %swap3A_988 = arith.constant 96 : index
        %swap3A_989 = tpu.vector_load %arg10[%swap3A_987, %swap3A_988] {strides = array<i32>} : memref<64x128xf32, #tpu.memory_space<vmem>>, vector<1x16xf32>,
        %swap3A_990 = vector.shape_cast %swap3A_989 : vector<1x16xf32> to vector<16xf32>
        %swap3A_991 = vector.shape_cast %add3A_986 : vector<16xf32> to vector<1x16xf32>
        tpu.vector_store %arg10[%swap3A_987, %swap3A_988], %swap3A_991 {strides = array<i32>} : memref<64x128xf32, #tpu.memory_space<vmem>>, vector<1x16xf32>,
        %get3A_992 = arith.index_cast %add3A_921 : i32 to index
        %get3A_993 = arith.constant 112 : index
        %get3A_994 = tpu.vector_load %arg6[%get3A_992, %get3A_993] {strides = array<i32>} : memref<64x128xf32, #tpu.memory_space<vmem>>, vector<1x16xf32>,
        %get3A_995 = vector.shape_cast %get3A_994 : vector<1x16xf32> to vector<16xf32>
        %add3A_996 = arith.addf %add3A_912, %get3A_995 : vector<16xf32>
        %swap3A_997 = arith.index_cast %add3A_921 : i32 to index
        %swap3A_998 = arith.constant 112 : index
        %swap3A_999 = tpu.vector_load %arg10[%swap3A_997, %swap3A_998] {strides = array<i32>} : memref<64x128xf32, #tpu.memory_space<vmem>>, vector<1x16xf32>,
        %swap3A_1000 = vector.shape_cast %swap3A_999 : vector<1x16xf32> to vector<16xf32>
        %swap3A_1001 = vector.shape_cast %add3A_996 : vector<16xf32> to vector<1x16xf32>
        tpu.vector_store %arg10[%swap3A_997, %swap3A_998], %swap3A_1001 {strides = array<i32>} : memref<64x128xf32, #tpu.memory_space<vmem>>, vector<1x16xf32>,
        %mul3A_1002 = arith.constant 8 : i32
        %mul3A_1003 = arith.muli %scan3A_491, %mul3A_1002 : i32
        %add3A_1004 = arith.constant 6 : i32
        %add3A_1005 = arith.addi %mul3A_1003, %add3A_1004 : i32
        %get3A_1006 = arith.index_cast %add3A_1005 : i32 to index
        %get3A_1007 = arith.constant 0 : index
        %get3A_1008 = tpu.vector_load %arg6[%get3A_1006, %get3A_1007] {strides = array<i32>} : memref<64x128xf32, #tpu.memory_space<vmem>>, vector<1x16xf32>,
        %get3A_1009 = vector.shape_cast %get3A_1008 : vector<1x16xf32> to vector<16xf32>
        %add3A_1010 = arith.addf %add3A_926, %get3A_1009 : vector<16xf32>
        %swap3A_1011 = arith.index_cast %add3A_1005 : i32 to index
        %swap3A_1012 = arith.constant 0 : index
        %swap3A_1013 = tpu.vector_load %arg10[%swap3A_1011, %swap3A_1012] {strides = array<i32>} : memref<64x128xf32, #tpu.memory_space<vmem>>, vector<1x16xf32>,
        %swap3A_1014 = vector.shape_cast %swap3A_1013 : vector<1x16xf32> to vector<16xf32>
        %swap3A_1015 = vector.shape_cast %add3A_1010 : vector<16xf32> to vector<1x16xf32>
        tpu.vector_store %arg10[%swap3A_1011, %swap3A_1012], %swap3A_1015 {strides = array<i32>} : memref<64x128xf32, #tpu.memory_space<vmem>>, vector<1x16xf32>,
        %get3A_1016 = arith.index_cast %add3A_1005 : i32 to index
        %get3A_1017 = arith.constant 16 : index
        %get3A_1018 = tpu.vector_load %arg6[%get3A_1016, %get3A_1017] {strides = array<i32>} : memref<64x128xf32, #tpu.memory_space<vmem>>, vector<1x16xf32>,
        %get3A_1019 = vector.shape_cast %get3A_1018 : vector<1x16xf32> to vector<16xf32>
        %add3A_1020 = arith.addf %add3A_936, %get3A_1019 : vector<16xf32>
        %swap3A_1021 = arith.index_cast %add3A_1005 : i32 to index
        %swap3A_1022 = arith.constant 16 : index
        %swap3A_1023 = tpu.vector_load %arg10[%swap3A_1021, %swap3A_1022] {strides = array<i32>} : memref<64x128xf32, #tpu.memory_space<vmem>>, vector<1x16xf32>,
        %swap3A_1024 = vector.shape_cast %swap3A_1023 : vector<1x16xf32> to vector<16xf32>
        %swap3A_1025 = vector.shape_cast %add3A_1020 : vector<16xf32> to vector<1x16xf32>
        tpu.vector_store %arg10[%swap3A_1021, %swap3A_1022], %swap3A_1025 {strides = array<i32>} : memref<64x128xf32, #tpu.memory_space<vmem>>, vector<1x16xf32>,
        %get3A_1026 = arith.index_cast %add3A_1005 : i32 to index
        %get3A_1027 = arith.constant 32 : index
        %get3A_1028 = tpu.vector_load %arg6[%get3A_1026, %get3A_1027] {strides = array<i32>} : memref<64x128xf32, #tpu.memory_space<vmem>>, vector<1x16xf32>,
        %get3A_1029 = vector.shape_cast %get3A_1028 : vector<1x16xf32> to vector<16xf32>
        %add3A_1030 = arith.addf %add3A_946, %get3A_1029 : vector<16xf32>
        %swap3A_1031 = arith.index_cast %add3A_1005 : i32 to index
        %swap3A_1032 = arith.constant 32 : index
        %swap3A_1033 = tpu.vector_load %arg10[%swap3A_1031, %swap3A_1032] {strides = array<i32>} : memref<64x128xf32, #tpu.memory_space<vmem>>, vector<1x16xf32>,
        %swap3A_1034 = vector.shape_cast %swap3A_1033 : vector<1x16xf32> to vector<16xf32>
        %swap3A_1035 = vector.shape_cast %add3A_1030 : vector<16xf32> to vector<1x16xf32>
        tpu.vector_store %arg10[%swap3A_1031, %swap3A_1032], %swap3A_1035 {strides = array<i32>} : memref<64x128xf32, #tpu.memory_space<vmem>>, vector<1x16xf32>,
        %get3A_1036 = arith.index_cast %add3A_1005 : i32 to index
        %get3A_1037 = arith.constant 48 : index
        %get3A_1038 = tpu.vector_load %arg6[%get3A_1036, %get3A_1037] {strides = array<i32>} : memref<64x128xf32, #tpu.memory_space<vmem>>, vector<1x16xf32>,
        %get3A_1039 = vector.shape_cast %get3A_1038 : vector<1x16xf32> to vector<16xf32>
        %add3A_1040 = arith.addf %add3A_956, %get3A_1039 : vector<16xf32>
        %swap3A_1041 = arith.index_cast %add3A_1005 : i32 to index
        %swap3A_1042 = arith.constant 48 : index
        %swap3A_1043 = tpu.vector_load %arg10[%swap3A_1041, %swap3A_1042] {strides = array<i32>} : memref<64x128xf32, #tpu.memory_space<vmem>>, vector<1x16xf32>,
        %swap3A_1044 = vector.shape_cast %swap3A_1043 : vector<1x16xf32> to vector<16xf32>
        %swap3A_1045 = vector.shape_cast %add3A_1040 : vector<16xf32> to vector<1x16xf32>
        tpu.vector_store %arg10[%swap3A_1041, %swap3A_1042], %swap3A_1045 {strides = array<i32>} : memref<64x128xf32, #tpu.memory_space<vmem>>, vector<1x16xf32>,
        %get3A_1046 = arith.index_cast %add3A_1005 : i32 to index
        %get3A_1047 = arith.constant 64 : index
        %get3A_1048 = tpu.vector_load %arg6[%get3A_1046, %get3A_1047] {strides = array<i32>} : memref<64x128xf32, #tpu.memory_space<vmem>>, vector<1x16xf32>,
        %get3A_1049 = vector.shape_cast %get3A_1048 : vector<1x16xf32> to vector<16xf32>
        %add3A_1050 = arith.addf %add3A_966, %get3A_1049 : vector<16xf32>
        %swap3A_1051 = arith.index_cast %add3A_1005 : i32 to index
        %swap3A_1052 = arith.constant 64 : index
        %swap3A_1053 = tpu.vector_load %arg10[%swap3A_1051, %swap3A_1052] {strides = array<i32>} : memref<64x128xf32, #tpu.memory_space<vmem>>, vector<1x16xf32>,
        %swap3A_1054 = vector.shape_cast %swap3A_1053 : vector<1x16xf32> to vector<16xf32>
        %swap3A_1055 = vector.shape_cast %add3A_1050 : vector<16xf32> to vector<1x16xf32>
        tpu.vector_store %arg10[%swap3A_1051, %swap3A_1052], %swap3A_1055 {strides = array<i32>} : memref<64x128xf32, #tpu.memory_space<vmem>>, vector<1x16xf32>,
        %get3A_1056 = arith.index_cast %add3A_1005 : i32 to index
        %get3A_1057 = arith.constant 80 : index
        %get3A_1058 = tpu.vector_load %arg6[%get3A_1056, %get3A_1057] {strides = array<i32>} : memref<64x128xf32, #tpu.memory_space<vmem>>, vector<1x16xf32>,
        %get3A_1059 = vector.shape_cast %get3A_1058 : vector<1x16xf32> to vector<16xf32>
        %add3A_1060 = arith.addf %add3A_976, %get3A_1059 : vector<16xf32>
        %swap3A_1061 = arith.index_cast %add3A_1005 : i32 to index
        %swap3A_1062 = arith.constant 80 : index
        %swap3A_1063 = tpu.vector_load %arg10[%swap3A_1061, %swap3A_1062] {strides = array<i32>} : memref<64x128xf32, #tpu.memory_space<vmem>>, vector<1x16xf32>,
        %swap3A_1064 = vector.shape_cast %swap3A_1063 : vector<1x16xf32> to vector<16xf32>
        %swap3A_1065 = vector.shape_cast %add3A_1060 : vector<16xf32> to vector<1x16xf32>
        tpu.vector_store %arg10[%swap3A_1061, %swap3A_1062], %swap3A_1065 {strides = array<i32>} : memref<64x128xf32, #tpu.memory_space<vmem>>, vector<1x16xf32>,
        %get3A_1066 = arith.index_cast %add3A_1005 : i32 to index
        %get3A_1067 = arith.constant 96 : index
        %get3A_1068 = tpu.vector_load %arg6[%get3A_1066, %get3A_1067] {strides = array<i32>} : memref<64x128xf32, #tpu.memory_space<vmem>>, vector<1x16xf32>,
        %get3A_1069 = vector.shape_cast %get3A_1068 : vector<1x16xf32> to vector<16xf32>
        %add3A_1070 = arith.addf %add3A_986, %get3A_1069 : vector<16xf32>
        %swap3A_1071 = arith.index_cast %add3A_1005 : i32 to index
        %swap3A_1072 = arith.constant 96 : index
        %swap3A_1073 = tpu.vector_load %arg10[%swap3A_1071, %swap3A_1072] {strides = array<i32>} : memref<64x128xf32, #tpu.memory_space<vmem>>, vector<1x16xf32>,
        %swap3A_1074 = vector.shape_cast %swap3A_1073 : vector<1x16xf32> to vector<16xf32>
        %swap3A_1075 = vector.shape_cast %add3A_1070 : vector<16xf32> to vector<1x16xf32>
        tpu.vector_store %arg10[%swap3A_1071, %swap3A_1072], %swap3A_1075 {strides = array<i32>} : memref<64x128xf32, #tpu.memory_space<vmem>>, vector<1x16xf32>,
        %get3A_1076 = arith.index_cast %add3A_1005 : i32 to index
        %get3A_1077 = arith.constant 112 : index
        %get3A_1078 = tpu.vector_load %arg6[%get3A_1076, %get3A_1077] {strides = array<i32>} : memref<64x128xf32, #tpu.memory_space<vmem>>, vector<1x16xf32>,
        %get3A_1079 = vector.shape_cast %get3A_1078 : vector<1x16xf32> to vector<16xf32>
        %add3A_1080 = arith.addf %add3A_996, %get3A_1079 : vector<16xf32>
        %swap3A_1081 = arith.index_cast %add3A_1005 : i32 to index
        %swap3A_1082 = arith.constant 112 : index
        %swap3A_1083 = tpu.vector_load %arg10[%swap3A_1081, %swap3A_1082] {strides = array<i32>} : memref<64x128xf32, #tpu.memory_space<vmem>>, vector<1x16xf32>,
        %swap3A_1084 = vector.shape_cast %swap3A_1083 : vector<1x16xf32> to vector<16xf32>
        %swap3A_1085 = vector.shape_cast %add3A_1080 : vector<16xf32> to vector<1x16xf32>
        tpu.vector_store %arg10[%swap3A_1081, %swap3A_1082], %swap3A_1085 {strides = array<i32>} : memref<64x128xf32, #tpu.memory_space<vmem>>, vector<1x16xf32>,
        %mul3A_1086 = arith.constant 8 : i32
        %mul3A_1087 = arith.muli %scan3A_491, %mul3A_1086 : i32
        %add3A_1088 = arith.constant 7 : i32
        %add3A_1089 = arith.addi %mul3A_1087, %add3A_1088 : i32
        %get3A_1090 = arith.index_cast %add3A_1089 : i32 to index
        %get3A_1091 = arith.constant 0 : index
        %get3A_1092 = tpu.vector_load %arg6[%get3A_1090, %get3A_1091] {strides = array<i32>} : memref<64x128xf32, #tpu.memory_space<vmem>>, vector<1x16xf32>,
        %get3A_1093 = vector.shape_cast %get3A_1092 : vector<1x16xf32> to vector<16xf32>
        %add3A_1094 = arith.addf %add3A_1010, %get3A_1093 : vector<16xf32>
        %swap3A_1095 = arith.index_cast %add3A_1089 : i32 to index
        %swap3A_1096 = arith.constant 0 : index
        %swap3A_1097 = tpu.vector_load %arg10[%swap3A_1095, %swap3A_1096] {strides = array<i32>} : memref<64x128xf32, #tpu.memory_space<vmem>>, vector<1x16xf32>,
        %swap3A_1098 = vector.shape_cast %swap3A_1097 : vector<1x16xf32> to vector<16xf32>
        %swap3A_1099 = vector.shape_cast %add3A_1094 : vector<16xf32> to vector<1x16xf32>
        tpu.vector_store %arg10[%swap3A_1095, %swap3A_1096], %swap3A_1099 {strides = array<i32>} : memref<64x128xf32, #tpu.memory_space<vmem>>, vector<1x16xf32>,
        %get3A_1100 = arith.index_cast %add3A_1089 : i32 to index
        %get3A_1101 = arith.constant 16 : index
        %get3A_1102 = tpu.vector_load %arg6[%get3A_1100, %get3A_1101] {strides = array<i32>} : memref<64x128xf32, #tpu.memory_space<vmem>>, vector<1x16xf32>,
        %get3A_1103 = vector.shape_cast %get3A_1102 : vector<1x16xf32> to vector<16xf32>
        %add3A_1104 = arith.addf %add3A_1020, %get3A_1103 : vector<16xf32>
        %swap3A_1105 = arith.index_cast %add3A_1089 : i32 to index
        %swap3A_1106 = arith.constant 16 : index
        %swap3A_1107 = tpu.vector_load %arg10[%swap3A_1105, %swap3A_1106] {strides = array<i32>} : memref<64x128xf32, #tpu.memory_space<vmem>>, vector<1x16xf32>,
        %swap3A_1108 = vector.shape_cast %swap3A_1107 : vector<1x16xf32> to vector<16xf32>
        %swap3A_1109 = vector.shape_cast %add3A_1104 : vector<16xf32> to vector<1x16xf32>
        tpu.vector_store %arg10[%swap3A_1105, %swap3A_1106], %swap3A_1109 {strides = array<i32>} : memref<64x128xf32, #tpu.memory_space<vmem>>, vector<1x16xf32>,
        %get3A_1110 = arith.index_cast %add3A_1089 : i32 to index
        %get3A_1111 = arith.constant 32 : index
        %get3A_1112 = tpu.vector_load %arg6[%get3A_1110, %get3A_1111] {strides = array<i32>} : memref<64x128xf32, #tpu.memory_space<vmem>>, vector<1x16xf32>,
        %get3A_1113 = vector.shape_cast %get3A_1112 : vector<1x16xf32> to vector<16xf32>
        %add3A_1114 = arith.addf %add3A_1030, %get3A_1113 : vector<16xf32>
        %swap3A_1115 = arith.index_cast %add3A_1089 : i32 to index
        %swap3A_1116 = arith.constant 32 : index
        %swap3A_1117 = tpu.vector_load %arg10[%swap3A_1115, %swap3A_1116] {strides = array<i32>} : memref<64x128xf32, #tpu.memory_space<vmem>>, vector<1x16xf32>,
        %swap3A_1118 = vector.shape_cast %swap3A_1117 : vector<1x16xf32> to vector<16xf32>
        %swap3A_1119 = vector.shape_cast %add3A_1114 : vector<16xf32> to vector<1x16xf32>
        tpu.vector_store %arg10[%swap3A_1115, %swap3A_1116], %swap3A_1119 {strides = array<i32>} : memref<64x128xf32, #tpu.memory_space<vmem>>, vector<1x16xf32>,
        %get3A_1120 = arith.index_cast %add3A_1089 : i32 to index
        %get3A_1121 = arith.constant 48 : index
        %get3A_1122 = tpu.vector_load %arg6[%get3A_1120, %get3A_1121] {strides = array<i32>} : memref<64x128xf32, #tpu.memory_space<vmem>>, vector<1x16xf32>,
        %get3A_1123 = vector.shape_cast %get3A_1122 : vector<1x16xf32> to vector<16xf32>
        %add3A_1124 = arith.addf %add3A_1040, %get3A_1123 : vector<16xf32>
        %swap3A_1125 = arith.index_cast %add3A_1089 : i32 to index
        %swap3A_1126 = arith.constant 48 : index
        %swap3A_1127 = tpu.vector_load %arg10[%swap3A_1125, %swap3A_1126] {strides = array<i32>} : memref<64x128xf32, #tpu.memory_space<vmem>>, vector<1x16xf32>,
        %swap3A_1128 = vector.shape_cast %swap3A_1127 : vector<1x16xf32> to vector<16xf32>
        %swap3A_1129 = vector.shape_cast %add3A_1124 : vector<16xf32> to vector<1x16xf32>
        tpu.vector_store %arg10[%swap3A_1125, %swap3A_1126], %swap3A_1129 {strides = array<i32>} : memref<64x128xf32, #tpu.memory_space<vmem>>, vector<1x16xf32>,
        %get3A_1130 = arith.index_cast %add3A_1089 : i32 to index
        %get3A_1131 = arith.constant 64 : index
        %get3A_1132 = tpu.vector_load %arg6[%get3A_1130, %get3A_1131] {strides = array<i32>} : memref<64x128xf32, #tpu.memory_space<vmem>>, vector<1x16xf32>,
        %get3A_1133 = vector.shape_cast %get3A_1132 : vector<1x16xf32> to vector<16xf32>
        %add3A_1134 = arith.addf %add3A_1050, %get3A_1133 : vector<16xf32>
        %swap3A_1135 = arith.index_cast %add3A_1089 : i32 to index
        %swap3A_1136 = arith.constant 64 : index
        %swap3A_1137 = tpu.vector_load %arg10[%swap3A_1135, %swap3A_1136] {strides = array<i32>} : memref<64x128xf32, #tpu.memory_space<vmem>>, vector<1x16xf32>,
        %swap3A_1138 = vector.shape_cast %swap3A_1137 : vector<1x16xf32> to vector<16xf32>
        %swap3A_1139 = vector.shape_cast %add3A_1134 : vector<16xf32> to vector<1x16xf32>
        tpu.vector_store %arg10[%swap3A_1135, %swap3A_1136], %swap3A_1139 {strides = array<i32>} : memref<64x128xf32, #tpu.memory_space<vmem>>, vector<1x16xf32>,
        %get3A_1140 = arith.index_cast %add3A_1089 : i32 to index
        %get3A_1141 = arith.constant 80 : index
        %get3A_1142 = tpu.vector_load %arg6[%get3A_1140, %get3A_1141] {strides = array<i32>} : memref<64x128xf32, #tpu.memory_space<vmem>>, vector<1x16xf32>,
        %get3A_1143 = vector.shape_cast %get3A_1142 : vector<1x16xf32> to vector<16xf32>
        %add3A_1144 = arith.addf %add3A_1060, %get3A_1143 : vector<16xf32>
        %swap3A_1145 = arith.index_cast %add3A_1089 : i32 to index
        %swap3A_1146 = arith.constant 80 : index
        %swap3A_1147 = tpu.vector_load %arg10[%swap3A_1145, %swap3A_1146] {strides = array<i32>} : memref<64x128xf32, #tpu.memory_space<vmem>>, vector<1x16xf32>,
        %swap3A_1148 = vector.shape_cast %swap3A_1147 : vector<1x16xf32> to vector<16xf32>
        %swap3A_1149 = vector.shape_cast %add3A_1144 : vector<16xf32> to vector<1x16xf32>
        tpu.vector_store %arg10[%swap3A_1145, %swap3A_1146], %swap3A_1149 {strides = array<i32>} : memref<64x128xf32, #tpu.memory_space<vmem>>, vector<1x16xf32>,
        %get3A_1150 = arith.index_cast %add3A_1089 : i32 to index
        %get3A_1151 = arith.constant 96 : index
        %get3A_1152 = tpu.vector_load %arg6[%get3A_1150, %get3A_1151] {strides = array<i32>} : memref<64x128xf32, #tpu.memory_space<vmem>>, vector<1x16xf32>,
        %get3A_1153 = vector.shape_cast %get3A_1152 : vector<1x16xf32> to vector<16xf32>
        %add3A_1154 = arith.addf %add3A_1070, %get3A_1153 : vector<16xf32>
        %swap3A_1155 = arith.index_cast %add3A_1089 : i32 to index
        %swap3A_1156 = arith.constant 96 : index
        %swap3A_1157 = tpu.vector_load %arg10[%swap3A_1155, %swap3A_1156] {strides = array<i32>} : memref<64x128xf32, #tpu.memory_space<vmem>>, vector<1x16xf32>,
        %swap3A_1158 = vector.shape_cast %swap3A_1157 : vector<1x16xf32> to vector<16xf32>
        %swap3A_1159 = vector.shape_cast %add3A_1154 : vector<16xf32> to vector<1x16xf32>
        tpu.vector_store %arg10[%swap3A_1155, %swap3A_1156], %swap3A_1159 {strides = array<i32>} : memref<64x128xf32, #tpu.memory_space<vmem>>, vector<1x16xf32>,
        %get3A_1160 = arith.index_cast %add3A_1089 : i32 to index
        %get3A_1161 = arith.constant 112 : index
        %get3A_1162 = tpu.vector_load %arg6[%get3A_1160, %get3A_1161] {strides = array<i32>} : memref<64x128xf32, #tpu.memory_space<vmem>>, vector<1x16xf32>,
        %get3A_1163 = vector.shape_cast %get3A_1162 : vector<1x16xf32> to vector<16xf32>
        %add3A_1164 = arith.addf %add3A_1080, %get3A_1163 : vector<16xf32>
        %swap3A_1165 = arith.index_cast %add3A_1089 : i32 to index
        %swap3A_1166 = arith.constant 112 : index
        %swap3A_1167 = tpu.vector_load %arg10[%swap3A_1165, %swap3A_1166] {strides = array<i32>} : memref<64x128xf32, #tpu.memory_space<vmem>>, vector<1x16xf32>,
        %swap3A_1168 = vector.shape_cast %swap3A_1167 : vector<1x16xf32> to vector<16xf32>
        %swap3A_1169 = vector.shape_cast %add3A_1164 : vector<16xf32> to vector<1x16xf32>
        tpu.vector_store %arg10[%swap3A_1165, %swap3A_1166], %swap3A_1169 {strides = array<i32>} : memref<64x128xf32, #tpu.memory_space<vmem>>, vector<1x16xf32>,
        scf.yield %add3A_1094, %add3A_1104, %add3A_1114, %add3A_1124, %add3A_1134, %add3A_1144, %add3A_1154, %add3A_1164 : vector<16xf32>, vector<16xf32>, vector<16xf32>, vector<16xf32>, vector<16xf32>, vector<16xf32>, vector<16xf32>, vector<16xf32>
      }
      %scan3A_355 = arith.constant 8 : i32
      %jit3A_356 = arith.constant 32 : i32
      %div3A_357 = arith.divsi %add3A_308, %jit3A_356 : i32
      %sign3A_358 = arith.constant 0 : i32
      %sign3A_359 = arith.cmpi sgt, %add3A_308, %sign3A_358 : i32
      %sign3A_360 = arith.extui %sign3A_359 : i1 to i32
      %sign3A_361 = arith.constant 0 : i32
      %sign3A_362 = arith.cmpi slt, %add3A_308, %sign3A_361 : i32
      %sign3A_363 = arith.extui %sign3A_362 : i1 to i32
      %sign3A_364 = arith.subi %sign3A_360, %sign3A_363 : i32
      %sign3A_365 = arith.constant 0 : i32
      %sign3A_366 = arith.cmpi sgt, %jit3A_356, %sign3A_365 : i32
      %sign3A_367 = arith.extui %sign3A_366 : i1 to i32
      %sign3A_368 = arith.constant 0 : i32
      %sign3A_369 = arith.cmpi slt, %jit3A_356, %sign3A_368 : i32
      %sign3A_370 = arith.extui %sign3A_369 : i1 to i32
      %sign3A_371 = arith.subi %sign3A_367, %sign3A_370 : i32
      %ne3A_372 = arith.cmpi ne, %sign3A_364, %sign3A_371 : i32
      %rem3A_373 = arith.remsi %add3A_308, %jit3A_356 : i32
      %ne3A_374 = arith.constant 0 : i32
      %ne3A_375 = arith.cmpi ne, %rem3A_373, %ne3A_374 : i32
      %and3A_376 = arith.andi %ne3A_372, %ne3A_375 : i1
      %sub3A_377 = arith.constant 1 : i32
      %sub3A_378 = arith.subi %div3A_357, %sub3A_377 : i32
      %select_n3A_379 = arith.select %and3A_376, %sub3A_378, %div3A_357 : i32
      %rem3A_380 = arith.constant 32 : i32
      %rem3A_381 = arith.remsi %add3A_308, %rem3A_380 : i32
      %mul3A_382 = arith.constant 64 : i32
      %mul3A_383 = arith.muli %rem3A_381, %mul3A_382 : i32
      %mul3A_384 = arith.constant 128 : i32
      %mul3A_385 = arith.muli %select_n3A_379, %mul3A_384 : i32
      %add3A_386 = arith.addi %mul3A_32, %mul3A_385 : i32
      %dma_start3A_387 = tpu.memref_slice %arg3[%select_n3A, %mul3A_383, %add3A_386] : memref<4x2048x4096xf32, #tpu.memory_space<hbm>> -> memref<1x64x128xf32, #tpu.memory_space<hbm>>
      %dma_start3A_388 = tpu.memref_squeeze %dma_start3A_387 : memref<1x64x128xf32, #tpu.memory_space<hbm>> -> memref<64x128xf32, #tpu.memory_space<hbm>>
      %dma_start3A_389 = tpu.memref_slice %arg3[%select_n3A, %mul3A_383, %add3A_386] : memref<4x2048x4096xf32, #tpu.memory_space<hbm>> -> memref<1x64x128xf32, #tpu.memory_space<hbm>>
      %dma_start3A_390 = tpu.memref_squeeze %dma_start3A_389 : memref<1x64x128xf32, #tpu.memory_space<hbm>> -> memref<64x128xf32, #tpu.memory_space<hbm>>
      tpu.enqueue_dma source(%arg10 : memref<64x128xf32, #tpu.memory_space<vmem>>) target(%dma_start3A_390 : memref<64x128xf32, #tpu.memory_space<hbm>>) target_semaphore(%arg18 : memref<!tpu.dma_semaphore, #tpu.memory_space<semaphore_mem>>)
      %add3A_391 = arith.constant 4 : i32
      %add3A_392 = arith.addi %add3A_308, %add3A_391 : i32
      %lt3A_393 = arith.constant 128 : i32
      %lt3A_394 = arith.cmpi slt, %add3A_392, %lt3A_393 : i32
      %convert_element_type3A_395 = arith.extui %lt3A_394 : i1 to i32
      %cond3A_396 = arith.constant 0 : i32
      %cond3A_397 = arith.cmpi ne, %convert_element_type3A_395, %cond3A_396 : i32
      scf.if %cond3A_397 {
        %add3A_491 = arith.constant 4 : i32
        %add3A_492 = arith.addi %add3A_308, %add3A_491 : i32
        %jit3A_493 = arith.constant 32 : i32
        %div3A_494 = arith.divsi %add3A_492, %jit3A_493 : i32
        %sign3A_495 = arith.constant 0 : i32
        %sign3A_496 = arith.cmpi sgt, %add3A_492, %sign3A_495 : i32
        %sign3A_497 = arith.extui %sign3A_496 : i1 to i32
        %sign3A_498 = arith.constant 0 : i32
        %sign3A_499 = arith.cmpi slt, %add3A_492, %sign3A_498 : i32
        %sign3A_500 = arith.extui %sign3A_499 : i1 to i32
        %sign3A_501 = arith.subi %sign3A_497, %sign3A_500 : i32
        %sign3A_502 = arith.constant 0 : i32
        %sign3A_503 = arith.cmpi sgt, %jit3A_493, %sign3A_502 : i32
        %sign3A_504 = arith.extui %sign3A_503 : i1 to i32
        %sign3A_505 = arith.constant 0 : i32
        %sign3A_506 = arith.cmpi slt, %jit3A_493, %sign3A_505 : i32
        %sign3A_507 = arith.extui %sign3A_506 : i1 to i32
        %sign3A_508 = arith.subi %sign3A_504, %sign3A_507 : i32
        %ne3A_509 = arith.cmpi ne, %sign3A_501, %sign3A_508 : i32
        %rem3A_510 = arith.remsi %add3A_492, %jit3A_493 : i32
        %ne3A_511 = arith.constant 0 : i32
        %ne3A_512 = arith.cmpi ne, %rem3A_510, %ne3A_511 : i32
        %and3A_513 = arith.andi %ne3A_509, %ne3A_512 : i1
        %sub3A_514 = arith.constant 1 : i32
        %sub3A_515 = arith.subi %div3A_494, %sub3A_514 : i32
        %select_n3A_516 = arith.select %and3A_513, %sub3A_515, %div3A_494 : i32
        %rem3A_517 = arith.constant 32 : i32
        %rem3A_518 = arith.remsi %add3A_492, %rem3A_517 : i32
        %mul3A_519 = arith.constant 64 : i32
        %mul3A_520 = arith.muli %rem3A_518, %mul3A_519 : i32
        %mul3A_521 = arith.constant 128 : i32
        %mul3A_522 = arith.muli %select_n3A_516, %mul3A_521 : i32
        %add3A_523 = arith.addi %mul3A_32, %mul3A_522 : i32
        %dma_start3A_524 = tpu.memref_slice %arg2[%select_n3A, %mul3A_520, %add3A_523] : memref<4x2048x4096xf32, #tpu.memory_space<hbm>> -> memref<1x64x128xf32, #tpu.memory_space<hbm>>
        %dma_start3A_525 = tpu.memref_squeeze %dma_start3A_524 : memref<1x64x128xf32, #tpu.memory_space<hbm>> -> memref<64x128xf32, #tpu.memory_space<hbm>>
        %dma_start3A_526 = tpu.memref_slice %arg2[%select_n3A, %mul3A_520, %add3A_523] : memref<4x2048x4096xf32, #tpu.memory_space<hbm>> -> memref<1x64x128xf32, #tpu.memory_space<hbm>>
        %dma_start3A_527 = tpu.memref_squeeze %dma_start3A_526 : memref<1x64x128xf32, #tpu.memory_space<hbm>> -> memref<64x128xf32, #tpu.memory_space<hbm>>
        tpu.enqueue_dma source(%dma_start3A_527 : memref<64x128xf32, #tpu.memory_space<hbm>>) target(%arg6 : memref<64x128xf32, #tpu.memory_space<vmem>>) target_semaphore(%arg14 : memref<!tpu.dma_semaphore, #tpu.memory_space<semaphore_mem>>)
      } else {
      }
      %mul3A_398 = arith.constant 4 : i32
      %mul3A_399 = arith.muli %scan3A_113, %mul3A_398 : i32
      %add3A_400 = arith.constant 3 : i32
      %add3A_401 = arith.addi %mul3A_399, %add3A_400 : i32
      %rem3A_402 = arith.constant 32 : i32
      %rem3A_403 = arith.remsi %add3A_401, %rem3A_402 : i32
      %dma_wait3A_404 = arith.constant 0 : i32
      %dma_wait3A_405 = arith.constant 0 : i32
      %dma_wait3A_406 = tpu.memref_slice %arg2[%select_n3A, %dma_wait3A_404, %dma_wait3A_405] : memref<4x2048x4096xf32, #tpu.memory_space<hbm>> -> memref<1x64x128xf32, #tpu.memory_space<hbm>>
      %dma_wait3A_407 = tpu.memref_squeeze %dma_wait3A_406 : memref<1x64x128xf32, #tpu.memory_space<hbm>> -> memref<64x128xf32, #tpu.memory_space<hbm>>
      %dma_wait3A_408 = arith.constant 0 : i32
      %dma_wait3A_409 = arith.constant 0 : i32
      %dma_wait3A_410 = tpu.memref_slice %arg2[%select_n3A, %dma_wait3A_408, %dma_wait3A_409] : memref<4x2048x4096xf32, #tpu.memory_space<hbm>> -> memref<1x64x128xf32, #tpu.memory_space<hbm>>
      %dma_wait3A_411 = tpu.memref_squeeze %dma_wait3A_410 : memref<1x64x128xf32, #tpu.memory_space<hbm>> -> memref<64x128xf32, #tpu.memory_space<hbm>>
      tpu.wait_dma2 semaphore(%arg15 : memref<!tpu.dma_semaphore, #tpu.memory_space<semaphore_mem>>) src(%dma_wait3A_411 : memref<64x128xf32, #tpu.memory_space<hbm>>) dst(%arg7 : memref<64x128xf32, #tpu.memory_space<vmem>>)
      %ge3A_412 = arith.constant 4 : i32
      %ge3A_413 = arith.cmpi sge, %add3A_401, %ge3A_412 : i32
      %convert_element_type3A_414 = arith.extui %ge3A_413 : i1 to i32
      %cond3A_415 = arith.constant 0 : i32
      %cond3A_416 = arith.cmpi ne, %convert_element_type3A_414, %cond3A_415 : i32
      scf.if %cond3A_416 {
        %dma_wait3A_491 = arith.constant 0 : i32
        %dma_wait3A_492 = arith.constant 0 : i32
        %dma_wait3A_493 = tpu.memref_slice %arg3[%select_n3A, %dma_wait3A_491, %dma_wait3A_492] : memref<4x2048x4096xf32, #tpu.memory_space<hbm>> -> memref<1x64x128xf32, #tpu.memory_space<hbm>>
        %dma_wait3A_494 = tpu.memref_squeeze %dma_wait3A_493 : memref<1x64x128xf32, #tpu.memory_space<hbm>> -> memref<64x128xf32, #tpu.memory_space<hbm>>
        %dma_wait3A_495 = arith.constant 0 : i32
        %dma_wait3A_496 = arith.constant 0 : i32
        %dma_wait3A_497 = tpu.memref_slice %arg3[%select_n3A, %dma_wait3A_495, %dma_wait3A_496] : memref<4x2048x4096xf32, #tpu.memory_space<hbm>> -> memref<1x64x128xf32, #tpu.memory_space<hbm>>
        %dma_wait3A_498 = tpu.memref_squeeze %dma_wait3A_497 : memref<1x64x128xf32, #tpu.memory_space<hbm>> -> memref<64x128xf32, #tpu.memory_space<hbm>>
        tpu.wait_dma2 semaphore(%arg19 : memref<!tpu.dma_semaphore, #tpu.memory_space<semaphore_mem>>) src(%arg11 : memref<64x128xf32, #tpu.memory_space<vmem>>) dst(%dma_wait3A_498 : memref<64x128xf32, #tpu.memory_space<hbm>>)
      } else {
      }
      %broadcast_in_dim3A_417 = arith.constant 0.000000e+00 : f32
      %broadcast_in_dim3A_418 = vector.broadcast %broadcast_in_dim3A_417 : f32 to vector<16xf32>
      %eq3A_419 = arith.constant 0 : i32
      %eq3A_420 = arith.cmpi eq, %rem3A_403, %eq3A_419 : i32
      %select_n3A_421 = arith.select %eq3A_420, %broadcast_in_dim3A_418, %scan3A_354#0 : vector<16xf32>
      %eq3A_422 = arith.constant 0 : i32
      %eq3A_423 = arith.cmpi eq, %rem3A_403, %eq3A_422 : i32
      %select_n3A_424 = arith.select %eq3A_423, %broadcast_in_dim3A_418, %scan3A_354#1 : vector<16xf32>
      %eq3A_425 = arith.constant 0 : i32
      %eq3A_426 = arith.cmpi eq, %rem3A_403, %eq3A_425 : i32
      %select_n3A_427 = arith.select %eq3A_426, %broadcast_in_dim3A_418, %scan3A_354#2 : vector<16xf32>
      %eq3A_428 = arith.constant 0 : i32
      %eq3A_429 = arith.cmpi eq, %rem3A_403, %eq3A_428 : i32
      %select_n3A_430 = arith.select %eq3A_429, %broadcast_in_dim3A_418, %scan3A_354#3 : vector<16xf32>
      %eq3A_431 = arith.constant 0 : i32
      %eq3A_432 = arith.cmpi eq, %rem3A_403, %eq3A_431 : i32
      %select_n3A_433 = arith.select %eq3A_432, %broadcast_in_dim3A_418, %scan3A_354#4 : vector<16xf32>
      %eq3A_434 = arith.constant 0 : i32
      %eq3A_435 = arith.cmpi eq, %rem3A_403, %eq3A_434 : i32
      %select_n3A_436 = arith.select %eq3A_435, %broadcast_in_dim3A_418, %scan3A_354#5 : vector<16xf32>
      %eq3A_437 = arith.constant 0 : i32
      %eq3A_438 = arith.cmpi eq, %rem3A_403, %eq3A_437 : i32
      %select_n3A_439 = arith.select %eq3A_438, %broadcast_in_dim3A_418, %scan3A_354#6 : vector<16xf32>
      %eq3A_440 = arith.constant 0 : i32
      %eq3A_441 = arith.cmpi eq, %rem3A_403, %eq3A_440 : i32
      %select_n3A_442 = arith.select %eq3A_441, %broadcast_in_dim3A_418, %scan3A_354#7 : vector<16xf32>
      %scan3A_443 = arith.constant 0 : i32
      %scan3A_444 = arith.constant 8 : i32
      %scan3A_445 = arith.addi %scan3A_443, %scan3A_444 : i32
      %scan3A_446 = arith.constant 1 : i32
      %scan3A_447:8 = scf.for %scan3A_491 = %scan3A_443 to %scan3A_445 step %scan3A_446 iter_args(%scan3A_492 = %select_n3A_421, %scan3A_493 = %select_n3A_424, %scan3A_494 = %select_n3A_427, %scan3A_495 = %select_n3A_430, %scan3A_496 = %select_n3A_433, %scan3A_497 = %select_n3A_436, %scan3A_498 = %select_n3A_439, %scan3A_499 = %select_n3A_442) -> (vector<16xf32>, vector<16xf32>, vector<16xf32>, vector<16xf32>, vector<16xf32>, vector<16xf32>, vector<16xf32>, vector<16xf32>)  : i32 {
        %mul3A_500 = arith.constant 8 : i32
        %mul3A_501 = arith.muli %scan3A_491, %mul3A_500 : i32
        %add3A_502 = arith.constant 0 : i32
        %add3A_503 = arith.addi %mul3A_501, %add3A_502 : i32
        %get3A = arith.index_cast %add3A_503 : i32 to index
        %get3A_504 = arith.constant 0 : index
        %get3A_505 = tpu.vector_load %arg7[%get3A, %get3A_504] {strides = array<i32>} : memref<64x128xf32, #tpu.memory_space<vmem>>, vector<1x16xf32>,
        %get3A_506 = vector.shape_cast %get3A_505 : vector<1x16xf32> to vector<16xf32>
        %add3A_507 = arith.addf %scan3A_492, %get3A_506 : vector<16xf32>
        %swap3A = arith.index_cast %add3A_503 : i32 to index
        %swap3A_508 = arith.constant 0 : index
        %swap3A_509 = tpu.vector_load %arg11[%swap3A, %swap3A_508] {strides = array<i32>} : memref<64x128xf32, #tpu.memory_space<vmem>>, vector<1x16xf32>,
        %swap3A_510 = vector.shape_cast %swap3A_509 : vector<1x16xf32> to vector<16xf32>
        %swap3A_511 = vector.shape_cast %add3A_507 : vector<16xf32> to vector<1x16xf32>
        tpu.vector_store %arg11[%swap3A, %swap3A_508], %swap3A_511 {strides = array<i32>} : memref<64x128xf32, #tpu.memory_space<vmem>>, vector<1x16xf32>,
        %get3A_512 = arith.index_cast %add3A_503 : i32 to index
        %get3A_513 = arith.constant 16 : index
        %get3A_514 = tpu.vector_load %arg7[%get3A_512, %get3A_513] {strides = array<i32>} : memref<64x128xf32, #tpu.memory_space<vmem>>, vector<1x16xf32>,
        %get3A_515 = vector.shape_cast %get3A_514 : vector<1x16xf32> to vector<16xf32>
        %add3A_516 = arith.addf %scan3A_493, %get3A_515 : vector<16xf32>
        %swap3A_517 = arith.index_cast %add3A_503 : i32 to index
        %swap3A_518 = arith.constant 16 : index
        %swap3A_519 = tpu.vector_load %arg11[%swap3A_517, %swap3A_518] {strides = array<i32>} : memref<64x128xf32, #tpu.memory_space<vmem>>, vector<1x16xf32>,
        %swap3A_520 = vector.shape_cast %swap3A_519 : vector<1x16xf32> to vector<16xf32>
        %swap3A_521 = vector.shape_cast %add3A_516 : vector<16xf32> to vector<1x16xf32>
        tpu.vector_store %arg11[%swap3A_517, %swap3A_518], %swap3A_521 {strides = array<i32>} : memref<64x128xf32, #tpu.memory_space<vmem>>, vector<1x16xf32>,
        %get3A_522 = arith.index_cast %add3A_503 : i32 to index
        %get3A_523 = arith.constant 32 : index
        %get3A_524 = tpu.vector_load %arg7[%get3A_522, %get3A_523] {strides = array<i32>} : memref<64x128xf32, #tpu.memory_space<vmem>>, vector<1x16xf32>,
        %get3A_525 = vector.shape_cast %get3A_524 : vector<1x16xf32> to vector<16xf32>
        %add3A_526 = arith.addf %scan3A_494, %get3A_525 : vector<16xf32>
        %swap3A_527 = arith.index_cast %add3A_503 : i32 to index
        %swap3A_528 = arith.constant 32 : index
        %swap3A_529 = tpu.vector_load %arg11[%swap3A_527, %swap3A_528] {strides = array<i32>} : memref<64x128xf32, #tpu.memory_space<vmem>>, vector<1x16xf32>,
        %swap3A_530 = vector.shape_cast %swap3A_529 : vector<1x16xf32> to vector<16xf32>
        %swap3A_531 = vector.shape_cast %add3A_526 : vector<16xf32> to vector<1x16xf32>
        tpu.vector_store %arg11[%swap3A_527, %swap3A_528], %swap3A_531 {strides = array<i32>} : memref<64x128xf32, #tpu.memory_space<vmem>>, vector<1x16xf32>,
        %get3A_532 = arith.index_cast %add3A_503 : i32 to index
        %get3A_533 = arith.constant 48 : index
        %get3A_534 = tpu.vector_load %arg7[%get3A_532, %get3A_533] {strides = array<i32>} : memref<64x128xf32, #tpu.memory_space<vmem>>, vector<1x16xf32>,
        %get3A_535 = vector.shape_cast %get3A_534 : vector<1x16xf32> to vector<16xf32>
        %add3A_536 = arith.addf %scan3A_495, %get3A_535 : vector<16xf32>
        %swap3A_537 = arith.index_cast %add3A_503 : i32 to index
        %swap3A_538 = arith.constant 48 : index
        %swap3A_539 = tpu.vector_load %arg11[%swap3A_537, %swap3A_538] {strides = array<i32>} : memref<64x128xf32, #tpu.memory_space<vmem>>, vector<1x16xf32>,
        %swap3A_540 = vector.shape_cast %swap3A_539 : vector<1x16xf32> to vector<16xf32>
        %swap3A_541 = vector.shape_cast %add3A_536 : vector<16xf32> to vector<1x16xf32>
        tpu.vector_store %arg11[%swap3A_537, %swap3A_538], %swap3A_541 {strides = array<i32>} : memref<64x128xf32, #tpu.memory_space<vmem>>, vector<1x16xf32>,
        %get3A_542 = arith.index_cast %add3A_503 : i32 to index
        %get3A_543 = arith.constant 64 : index
        %get3A_544 = tpu.vector_load %arg7[%get3A_542, %get3A_543] {strides = array<i32>} : memref<64x128xf32, #tpu.memory_space<vmem>>, vector<1x16xf32>,
        %get3A_545 = vector.shape_cast %get3A_544 : vector<1x16xf32> to vector<16xf32>
        %add3A_546 = arith.addf %scan3A_496, %get3A_545 : vector<16xf32>
        %swap3A_547 = arith.index_cast %add3A_503 : i32 to index
        %swap3A_548 = arith.constant 64 : index
        %swap3A_549 = tpu.vector_load %arg11[%swap3A_547, %swap3A_548] {strides = array<i32>} : memref<64x128xf32, #tpu.memory_space<vmem>>, vector<1x16xf32>,
        %swap3A_550 = vector.shape_cast %swap3A_549 : vector<1x16xf32> to vector<16xf32>
        %swap3A_551 = vector.shape_cast %add3A_546 : vector<16xf32> to vector<1x16xf32>
        tpu.vector_store %arg11[%swap3A_547, %swap3A_548], %swap3A_551 {strides = array<i32>} : memref<64x128xf32, #tpu.memory_space<vmem>>, vector<1x16xf32>,
        %get3A_552 = arith.index_cast %add3A_503 : i32 to index
        %get3A_553 = arith.constant 80 : index
        %get3A_554 = tpu.vector_load %arg7[%get3A_552, %get3A_553] {strides = array<i32>} : memref<64x128xf32, #tpu.memory_space<vmem>>, vector<1x16xf32>,
        %get3A_555 = vector.shape_cast %get3A_554 : vector<1x16xf32> to vector<16xf32>
        %add3A_556 = arith.addf %scan3A_497, %get3A_555 : vector<16xf32>
        %swap3A_557 = arith.index_cast %add3A_503 : i32 to index
        %swap3A_558 = arith.constant 80 : index
        %swap3A_559 = tpu.vector_load %arg11[%swap3A_557, %swap3A_558] {strides = array<i32>} : memref<64x128xf32, #tpu.memory_space<vmem>>, vector<1x16xf32>,
        %swap3A_560 = vector.shape_cast %swap3A_559 : vector<1x16xf32> to vector<16xf32>
        %swap3A_561 = vector.shape_cast %add3A_556 : vector<16xf32> to vector<1x16xf32>
        tpu.vector_store %arg11[%swap3A_557, %swap3A_558], %swap3A_561 {strides = array<i32>} : memref<64x128xf32, #tpu.memory_space<vmem>>, vector<1x16xf32>,
        %get3A_562 = arith.index_cast %add3A_503 : i32 to index
        %get3A_563 = arith.constant 96 : index
        %get3A_564 = tpu.vector_load %arg7[%get3A_562, %get3A_563] {strides = array<i32>} : memref<64x128xf32, #tpu.memory_space<vmem>>, vector<1x16xf32>,
        %get3A_565 = vector.shape_cast %get3A_564 : vector<1x16xf32> to vector<16xf32>
        %add3A_566 = arith.addf %scan3A_498, %get3A_565 : vector<16xf32>
        %swap3A_567 = arith.index_cast %add3A_503 : i32 to index
        %swap3A_568 = arith.constant 96 : index
        %swap3A_569 = tpu.vector_load %arg11[%swap3A_567, %swap3A_568] {strides = array<i32>} : memref<64x128xf32, #tpu.memory_space<vmem>>, vector<1x16xf32>,
        %swap3A_570 = vector.shape_cast %swap3A_569 : vector<1x16xf32> to vector<16xf32>
        %swap3A_571 = vector.shape_cast %add3A_566 : vector<16xf32> to vector<1x16xf32>
        tpu.vector_store %arg11[%swap3A_567, %swap3A_568], %swap3A_571 {strides = array<i32>} : memref<64x128xf32, #tpu.memory_space<vmem>>, vector<1x16xf32>,
        %get3A_572 = arith.index_cast %add3A_503 : i32 to index
        %get3A_573 = arith.constant 112 : index
        %get3A_574 = tpu.vector_load %arg7[%get3A_572, %get3A_573] {strides = array<i32>} : memref<64x128xf32, #tpu.memory_space<vmem>>, vector<1x16xf32>,
        %get3A_575 = vector.shape_cast %get3A_574 : vector<1x16xf32> to vector<16xf32>
        %add3A_576 = arith.addf %scan3A_499, %get3A_575 : vector<16xf32>
        %swap3A_577 = arith.index_cast %add3A_503 : i32 to index
        %swap3A_578 = arith.constant 112 : index
        %swap3A_579 = tpu.vector_load %arg11[%swap3A_577, %swap3A_578] {strides = array<i32>} : memref<64x128xf32, #tpu.memory_space<vmem>>, vector<1x16xf32>,
        %swap3A_580 = vector.shape_cast %swap3A_579 : vector<1x16xf32> to vector<16xf32>
        %swap3A_581 = vector.shape_cast %add3A_576 : vector<16xf32> to vector<1x16xf32>
        tpu.vector_store %arg11[%swap3A_577, %swap3A_578], %swap3A_581 {strides = array<i32>} : memref<64x128xf32, #tpu.memory_space<vmem>>, vector<1x16xf32>,
        %mul3A_582 = arith.constant 8 : i32
        %mul3A_583 = arith.muli %scan3A_491, %mul3A_582 : i32
        %add3A_584 = arith.constant 1 : i32
        %add3A_585 = arith.addi %mul3A_583, %add3A_584 : i32
        %get3A_586 = arith.index_cast %add3A_585 : i32 to index
        %get3A_587 = arith.constant 0 : index
        %get3A_588 = tpu.vector_load %arg7[%get3A_586, %get3A_587] {strides = array<i32>} : memref<64x128xf32, #tpu.memory_space<vmem>>, vector<1x16xf32>,
        %get3A_589 = vector.shape_cast %get3A_588 : vector<1x16xf32> to vector<16xf32>
        %add3A_590 = arith.addf %add3A_507, %get3A_589 : vector<16xf32>
        %swap3A_591 = arith.index_cast %add3A_585 : i32 to index
        %swap3A_592 = arith.constant 0 : index
        %swap3A_593 = tpu.vector_load %arg11[%swap3A_591, %swap3A_592] {strides = array<i32>} : memref<64x128xf32, #tpu.memory_space<vmem>>, vector<1x16xf32>,
        %swap3A_594 = vector.shape_cast %swap3A_593 : vector<1x16xf32> to vector<16xf32>
        %swap3A_595 = vector.shape_cast %add3A_590 : vector<16xf32> to vector<1x16xf32>
        tpu.vector_store %arg11[%swap3A_591, %swap3A_592], %swap3A_595 {strides = array<i32>} : memref<64x128xf32, #tpu.memory_space<vmem>>, vector<1x16xf32>,
        %get3A_596 = arith.index_cast %add3A_585 : i32 to index
        %get3A_597 = arith.constant 16 : index
        %get3A_598 = tpu.vector_load %arg7[%get3A_596, %get3A_597] {strides = array<i32>} : memref<64x128xf32, #tpu.memory_space<vmem>>, vector<1x16xf32>,
        %get3A_599 = vector.shape_cast %get3A_598 : vector<1x16xf32> to vector<16xf32>
        %add3A_600 = arith.addf %add3A_516, %get3A_599 : vector<16xf32>
        %swap3A_601 = arith.index_cast %add3A_585 : i32 to index
        %swap3A_602 = arith.constant 16 : index
        %swap3A_603 = tpu.vector_load %arg11[%swap3A_601, %swap3A_602] {strides = array<i32>} : memref<64x128xf32, #tpu.memory_space<vmem>>, vector<1x16xf32>,
        %swap3A_604 = vector.shape_cast %swap3A_603 : vector<1x16xf32> to vector<16xf32>
        %swap3A_605 = vector.shape_cast %add3A_600 : vector<16xf32> to vector<1x16xf32>
        tpu.vector_store %arg11[%swap3A_601, %swap3A_602], %swap3A_605 {strides = array<i32>} : memref<64x128xf32, #tpu.memory_space<vmem>>, vector<1x16xf32>,
        %get3A_606 = arith.index_cast %add3A_585 : i32 to index
        %get3A_607 = arith.constant 32 : index
        %get3A_608 = tpu.vector_load %arg7[%get3A_606, %get3A_607] {strides = array<i32>} : memref<64x128xf32, #tpu.memory_space<vmem>>, vector<1x16xf32>,
        %get3A_609 = vector.shape_cast %get3A_608 : vector<1x16xf32> to vector<16xf32>
        %add3A_610 = arith.addf %add3A_526, %get3A_609 : vector<16xf32>
        %swap3A_611 = arith.index_cast %add3A_585 : i32 to index
        %swap3A_612 = arith.constant 32 : index
        %swap3A_613 = tpu.vector_load %arg11[%swap3A_611, %swap3A_612] {strides = array<i32>} : memref<64x128xf32, #tpu.memory_space<vmem>>, vector<1x16xf32>,
        %swap3A_614 = vector.shape_cast %swap3A_613 : vector<1x16xf32> to vector<16xf32>
        %swap3A_615 = vector.shape_cast %add3A_610 : vector<16xf32> to vector<1x16xf32>
        tpu.vector_store %arg11[%swap3A_611, %swap3A_612], %swap3A_615 {strides = array<i32>} : memref<64x128xf32, #tpu.memory_space<vmem>>, vector<1x16xf32>,
        %get3A_616 = arith.index_cast %add3A_585 : i32 to index
        %get3A_617 = arith.constant 48 : index
        %get3A_618 = tpu.vector_load %arg7[%get3A_616, %get3A_617] {strides = array<i32>} : memref<64x128xf32, #tpu.memory_space<vmem>>, vector<1x16xf32>,
        %get3A_619 = vector.shape_cast %get3A_618 : vector<1x16xf32> to vector<16xf32>
        %add3A_620 = arith.addf %add3A_536, %get3A_619 : vector<16xf32>
        %swap3A_621 = arith.index_cast %add3A_585 : i32 to index
        %swap3A_622 = arith.constant 48 : index
        %swap3A_623 = tpu.vector_load %arg11[%swap3A_621, %swap3A_622] {strides = array<i32>} : memref<64x128xf32, #tpu.memory_space<vmem>>, vector<1x16xf32>,
        %swap3A_624 = vector.shape_cast %swap3A_623 : vector<1x16xf32> to vector<16xf32>
        %swap3A_625 = vector.shape_cast %add3A_620 : vector<16xf32> to vector<1x16xf32>
        tpu.vector_store %arg11[%swap3A_621, %swap3A_622], %swap3A_625 {strides = array<i32>} : memref<64x128xf32, #tpu.memory_space<vmem>>, vector<1x16xf32>,
        %get3A_626 = arith.index_cast %add3A_585 : i32 to index
        %get3A_627 = arith.constant 64 : index
        %get3A_628 = tpu.vector_load %arg7[%get3A_626, %get3A_627] {strides = array<i32>} : memref<64x128xf32, #tpu.memory_space<vmem>>, vector<1x16xf32>,
        %get3A_629 = vector.shape_cast %get3A_628 : vector<1x16xf32> to vector<16xf32>
        %add3A_630 = arith.addf %add3A_546, %get3A_629 : vector<16xf32>
        %swap3A_631 = arith.index_cast %add3A_585 : i32 to index
        %swap3A_632 = arith.constant 64 : index
        %swap3A_633 = tpu.vector_load %arg11[%swap3A_631, %swap3A_632] {strides = array<i32>} : memref<64x128xf32, #tpu.memory_space<vmem>>, vector<1x16xf32>,
        %swap3A_634 = vector.shape_cast %swap3A_633 : vector<1x16xf32> to vector<16xf32>
        %swap3A_635 = vector.shape_cast %add3A_630 : vector<16xf32> to vector<1x16xf32>
        tpu.vector_store %arg11[%swap3A_631, %swap3A_632], %swap3A_635 {strides = array<i32>} : memref<64x128xf32, #tpu.memory_space<vmem>>, vector<1x16xf32>,
        %get3A_636 = arith.index_cast %add3A_585 : i32 to index
        %get3A_637 = arith.constant 80 : index
        %get3A_638 = tpu.vector_load %arg7[%get3A_636, %get3A_637] {strides = array<i32>} : memref<64x128xf32, #tpu.memory_space<vmem>>, vector<1x16xf32>,
        %get3A_639 = vector.shape_cast %get3A_638 : vector<1x16xf32> to vector<16xf32>
        %add3A_640 = arith.addf %add3A_556, %get3A_639 : vector<16xf32>
        %swap3A_641 = arith.index_cast %add3A_585 : i32 to index
        %swap3A_642 = arith.constant 80 : index
        %swap3A_643 = tpu.vector_load %arg11[%swap3A_641, %swap3A_642] {strides = array<i32>} : memref<64x128xf32, #tpu.memory_space<vmem>>, vector<1x16xf32>,
        %swap3A_644 = vector.shape_cast %swap3A_643 : vector<1x16xf32> to vector<16xf32>
        %swap3A_645 = vector.shape_cast %add3A_640 : vector<16xf32> to vector<1x16xf32>
        tpu.vector_store %arg11[%swap3A_641, %swap3A_642], %swap3A_645 {strides = array<i32>} : memref<64x128xf32, #tpu.memory_space<vmem>>, vector<1x16xf32>,
        %get3A_646 = arith.index_cast %add3A_585 : i32 to index
        %get3A_647 = arith.constant 96 : index
        %get3A_648 = tpu.vector_load %arg7[%get3A_646, %get3A_647] {strides = array<i32>} : memref<64x128xf32, #tpu.memory_space<vmem>>, vector<1x16xf32>,
        %get3A_649 = vector.shape_cast %get3A_648 : vector<1x16xf32> to vector<16xf32>
        %add3A_650 = arith.addf %add3A_566, %get3A_649 : vector<16xf32>
        %swap3A_651 = arith.index_cast %add3A_585 : i32 to index
        %swap3A_652 = arith.constant 96 : index
        %swap3A_653 = tpu.vector_load %arg11[%swap3A_651, %swap3A_652] {strides = array<i32>} : memref<64x128xf32, #tpu.memory_space<vmem>>, vector<1x16xf32>,
        %swap3A_654 = vector.shape_cast %swap3A_653 : vector<1x16xf32> to vector<16xf32>
        %swap3A_655 = vector.shape_cast %add3A_650 : vector<16xf32> to vector<1x16xf32>
        tpu.vector_store %arg11[%swap3A_651, %swap3A_652], %swap3A_655 {strides = array<i32>} : memref<64x128xf32, #tpu.memory_space<vmem>>, vector<1x16xf32>,
        %get3A_656 = arith.index_cast %add3A_585 : i32 to index
        %get3A_657 = arith.constant 112 : index
        %get3A_658 = tpu.vector_load %arg7[%get3A_656, %get3A_657] {strides = array<i32>} : memref<64x128xf32, #tpu.memory_space<vmem>>, vector<1x16xf32>,
        %get3A_659 = vector.shape_cast %get3A_658 : vector<1x16xf32> to vector<16xf32>
        %add3A_660 = arith.addf %add3A_576, %get3A_659 : vector<16xf32>
        %swap3A_661 = arith.index_cast %add3A_585 : i32 to index
        %swap3A_662 = arith.constant 112 : index
        %swap3A_663 = tpu.vector_load %arg11[%swap3A_661, %swap3A_662] {strides = array<i32>} : memref<64x128xf32, #tpu.memory_space<vmem>>, vector<1x16xf32>,
        %swap3A_664 = vector.shape_cast %swap3A_663 : vector<1x16xf32> to vector<16xf32>
        %swap3A_665 = vector.shape_cast %add3A_660 : vector<16xf32> to vector<1x16xf32>
        tpu.vector_store %arg11[%swap3A_661, %swap3A_662], %swap3A_665 {strides = array<i32>} : memref<64x128xf32, #tpu.memory_space<vmem>>, vector<1x16xf32>,
        %mul3A_666 = arith.constant 8 : i32
        %mul3A_667 = arith.muli %scan3A_491, %mul3A_666 : i32
        %add3A_668 = arith.constant 2 : i32
        %add3A_669 = arith.addi %mul3A_667, %add3A_668 : i32
        %get3A_670 = arith.index_cast %add3A_669 : i32 to index
        %get3A_671 = arith.constant 0 : index
        %get3A_672 = tpu.vector_load %arg7[%get3A_670, %get3A_671] {strides = array<i32>} : memref<64x128xf32, #tpu.memory_space<vmem>>, vector<1x16xf32>,
        %get3A_673 = vector.shape_cast %get3A_672 : vector<1x16xf32> to vector<16xf32>
        %add3A_674 = arith.addf %add3A_590, %get3A_673 : vector<16xf32>
        %swap3A_675 = arith.index_cast %add3A_669 : i32 to index
        %swap3A_676 = arith.constant 0 : index
        %swap3A_677 = tpu.vector_load %arg11[%swap3A_675, %swap3A_676] {strides = array<i32>} : memref<64x128xf32, #tpu.memory_space<vmem>>, vector<1x16xf32>,
        %swap3A_678 = vector.shape_cast %swap3A_677 : vector<1x16xf32> to vector<16xf32>
        %swap3A_679 = vector.shape_cast %add3A_674 : vector<16xf32> to vector<1x16xf32>
        tpu.vector_store %arg11[%swap3A_675, %swap3A_676], %swap3A_679 {strides = array<i32>} : memref<64x128xf32, #tpu.memory_space<vmem>>, vector<1x16xf32>,
        %get3A_680 = arith.index_cast %add3A_669 : i32 to index
        %get3A_681 = arith.constant 16 : index
        %get3A_682 = tpu.vector_load %arg7[%get3A_680, %get3A_681] {strides = array<i32>} : memref<64x128xf32, #tpu.memory_space<vmem>>, vector<1x16xf32>,
        %get3A_683 = vector.shape_cast %get3A_682 : vector<1x16xf32> to vector<16xf32>
        %add3A_684 = arith.addf %add3A_600, %get3A_683 : vector<16xf32>
        %swap3A_685 = arith.index_cast %add3A_669 : i32 to index
        %swap3A_686 = arith.constant 16 : index
        %swap3A_687 = tpu.vector_load %arg11[%swap3A_685, %swap3A_686] {strides = array<i32>} : memref<64x128xf32, #tpu.memory_space<vmem>>, vector<1x16xf32>,
        %swap3A_688 = vector.shape_cast %swap3A_687 : vector<1x16xf32> to vector<16xf32>
        %swap3A_689 = vector.shape_cast %add3A_684 : vector<16xf32> to vector<1x16xf32>
        tpu.vector_store %arg11[%swap3A_685, %swap3A_686], %swap3A_689 {strides = array<i32>} : memref<64x128xf32, #tpu.memory_space<vmem>>, vector<1x16xf32>,
        %get3A_690 = arith.index_cast %add3A_669 : i32 to index
        %get3A_691 = arith.constant 32 : index
        %get3A_692 = tpu.vector_load %arg7[%get3A_690, %get3A_691] {strides = array<i32>} : memref<64x128xf32, #tpu.memory_space<vmem>>, vector<1x16xf32>,
        %get3A_693 = vector.shape_cast %get3A_692 : vector<1x16xf32> to vector<16xf32>
        %add3A_694 = arith.addf %add3A_610, %get3A_693 : vector<16xf32>
        %swap3A_695 = arith.index_cast %add3A_669 : i32 to index
        %swap3A_696 = arith.constant 32 : index
        %swap3A_697 = tpu.vector_load %arg11[%swap3A_695, %swap3A_696] {strides = array<i32>} : memref<64x128xf32, #tpu.memory_space<vmem>>, vector<1x16xf32>,
        %swap3A_698 = vector.shape_cast %swap3A_697 : vector<1x16xf32> to vector<16xf32>
        %swap3A_699 = vector.shape_cast %add3A_694 : vector<16xf32> to vector<1x16xf32>
        tpu.vector_store %arg11[%swap3A_695, %swap3A_696], %swap3A_699 {strides = array<i32>} : memref<64x128xf32, #tpu.memory_space<vmem>>, vector<1x16xf32>,
        %get3A_700 = arith.index_cast %add3A_669 : i32 to index
        %get3A_701 = arith.constant 48 : index
        %get3A_702 = tpu.vector_load %arg7[%get3A_700, %get3A_701] {strides = array<i32>} : memref<64x128xf32, #tpu.memory_space<vmem>>, vector<1x16xf32>,
        %get3A_703 = vector.shape_cast %get3A_702 : vector<1x16xf32> to vector<16xf32>
        %add3A_704 = arith.addf %add3A_620, %get3A_703 : vector<16xf32>
        %swap3A_705 = arith.index_cast %add3A_669 : i32 to index
        %swap3A_706 = arith.constant 48 : index
        %swap3A_707 = tpu.vector_load %arg11[%swap3A_705, %swap3A_706] {strides = array<i32>} : memref<64x128xf32, #tpu.memory_space<vmem>>, vector<1x16xf32>,
        %swap3A_708 = vector.shape_cast %swap3A_707 : vector<1x16xf32> to vector<16xf32>
        %swap3A_709 = vector.shape_cast %add3A_704 : vector<16xf32> to vector<1x16xf32>
        tpu.vector_store %arg11[%swap3A_705, %swap3A_706], %swap3A_709 {strides = array<i32>} : memref<64x128xf32, #tpu.memory_space<vmem>>, vector<1x16xf32>,
        %get3A_710 = arith.index_cast %add3A_669 : i32 to index
        %get3A_711 = arith.constant 64 : index
        %get3A_712 = tpu.vector_load %arg7[%get3A_710, %get3A_711] {strides = array<i32>} : memref<64x128xf32, #tpu.memory_space<vmem>>, vector<1x16xf32>,
        %get3A_713 = vector.shape_cast %get3A_712 : vector<1x16xf32> to vector<16xf32>
        %add3A_714 = arith.addf %add3A_630, %get3A_713 : vector<16xf32>
        %swap3A_715 = arith.index_cast %add3A_669 : i32 to index
        %swap3A_716 = arith.constant 64 : index
        %swap3A_717 = tpu.vector_load %arg11[%swap3A_715, %swap3A_716] {strides = array<i32>} : memref<64x128xf32, #tpu.memory_space<vmem>>, vector<1x16xf32>,
        %swap3A_718 = vector.shape_cast %swap3A_717 : vector<1x16xf32> to vector<16xf32>
        %swap3A_719 = vector.shape_cast %add3A_714 : vector<16xf32> to vector<1x16xf32>
        tpu.vector_store %arg11[%swap3A_715, %swap3A_716], %swap3A_719 {strides = array<i32>} : memref<64x128xf32, #tpu.memory_space<vmem>>, vector<1x16xf32>,
        %get3A_720 = arith.index_cast %add3A_669 : i32 to index
        %get3A_721 = arith.constant 80 : index
        %get3A_722 = tpu.vector_load %arg7[%get3A_720, %get3A_721] {strides = array<i32>} : memref<64x128xf32, #tpu.memory_space<vmem>>, vector<1x16xf32>,
        %get3A_723 = vector.shape_cast %get3A_722 : vector<1x16xf32> to vector<16xf32>
        %add3A_724 = arith.addf %add3A_640, %get3A_723 : vector<16xf32>
        %swap3A_725 = arith.index_cast %add3A_669 : i32 to index
        %swap3A_726 = arith.constant 80 : index
        %swap3A_727 = tpu.vector_load %arg11[%swap3A_725, %swap3A_726] {strides = array<i32>} : memref<64x128xf32, #tpu.memory_space<vmem>>, vector<1x16xf32>,
        %swap3A_728 = vector.shape_cast %swap3A_727 : vector<1x16xf32> to vector<16xf32>
        %swap3A_729 = vector.shape_cast %add3A_724 : vector<16xf32> to vector<1x16xf32>
        tpu.vector_store %arg11[%swap3A_725, %swap3A_726], %swap3A_729 {strides = array<i32>} : memref<64x128xf32, #tpu.memory_space<vmem>>, vector<1x16xf32>,
        %get3A_730 = arith.index_cast %add3A_669 : i32 to index
        %get3A_731 = arith.constant 96 : index
        %get3A_732 = tpu.vector_load %arg7[%get3A_730, %get3A_731] {strides = array<i32>} : memref<64x128xf32, #tpu.memory_space<vmem>>, vector<1x16xf32>,
        %get3A_733 = vector.shape_cast %get3A_732 : vector<1x16xf32> to vector<16xf32>
        %add3A_734 = arith.addf %add3A_650, %get3A_733 : vector<16xf32>
        %swap3A_735 = arith.index_cast %add3A_669 : i32 to index
        %swap3A_736 = arith.constant 96 : index
        %swap3A_737 = tpu.vector_load %arg11[%swap3A_735, %swap3A_736] {strides = array<i32>} : memref<64x128xf32, #tpu.memory_space<vmem>>, vector<1x16xf32>,
        %swap3A_738 = vector.shape_cast %swap3A_737 : vector<1x16xf32> to vector<16xf32>
        %swap3A_739 = vector.shape_cast %add3A_734 : vector<16xf32> to vector<1x16xf32>
        tpu.vector_store %arg11[%swap3A_735, %swap3A_736], %swap3A_739 {strides = array<i32>} : memref<64x128xf32, #tpu.memory_space<vmem>>, vector<1x16xf32>,
        %get3A_740 = arith.index_cast %add3A_669 : i32 to index
        %get3A_741 = arith.constant 112 : index
        %get3A_742 = tpu.vector_load %arg7[%get3A_740, %get3A_741] {strides = array<i32>} : memref<64x128xf32, #tpu.memory_space<vmem>>, vector<1x16xf32>,
        %get3A_743 = vector.shape_cast %get3A_742 : vector<1x16xf32> to vector<16xf32>
        %add3A_744 = arith.addf %add3A_660, %get3A_743 : vector<16xf32>
        %swap3A_745 = arith.index_cast %add3A_669 : i32 to index
        %swap3A_746 = arith.constant 112 : index
        %swap3A_747 = tpu.vector_load %arg11[%swap3A_745, %swap3A_746] {strides = array<i32>} : memref<64x128xf32, #tpu.memory_space<vmem>>, vector<1x16xf32>,
        %swap3A_748 = vector.shape_cast %swap3A_747 : vector<1x16xf32> to vector<16xf32>
        %swap3A_749 = vector.shape_cast %add3A_744 : vector<16xf32> to vector<1x16xf32>
        tpu.vector_store %arg11[%swap3A_745, %swap3A_746], %swap3A_749 {strides = array<i32>} : memref<64x128xf32, #tpu.memory_space<vmem>>, vector<1x16xf32>,
        %mul3A_750 = arith.constant 8 : i32
        %mul3A_751 = arith.muli %scan3A_491, %mul3A_750 : i32
        %add3A_752 = arith.constant 3 : i32
        %add3A_753 = arith.addi %mul3A_751, %add3A_752 : i32
        %get3A_754 = arith.index_cast %add3A_753 : i32 to index
        %get3A_755 = arith.constant 0 : index
        %get3A_756 = tpu.vector_load %arg7[%get3A_754, %get3A_755] {strides = array<i32>} : memref<64x128xf32, #tpu.memory_space<vmem>>, vector<1x16xf32>,
        %get3A_757 = vector.shape_cast %get3A_756 : vector<1x16xf32> to vector<16xf32>
        %add3A_758 = arith.addf %add3A_674, %get3A_757 : vector<16xf32>
        %swap3A_759 = arith.index_cast %add3A_753 : i32 to index
        %swap3A_760 = arith.constant 0 : index
        %swap3A_761 = tpu.vector_load %arg11[%swap3A_759, %swap3A_760] {strides = array<i32>} : memref<64x128xf32, #tpu.memory_space<vmem>>, vector<1x16xf32>,
        %swap3A_762 = vector.shape_cast %swap3A_761 : vector<1x16xf32> to vector<16xf32>
        %swap3A_763 = vector.shape_cast %add3A_758 : vector<16xf32> to vector<1x16xf32>
        tpu.vector_store %arg11[%swap3A_759, %swap3A_760], %swap3A_763 {strides = array<i32>} : memref<64x128xf32, #tpu.memory_space<vmem>>, vector<1x16xf32>,
        %get3A_764 = arith.index_cast %add3A_753 : i32 to index
        %get3A_765 = arith.constant 16 : index
        %get3A_766 = tpu.vector_load %arg7[%get3A_764, %get3A_765] {strides = array<i32>} : memref<64x128xf32, #tpu.memory_space<vmem>>, vector<1x16xf32>,
        %get3A_767 = vector.shape_cast %get3A_766 : vector<1x16xf32> to vector<16xf32>
        %add3A_768 = arith.addf %add3A_684, %get3A_767 : vector<16xf32>
        %swap3A_769 = arith.index_cast %add3A_753 : i32 to index
        %swap3A_770 = arith.constant 16 : index
        %swap3A_771 = tpu.vector_load %arg11[%swap3A_769, %swap3A_770] {strides = array<i32>} : memref<64x128xf32, #tpu.memory_space<vmem>>, vector<1x16xf32>,
        %swap3A_772 = vector.shape_cast %swap3A_771 : vector<1x16xf32> to vector<16xf32>
        %swap3A_773 = vector.shape_cast %add3A_768 : vector<16xf32> to vector<1x16xf32>
        tpu.vector_store %arg11[%swap3A_769, %swap3A_770], %swap3A_773 {strides = array<i32>} : memref<64x128xf32, #tpu.memory_space<vmem>>, vector<1x16xf32>,
        %get3A_774 = arith.index_cast %add3A_753 : i32 to index
        %get3A_775 = arith.constant 32 : index
        %get3A_776 = tpu.vector_load %arg7[%get3A_774, %get3A_775] {strides = array<i32>} : memref<64x128xf32, #tpu.memory_space<vmem>>, vector<1x16xf32>,
        %get3A_777 = vector.shape_cast %get3A_776 : vector<1x16xf32> to vector<16xf32>
        %add3A_778 = arith.addf %add3A_694, %get3A_777 : vector<16xf32>
        %swap3A_779 = arith.index_cast %add3A_753 : i32 to index
        %swap3A_780 = arith.constant 32 : index
        %swap3A_781 = tpu.vector_load %arg11[%swap3A_779, %swap3A_780] {strides = array<i32>} : memref<64x128xf32, #tpu.memory_space<vmem>>, vector<1x16xf32>,
        %swap3A_782 = vector.shape_cast %swap3A_781 : vector<1x16xf32> to vector<16xf32>
        %swap3A_783 = vector.shape_cast %add3A_778 : vector<16xf32> to vector<1x16xf32>
        tpu.vector_store %arg11[%swap3A_779, %swap3A_780], %swap3A_783 {strides = array<i32>} : memref<64x128xf32, #tpu.memory_space<vmem>>, vector<1x16xf32>,
        %get3A_784 = arith.index_cast %add3A_753 : i32 to index
        %get3A_785 = arith.constant 48 : index
        %get3A_786 = tpu.vector_load %arg7[%get3A_784, %get3A_785] {strides = array<i32>} : memref<64x128xf32, #tpu.memory_space<vmem>>, vector<1x16xf32>,
        %get3A_787 = vector.shape_cast %get3A_786 : vector<1x16xf32> to vector<16xf32>
        %add3A_788 = arith.addf %add3A_704, %get3A_787 : vector<16xf32>
        %swap3A_789 = arith.index_cast %add3A_753 : i32 to index
        %swap3A_790 = arith.constant 48 : index
        %swap3A_791 = tpu.vector_load %arg11[%swap3A_789, %swap3A_790] {strides = array<i32>} : memref<64x128xf32, #tpu.memory_space<vmem>>, vector<1x16xf32>,
        %swap3A_792 = vector.shape_cast %swap3A_791 : vector<1x16xf32> to vector<16xf32>
        %swap3A_793 = vector.shape_cast %add3A_788 : vector<16xf32> to vector<1x16xf32>
        tpu.vector_store %arg11[%swap3A_789, %swap3A_790], %swap3A_793 {strides = array<i32>} : memref<64x128xf32, #tpu.memory_space<vmem>>, vector<1x16xf32>,
        %get3A_794 = arith.index_cast %add3A_753 : i32 to index
        %get3A_795 = arith.constant 64 : index
        %get3A_796 = tpu.vector_load %arg7[%get3A_794, %get3A_795] {strides = array<i32>} : memref<64x128xf32, #tpu.memory_space<vmem>>, vector<1x16xf32>,
        %get3A_797 = vector.shape_cast %get3A_796 : vector<1x16xf32> to vector<16xf32>
        %add3A_798 = arith.addf %add3A_714, %get3A_797 : vector<16xf32>
        %swap3A_799 = arith.index_cast %add3A_753 : i32 to index
        %swap3A_800 = arith.constant 64 : index
        %swap3A_801 = tpu.vector_load %arg11[%swap3A_799, %swap3A_800] {strides = array<i32>} : memref<64x128xf32, #tpu.memory_space<vmem>>, vector<1x16xf32>,
        %swap3A_802 = vector.shape_cast %swap3A_801 : vector<1x16xf32> to vector<16xf32>
        %swap3A_803 = vector.shape_cast %add3A_798 : vector<16xf32> to vector<1x16xf32>
        tpu.vector_store %arg11[%swap3A_799, %swap3A_800], %swap3A_803 {strides = array<i32>} : memref<64x128xf32, #tpu.memory_space<vmem>>, vector<1x16xf32>,
        %get3A_804 = arith.index_cast %add3A_753 : i32 to index
        %get3A_805 = arith.constant 80 : index
        %get3A_806 = tpu.vector_load %arg7[%get3A_804, %get3A_805] {strides = array<i32>} : memref<64x128xf32, #tpu.memory_space<vmem>>, vector<1x16xf32>,
        %get3A_807 = vector.shape_cast %get3A_806 : vector<1x16xf32> to vector<16xf32>
        %add3A_808 = arith.addf %add3A_724, %get3A_807 : vector<16xf32>
        %swap3A_809 = arith.index_cast %add3A_753 : i32 to index
        %swap3A_810 = arith.constant 80 : index
        %swap3A_811 = tpu.vector_load %arg11[%swap3A_809, %swap3A_810] {strides = array<i32>} : memref<64x128xf32, #tpu.memory_space<vmem>>, vector<1x16xf32>,
        %swap3A_812 = vector.shape_cast %swap3A_811 : vector<1x16xf32> to vector<16xf32>
        %swap3A_813 = vector.shape_cast %add3A_808 : vector<16xf32> to vector<1x16xf32>
        tpu.vector_store %arg11[%swap3A_809, %swap3A_810], %swap3A_813 {strides = array<i32>} : memref<64x128xf32, #tpu.memory_space<vmem>>, vector<1x16xf32>,
        %get3A_814 = arith.index_cast %add3A_753 : i32 to index
        %get3A_815 = arith.constant 96 : index
        %get3A_816 = tpu.vector_load %arg7[%get3A_814, %get3A_815] {strides = array<i32>} : memref<64x128xf32, #tpu.memory_space<vmem>>, vector<1x16xf32>,
        %get3A_817 = vector.shape_cast %get3A_816 : vector<1x16xf32> to vector<16xf32>
        %add3A_818 = arith.addf %add3A_734, %get3A_817 : vector<16xf32>
        %swap3A_819 = arith.index_cast %add3A_753 : i32 to index
        %swap3A_820 = arith.constant 96 : index
        %swap3A_821 = tpu.vector_load %arg11[%swap3A_819, %swap3A_820] {strides = array<i32>} : memref<64x128xf32, #tpu.memory_space<vmem>>, vector<1x16xf32>,
        %swap3A_822 = vector.shape_cast %swap3A_821 : vector<1x16xf32> to vector<16xf32>
        %swap3A_823 = vector.shape_cast %add3A_818 : vector<16xf32> to vector<1x16xf32>
        tpu.vector_store %arg11[%swap3A_819, %swap3A_820], %swap3A_823 {strides = array<i32>} : memref<64x128xf32, #tpu.memory_space<vmem>>, vector<1x16xf32>,
        %get3A_824 = arith.index_cast %add3A_753 : i32 to index
        %get3A_825 = arith.constant 112 : index
        %get3A_826 = tpu.vector_load %arg7[%get3A_824, %get3A_825] {strides = array<i32>} : memref<64x128xf32, #tpu.memory_space<vmem>>, vector<1x16xf32>,
        %get3A_827 = vector.shape_cast %get3A_826 : vector<1x16xf32> to vector<16xf32>
        %add3A_828 = arith.addf %add3A_744, %get3A_827 : vector<16xf32>
        %swap3A_829 = arith.index_cast %add3A_753 : i32 to index
        %swap3A_830 = arith.constant 112 : index
        %swap3A_831 = tpu.vector_load %arg11[%swap3A_829, %swap3A_830] {strides = array<i32>} : memref<64x128xf32, #tpu.memory_space<vmem>>, vector<1x16xf32>,
        %swap3A_832 = vector.shape_cast %swap3A_831 : vector<1x16xf32> to vector<16xf32>
        %swap3A_833 = vector.shape_cast %add3A_828 : vector<16xf32> to vector<1x16xf32>
        tpu.vector_store %arg11[%swap3A_829, %swap3A_830], %swap3A_833 {strides = array<i32>} : memref<64x128xf32, #tpu.memory_space<vmem>>, vector<1x16xf32>,
        %mul3A_834 = arith.constant 8 : i32
        %mul3A_835 = arith.muli %scan3A_491, %mul3A_834 : i32
        %add3A_836 = arith.constant 4 : i32
        %add3A_837 = arith.addi %mul3A_835, %add3A_836 : i32
        %get3A_838 = arith.index_cast %add3A_837 : i32 to index
        %get3A_839 = arith.constant 0 : index
        %get3A_840 = tpu.vector_load %arg7[%get3A_838, %get3A_839] {strides = array<i32>} : memref<64x128xf32, #tpu.memory_space<vmem>>, vector<1x16xf32>,
        %get3A_841 = vector.shape_cast %get3A_840 : vector<1x16xf32> to vector<16xf32>
        %add3A_842 = arith.addf %add3A_758, %get3A_841 : vector<16xf32>
        %swap3A_843 = arith.index_cast %add3A_837 : i32 to index
        %swap3A_844 = arith.constant 0 : index
        %swap3A_845 = tpu.vector_load %arg11[%swap3A_843, %swap3A_844] {strides = array<i32>} : memref<64x128xf32, #tpu.memory_space<vmem>>, vector<1x16xf32>,
        %swap3A_846 = vector.shape_cast %swap3A_845 : vector<1x16xf32> to vector<16xf32>
        %swap3A_847 = vector.shape_cast %add3A_842 : vector<16xf32> to vector<1x16xf32>
        tpu.vector_store %arg11[%swap3A_843, %swap3A_844], %swap3A_847 {strides = array<i32>} : memref<64x128xf32, #tpu.memory_space<vmem>>, vector<1x16xf32>,
        %get3A_848 = arith.index_cast %add3A_837 : i32 to index
        %get3A_849 = arith.constant 16 : index
        %get3A_850 = tpu.vector_load %arg7[%get3A_848, %get3A_849] {strides = array<i32>} : memref<64x128xf32, #tpu.memory_space<vmem>>, vector<1x16xf32>,
        %get3A_851 = vector.shape_cast %get3A_850 : vector<1x16xf32> to vector<16xf32>
        %add3A_852 = arith.addf %add3A_768, %get3A_851 : vector<16xf32>
        %swap3A_853 = arith.index_cast %add3A_837 : i32 to index
        %swap3A_854 = arith.constant 16 : index
        %swap3A_855 = tpu.vector_load %arg11[%swap3A_853, %swap3A_854] {strides = array<i32>} : memref<64x128xf32, #tpu.memory_space<vmem>>, vector<1x16xf32>,
        %swap3A_856 = vector.shape_cast %swap3A_855 : vector<1x16xf32> to vector<16xf32>
        %swap3A_857 = vector.shape_cast %add3A_852 : vector<16xf32> to vector<1x16xf32>
        tpu.vector_store %arg11[%swap3A_853, %swap3A_854], %swap3A_857 {strides = array<i32>} : memref<64x128xf32, #tpu.memory_space<vmem>>, vector<1x16xf32>,
        %get3A_858 = arith.index_cast %add3A_837 : i32 to index
        %get3A_859 = arith.constant 32 : index
        %get3A_860 = tpu.vector_load %arg7[%get3A_858, %get3A_859] {strides = array<i32>} : memref<64x128xf32, #tpu.memory_space<vmem>>, vector<1x16xf32>,
        %get3A_861 = vector.shape_cast %get3A_860 : vector<1x16xf32> to vector<16xf32>
        %add3A_862 = arith.addf %add3A_778, %get3A_861 : vector<16xf32>
        %swap3A_863 = arith.index_cast %add3A_837 : i32 to index
        %swap3A_864 = arith.constant 32 : index
        %swap3A_865 = tpu.vector_load %arg11[%swap3A_863, %swap3A_864] {strides = array<i32>} : memref<64x128xf32, #tpu.memory_space<vmem>>, vector<1x16xf32>,
        %swap3A_866 = vector.shape_cast %swap3A_865 : vector<1x16xf32> to vector<16xf32>
        %swap3A_867 = vector.shape_cast %add3A_862 : vector<16xf32> to vector<1x16xf32>
        tpu.vector_store %arg11[%swap3A_863, %swap3A_864], %swap3A_867 {strides = array<i32>} : memref<64x128xf32, #tpu.memory_space<vmem>>, vector<1x16xf32>,
        %get3A_868 = arith.index_cast %add3A_837 : i32 to index
        %get3A_869 = arith.constant 48 : index
        %get3A_870 = tpu.vector_load %arg7[%get3A_868, %get3A_869] {strides = array<i32>} : memref<64x128xf32, #tpu.memory_space<vmem>>, vector<1x16xf32>,
        %get3A_871 = vector.shape_cast %get3A_870 : vector<1x16xf32> to vector<16xf32>
        %add3A_872 = arith.addf %add3A_788, %get3A_871 : vector<16xf32>
        %swap3A_873 = arith.index_cast %add3A_837 : i32 to index
        %swap3A_874 = arith.constant 48 : index
        %swap3A_875 = tpu.vector_load %arg11[%swap3A_873, %swap3A_874] {strides = array<i32>} : memref<64x128xf32, #tpu.memory_space<vmem>>, vector<1x16xf32>,
        %swap3A_876 = vector.shape_cast %swap3A_875 : vector<1x16xf32> to vector<16xf32>
        %swap3A_877 = vector.shape_cast %add3A_872 : vector<16xf32> to vector<1x16xf32>
        tpu.vector_store %arg11[%swap3A_873, %swap3A_874], %swap3A_877 {strides = array<i32>} : memref<64x128xf32, #tpu.memory_space<vmem>>, vector<1x16xf32>,
        %get3A_878 = arith.index_cast %add3A_837 : i32 to index
        %get3A_879 = arith.constant 64 : index
        %get3A_880 = tpu.vector_load %arg7[%get3A_878, %get3A_879] {strides = array<i32>} : memref<64x128xf32, #tpu.memory_space<vmem>>, vector<1x16xf32>,
        %get3A_881 = vector.shape_cast %get3A_880 : vector<1x16xf32> to vector<16xf32>
        %add3A_882 = arith.addf %add3A_798, %get3A_881 : vector<16xf32>
        %swap3A_883 = arith.index_cast %add3A_837 : i32 to index
        %swap3A_884 = arith.constant 64 : index
        %swap3A_885 = tpu.vector_load %arg11[%swap3A_883, %swap3A_884] {strides = array<i32>} : memref<64x128xf32, #tpu.memory_space<vmem>>, vector<1x16xf32>,
        %swap3A_886 = vector.shape_cast %swap3A_885 : vector<1x16xf32> to vector<16xf32>
        %swap3A_887 = vector.shape_cast %add3A_882 : vector<16xf32> to vector<1x16xf32>
        tpu.vector_store %arg11[%swap3A_883, %swap3A_884], %swap3A_887 {strides = array<i32>} : memref<64x128xf32, #tpu.memory_space<vmem>>, vector<1x16xf32>,
        %get3A_888 = arith.index_cast %add3A_837 : i32 to index
        %get3A_889 = arith.constant 80 : index
        %get3A_890 = tpu.vector_load %arg7[%get3A_888, %get3A_889] {strides = array<i32>} : memref<64x128xf32, #tpu.memory_space<vmem>>, vector<1x16xf32>,
        %get3A_891 = vector.shape_cast %get3A_890 : vector<1x16xf32> to vector<16xf32>
        %add3A_892 = arith.addf %add3A_808, %get3A_891 : vector<16xf32>
        %swap3A_893 = arith.index_cast %add3A_837 : i32 to index
        %swap3A_894 = arith.constant 80 : index
        %swap3A_895 = tpu.vector_load %arg11[%swap3A_893, %swap3A_894] {strides = array<i32>} : memref<64x128xf32, #tpu.memory_space<vmem>>, vector<1x16xf32>,
        %swap3A_896 = vector.shape_cast %swap3A_895 : vector<1x16xf32> to vector<16xf32>
        %swap3A_897 = vector.shape_cast %add3A_892 : vector<16xf32> to vector<1x16xf32>
        tpu.vector_store %arg11[%swap3A_893, %swap3A_894], %swap3A_897 {strides = array<i32>} : memref<64x128xf32, #tpu.memory_space<vmem>>, vector<1x16xf32>,
        %get3A_898 = arith.index_cast %add3A_837 : i32 to index
        %get3A_899 = arith.constant 96 : index
        %get3A_900 = tpu.vector_load %arg7[%get3A_898, %get3A_899] {strides = array<i32>} : memref<64x128xf32, #tpu.memory_space<vmem>>, vector<1x16xf32>,
        %get3A_901 = vector.shape_cast %get3A_900 : vector<1x16xf32> to vector<16xf32>
        %add3A_902 = arith.addf %add3A_818, %get3A_901 : vector<16xf32>
        %swap3A_903 = arith.index_cast %add3A_837 : i32 to index
        %swap3A_904 = arith.constant 96 : index
        %swap3A_905 = tpu.vector_load %arg11[%swap3A_903, %swap3A_904] {strides = array<i32>} : memref<64x128xf32, #tpu.memory_space<vmem>>, vector<1x16xf32>,
        %swap3A_906 = vector.shape_cast %swap3A_905 : vector<1x16xf32> to vector<16xf32>
        %swap3A_907 = vector.shape_cast %add3A_902 : vector<16xf32> to vector<1x16xf32>
        tpu.vector_store %arg11[%swap3A_903, %swap3A_904], %swap3A_907 {strides = array<i32>} : memref<64x128xf32, #tpu.memory_space<vmem>>, vector<1x16xf32>,
        %get3A_908 = arith.index_cast %add3A_837 : i32 to index
        %get3A_909 = arith.constant 112 : index
        %get3A_910 = tpu.vector_load %arg7[%get3A_908, %get3A_909] {strides = array<i32>} : memref<64x128xf32, #tpu.memory_space<vmem>>, vector<1x16xf32>,
        %get3A_911 = vector.shape_cast %get3A_910 : vector<1x16xf32> to vector<16xf32>
        %add3A_912 = arith.addf %add3A_828, %get3A_911 : vector<16xf32>
        %swap3A_913 = arith.index_cast %add3A_837 : i32 to index
        %swap3A_914 = arith.constant 112 : index
        %swap3A_915 = tpu.vector_load %arg11[%swap3A_913, %swap3A_914] {strides = array<i32>} : memref<64x128xf32, #tpu.memory_space<vmem>>, vector<1x16xf32>,
        %swap3A_916 = vector.shape_cast %swap3A_915 : vector<1x16xf32> to vector<16xf32>
        %swap3A_917 = vector.shape_cast %add3A_912 : vector<16xf32> to vector<1x16xf32>
        tpu.vector_store %arg11[%swap3A_913, %swap3A_914], %swap3A_917 {strides = array<i32>} : memref<64x128xf32, #tpu.memory_space<vmem>>, vector<1x16xf32>,
        %mul3A_918 = arith.constant 8 : i32
        %mul3A_919 = arith.muli %scan3A_491, %mul3A_918 : i32
        %add3A_920 = arith.constant 5 : i32
        %add3A_921 = arith.addi %mul3A_919, %add3A_920 : i32
        %get3A_922 = arith.index_cast %add3A_921 : i32 to index
        %get3A_923 = arith.constant 0 : index
        %get3A_924 = tpu.vector_load %arg7[%get3A_922, %get3A_923] {strides = array<i32>} : memref<64x128xf32, #tpu.memory_space<vmem>>, vector<1x16xf32>,
        %get3A_925 = vector.shape_cast %get3A_924 : vector<1x16xf32> to vector<16xf32>
        %add3A_926 = arith.addf %add3A_842, %get3A_925 : vector<16xf32>
        %swap3A_927 = arith.index_cast %add3A_921 : i32 to index
        %swap3A_928 = arith.constant 0 : index
        %swap3A_929 = tpu.vector_load %arg11[%swap3A_927, %swap3A_928] {strides = array<i32>} : memref<64x128xf32, #tpu.memory_space<vmem>>, vector<1x16xf32>,
        %swap3A_930 = vector.shape_cast %swap3A_929 : vector<1x16xf32> to vector<16xf32>
        %swap3A_931 = vector.shape_cast %add3A_926 : vector<16xf32> to vector<1x16xf32>
        tpu.vector_store %arg11[%swap3A_927, %swap3A_928], %swap3A_931 {strides = array<i32>} : memref<64x128xf32, #tpu.memory_space<vmem>>, vector<1x16xf32>,
        %get3A_932 = arith.index_cast %add3A_921 : i32 to index
        %get3A_933 = arith.constant 16 : index
        %get3A_934 = tpu.vector_load %arg7[%get3A_932, %get3A_933] {strides = array<i32>} : memref<64x128xf32, #tpu.memory_space<vmem>>, vector<1x16xf32>,
        %get3A_935 = vector.shape_cast %get3A_934 : vector<1x16xf32> to vector<16xf32>
        %add3A_936 = arith.addf %add3A_852, %get3A_935 : vector<16xf32>
        %swap3A_937 = arith.index_cast %add3A_921 : i32 to index
        %swap3A_938 = arith.constant 16 : index
        %swap3A_939 = tpu.vector_load %arg11[%swap3A_937, %swap3A_938] {strides = array<i32>} : memref<64x128xf32, #tpu.memory_space<vmem>>, vector<1x16xf32>,
        %swap3A_940 = vector.shape_cast %swap3A_939 : vector<1x16xf32> to vector<16xf32>
        %swap3A_941 = vector.shape_cast %add3A_936 : vector<16xf32> to vector<1x16xf32>
        tpu.vector_store %arg11[%swap3A_937, %swap3A_938], %swap3A_941 {strides = array<i32>} : memref<64x128xf32, #tpu.memory_space<vmem>>, vector<1x16xf32>,
        %get3A_942 = arith.index_cast %add3A_921 : i32 to index
        %get3A_943 = arith.constant 32 : index
        %get3A_944 = tpu.vector_load %arg7[%get3A_942, %get3A_943] {strides = array<i32>} : memref<64x128xf32, #tpu.memory_space<vmem>>, vector<1x16xf32>,
        %get3A_945 = vector.shape_cast %get3A_944 : vector<1x16xf32> to vector<16xf32>
        %add3A_946 = arith.addf %add3A_862, %get3A_945 : vector<16xf32>
        %swap3A_947 = arith.index_cast %add3A_921 : i32 to index
        %swap3A_948 = arith.constant 32 : index
        %swap3A_949 = tpu.vector_load %arg11[%swap3A_947, %swap3A_948] {strides = array<i32>} : memref<64x128xf32, #tpu.memory_space<vmem>>, vector<1x16xf32>,
        %swap3A_950 = vector.shape_cast %swap3A_949 : vector<1x16xf32> to vector<16xf32>
        %swap3A_951 = vector.shape_cast %add3A_946 : vector<16xf32> to vector<1x16xf32>
        tpu.vector_store %arg11[%swap3A_947, %swap3A_948], %swap3A_951 {strides = array<i32>} : memref<64x128xf32, #tpu.memory_space<vmem>>, vector<1x16xf32>,
        %get3A_952 = arith.index_cast %add3A_921 : i32 to index
        %get3A_953 = arith.constant 48 : index
        %get3A_954 = tpu.vector_load %arg7[%get3A_952, %get3A_953] {strides = array<i32>} : memref<64x128xf32, #tpu.memory_space<vmem>>, vector<1x16xf32>,
        %get3A_955 = vector.shape_cast %get3A_954 : vector<1x16xf32> to vector<16xf32>
        %add3A_956 = arith.addf %add3A_872, %get3A_955 : vector<16xf32>
        %swap3A_957 = arith.index_cast %add3A_921 : i32 to index
        %swap3A_958 = arith.constant 48 : index
        %swap3A_959 = tpu.vector_load %arg11[%swap3A_957, %swap3A_958] {strides = array<i32>} : memref<64x128xf32, #tpu.memory_space<vmem>>, vector<1x16xf32>,
        %swap3A_960 = vector.shape_cast %swap3A_959 : vector<1x16xf32> to vector<16xf32>
        %swap3A_961 = vector.shape_cast %add3A_956 : vector<16xf32> to vector<1x16xf32>
        tpu.vector_store %arg11[%swap3A_957, %swap3A_958], %swap3A_961 {strides = array<i32>} : memref<64x128xf32, #tpu.memory_space<vmem>>, vector<1x16xf32>,
        %get3A_962 = arith.index_cast %add3A_921 : i32 to index
        %get3A_963 = arith.constant 64 : index
        %get3A_964 = tpu.vector_load %arg7[%get3A_962, %get3A_963] {strides = array<i32>} : memref<64x128xf32, #tpu.memory_space<vmem>>, vector<1x16xf32>,
        %get3A_965 = vector.shape_cast %get3A_964 : vector<1x16xf32> to vector<16xf32>
        %add3A_966 = arith.addf %add3A_882, %get3A_965 : vector<16xf32>
        %swap3A_967 = arith.index_cast %add3A_921 : i32 to index
        %swap3A_968 = arith.constant 64 : index
        %swap3A_969 = tpu.vector_load %arg11[%swap3A_967, %swap3A_968] {strides = array<i32>} : memref<64x128xf32, #tpu.memory_space<vmem>>, vector<1x16xf32>,
        %swap3A_970 = vector.shape_cast %swap3A_969 : vector<1x16xf32> to vector<16xf32>
        %swap3A_971 = vector.shape_cast %add3A_966 : vector<16xf32> to vector<1x16xf32>
        tpu.vector_store %arg11[%swap3A_967, %swap3A_968], %swap3A_971 {strides = array<i32>} : memref<64x128xf32, #tpu.memory_space<vmem>>, vector<1x16xf32>,
        %get3A_972 = arith.index_cast %add3A_921 : i32 to index
        %get3A_973 = arith.constant 80 : index
        %get3A_974 = tpu.vector_load %arg7[%get3A_972, %get3A_973] {strides = array<i32>} : memref<64x128xf32, #tpu.memory_space<vmem>>, vector<1x16xf32>,
        %get3A_975 = vector.shape_cast %get3A_974 : vector<1x16xf32> to vector<16xf32>
        %add3A_976 = arith.addf %add3A_892, %get3A_975 : vector<16xf32>
        %swap3A_977 = arith.index_cast %add3A_921 : i32 to index
        %swap3A_978 = arith.constant 80 : index
        %swap3A_979 = tpu.vector_load %arg11[%swap3A_977, %swap3A_978] {strides = array<i32>} : memref<64x128xf32, #tpu.memory_space<vmem>>, vector<1x16xf32>,
        %swap3A_980 = vector.shape_cast %swap3A_979 : vector<1x16xf32> to vector<16xf32>
        %swap3A_981 = vector.shape_cast %add3A_976 : vector<16xf32> to vector<1x16xf32>
        tpu.vector_store %arg11[%swap3A_977, %swap3A_978], %swap3A_981 {strides = array<i32>} : memref<64x128xf32, #tpu.memory_space<vmem>>, vector<1x16xf32>,
        %get3A_982 = arith.index_cast %add3A_921 : i32 to index
        %get3A_983 = arith.constant 96 : index
        %get3A_984 = tpu.vector_load %arg7[%get3A_982, %get3A_983] {strides = array<i32>} : memref<64x128xf32, #tpu.memory_space<vmem>>, vector<1x16xf32>,
        %get3A_985 = vector.shape_cast %get3A_984 : vector<1x16xf32> to vector<16xf32>
        %add3A_986 = arith.addf %add3A_902, %get3A_985 : vector<16xf32>
        %swap3A_987 = arith.index_cast %add3A_921 : i32 to index
        %swap3A_988 = arith.constant 96 : index
        %swap3A_989 = tpu.vector_load %arg11[%swap3A_987, %swap3A_988] {strides = array<i32>} : memref<64x128xf32, #tpu.memory_space<vmem>>, vector<1x16xf32>,
        %swap3A_990 = vector.shape_cast %swap3A_989 : vector<1x16xf32> to vector<16xf32>
        %swap3A_991 = vector.shape_cast %add3A_986 : vector<16xf32> to vector<1x16xf32>
        tpu.vector_store %arg11[%swap3A_987, %swap3A_988], %swap3A_991 {strides = array<i32>} : memref<64x128xf32, #tpu.memory_space<vmem>>, vector<1x16xf32>,
        %get3A_992 = arith.index_cast %add3A_921 : i32 to index
        %get3A_993 = arith.constant 112 : index
        %get3A_994 = tpu.vector_load %arg7[%get3A_992, %get3A_993] {strides = array<i32>} : memref<64x128xf32, #tpu.memory_space<vmem>>, vector<1x16xf32>,
        %get3A_995 = vector.shape_cast %get3A_994 : vector<1x16xf32> to vector<16xf32>
        %add3A_996 = arith.addf %add3A_912, %get3A_995 : vector<16xf32>
        %swap3A_997 = arith.index_cast %add3A_921 : i32 to index
        %swap3A_998 = arith.constant 112 : index
        %swap3A_999 = tpu.vector_load %arg11[%swap3A_997, %swap3A_998] {strides = array<i32>} : memref<64x128xf32, #tpu.memory_space<vmem>>, vector<1x16xf32>,
        %swap3A_1000 = vector.shape_cast %swap3A_999 : vector<1x16xf32> to vector<16xf32>
        %swap3A_1001 = vector.shape_cast %add3A_996 : vector<16xf32> to vector<1x16xf32>
        tpu.vector_store %arg11[%swap3A_997, %swap3A_998], %swap3A_1001 {strides = array<i32>} : memref<64x128xf32, #tpu.memory_space<vmem>>, vector<1x16xf32>,
        %mul3A_1002 = arith.constant 8 : i32
        %mul3A_1003 = arith.muli %scan3A_491, %mul3A_1002 : i32
        %add3A_1004 = arith.constant 6 : i32
        %add3A_1005 = arith.addi %mul3A_1003, %add3A_1004 : i32
        %get3A_1006 = arith.index_cast %add3A_1005 : i32 to index
        %get3A_1007 = arith.constant 0 : index
        %get3A_1008 = tpu.vector_load %arg7[%get3A_1006, %get3A_1007] {strides = array<i32>} : memref<64x128xf32, #tpu.memory_space<vmem>>, vector<1x16xf32>,
        %get3A_1009 = vector.shape_cast %get3A_1008 : vector<1x16xf32> to vector<16xf32>
        %add3A_1010 = arith.addf %add3A_926, %get3A_1009 : vector<16xf32>
        %swap3A_1011 = arith.index_cast %add3A_1005 : i32 to index
        %swap3A_1012 = arith.constant 0 : index
        %swap3A_1013 = tpu.vector_load %arg11[%swap3A_1011, %swap3A_1012] {strides = array<i32>} : memref<64x128xf32, #tpu.memory_space<vmem>>, vector<1x16xf32>,
        %swap3A_1014 = vector.shape_cast %swap3A_1013 : vector<1x16xf32> to vector<16xf32>
        %swap3A_1015 = vector.shape_cast %add3A_1010 : vector<16xf32> to vector<1x16xf32>
        tpu.vector_store %arg11[%swap3A_1011, %swap3A_1012], %swap3A_1015 {strides = array<i32>} : memref<64x128xf32, #tpu.memory_space<vmem>>, vector<1x16xf32>,
        %get3A_1016 = arith.index_cast %add3A_1005 : i32 to index
        %get3A_1017 = arith.constant 16 : index
        %get3A_1018 = tpu.vector_load %arg7[%get3A_1016, %get3A_1017] {strides = array<i32>} : memref<64x128xf32, #tpu.memory_space<vmem>>, vector<1x16xf32>,
        %get3A_1019 = vector.shape_cast %get3A_1018 : vector<1x16xf32> to vector<16xf32>
        %add3A_1020 = arith.addf %add3A_936, %get3A_1019 : vector<16xf32>
        %swap3A_1021 = arith.index_cast %add3A_1005 : i32 to index
        %swap3A_1022 = arith.constant 16 : index
        %swap3A_1023 = tpu.vector_load %arg11[%swap3A_1021, %swap3A_1022] {strides = array<i32>} : memref<64x128xf32, #tpu.memory_space<vmem>>, vector<1x16xf32>,
        %swap3A_1024 = vector.shape_cast %swap3A_1023 : vector<1x16xf32> to vector<16xf32>
        %swap3A_1025 = vector.shape_cast %add3A_1020 : vector<16xf32> to vector<1x16xf32>
        tpu.vector_store %arg11[%swap3A_1021, %swap3A_1022], %swap3A_1025 {strides = array<i32>} : memref<64x128xf32, #tpu.memory_space<vmem>>, vector<1x16xf32>,
        %get3A_1026 = arith.index_cast %add3A_1005 : i32 to index
        %get3A_1027 = arith.constant 32 : index
        %get3A_1028 = tpu.vector_load %arg7[%get3A_1026, %get3A_1027] {strides = array<i32>} : memref<64x128xf32, #tpu.memory_space<vmem>>, vector<1x16xf32>,
        %get3A_1029 = vector.shape_cast %get3A_1028 : vector<1x16xf32> to vector<16xf32>
        %add3A_1030 = arith.addf %add3A_946, %get3A_1029 : vector<16xf32>
        %swap3A_1031 = arith.index_cast %add3A_1005 : i32 to index
        %swap3A_1032 = arith.constant 32 : index
        %swap3A_1033 = tpu.vector_load %arg11[%swap3A_1031, %swap3A_1032] {strides = array<i32>} : memref<64x128xf32, #tpu.memory_space<vmem>>, vector<1x16xf32>,
        %swap3A_1034 = vector.shape_cast %swap3A_1033 : vector<1x16xf32> to vector<16xf32>
        %swap3A_1035 = vector.shape_cast %add3A_1030 : vector<16xf32> to vector<1x16xf32>
        tpu.vector_store %arg11[%swap3A_1031, %swap3A_1032], %swap3A_1035 {strides = array<i32>} : memref<64x128xf32, #tpu.memory_space<vmem>>, vector<1x16xf32>,
        %get3A_1036 = arith.index_cast %add3A_1005 : i32 to index
        %get3A_1037 = arith.constant 48 : index
        %get3A_1038 = tpu.vector_load %arg7[%get3A_1036, %get3A_1037] {strides = array<i32>} : memref<64x128xf32, #tpu.memory_space<vmem>>, vector<1x16xf32>,
        %get3A_1039 = vector.shape_cast %get3A_1038 : vector<1x16xf32> to vector<16xf32>
        %add3A_1040 = arith.addf %add3A_956, %get3A_1039 : vector<16xf32>
        %swap3A_1041 = arith.index_cast %add3A_1005 : i32 to index
        %swap3A_1042 = arith.constant 48 : index
        %swap3A_1043 = tpu.vector_load %arg11[%swap3A_1041, %swap3A_1042] {strides = array<i32>} : memref<64x128xf32, #tpu.memory_space<vmem>>, vector<1x16xf32>,
        %swap3A_1044 = vector.shape_cast %swap3A_1043 : vector<1x16xf32> to vector<16xf32>
        %swap3A_1045 = vector.shape_cast %add3A_1040 : vector<16xf32> to vector<1x16xf32>
        tpu.vector_store %arg11[%swap3A_1041, %swap3A_1042], %swap3A_1045 {strides = array<i32>} : memref<64x128xf32, #tpu.memory_space<vmem>>, vector<1x16xf32>,
        %get3A_1046 = arith.index_cast %add3A_1005 : i32 to index
        %get3A_1047 = arith.constant 64 : index
        %get3A_1048 = tpu.vector_load %arg7[%get3A_1046, %get3A_1047] {strides = array<i32>} : memref<64x128xf32, #tpu.memory_space<vmem>>, vector<1x16xf32>,
        %get3A_1049 = vector.shape_cast %get3A_1048 : vector<1x16xf32> to vector<16xf32>
        %add3A_1050 = arith.addf %add3A_966, %get3A_1049 : vector<16xf32>
        %swap3A_1051 = arith.index_cast %add3A_1005 : i32 to index
        %swap3A_1052 = arith.constant 64 : index
        %swap3A_1053 = tpu.vector_load %arg11[%swap3A_1051, %swap3A_1052] {strides = array<i32>} : memref<64x128xf32, #tpu.memory_space<vmem>>, vector<1x16xf32>,
        %swap3A_1054 = vector.shape_cast %swap3A_1053 : vector<1x16xf32> to vector<16xf32>
        %swap3A_1055 = vector.shape_cast %add3A_1050 : vector<16xf32> to vector<1x16xf32>
        tpu.vector_store %arg11[%swap3A_1051, %swap3A_1052], %swap3A_1055 {strides = array<i32>} : memref<64x128xf32, #tpu.memory_space<vmem>>, vector<1x16xf32>,
        %get3A_1056 = arith.index_cast %add3A_1005 : i32 to index
        %get3A_1057 = arith.constant 80 : index
        %get3A_1058 = tpu.vector_load %arg7[%get3A_1056, %get3A_1057] {strides = array<i32>} : memref<64x128xf32, #tpu.memory_space<vmem>>, vector<1x16xf32>,
        %get3A_1059 = vector.shape_cast %get3A_1058 : vector<1x16xf32> to vector<16xf32>
        %add3A_1060 = arith.addf %add3A_976, %get3A_1059 : vector<16xf32>
        %swap3A_1061 = arith.index_cast %add3A_1005 : i32 to index
        %swap3A_1062 = arith.constant 80 : index
        %swap3A_1063 = tpu.vector_load %arg11[%swap3A_1061, %swap3A_1062] {strides = array<i32>} : memref<64x128xf32, #tpu.memory_space<vmem>>, vector<1x16xf32>,
        %swap3A_1064 = vector.shape_cast %swap3A_1063 : vector<1x16xf32> to vector<16xf32>
        %swap3A_1065 = vector.shape_cast %add3A_1060 : vector<16xf32> to vector<1x16xf32>
        tpu.vector_store %arg11[%swap3A_1061, %swap3A_1062], %swap3A_1065 {strides = array<i32>} : memref<64x128xf32, #tpu.memory_space<vmem>>, vector<1x16xf32>,
        %get3A_1066 = arith.index_cast %add3A_1005 : i32 to index
        %get3A_1067 = arith.constant 96 : index
        %get3A_1068 = tpu.vector_load %arg7[%get3A_1066, %get3A_1067] {strides = array<i32>} : memref<64x128xf32, #tpu.memory_space<vmem>>, vector<1x16xf32>,
        %get3A_1069 = vector.shape_cast %get3A_1068 : vector<1x16xf32> to vector<16xf32>
        %add3A_1070 = arith.addf %add3A_986, %get3A_1069 : vector<16xf32>
        %swap3A_1071 = arith.index_cast %add3A_1005 : i32 to index
        %swap3A_1072 = arith.constant 96 : index
        %swap3A_1073 = tpu.vector_load %arg11[%swap3A_1071, %swap3A_1072] {strides = array<i32>} : memref<64x128xf32, #tpu.memory_space<vmem>>, vector<1x16xf32>,
        %swap3A_1074 = vector.shape_cast %swap3A_1073 : vector<1x16xf32> to vector<16xf32>
        %swap3A_1075 = vector.shape_cast %add3A_1070 : vector<16xf32> to vector<1x16xf32>
        tpu.vector_store %arg11[%swap3A_1071, %swap3A_1072], %swap3A_1075 {strides = array<i32>} : memref<64x128xf32, #tpu.memory_space<vmem>>, vector<1x16xf32>,
        %get3A_1076 = arith.index_cast %add3A_1005 : i32 to index
        %get3A_1077 = arith.constant 112 : index
        %get3A_1078 = tpu.vector_load %arg7[%get3A_1076, %get3A_1077] {strides = array<i32>} : memref<64x128xf32, #tpu.memory_space<vmem>>, vector<1x16xf32>,
        %get3A_1079 = vector.shape_cast %get3A_1078 : vector<1x16xf32> to vector<16xf32>
        %add3A_1080 = arith.addf %add3A_996, %get3A_1079 : vector<16xf32>
        %swap3A_1081 = arith.index_cast %add3A_1005 : i32 to index
        %swap3A_1082 = arith.constant 112 : index
        %swap3A_1083 = tpu.vector_load %arg11[%swap3A_1081, %swap3A_1082] {strides = array<i32>} : memref<64x128xf32, #tpu.memory_space<vmem>>, vector<1x16xf32>,
        %swap3A_1084 = vector.shape_cast %swap3A_1083 : vector<1x16xf32> to vector<16xf32>
        %swap3A_1085 = vector.shape_cast %add3A_1080 : vector<16xf32> to vector<1x16xf32>
        tpu.vector_store %arg11[%swap3A_1081, %swap3A_1082], %swap3A_1085 {strides = array<i32>} : memref<64x128xf32, #tpu.memory_space<vmem>>, vector<1x16xf32>,
        %mul3A_1086 = arith.constant 8 : i32
        %mul3A_1087 = arith.muli %scan3A_491, %mul3A_1086 : i32
        %add3A_1088 = arith.constant 7 : i32
        %add3A_1089 = arith.addi %mul3A_1087, %add3A_1088 : i32
        %get3A_1090 = arith.index_cast %add3A_1089 : i32 to index
        %get3A_1091 = arith.constant 0 : index
        %get3A_1092 = tpu.vector_load %arg7[%get3A_1090, %get3A_1091] {strides = array<i32>} : memref<64x128xf32, #tpu.memory_space<vmem>>, vector<1x16xf32>,
        %get3A_1093 = vector.shape_cast %get3A_1092 : vector<1x16xf32> to vector<16xf32>
        %add3A_1094 = arith.addf %add3A_1010, %get3A_1093 : vector<16xf32>
        %swap3A_1095 = arith.index_cast %add3A_1089 : i32 to index
        %swap3A_1096 = arith.constant 0 : index
        %swap3A_1097 = tpu.vector_load %arg11[%swap3A_1095, %swap3A_1096] {strides = array<i32>} : memref<64x128xf32, #tpu.memory_space<vmem>>, vector<1x16xf32>,
        %swap3A_1098 = vector.shape_cast %swap3A_1097 : vector<1x16xf32> to vector<16xf32>
        %swap3A_1099 = vector.shape_cast %add3A_1094 : vector<16xf32> to vector<1x16xf32>
        tpu.vector_store %arg11[%swap3A_1095, %swap3A_1096], %swap3A_1099 {strides = array<i32>} : memref<64x128xf32, #tpu.memory_space<vmem>>, vector<1x16xf32>,
        %get3A_1100 = arith.index_cast %add3A_1089 : i32 to index
        %get3A_1101 = arith.constant 16 : index
        %get3A_1102 = tpu.vector_load %arg7[%get3A_1100, %get3A_1101] {strides = array<i32>} : memref<64x128xf32, #tpu.memory_space<vmem>>, vector<1x16xf32>,
        %get3A_1103 = vector.shape_cast %get3A_1102 : vector<1x16xf32> to vector<16xf32>
        %add3A_1104 = arith.addf %add3A_1020, %get3A_1103 : vector<16xf32>
        %swap3A_1105 = arith.index_cast %add3A_1089 : i32 to index
        %swap3A_1106 = arith.constant 16 : index
        %swap3A_1107 = tpu.vector_load %arg11[%swap3A_1105, %swap3A_1106] {strides = array<i32>} : memref<64x128xf32, #tpu.memory_space<vmem>>, vector<1x16xf32>,
        %swap3A_1108 = vector.shape_cast %swap3A_1107 : vector<1x16xf32> to vector<16xf32>
        %swap3A_1109 = vector.shape_cast %add3A_1104 : vector<16xf32> to vector<1x16xf32>
        tpu.vector_store %arg11[%swap3A_1105, %swap3A_1106], %swap3A_1109 {strides = array<i32>} : memref<64x128xf32, #tpu.memory_space<vmem>>, vector<1x16xf32>,
        %get3A_1110 = arith.index_cast %add3A_1089 : i32 to index
        %get3A_1111 = arith.constant 32 : index
        %get3A_1112 = tpu.vector_load %arg7[%get3A_1110, %get3A_1111] {strides = array<i32>} : memref<64x128xf32, #tpu.memory_space<vmem>>, vector<1x16xf32>,
        %get3A_1113 = vector.shape_cast %get3A_1112 : vector<1x16xf32> to vector<16xf32>
        %add3A_1114 = arith.addf %add3A_1030, %get3A_1113 : vector<16xf32>
        %swap3A_1115 = arith.index_cast %add3A_1089 : i32 to index
        %swap3A_1116 = arith.constant 32 : index
        %swap3A_1117 = tpu.vector_load %arg11[%swap3A_1115, %swap3A_1116] {strides = array<i32>} : memref<64x128xf32, #tpu.memory_space<vmem>>, vector<1x16xf32>,
        %swap3A_1118 = vector.shape_cast %swap3A_1117 : vector<1x16xf32> to vector<16xf32>
        %swap3A_1119 = vector.shape_cast %add3A_1114 : vector<16xf32> to vector<1x16xf32>
        tpu.vector_store %arg11[%swap3A_1115, %swap3A_1116], %swap3A_1119 {strides = array<i32>} : memref<64x128xf32, #tpu.memory_space<vmem>>, vector<1x16xf32>,
        %get3A_1120 = arith.index_cast %add3A_1089 : i32 to index
        %get3A_1121 = arith.constant 48 : index
        %get3A_1122 = tpu.vector_load %arg7[%get3A_1120, %get3A_1121] {strides = array<i32>} : memref<64x128xf32, #tpu.memory_space<vmem>>, vector<1x16xf32>,
        %get3A_1123 = vector.shape_cast %get3A_1122 : vector<1x16xf32> to vector<16xf32>
        %add3A_1124 = arith.addf %add3A_1040, %get3A_1123 : vector<16xf32>
        %swap3A_1125 = arith.index_cast %add3A_1089 : i32 to index
        %swap3A_1126 = arith.constant 48 : index
        %swap3A_1127 = tpu.vector_load %arg11[%swap3A_1125, %swap3A_1126] {strides = array<i32>} : memref<64x128xf32, #tpu.memory_space<vmem>>, vector<1x16xf32>,
        %swap3A_1128 = vector.shape_cast %swap3A_1127 : vector<1x16xf32> to vector<16xf32>
        %swap3A_1129 = vector.shape_cast %add3A_1124 : vector<16xf32> to vector<1x16xf32>
        tpu.vector_store %arg11[%swap3A_1125, %swap3A_1126], %swap3A_1129 {strides = array<i32>} : memref<64x128xf32, #tpu.memory_space<vmem>>, vector<1x16xf32>,
        %get3A_1130 = arith.index_cast %add3A_1089 : i32 to index
        %get3A_1131 = arith.constant 64 : index
        %get3A_1132 = tpu.vector_load %arg7[%get3A_1130, %get3A_1131] {strides = array<i32>} : memref<64x128xf32, #tpu.memory_space<vmem>>, vector<1x16xf32>,
        %get3A_1133 = vector.shape_cast %get3A_1132 : vector<1x16xf32> to vector<16xf32>
        %add3A_1134 = arith.addf %add3A_1050, %get3A_1133 : vector<16xf32>
        %swap3A_1135 = arith.index_cast %add3A_1089 : i32 to index
        %swap3A_1136 = arith.constant 64 : index
        %swap3A_1137 = tpu.vector_load %arg11[%swap3A_1135, %swap3A_1136] {strides = array<i32>} : memref<64x128xf32, #tpu.memory_space<vmem>>, vector<1x16xf32>,
        %swap3A_1138 = vector.shape_cast %swap3A_1137 : vector<1x16xf32> to vector<16xf32>
        %swap3A_1139 = vector.shape_cast %add3A_1134 : vector<16xf32> to vector<1x16xf32>
        tpu.vector_store %arg11[%swap3A_1135, %swap3A_1136], %swap3A_1139 {strides = array<i32>} : memref<64x128xf32, #tpu.memory_space<vmem>>, vector<1x16xf32>,
        %get3A_1140 = arith.index_cast %add3A_1089 : i32 to index
        %get3A_1141 = arith.constant 80 : index
        %get3A_1142 = tpu.vector_load %arg7[%get3A_1140, %get3A_1141] {strides = array<i32>} : memref<64x128xf32, #tpu.memory_space<vmem>>, vector<1x16xf32>,
        %get3A_1143 = vector.shape_cast %get3A_1142 : vector<1x16xf32> to vector<16xf32>
        %add3A_1144 = arith.addf %add3A_1060, %get3A_1143 : vector<16xf32>
        %swap3A_1145 = arith.index_cast %add3A_1089 : i32 to index
        %swap3A_1146 = arith.constant 80 : index
        %swap3A_1147 = tpu.vector_load %arg11[%swap3A_1145, %swap3A_1146] {strides = array<i32>} : memref<64x128xf32, #tpu.memory_space<vmem>>, vector<1x16xf32>,
        %swap3A_1148 = vector.shape_cast %swap3A_1147 : vector<1x16xf32> to vector<16xf32>
        %swap3A_1149 = vector.shape_cast %add3A_1144 : vector<16xf32> to vector<1x16xf32>
        tpu.vector_store %arg11[%swap3A_1145, %swap3A_1146], %swap3A_1149 {strides = array<i32>} : memref<64x128xf32, #tpu.memory_space<vmem>>, vector<1x16xf32>,
        %get3A_1150 = arith.index_cast %add3A_1089 : i32 to index
        %get3A_1151 = arith.constant 96 : index
        %get3A_1152 = tpu.vector_load %arg7[%get3A_1150, %get3A_1151] {strides = array<i32>} : memref<64x128xf32, #tpu.memory_space<vmem>>, vector<1x16xf32>,
        %get3A_1153 = vector.shape_cast %get3A_1152 : vector<1x16xf32> to vector<16xf32>
        %add3A_1154 = arith.addf %add3A_1070, %get3A_1153 : vector<16xf32>
        %swap3A_1155 = arith.index_cast %add3A_1089 : i32 to index
        %swap3A_1156 = arith.constant 96 : index
        %swap3A_1157 = tpu.vector_load %arg11[%swap3A_1155, %swap3A_1156] {strides = array<i32>} : memref<64x128xf32, #tpu.memory_space<vmem>>, vector<1x16xf32>,
        %swap3A_1158 = vector.shape_cast %swap3A_1157 : vector<1x16xf32> to vector<16xf32>
        %swap3A_1159 = vector.shape_cast %add3A_1154 : vector<16xf32> to vector<1x16xf32>
        tpu.vector_store %arg11[%swap3A_1155, %swap3A_1156], %swap3A_1159 {strides = array<i32>} : memref<64x128xf32, #tpu.memory_space<vmem>>, vector<1x16xf32>,
        %get3A_1160 = arith.index_cast %add3A_1089 : i32 to index
        %get3A_1161 = arith.constant 112 : index
        %get3A_1162 = tpu.vector_load %arg7[%get3A_1160, %get3A_1161] {strides = array<i32>} : memref<64x128xf32, #tpu.memory_space<vmem>>, vector<1x16xf32>,
        %get3A_1163 = vector.shape_cast %get3A_1162 : vector<1x16xf32> to vector<16xf32>
        %add3A_1164 = arith.addf %add3A_1080, %get3A_1163 : vector<16xf32>
        %swap3A_1165 = arith.index_cast %add3A_1089 : i32 to index
        %swap3A_1166 = arith.constant 112 : index
        %swap3A_1167 = tpu.vector_load %arg11[%swap3A_1165, %swap3A_1166] {strides = array<i32>} : memref<64x128xf32, #tpu.memory_space<vmem>>, vector<1x16xf32>,
        %swap3A_1168 = vector.shape_cast %swap3A_1167 : vector<1x16xf32> to vector<16xf32>
        %swap3A_1169 = vector.shape_cast %add3A_1164 : vector<16xf32> to vector<1x16xf32>
        tpu.vector_store %arg11[%swap3A_1165, %swap3A_1166], %swap3A_1169 {strides = array<i32>} : memref<64x128xf32, #tpu.memory_space<vmem>>, vector<1x16xf32>,
        scf.yield %add3A_1094, %add3A_1104, %add3A_1114, %add3A_1124, %add3A_1134, %add3A_1144, %add3A_1154, %add3A_1164 : vector<16xf32>, vector<16xf32>, vector<16xf32>, vector<16xf32>, vector<16xf32>, vector<16xf32>, vector<16xf32>, vector<16xf32>
      }
      %scan3A_448 = arith.constant 8 : i32
      %jit3A_449 = arith.constant 32 : i32
      %div3A_450 = arith.divsi %add3A_401, %jit3A_449 : i32
      %sign3A_451 = arith.constant 0 : i32
      %sign3A_452 = arith.cmpi sgt, %add3A_401, %sign3A_451 : i32
      %sign3A_453 = arith.extui %sign3A_452 : i1 to i32
      %sign3A_454 = arith.constant 0 : i32
      %sign3A_455 = arith.cmpi slt, %add3A_401, %sign3A_454 : i32
      %sign3A_456 = arith.extui %sign3A_455 : i1 to i32
      %sign3A_457 = arith.subi %sign3A_453, %sign3A_456 : i32
      %sign3A_458 = arith.constant 0 : i32
      %sign3A_459 = arith.cmpi sgt, %jit3A_449, %sign3A_458 : i32
      %sign3A_460 = arith.extui %sign3A_459 : i1 to i32
      %sign3A_461 = arith.constant 0 : i32
      %sign3A_462 = arith.cmpi slt, %jit3A_449, %sign3A_461 : i32
      %sign3A_463 = arith.extui %sign3A_462 : i1 to i32
      %sign3A_464 = arith.subi %sign3A_460, %sign3A_463 : i32
      %ne3A_465 = arith.cmpi ne, %sign3A_457, %sign3A_464 : i32
      %rem3A_466 = arith.remsi %add3A_401, %jit3A_449 : i32
      %ne3A_467 = arith.constant 0 : i32
      %ne3A_468 = arith.cmpi ne, %rem3A_466, %ne3A_467 : i32
      %and3A_469 = arith.andi %ne3A_465, %ne3A_468 : i1
      %sub3A_470 = arith.constant 1 : i32
      %sub3A_471 = arith.subi %div3A_450, %sub3A_470 : i32
      %select_n3A_472 = arith.select %and3A_469, %sub3A_471, %div3A_450 : i32
      %rem3A_473 = arith.constant 32 : i32
      %rem3A_474 = arith.remsi %add3A_401, %rem3A_473 : i32
      %mul3A_475 = arith.constant 64 : i32
      %mul3A_476 = arith.muli %rem3A_474, %mul3A_475 : i32
      %mul3A_477 = arith.constant 128 : i32
      %mul3A_478 = arith.muli %select_n3A_472, %mul3A_477 : i32
      %add3A_479 = arith.addi %mul3A_32, %mul3A_478 : i32
      %dma_start3A_480 = tpu.memref_slice %arg3[%select_n3A, %mul3A_476, %add3A_479] : memref<4x2048x4096xf32, #tpu.memory_space<hbm>> -> memref<1x64x128xf32, #tpu.memory_space<hbm>>
      %dma_start3A_481 = tpu.memref_squeeze %dma_start3A_480 : memref<1x64x128xf32, #tpu.memory_space<hbm>> -> memref<64x128xf32, #tpu.memory_space<hbm>>
      %dma_start3A_482 = tpu.memref_slice %arg3[%select_n3A, %mul3A_476, %add3A_479] : memref<4x2048x4096xf32, #tpu.memory_space<hbm>> -> memref<1x64x128xf32, #tpu.memory_space<hbm>>
      %dma_start3A_483 = tpu.memref_squeeze %dma_start3A_482 : memref<1x64x128xf32, #tpu.memory_space<hbm>> -> memref<64x128xf32, #tpu.memory_space<hbm>>
      tpu.enqueue_dma source(%arg11 : memref<64x128xf32, #tpu.memory_space<vmem>>) target(%dma_start3A_483 : memref<64x128xf32, #tpu.memory_space<hbm>>) target_semaphore(%arg19 : memref<!tpu.dma_semaphore, #tpu.memory_space<semaphore_mem>>)
      %add3A_484 = arith.constant 4 : i32
      %add3A_485 = arith.addi %add3A_401, %add3A_484 : i32
      %lt3A_486 = arith.constant 128 : i32
      %lt3A_487 = arith.cmpi slt, %add3A_485, %lt3A_486 : i32
      %convert_element_type3A_488 = arith.extui %lt3A_487 : i1 to i32
      %cond3A_489 = arith.constant 0 : i32
      %cond3A_490 = arith.cmpi ne, %convert_element_type3A_488, %cond3A_489 : i32
      scf.if %cond3A_490 {
        %add3A_491 = arith.constant 4 : i32
        %add3A_492 = arith.addi %add3A_401, %add3A_491 : i32
        %jit3A_493 = arith.constant 32 : i32
        %div3A_494 = arith.divsi %add3A_492, %jit3A_493 : i32
        %sign3A_495 = arith.constant 0 : i32
        %sign3A_496 = arith.cmpi sgt, %add3A_492, %sign3A_495 : i32
        %sign3A_497 = arith.extui %sign3A_496 : i1 to i32
        %sign3A_498 = arith.constant 0 : i32
        %sign3A_499 = arith.cmpi slt, %add3A_492, %sign3A_498 : i32
        %sign3A_500 = arith.extui %sign3A_499 : i1 to i32
        %sign3A_501 = arith.subi %sign3A_497, %sign3A_500 : i32
        %sign3A_502 = arith.constant 0 : i32
        %sign3A_503 = arith.cmpi sgt, %jit3A_493, %sign3A_502 : i32
        %sign3A_504 = arith.extui %sign3A_503 : i1 to i32
        %sign3A_505 = arith.constant 0 : i32
        %sign3A_506 = arith.cmpi slt, %jit3A_493, %sign3A_505 : i32
        %sign3A_507 = arith.extui %sign3A_506 : i1 to i32
        %sign3A_508 = arith.subi %sign3A_504, %sign3A_507 : i32
        %ne3A_509 = arith.cmpi ne, %sign3A_501, %sign3A_508 : i32
        %rem3A_510 = arith.remsi %add3A_492, %jit3A_493 : i32
        %ne3A_511 = arith.constant 0 : i32
        %ne3A_512 = arith.cmpi ne, %rem3A_510, %ne3A_511 : i32
        %and3A_513 = arith.andi %ne3A_509, %ne3A_512 : i1
        %sub3A_514 = arith.constant 1 : i32
        %sub3A_515 = arith.subi %div3A_494, %sub3A_514 : i32
        %select_n3A_516 = arith.select %and3A_513, %sub3A_515, %div3A_494 : i32
        %rem3A_517 = arith.constant 32 : i32
        %rem3A_518 = arith.remsi %add3A_492, %rem3A_517 : i32
        %mul3A_519 = arith.constant 64 : i32
        %mul3A_520 = arith.muli %rem3A_518, %mul3A_519 : i32
        %mul3A_521 = arith.constant 128 : i32
        %mul3A_522 = arith.muli %select_n3A_516, %mul3A_521 : i32
        %add3A_523 = arith.addi %mul3A_32, %mul3A_522 : i32
        %dma_start3A_524 = tpu.memref_slice %arg2[%select_n3A, %mul3A_520, %add3A_523] : memref<4x2048x4096xf32, #tpu.memory_space<hbm>> -> memref<1x64x128xf32, #tpu.memory_space<hbm>>
        %dma_start3A_525 = tpu.memref_squeeze %dma_start3A_524 : memref<1x64x128xf32, #tpu.memory_space<hbm>> -> memref<64x128xf32, #tpu.memory_space<hbm>>
        %dma_start3A_526 = tpu.memref_slice %arg2[%select_n3A, %mul3A_520, %add3A_523] : memref<4x2048x4096xf32, #tpu.memory_space<hbm>> -> memref<1x64x128xf32, #tpu.memory_space<hbm>>
        %dma_start3A_527 = tpu.memref_squeeze %dma_start3A_526 : memref<1x64x128xf32, #tpu.memory_space<hbm>> -> memref<64x128xf32, #tpu.memory_space<hbm>>
        tpu.enqueue_dma source(%dma_start3A_527 : memref<64x128xf32, #tpu.memory_space<hbm>>) target(%arg7 : memref<64x128xf32, #tpu.memory_space<vmem>>) target_semaphore(%arg15 : memref<!tpu.dma_semaphore, #tpu.memory_space<semaphore_mem>>)
      } else {
      }
      scf.yield %scan3A_447#0, %scan3A_447#1, %scan3A_447#2, %scan3A_447#3, %scan3A_447#4, %scan3A_447#5, %scan3A_447#6, %scan3A_447#7 : vector<16xf32>, vector<16xf32>, vector<16xf32>, vector<16xf32>, vector<16xf32>, vector<16xf32>, vector<16xf32>, vector<16xf32>
    }
    %scan3A_81 = arith.constant 32 : i32
    %dma_wait3A = arith.constant 0 : i32
    %dma_wait3A_82 = arith.constant 0 : i32
    %dma_wait3A_83 = tpu.memref_slice %arg3[%select_n3A, %dma_wait3A, %dma_wait3A_82] : memref<4x2048x4096xf32, #tpu.memory_space<hbm>> -> memref<1x64x128xf32, #tpu.memory_space<hbm>>
    %dma_wait3A_84 = tpu.memref_squeeze %dma_wait3A_83 : memref<1x64x128xf32, #tpu.memory_space<hbm>> -> memref<64x128xf32, #tpu.memory_space<hbm>>
    %dma_wait3A_85 = arith.constant 0 : i32
    %dma_wait3A_86 = arith.constant 0 : i32
    %dma_wait3A_87 = tpu.memref_slice %arg3[%select_n3A, %dma_wait3A_85, %dma_wait3A_86] : memref<4x2048x4096xf32, #tpu.memory_space<hbm>> -> memref<1x64x128xf32, #tpu.memory_space<hbm>>
    %dma_wait3A_88 = tpu.memref_squeeze %dma_wait3A_87 : memref<1x64x128xf32, #tpu.memory_space<hbm>> -> memref<64x128xf32, #tpu.memory_space<hbm>>
    tpu.wait_dma2 semaphore(%arg16 : memref<!tpu.dma_semaphore, #tpu.memory_space<semaphore_mem>>) src(%arg8 : memref<64x128xf32, #tpu.memory_space<vmem>>) dst(%dma_wait3A_88 : memref<64x128xf32, #tpu.memory_space<hbm>>)
    %dma_wait3A_89 = arith.constant 0 : i32
    %dma_wait3A_90 = arith.constant 0 : i32
    %dma_wait3A_91 = tpu.memref_slice %arg3[%select_n3A, %dma_wait3A_89, %dma_wait3A_90] : memref<4x2048x4096xf32, #tpu.memory_space<hbm>> -> memref<1x64x128xf32, #tpu.memory_space<hbm>>
    %dma_wait3A_92 = tpu.memref_squeeze %dma_wait3A_91 : memref<1x64x128xf32, #tpu.memory_space<hbm>> -> memref<64x128xf32, #tpu.memory_space<hbm>>
    %dma_wait3A_93 = arith.constant 0 : i32
    %dma_wait3A_94 = arith.constant 0 : i32
    %dma_wait3A_95 = tpu.memref_slice %arg3[%select_n3A, %dma_wait3A_93, %dma_wait3A_94] : memref<4x2048x4096xf32, #tpu.memory_space<hbm>> -> memref<1x64x128xf32, #tpu.memory_space<hbm>>
    %dma_wait3A_96 = tpu.memref_squeeze %dma_wait3A_95 : memref<1x64x128xf32, #tpu.memory_space<hbm>> -> memref<64x128xf32, #tpu.memory_space<hbm>>
    tpu.wait_dma2 semaphore(%arg17 : memref<!tpu.dma_semaphore, #tpu.memory_space<semaphore_mem>>) src(%arg9 : memref<64x128xf32, #tpu.memory_space<vmem>>) dst(%dma_wait3A_96 : memref<64x128xf32, #tpu.memory_space<hbm>>)
    %dma_wait3A_97 = arith.constant 0 : i32
    %dma_wait3A_98 = arith.constant 0 : i32
    %dma_wait3A_99 = tpu.memref_slice %arg3[%select_n3A, %dma_wait3A_97, %dma_wait3A_98] : memref<4x2048x4096xf32, #tpu.memory_space<hbm>> -> memref<1x64x128xf32, #tpu.memory_space<hbm>>
    %dma_wait3A_100 = tpu.memref_squeeze %dma_wait3A_99 : memref<1x64x128xf32, #tpu.memory_space<hbm>> -> memref<64x128xf32, #tpu.memory_space<hbm>>
    %dma_wait3A_101 = arith.constant 0 : i32
    %dma_wait3A_102 = arith.constant 0 : i32
    %dma_wait3A_103 = tpu.memref_slice %arg3[%select_n3A, %dma_wait3A_101, %dma_wait3A_102] : memref<4x2048x4096xf32, #tpu.memory_space<hbm>> -> memref<1x64x128xf32, #tpu.memory_space<hbm>>
    %dma_wait3A_104 = tpu.memref_squeeze %dma_wait3A_103 : memref<1x64x128xf32, #tpu.memory_space<hbm>> -> memref<64x128xf32, #tpu.memory_space<hbm>>
    tpu.wait_dma2 semaphore(%arg18 : memref<!tpu.dma_semaphore, #tpu.memory_space<semaphore_mem>>) src(%arg10 : memref<64x128xf32, #tpu.memory_space<vmem>>) dst(%dma_wait3A_104 : memref<64x128xf32, #tpu.memory_space<hbm>>)
    %dma_wait3A_105 = arith.constant 0 : i32
    %dma_wait3A_106 = arith.constant 0 : i32
    %dma_wait3A_107 = tpu.memref_slice %arg3[%select_n3A, %dma_wait3A_105, %dma_wait3A_106] : memref<4x2048x4096xf32, #tpu.memory_space<hbm>> -> memref<1x64x128xf32, #tpu.memory_space<hbm>>
    %dma_wait3A_108 = tpu.memref_squeeze %dma_wait3A_107 : memref<1x64x128xf32, #tpu.memory_space<hbm>> -> memref<64x128xf32, #tpu.memory_space<hbm>>
    %dma_wait3A_109 = arith.constant 0 : i32
    %dma_wait3A_110 = arith.constant 0 : i32
    %dma_wait3A_111 = tpu.memref_slice %arg3[%select_n3A, %dma_wait3A_109, %dma_wait3A_110] : memref<4x2048x4096xf32, #tpu.memory_space<hbm>> -> memref<1x64x128xf32, #tpu.memory_space<hbm>>
    %dma_wait3A_112 = tpu.memref_squeeze %dma_wait3A_111 : memref<1x64x128xf32, #tpu.memory_space<hbm>> -> memref<64x128xf32, #tpu.memory_space<hbm>>
    tpu.wait_dma2 semaphore(%arg19 : memref<!tpu.dma_semaphore, #tpu.memory_space<semaphore_mem>>) src(%arg11 : memref<64x128xf32, #tpu.memory_space<vmem>>) dst(%dma_wait3A_112 : memref<64x128xf32, #tpu.memory_space<hbm>>)
    return
  }
}

</mosaic_0001>

<sc_bundles>
// kernel: kernel.3.cloned.1.call-start
scs
__scs_entry_jumppad:
0x0: {  	(pc) =	sbr.rel $0x88, $3  }
0x1: {  	(tag) =	ssettag $0x0;
	lr =	simm.s32 $0x1  }
0x2: {  	[smem:$0x3FA0] =	sst lr;
	_ =	strace $0xD0000000  }
0x3: {  	_ = 	snop  }
0x4: {  	_ = 	snop  }
0x5: {  	_ = 	snop  }
0x6: {  	_ = 	snop  }
0x7: {  	_ = 	snop  }
__scs_overlays_trampoline_lowered:
0x8: {  	[smem:$0x3FAF] =	sst s0  }
0x9: {  	[smem:$0x3FB0] =	sst s1  }
0xa: {  	[smem:$0x3FB1] =	sst s2  }
0xb: {  	[smem:$0x3FB2] =	sst s3  }
0xc: {  	[smem:$0x3FB3] =	sst s4  }
0xd: {  	[smem:$0x3FB4] =	sst s5  }
0xe: {  	[smem:$0x3FB5] =	sst s6  }
0xf: {  	[smem:$0x3FB6] =	sst s7  }
0x10: {  	[smem:$0x3FB7] =	sst s8  }
0x11: {  	[smem:$0x3FB8] =	sst s9;
	s0 =	simm.s32 @!p0 $0x0  }
0x12: {  	s1 =	sld [smem:$0x3F9E];
	s0 =	simm.s32 @p0 $0x1  }
0x13: {  	[smem:$0x3FB9] =	sst s0;
	s0 =	simm.s32 @!p1 $0x0  }
0x14: {  	s2 =	sld [smem:$0x3F9D];
	s0 =	simm.s32 @p1 $0x1  }
0x15: {  	[smem:$0x3FBA] =	sst s0;
	s0 =	simm.s32 @!p2 $0x0  }
0x16: {  	s3 =	sld [smem:$0x3FDB];
	s0 =	simm.s32 @p2 $0x1  }
0x17: {  	s4 =	simm.s32 $0x1BF5;
	[smem:$0x3FBC] =	sst s0  }
0x18: {  	s0 =	sld [smem:$0x3F9F];
	_ =	swait.ge [sflag:s4], $0x0  }
0x19: {  	s7 =	sld [smem:$0x3FA0]  }
0x1a: {  	s8 =	sadd.s32 $0xFFFFE003, lr  }
0x1b: {  	s9 =	sadd.s32 $0xFFFFFEF7, lr;
	s5 =	simm.s32 $0xFFFFFFFF;
	p2 =	slt.u32 s8, $0xFFFFF086  }
0x1c: {  	p1 =	slt.u32 s9, $0xF7A;
	s5 =	simm.s32 @!p2 $0x0  }
0x1d: {  	s5 =	simm.s32 @p1 $0x1;
	p0 =	seq.s32 s7, s2  }
0x1e: {  	s7 =	smul.u32 @!p0 $0xF7A, s2;
	p2 =	seq.s32 @!p0 s5, $0x0  }
0x1f: {  	s9 =	smul.u32 $0xF7A, s1;
	s8 =	simm.s32 @!p0 $0x1BF5;
	p2 =	por !p2, p0  }
0x20: {  	[sflag:s8] =	ssyncset.s32 @!p0 $0xFFFFF086;
	s6 =	sadd.s32 @!p0 s3, s7;
	s7 =	simm.s32 @!p0 $0x108  }
0x21: {  	s3 =	sadd.s32 s3, s9;
	s6 =	sadd.s32 @!p0 $0x88, s6;
	s7 =	simm.s32 @p2 $0x1082  }
0x22: {  	[simem:s7], [sflag:s8] =	dma.local @!p0 [hbm:s6], $0xF7A  }
0x23: {  	s9 =	sor.u32 $0xD0000000, s2;
	s6 =	simm.s32 $0x108;
	_ =	swait.ge @!p0 [sflag:s8], $0x0  }
0x24: {  	s3 =	sadd.s32 $0x88, s3;
	s6 =	simm.s32 @!p1 $0x1082;
	[sflag:s4] =	ssyncset.s32 $0xFFFFF086  }
0x25: {  	[simem:s6], [sflag:s4] =	dma.local [hbm:s3], $0xF7A  }
0x26: {  	[smem:$0x3FA0] =	sst s1;
	(tag) =	ssettag s2;
	_ =	strace s9  }
0x27: {  	s1 =	sld [smem:$0x3FB0]  }
0x28: {  	s2 =	sld [smem:$0x3FB1]  }
0x29: {  	s4 =	sld [smem:$0x3FB3]  }
0x2a: {  	p0 =	seq.s32 s5, $0x0;
	s5 =	sld [smem:$0x3FB4]  }
0x2b: {  	s6 =	sld [smem:$0x3FB5]  }
0x2c: {  	s7 =	sld [smem:$0x3FB6]  }
0x2d: {  	s3 =	simm.s32 $0x108;
	s8 =	sld [smem:$0x3FB7]  }
0x2e: {  	s3 =	simm.s32 @!p0 $0x1082;
	s9 =	sld [smem:$0x3FB8]  }
0x2f: {  	lr =	sadd.s32 s0, s3;
	s0 =	sld [smem:$0x3FAF]  }
0x30: {  	s3 =	sld [smem:$0x3FB2]  }
0x31: {  	[smem:$0x3FBB] =	sst s10  }
0x32: {  	s10 =	sld [smem:$0x3FB9];
	_ =	sdelay $0x3  }
0x33: {  	p0 =	seq.s32 s10, $0x1;
	s10 =	sld [smem:$0x3FBB];
	_ =	sdelay $0x3  }
0x34: {  	[smem:$0x3FBB] =	sst s10  }
0x35: {  	s10 =	sld [smem:$0x3FBA];
	_ =	sdelay $0x3  }
0x36: {  	p1 =	seq.s32 s10, $0x1;
	s10 =	sld [smem:$0x3FBB];
	_ =	sdelay $0x3  }
0x37: {  	[smem:$0x3FBB] =	sst s10  }
0x38: {  	s10 =	sld [smem:$0x3FBC]  }
0x39: {  	_ = 	snop;
	(pc) =	sbr.ind lr, $3  }
0x3a: {  	_ = 	snop  }
0x3b: {  	_ = 	snop  }
0x3c: {  	p2 =	seq.s32 s10, $0x1;
	s10 =	sld [smem:$0x3FBB]  }
0x3d: {  	_ =	shalt  }
0x3e: {  	_ =	shalt  }
0x3f: {  	_ =	shalt  }
0x40: {  	_ =	shalt  }
0x41: {  	_ =	shalt  }
0x42: {  	_ =	shalt  }
0x43: {  	_ =	shalt  }
0x44: {  	_ =	shalt  }
0x45: {  	_ =	shalt  }
0x46: {  	_ =	shalt  }
0x47: {  	_ =	shalt  }
0x48: {  	_ =	shalt  }
0x49: {  	_ =	shalt  }
0x4a: {  	_ =	shalt  }
0x4b: {  	_ =	shalt  }
0x4c: {  	_ =	shalt  }
0x4d: {  	_ =	shalt  }
0x4e: {  	_ =	shalt  }
0x4f: {  	_ =	shalt  }
0x50: {  	_ =	shalt  }
0x51: {  	_ =	shalt  }
0x52: {  	_ =	shalt  }
0x53: {  	_ =	shalt  }
0x54: {  	_ =	shalt  }
0x55: {  	_ =	shalt  }
0x56: {  	_ =	shalt  }
0x57: {  	_ =	shalt  }
0x58: {  	_ =	shalt  }
0x59: {  	_ =	shalt  }
0x5a: {  	_ =	shalt  }
0x5b: {  	_ =	shalt  }
0x5c: {  	_ =	shalt  }
0x5d: {  	_ =	shalt  }
0x5e: {  	_ =	shalt  }
0x5f: {  	_ =	shalt  }
0x60: {  	_ =	shalt  }
0x61: {  	_ =	shalt  }
0x62: {  	_ =	shalt  }
0x63: {  	_ =	shalt  }
0x64: {  	_ =	shalt  }
0x65: {  	_ =	shalt  }
0x66: {  	_ =	shalt  }
0x67: {  	_ =	shalt  }
0x68: {  	_ =	shalt  }
0x69: {  	_ =	shalt  }
0x6a: {  	_ =	shalt  }
0x6b: {  	_ =	shalt  }
0x6c: {  	_ =	shalt  }
0x6d: {  	_ =	shalt  }
0x6e: {  	_ =	shalt  }
0x6f: {  	_ =	shalt  }
0x70: {  	_ =	shalt  }
0x71: {  	_ =	shalt  }
0x72: {  	_ =	shalt  }
0x73: {  	_ =	shalt  }
0x74: {  	_ =	shalt  }
0x75: {  	_ =	shalt  }
0x76: {  	_ =	shalt  }
0x77: {  	_ =	shalt  }
0x78: {  	_ =	shalt  }
0x79: {  	_ =	shalt  }
0x7a: {  	_ =	shalt  }
0x7b: {  	_ =	shalt  }
0x7c: {  	_ =	shalt  }
0x7d: {  	_ =	shalt  }
0x7e: {  	_ =	shalt  }
0x7f: {  	_ =	shalt  }
0x80: {  	_ =	shalt  }
0x81: {  	_ =	shalt  }
0x82: {  	_ =	shalt  }
0x83: {  	_ =	shalt  }
0x84: {  	_ =	shalt  }
0x85: {  	_ =	shalt  }
0x86: {  	_ =	shalt  }
0x87: {  	_ =	shalt  }
.Lfunc_end0:
.L_simem_size_0:
called_computation_lowered:
.L_overlay_start_0:
0x88: {  	s2 =	sld [smem:$0x3FD9]  }
0x89: {  	s3 =	sld [smem:$0x3FFE];
	_ =	sdelay $0x1  }
0x8a: {  	s1 =	srdreg.scid  }
0x8b: {  	s0 =	sand.u32 $0x1, s1  }
0x8c: {  	s18 =	sshll.u32 s0, $0xA;
	s2 =	sadd.s32 s3, s2  }
0x8d: {  	s2 =	sadd.s32 s2, s18  }
0x8e: {  	[smem:$0x3FC7] =	sst s2  }
0x8f: {  	_ = 	snop  }
0x90: {  	s2 =	sld [smem:$0x3FC9]  }
0x91: {  	s19 =	sld [smem:$0x3FD0];
	(tm) =	ssettm $0x1  }
0x92: {  	s4 =	sld [smem:$0x3FFB];
	_ =	sdelay $0x3  }
0x93: {  	_ =	strace s4  }
0x94: {  	s4 =	sld [smem:$0x3FFC];
	_ =	sdelay $0x3  }
0x95: {  	_ =	strace s4  }
0x96: {  	s4 =	sld [smem:$0x3FFD];
	_ =	sdelay $0x3  }
0x97: {  	_ =	strace s4  }
0x98: {  	_ =	strace $0x8FFFFFFF  }
0x99: {  	s20 =	sld [smem:$0x3FDB];
	_ =	sdelay $0x1  }
0x9a: {  	s5 =	simm.s32 $_scs_section_size  }
0x9b: {  	s6 =	simm.s32 $_size__tile_overlayer_lowered;
	s7 =	simm.s32 $_tile_overlayer_lowered  }
0x9c: {  	s23 =	simm.s32 $0x1BFF;
	s22 =	sshll.u32 s7, $0x1;
	s4 =	sadd.s32 s5, s20  }
0x9d: {  	s8 =	simm.s32 $0x0;
	s21 =	sshll.u32 s6, $0x1;
	s6 =	sadd.s32 s22, s4  }
0x9e: {  	[timem:s8], [sflag:s23] =	dma.local [hbm:s6], s21  }
0x9f: {  	_ =	swait.ge [sflag:s23], s21  }
0xa0: {  	s5 =	ssub.s32 $0x0, s21;
	[sflag:s23] =	ssyncset.done $0x0  }
0xa1: {  	[sflag:s23] =	ssyncadd.s32 s5;
	_ =	sdelay $0x1  }
0xa2: {  	s24 =	simm.s32 $0x1B8B  }
0xa3: {  	_ =	swait.ge [sflag:s24], $0x1  }
0xa4: {  	[sflag:s24] =	ssyncset.done $0x0  }
0xa5: {  	s25 =	simm.s32 $0x1B8E;
	[sflag:s24] =	ssyncadd.s32 $0xFFFFFFFF  }
0xa6: {  	s26 =	simm.s32 $execute0_lowered;
	[smem:$0x3FD2] =	sst s25  }
0xa7: {  	s5 =	sshll.u32 s26, $0x1;
	_ =	strace $0x80000046;
	[dreg:$0x1] =	wrdreg $0xFFFFFFFF  }
0xa8: {  	s28 =	simm.s32 $_size_execute0_lowered;
	s4 =	sadd.s32 s4, s5;
	[dreg:$0x0] =	wrdreg $0x0  }
0xa9: {  	s5 =	sshll.u32 s28, $0x1;
	[dreg:$0x2] =	wrdreg s4  }
0xaa: {  	[dreg:$0x3] =	wrdreg s5  }
0xab: {  	[dreg:$0x4] =	wrdreg $0xC0  }
0xac: {  	_ =	task [dreg:s8], $0x5FFFF  }
0xad: {  	[dreg:$0x1] =	wrdreg $0xFFFFFFFF  }
0xae: {  	[dreg:$0x0] =	wrdreg $0x60  }
0xaf: {  	[dreg:$0x2] =	wrdreg s2  }
0xb0: {  	[dreg:$0x3] =	wrdreg s19  }
0xb1: {  	[dreg:$0x4] =	wrdreg $0x9  }
0xb2: {  	_ =	task.clear_ibuf [dreg:s8], $0x5FFFF;
	_ =	strace $0x90000046  }
0xb3: {  	s29 =	simm.s32 $0x9;
	_ =	strace $0x80000048  }
0xb4: {  	_ =	swait.ge [sflag:s29], $0x1  }
0xb5: {  	[sflag:s29] =	ssyncadd.s32 $0xFFFFFFFF  }
0xb6: {  	_ =	strace $0x90000048  }
0xb7: {  	_ =	sfence  }
0xb8: {  	s30 =	sld [smem:$0x0];
	_ =	sdelay $0x2  }
0xb9: {  	s31 =	sshll.u32 s1, $0xD;
	s1 =	sshrl.u32 s1, $0x2  }
0xba: {  	s3 =	sand.u32 $0x4000, s31;
	s1 =	sadd.s32 s1, s30  }
0xbb: {  	s0 =	sor.u32 s3, s0;
	s1 =	sshll.u32 s1, $0x11  }
0xbc: {  	s0 =	sor.u32 s1, s0  }
0xbd: {  	s0 =	sadd.s32 $0x8F2B, s0  }
0xbe: {  	[sflag:s0] =	ssyncadd.remote.s32 $0x1  }
0xbf: {  	_ =	sfence.sel $0xFFFF  }
0xc0: {  	[dreg:$0x0] =	wrdreg $0xFFFFFFFF;
	(pc) =	sbr.abs _section_cstart, $3  }
0xc1: {  	[dreg:$0x1] =	wrdreg $0xFFFFFFFF  }
0xc2: {  	_ =	task.clear_ibuf [dreg:s8], $0x2FFFF;
	_ =	strace $0x9FFFFFFF  }
0xc3: {  	(tm) =	ssettm $0x7FFFFFFF  }
tec
execute0_lowered:
.L_overlay_start_1:
0x0: {  	(tag) =	ssettag $0x1  }
0x1: {  	s4 =	stileid.u32;
	s2 =	rddreg [dreg:$0x0]  }
0x2: {  	s0 =	srdreg.scid;
	s3 =	rddreg [dreg:$0x1]  }
0x3: {  	s6 =	simm.s32 $0x0;
	s15 =	simm.s32 $0x400;
	s16 =	simm.s32 $0x8000  }
0x4: {  	s17 =	simm.s32 $0x2000;
	s18 =	simm.s32 $0x4000;
	s19 =	simm.s32 $0x6000  }
0x5: {  	s20 =	simm.s32 $0x1;
	s21 =	simm.s32 $0x2;
	s22 =	simm.s32 $0x6  }
0x6: {  	s23 =	simm.s32 $0xA000;
	s24 =	simm.s32 $0x3;
	s1 =	sshll.u32 s4, $0x1  }
0x7: {  	s28 =	simm.s32 $0x4;
	s0 =	sand.u32 $0x1, s0;
	s1 =	sand.u32 $0x6, s1  }
0x8: {  	s29 =	simm.s32 $0x8;
	s4 =	sshll.u32 s4, $0x15;
	s1 =	sor.u32 s0, s1  }
0x9: {  	s4 =	sand.u32 $0x1800000, s4;
	s0 =	ssub.s32 $0x2, s0;
	s5 =	sshll.u32 s1, $0xC  }
0xa: {  	s30 =	simm.s32 $0xE000;
	s7 =	sshrl.u32 s0, $0x1;
	s1 =	sor.u32 s4, s5  }
0xb: {  	[smem:$0x7FF] =	sst s6;
	s0 =	ssub.s32 s0, s7;
	s1 =	sshrl.u32 s1, $0x3  }
0xc: {  	_ =	strace $0x80000047;
	s0 =	smax.u32 s0, $0x1;
	s7 =	sadd.s32 s2, s1  }
.Ltmp0:
0xd: {  	[dreg:$0x6] =	wrdreg s0;
	s1 =	sadd.s32 $0x8000, s7;
	(pc) =	sbr.rel .LBB2_1-.Ltmp0, $4  }
0xe: {  	s31 =	simm.s32 $0x5;
	s25 =	sadd.s32 $0x10000, s7;
	[dreg:$0x3] =	wrdreg s1  }
0xf: {  	s11 =	sadd.s32 $0x8000, s3;
	s26 =	sadd.s32 $0x18000, s7;
	[dreg:$0x4] =	wrdreg s25  }
0x10: {  	s12 =	sadd.s32 $0x10000, s3;
	s13 =	sadd.s32 $0x18000, s3;
	[dreg:$0x5] =	wrdreg s26  }
0x11: {  	s25 =	simm.s32 $0x7;
	s26 =	simm.s32 $0xC000;
	s1 =	simm.s32 $0x0  }
.LBB2_24:
0x12: {  	_ =	swait.ge [sflag:s31], $0x2000  }
0x13: {  	[sflag:s31] =	ssyncset.done $0x0  }
0x14: {  	[sflag:s31] =	ssyncadd.s32 $0xFFFFE000  }
0x15: {  	_ =	swait.ge [sflag:s22], $0x2000  }
0x16: {  	[sflag:s22] =	ssyncset.done $0x0  }
0x17: {  	[sflag:s22] =	ssyncadd.s32 $0xFFFFE000  }
0x18: {  	_ =	swait.ge [sflag:s25], $0x2000  }
0x19: {  	[sflag:s25] =	ssyncset.done $0x0  }
0x1a: {  	[sflag:s25] =	ssyncadd.s32 $0xFFFFE000  }
0x1b: {  	_ =	swait.ge [sflag:s29], $0x2000  }
0x1c: {  	s1 =	sadd.s32 $0x1, s1;
	s0 =	rddreg [dreg:$0x6]  }
0x1d: {  	p0 =	sne.s32 s1, s0  }
.Ltmp1:
0x1e: {  	_ = 	snop;
	(pc) =	sbr.rel @!p0 .LBB2_25-.Ltmp1, $3  }
0x1f: {  	_ =	sdelay $0x1  }
0x20: {  	[sflag:s29] =	ssyncset.done $0x0  }
0x21: {  	[sflag:s29] =	ssyncadd.s32 $0xFFFFE000  }
.LBB2_1:
0x22: {  	[tilespmem:s6], [sflag:$0x1] =	stream.strided.gather [hbm4b:s7+s15], $0x2000, s16, s15, $0x38;
	[tilespmem:$0x10000] =	vst v63  }
0x23: {  	s0 =	rddreg [dreg:$0x3]  }
0x24: {  	[tilespmem:s17], [sflag:$0x2] =	stream.strided.gather [hbm4b:s0+s15], $0x2000, s16, s15, $0x38;
	[tilespmem:$0x10000] =	vst v63  }
0x25: {  	s10 =	rddreg [dreg:$0x4]  }
0x26: {  	v0 =	vimm.f32 $0.0e+00;
	v1 =	vimm.f32 $0.0e+00;
	[tilespmem:s18], [sflag:$0x3] =	stream.strided.gather [hbm4b:s10+s15], $0x2000, s16, s15, $0x38;
	[tilespmem:$0x10000] =	vst v63  }
0x27: {  	s14 =	rddreg [dreg:$0x5];
	v2 =	vimm.f32 $0.0e+00;
	v3 =	vimm.f32 $0.0e+00;
	v4 =	vimm.f32 $0.0e+00;
	s0 =	simm.s32 $0x0  }
0x28: {  	v6 =	vimm.f32 $0.0e+00;
	v7 =	vimm.f32 $0.0e+00;
	v5 =	vimm.f32 $0.0e+00;
	[tilespmem:s19], [sflag:$0x4] =	stream.strided.gather [hbm4b:s14+s15], $0x2000, s16, s15, $0x38;
	[tilespmem:$0x10000] =	vst v63  }
.LBB2_2:
0x29: {  	s8 =	sshll.u32 s0, $0x2;
	_ =	swait.ge [sflag:s20], $0x2000  }
0x2a: {  	p0 =	seq.s32 s0, $0x0;
	s10 =	sand.u32 $0x1C, s8;
	[sflag:s20] =	ssyncset.done $0x0  }
0x2b: {  	s9 =	simm.s32 @!p0 $0x5;
	[sflag:s20] =	ssyncadd.s32 $0xFFFFE000;
	p1 =	seq.s32 s10, $0x0  }
0x2c: {  	_ =	swait.ge @!p0 [sflag:s9], $0x2000;
	v5 =	vpsel p1, $0x0, v5;
	v7 =	vpsel p1, $0x0, v7  }
0x2d: {  	v6 =	vpsel p1, $0x0, v6;
	v4 =	vpsel p1, $0x0, v4;
	v3 =	vpsel p1, $0x0, v3;
	[sflag:s9] =	ssyncset.done @!p0 $0x0  }
0x2e: {  	v2 =	vpsel p1, $0x0, v2;
	v1 =	vpsel p1, $0x0, v1;
	v0 =	vpsel p1, $0x0, v0;
	[sflag:s9] =	ssyncadd.s32 @!p0 $0xFFFFE000;
	s9 =	simm.s32 $0x0  }
.LBB2_3:
0x2f: {  	s14 =	sshra.s32 s9, $0x2  }
0x30: {  	v8 =	vld [tilespmem:s14+$0x0]  }
0x31: {  	v9 =	vld [tilespmem:s14+$0x10]  }
0x32: {  	v10 =	vld [tilespmem:s14+$0x20]  }
0x33: {  	v11 =	vld [tilespmem:s14+$0x30]  }
0x34: {  	v12 =	vld [tilespmem:s14+$0x40]  }
0x35: {  	v17 =	vld [tilespmem:s14+$0x60]  }
0x36: {  	v18 =	vld [tilespmem:s14+$0x70]  }
0x37: {  	v19 =	vld [tilespmem:s14+$0x80];
	v5 =	vadd.f32 v8, v5  }
0x38: {  	v20 =	vld [tilespmem:s14+$0x90];
	v7 =	vadd.f32 v9, v7  }
0x39: {  	v21 =	vld [tilespmem:s14+$0xB0];
	v6 =	vadd.f32 v10, v6;
	[tilespmem:s14+$0x8000] =	vst v5  }
0x3a: {  	v8 =	vld [tilespmem:s14+$0x50];
	v4 =	vadd.f32 v11, v4;
	[tilespmem:s14+$0x8010] =	vst v7  }
0x3b: {  	v22 =	vld [tilespmem:s14+$0xC0];
	v3 =	vadd.f32 v12, v3;
	[tilespmem:s14+$0x8020] =	vst v6  }
0x3c: {  	v24 =	vld [tilespmem:s14+$0xE0];
	v1 =	vadd.f32 v17, v1;
	[tilespmem:s14+$0x8030] =	vst v4  }
0x3d: {  	v25 =	vld [tilespmem:s14+$0x100];
	v0 =	vadd.f32 v18, v0;
	[tilespmem:s14+$0x8040] =	vst v3  }
0x3e: {  	v26 =	vld [tilespmem:s14+$0x110];
	[tilespmem:s14+$0x8060] =	vst v1;
	v5 =	vadd.f32 v19, v5  }
0x3f: {  	[tilespmem:s14+$0x8070] =	vst v0;
	v7 =	vadd.f32 v20, v7;
	v2 =	vadd.f32 v8, v2;
	v8 =	vld [tilespmem:s14+$0xA0]  }
0x40: {  	v28 =	vld [tilespmem:s14+$0x130];
	v4 =	vadd.f32 v21, v4;
	[tilespmem:s14+$0x8080] =	vst v5  }
0x41: {  	v30 =	vld [tilespmem:s14+$0x160];
	v3 =	vadd.f32 v22, v3;
	[tilespmem:s14+$0x8090] =	vst v7  }
0x42: {  	v32 =	vld [tilespmem:s14+$0x180];
	v1 =	vadd.f32 v24, v1;
	[tilespmem:s14+$0x80B0] =	vst v4  }
0x43: {  	v34 =	vld [tilespmem:s14+$0x1B0];
	[tilespmem:s14+$0x80C0] =	vst v3;
	v5 =	vadd.f32 v25, v5  }
0x44: {  	[tilespmem:s14+$0x80E0] =	vst v1;
	v7 =	vadd.f32 v26, v7;
	v6 =	vadd.f32 v8, v6;
	v8 =	vld [tilespmem:s14+$0xF0]  }
0x45: {  	v23 =	vld [tilespmem:s14+$0xD0];
	v4 =	vadd.f32 v28, v4;
	[tilespmem:s14+$0x8100] =	vst v5  }
0x46: {  	v38 =	vld [tilespmem:s14+$0x200];
	v1 =	vadd.f32 v30, v1;
	[tilespmem:s14+$0x8110] =	vst v7  }
0x47: {  	v29 =	vld [tilespmem:s14+$0x150];
	[tilespmem:s14+$0x8130] =	vst v4  }
0x48: {  	v36 =	vld [tilespmem:s14+$0x1D0];
	[tilespmem:s14+$0x8160] =	vst v1;
	v5 =	vadd.f32 v32, v5  }
0x49: {  	v4 =	vadd.f32 v34, v4;
	[tilespmem:s14+$0x8050] =	vst v2;
	v0 =	vadd.f32 v8, v0;
	v8 =	vld [tilespmem:s14+$0x140]  }
0x4a: {  	v27 =	vld [tilespmem:s14+$0x120];
	v2 =	vadd.f32 v23, v2;
	[tilespmem:s14+$0x8180] =	vst v5  }
0x4b: {  	v42 =	vld [tilespmem:s14+$0x250];
	[tilespmem:s14+$0x81B0] =	vst v4;
	v5 =	vadd.f32 v38, v5  }
0x4c: {  	v33 =	vld [tilespmem:s14+$0x1A0];
	[tilespmem:s14+$0x80D0] =	vst v2;
	v2 =	vadd.f32 v29, v2  }
0x4d: {  	v40 =	vld [tilespmem:s14+$0x220];
	[tilespmem:s14+$0x8200] =	vst v5  }
0x4e: {  	[tilespmem:s14+$0x8150] =	vst v2;
	v2 =	vadd.f32 v36, v2;
	v3 =	vadd.f32 v8, v3;
	v8 =	vld [tilespmem:s14+$0x190]  }
0x4f: {  	v31 =	vld [tilespmem:s14+$0x170];
	[tilespmem:s14+$0x80A0] =	vst v6;
	v6 =	vadd.f32 v27, v6  }
0x50: {  	v46 =	vld [tilespmem:s14+$0x2A0];
	[tilespmem:s14+$0x81D0] =	vst v2;
	v2 =	vadd.f32 v42, v2  }
0x51: {  	v37 =	vld [tilespmem:s14+$0x1F0];
	[tilespmem:s14+$0x8120] =	vst v6;
	v6 =	vadd.f32 v33, v6  }
0x52: {  	v44 =	vld [tilespmem:s14+$0x270];
	[tilespmem:s14+$0x8250] =	vst v2  }
0x53: {  	[tilespmem:s14+$0x81A0] =	vst v6;
	v6 =	vadd.f32 v40, v6;
	v7 =	vadd.f32 v8, v7;
	v8 =	vld [tilespmem:s14+$0x1E0]  }
0x54: {  	v35 =	vld [tilespmem:s14+$0x1C0];
	[tilespmem:s14+$0x80F0] =	vst v0;
	v0 =	vadd.f32 v31, v0  }
0x55: {  	v50 =	vld [tilespmem:s14+$0x2F0];
	[tilespmem:s14+$0x8220] =	vst v6;
	v6 =	vadd.f32 v46, v6  }
0x56: {  	v41 =	vld [tilespmem:s14+$0x240];
	[tilespmem:s14+$0x8170] =	vst v0;
	v0 =	vadd.f32 v37, v0  }
0x57: {  	v48 =	vld [tilespmem:s14+$0x2C0];
	[tilespmem:s14+$0x82A0] =	vst v6  }
0x58: {  	[tilespmem:s14+$0x81F0] =	vst v0;
	v0 =	vadd.f32 v44, v0;
	v1 =	vadd.f32 v8, v1;
	v8 =	vld [tilespmem:s14+$0x230]  }
0x59: {  	v39 =	vld [tilespmem:s14+$0x210];
	[tilespmem:s14+$0x8140] =	vst v3;
	v3 =	vadd.f32 v35, v3  }
0x5a: {  	v54 =	vld [tilespmem:s14+$0x340];
	[tilespmem:s14+$0x8270] =	vst v0;
	v0 =	vadd.f32 v50, v0  }
0x5b: {  	v45 =	vld [tilespmem:s14+$0x290];
	[tilespmem:s14+$0x81C0] =	vst v3;
	v3 =	vadd.f32 v41, v3  }
0x5c: {  	v52 =	vld [tilespmem:s14+$0x310];
	[tilespmem:s14+$0x82F0] =	vst v0  }
0x5d: {  	[tilespmem:s14+$0x8240] =	vst v3;
	v3 =	vadd.f32 v48, v3;
	v4 =	vadd.f32 v8, v4;
	v8 =	vld [tilespmem:s14+$0x280]  }
0x5e: {  	v43 =	vld [tilespmem:s14+$0x260];
	[tilespmem:s14+$0x8190] =	vst v7;
	v7 =	vadd.f32 v39, v7  }
0x5f: {  	v58 =	vld [tilespmem:s14+$0x390];
	[tilespmem:s14+$0x82C0] =	vst v3;
	v3 =	vadd.f32 v54, v3  }
0x60: {  	v49 =	vld [tilespmem:s14+$0x2E0];
	[tilespmem:s14+$0x8210] =	vst v7;
	v7 =	vadd.f32 v45, v7  }
0x61: {  	v56 =	vld [tilespmem:s14+$0x360];
	[tilespmem:s14+$0x8340] =	vst v3  }
0x62: {  	[tilespmem:s14+$0x8290] =	vst v7;
	v7 =	vadd.f32 v52, v7;
	v5 =	vadd.f32 v8, v5;
	v8 =	vld [tilespmem:s14+$0x2D0]  }
0x63: {  	v47 =	vld [tilespmem:s14+$0x2B0];
	[tilespmem:s14+$0x81E0] =	vst v1;
	v1 =	vadd.f32 v43, v1  }
0x64: {  	v62 =	vld [tilespmem:s14+$0x3E0];
	[tilespmem:s14+$0x8310] =	vst v7;
	v7 =	vadd.f32 v58, v7  }
0x65: {  	v53 =	vld [tilespmem:s14+$0x330];
	[tilespmem:s14+$0x8260] =	vst v1;
	v1 =	vadd.f32 v49, v1  }
0x66: {  	v60 =	vld [tilespmem:s14+$0x3B0];
	[tilespmem:s14+$0x8390] =	vst v7  }
0x67: {  	[tilespmem:s14+$0x82E0] =	vst v1;
	v1 =	vadd.f32 v56, v1;
	v2 =	vadd.f32 v8, v2;
	v8 =	vld [tilespmem:s14+$0x320]  }
0x68: {  	v51 =	vld [tilespmem:s14+$0x300];
	[tilespmem:s14+$0x8230] =	vst v4;
	v4 =	vadd.f32 v47, v4  }
0x69: {  	v55 =	vld [tilespmem:s14+$0x350];
	[tilespmem:s14+$0x8360] =	vst v1;
	v1 =	vadd.f32 v62, v1  }
0x6a: {  	v57 =	vld [tilespmem:s14+$0x380];
	[tilespmem:s14+$0x82B0] =	vst v4;
	v4 =	vadd.f32 v53, v4  }
0x6b: {  	v61 =	vld [tilespmem:s14+$0x3D0];
	[tilespmem:s14+$0x83E0] =	vst v1  }
0x6c: {  	[tilespmem:s14+$0x8330] =	vst v4;
	v4 =	vadd.f32 v60, v4;
	v6 =	vadd.f32 v8, v6;
	v8 =	vld [tilespmem:s14+$0x370]  }
0x6d: {  	[tilespmem:s14+$0x8280] =	vst v5  }
0x6e: {  	v5 =	vadd.f32 v51, v5;
	[tilespmem:s14+$0x83B0] =	vst v4  }
0x6f: {  	v59 =	vld [tilespmem:s14+$0x3A0];
	[tilespmem:s14+$0x82D0] =	vst v2;
	v2 =	vadd.f32 v55, v2  }
0x70: {  	v63 =	vld [tilespmem:s14+$0x3F0];
	[tilespmem:s14+$0x8300] =	vst v5;
	v5 =	vadd.f32 v57, v5  }
0x71: {  	[tilespmem:s14+$0x8350] =	vst v2;
	v2 =	vadd.f32 v61, v2;
	v0 =	vadd.f32 v8, v0;
	v8 =	vld [tilespmem:s14+$0x3C0]  }
0x72: {  	[tilespmem:s14+$0x8380] =	vst v5  }
0x73: {  	p1 =	sne.s32 s9, $0x7000;
	[tilespmem:s14+$0x83D0] =	vst v2  }
.Ltmp2:
0x74: {  	[tilespmem:s14+$0x8320] =	vst v6;
	v6 =	vadd.f32 v59, v6;
	(pc) =	sbr.rel @p1 .LBB2_3-.Ltmp2, $4  }
0x75: {  	[tilespmem:s14+$0x8370] =	vst v0;
	v0 =	vadd.f32 v63, v0  }
0x76: {  	[tilespmem:s14+$0x83A0] =	vst v6;
	v3 =	vadd.f32 v8, v3  }
0x77: {  	[tilespmem:s14+$0x83F0] =	vst v0  }
0x78: {  	s9 =	sadd.s32 $0x1000, s9;
	[tilespmem:s14+$0x83C0] =	vst v3  }
0x79: {  	s9 =	sshll.u32 s0, $0x7  }
0x7a: {  	s9 =	sand.u32 $0xC00, s9  }
0x7b: {  	s10 =	sshll.u32 s10, $0x12;
	p1 =	sne.s32 s0, $0x1F;
	s9 =	sor.u32 s5, s9  }
.Ltmp3:
0x7c: {  	s10 =	sor.u32 s9, s10;
	(pc) =	sbr.rel @p1 .LBB2_6-.Ltmp3, $4  }
0x7d: {  	s10 =	sor.u32 s4, s10  }
0x7e: {  	s10 =	sshrl.u32 s10, $0x3  }
0x7f: {  	s10 =	sadd.s32 s3, s10  }
0x80: {  	[hbm4b:s10+s15] =	stream.strided.scatter [tilespmem:s16], [sflag:$0x5], $0x2000, s16, s15, $0x38;
	[tilespmem:$0x10000] =	vst v63  }
.Ltmp4:
0x81: {  	(pc) =	sbr.rel .LBB2_7-.Ltmp4, $4  }
0x82: {  	_ = 	snop  }
0x83: {  	_ =	swait.ge [sflag:s21], $0x2000  }
0x84: {  	[sflag:s21] =	ssyncset.done $0x0  }
0x85: {  	[sflag:s21] =	ssyncadd.s32 $0xFFFFE000  }
.LBB2_6:
0x86: {  	s10 =	sadd.s32 $0x4, s8  }
0x87: {  	s14 =	sshll.u32 s10, $0x5  }
0x88: {  	s10 =	sshll.u32 s10, $0x12;
	s14 =	sand.u32 $0x1C00, s14  }
0x89: {  	s10 =	sand.u32 $0x700000, s10;
	s14 =	sadd.s32 s5, s14  }
0x8a: {  	s10 =	sor.u32 s10, s14  }
0x8b: {  	s10 =	sor.u32 s4, s10  }
0x8c: {  	s10 =	sshrl.u32 s10, $0x3  }
.Ltmp5:
0x8d: {  	s10 =	sadd.s32 s2, s10;
	(pc) =	sbr.rel @p0 .LBB2_8-.Ltmp5, $4  }
0x8e: {  	[tilespmem:s6], [sflag:$0x1] =	stream.strided.gather [hbm4b:s10+s15], $0x2000, s16, s15, $0x38;
	[tilespmem:$0x10000] =	vst v63  }
0x8f: {  	_ =	swait.ge [sflag:s21], $0x2000  }
0x90: {  	[sflag:s21] =	ssyncset.done $0x0  }
0x91: {  	[sflag:s21] =	ssyncadd.s32 $0xFFFFE000  }
.LBB2_7:
0x92: {  	_ =	swait.ge [sflag:s22], $0x2000  }
0x93: {  	[sflag:s22] =	ssyncset.done $0x0  }
0x94: {  	[sflag:s22] =	ssyncadd.s32 $0xFFFFE000  }
.LBB2_8:
0x95: {  	s10 =	simm.s32 $0x0  }
.LBB2_9:
0x96: {  	s14 =	sshra.s32 s10, $0x2  }
0x97: {  	v8 =	vld [tilespmem:s14+$0x2000]  }
0x98: {  	v9 =	vld [tilespmem:s14+$0x2010]  }
0x99: {  	v10 =	vld [tilespmem:s14+$0x2020]  }
0x9a: {  	v11 =	vld [tilespmem:s14+$0x2030]  }
0x9b: {  	v12 =	vld [tilespmem:s14+$0x2040]  }
0x9c: {  	v17 =	vld [tilespmem:s14+$0x2060]  }
0x9d: {  	v18 =	vld [tilespmem:s14+$0x2070]  }
0x9e: {  	v19 =	vld [tilespmem:s14+$0x2080];
	v5 =	vadd.f32 v8, v5  }
0x9f: {  	v20 =	vld [tilespmem:s14+$0x2090];
	v7 =	vadd.f32 v9, v7  }
0xa0: {  	v21 =	vld [tilespmem:s14+$0x20B0];
	v6 =	vadd.f32 v10, v6;
	[tilespmem:s14+$0xA000] =	vst v5  }
0xa1: {  	v8 =	vld [tilespmem:s14+$0x2050];
	v4 =	vadd.f32 v11, v4;
	[tilespmem:s14+$0xA010] =	vst v7  }
0xa2: {  	v22 =	vld [tilespmem:s14+$0x20C0];
	v3 =	vadd.f32 v12, v3;
	[tilespmem:s14+$0xA020] =	vst v6  }
0xa3: {  	v24 =	vld [tilespmem:s14+$0x20E0];
	v1 =	vadd.f32 v17, v1;
	[tilespmem:s14+$0xA030] =	vst v4  }
0xa4: {  	v25 =	vld [tilespmem:s14+$0x2100];
	v0 =	vadd.f32 v18, v0;
	[tilespmem:s14+$0xA040] =	vst v3  }
0xa5: {  	v26 =	vld [tilespmem:s14+$0x2110];
	[tilespmem:s14+$0xA060] =	vst v1;
	v5 =	vadd.f32 v19, v5  }
0xa6: {  	[tilespmem:s14+$0xA070] =	vst v0;
	v7 =	vadd.f32 v20, v7;
	v2 =	vadd.f32 v8, v2;
	v8 =	vld [tilespmem:s14+$0x20A0]  }
0xa7: {  	v28 =	vld [tilespmem:s14+$0x2130];
	v4 =	vadd.f32 v21, v4;
	[tilespmem:s14+$0xA080] =	vst v5  }
0xa8: {  	v30 =	vld [tilespmem:s14+$0x2160];
	v3 =	vadd.f32 v22, v3;
	[tilespmem:s14+$0xA090] =	vst v7  }
0xa9: {  	v32 =	vld [tilespmem:s14+$0x2180];
	v1 =	vadd.f32 v24, v1;
	[tilespmem:s14+$0xA0B0] =	vst v4  }
0xaa: {  	v34 =	vld [tilespmem:s14+$0x21B0];
	[tilespmem:s14+$0xA0C0] =	vst v3;
	v5 =	vadd.f32 v25, v5  }
0xab: {  	[tilespmem:s14+$0xA0E0] =	vst v1;
	v7 =	vadd.f32 v26, v7;
	v6 =	vadd.f32 v8, v6;
	v8 =	vld [tilespmem:s14+$0x20F0]  }
0xac: {  	v23 =	vld [tilespmem:s14+$0x20D0];
	v4 =	vadd.f32 v28, v4;
	[tilespmem:s14+$0xA100] =	vst v5  }
0xad: {  	v38 =	vld [tilespmem:s14+$0x2200];
	v1 =	vadd.f32 v30, v1;
	[tilespmem:s14+$0xA110] =	vst v7  }
0xae: {  	v29 =	vld [tilespmem:s14+$0x2150];
	[tilespmem:s14+$0xA130] =	vst v4  }
0xaf: {  	v36 =	vld [tilespmem:s14+$0x21D0];
	[tilespmem:s14+$0xA160] =	vst v1;
	v5 =	vadd.f32 v32, v5  }
0xb0: {  	v4 =	vadd.f32 v34, v4;
	[tilespmem:s14+$0xA050] =	vst v2;
	v0 =	vadd.f32 v8, v0;
	v8 =	vld [tilespmem:s14+$0x2140]  }
0xb1: {  	v27 =	vld [tilespmem:s14+$0x2120];
	v2 =	vadd.f32 v23, v2;
	[tilespmem:s14+$0xA180] =	vst v5  }
0xb2: {  	v42 =	vld [tilespmem:s14+$0x2250];
	[tilespmem:s14+$0xA1B0] =	vst v4;
	v5 =	vadd.f32 v38, v5  }
0xb3: {  	v33 =	vld [tilespmem:s14+$0x21A0];
	[tilespmem:s14+$0xA0D0] =	vst v2;
	v2 =	vadd.f32 v29, v2  }
0xb4: {  	v40 =	vld [tilespmem:s14+$0x2220];
	[tilespmem:s14+$0xA200] =	vst v5  }
0xb5: {  	[tilespmem:s14+$0xA150] =	vst v2;
	v2 =	vadd.f32 v36, v2;
	v3 =	vadd.f32 v8, v3;
	v8 =	vld [tilespmem:s14+$0x2190]  }
0xb6: {  	v31 =	vld [tilespmem:s14+$0x2170];
	[tilespmem:s14+$0xA0A0] =	vst v6;
	v6 =	vadd.f32 v27, v6  }
0xb7: {  	v46 =	vld [tilespmem:s14+$0x22A0];
	[tilespmem:s14+$0xA1D0] =	vst v2;
	v2 =	vadd.f32 v42, v2  }
0xb8: {  	v37 =	vld [tilespmem:s14+$0x21F0];
	[tilespmem:s14+$0xA120] =	vst v6;
	v6 =	vadd.f32 v33, v6  }
0xb9: {  	v44 =	vld [tilespmem:s14+$0x2270];
	[tilespmem:s14+$0xA250] =	vst v2  }
0xba: {  	[tilespmem:s14+$0xA1A0] =	vst v6;
	v6 =	vadd.f32 v40, v6;
	v7 =	vadd.f32 v8, v7;
	v8 =	vld [tilespmem:s14+$0x21E0]  }
0xbb: {  	v35 =	vld [tilespmem:s14+$0x21C0];
	[tilespmem:s14+$0xA0F0] =	vst v0;
	v0 =	vadd.f32 v31, v0  }
0xbc: {  	v50 =	vld [tilespmem:s14+$0x22F0];
	[tilespmem:s14+$0xA220] =	vst v6;
	v6 =	vadd.f32 v46, v6  }
0xbd: {  	v41 =	vld [tilespmem:s14+$0x2240];
	[tilespmem:s14+$0xA170] =	vst v0;
	v0 =	vadd.f32 v37, v0  }
0xbe: {  	v48 =	vld [tilespmem:s14+$0x22C0];
	[tilespmem:s14+$0xA2A0] =	vst v6  }
0xbf: {  	[tilespmem:s14+$0xA1F0] =	vst v0;
	v0 =	vadd.f32 v44, v0;
	v1 =	vadd.f32 v8, v1;
	v8 =	vld [tilespmem:s14+$0x2230]  }
0xc0: {  	v39 =	vld [tilespmem:s14+$0x2210];
	[tilespmem:s14+$0xA140] =	vst v3;
	v3 =	vadd.f32 v35, v3  }
0xc1: {  	v54 =	vld [tilespmem:s14+$0x2340];
	[tilespmem:s14+$0xA270] =	vst v0;
	v0 =	vadd.f32 v50, v0  }
0xc2: {  	v45 =	vld [tilespmem:s14+$0x2290];
	[tilespmem:s14+$0xA1C0] =	vst v3;
	v3 =	vadd.f32 v41, v3  }
0xc3: {  	v52 =	vld [tilespmem:s14+$0x2310];
	[tilespmem:s14+$0xA2F0] =	vst v0  }
0xc4: {  	[tilespmem:s14+$0xA240] =	vst v3;
	v3 =	vadd.f32 v48, v3;
	v4 =	vadd.f32 v8, v4;
	v8 =	vld [tilespmem:s14+$0x2280]  }
0xc5: {  	v43 =	vld [tilespmem:s14+$0x2260];
	[tilespmem:s14+$0xA190] =	vst v7;
	v7 =	vadd.f32 v39, v7  }
0xc6: {  	v58 =	vld [tilespmem:s14+$0x2390];
	[tilespmem:s14+$0xA2C0] =	vst v3;
	v3 =	vadd.f32 v54, v3  }
0xc7: {  	v49 =	vld [tilespmem:s14+$0x22E0];
	[tilespmem:s14+$0xA210] =	vst v7;
	v7 =	vadd.f32 v45, v7  }
0xc8: {  	v56 =	vld [tilespmem:s14+$0x2360];
	[tilespmem:s14+$0xA340] =	vst v3  }
0xc9: {  	[tilespmem:s14+$0xA290] =	vst v7;
	v7 =	vadd.f32 v52, v7;
	v5 =	vadd.f32 v8, v5;
	v8 =	vld [tilespmem:s14+$0x22D0]  }
0xca: {  	v47 =	vld [tilespmem:s14+$0x22B0];
	[tilespmem:s14+$0xA1E0] =	vst v1;
	v1 =	vadd.f32 v43, v1  }
0xcb: {  	v62 =	vld [tilespmem:s14+$0x23E0];
	[tilespmem:s14+$0xA310] =	vst v7;
	v7 =	vadd.f32 v58, v7  }
0xcc: {  	v53 =	vld [tilespmem:s14+$0x2330];
	[tilespmem:s14+$0xA260] =	vst v1;
	v1 =	vadd.f32 v49, v1  }
0xcd: {  	v60 =	vld [tilespmem:s14+$0x23B0];
	[tilespmem:s14+$0xA390] =	vst v7  }
0xce: {  	[tilespmem:s14+$0xA2E0] =	vst v1;
	v1 =	vadd.f32 v56, v1;
	v2 =	vadd.f32 v8, v2;
	v8 =	vld [tilespmem:s14+$0x2320]  }
0xcf: {  	v51 =	vld [tilespmem:s14+$0x2300];
	[tilespmem:s14+$0xA230] =	vst v4;
	v4 =	vadd.f32 v47, v4  }
0xd0: {  	v55 =	vld [tilespmem:s14+$0x2350];
	[tilespmem:s14+$0xA360] =	vst v1;
	v1 =	vadd.f32 v62, v1  }
0xd1: {  	v57 =	vld [tilespmem:s14+$0x2380];
	[tilespmem:s14+$0xA2B0] =	vst v4;
	v4 =	vadd.f32 v53, v4  }
0xd2: {  	v61 =	vld [tilespmem:s14+$0x23D0];
	[tilespmem:s14+$0xA3E0] =	vst v1  }
0xd3: {  	[tilespmem:s14+$0xA330] =	vst v4;
	v4 =	vadd.f32 v60, v4;
	v6 =	vadd.f32 v8, v6;
	v8 =	vld [tilespmem:s14+$0x2370]  }
0xd4: {  	[tilespmem:s14+$0xA280] =	vst v5  }
0xd5: {  	v5 =	vadd.f32 v51, v5;
	[tilespmem:s14+$0xA3B0] =	vst v4  }
0xd6: {  	v59 =	vld [tilespmem:s14+$0x23A0];
	[tilespmem:s14+$0xA2D0] =	vst v2;
	v2 =	vadd.f32 v55, v2  }
0xd7: {  	v63 =	vld [tilespmem:s14+$0x23F0];
	[tilespmem:s14+$0xA300] =	vst v5;
	v5 =	vadd.f32 v57, v5  }
0xd8: {  	[tilespmem:s14+$0xA350] =	vst v2;
	v2 =	vadd.f32 v61, v2;
	v0 =	vadd.f32 v8, v0;
	v8 =	vld [tilespmem:s14+$0x23C0]  }
0xd9: {  	[tilespmem:s14+$0xA380] =	vst v5  }
0xda: {  	p2 =	sne.s32 s10, $0x7000;
	[tilespmem:s14+$0xA3D0] =	vst v2  }
.Ltmp6:
0xdb: {  	[tilespmem:s14+$0xA320] =	vst v6;
	v6 =	vadd.f32 v59, v6;
	(pc) =	sbr.rel @p2 .LBB2_9-.Ltmp6, $4  }
0xdc: {  	[tilespmem:s14+$0xA370] =	vst v0;
	v0 =	vadd.f32 v63, v0  }
0xdd: {  	[tilespmem:s14+$0xA3A0] =	vst v6;
	v3 =	vadd.f32 v8, v3  }
0xde: {  	[tilespmem:s14+$0xA3F0] =	vst v0  }
0xdf: {  	s10 =	sadd.s32 $0x1000, s10;
	[tilespmem:s14+$0xA3C0] =	vst v3  }
0xe0: {  	s10 =	sshll.u32 s0, $0x14  }
0xe1: {  	s10 =	sand.u32 $0x700000, s10  }
.Ltmp7:
0xe2: {  	s10 =	sor.u32 s4, s10;
	(pc) =	sbr.rel @p1 .LBB2_12-.Ltmp7, $4  }
0xe3: {  	s9 =	sor.u32 s9, s10  }
0xe4: {  	s9 =	sshrl.u32 s9, $0x3  }
0xe5: {  	s14 =	sadd.s32 s9, s11  }
0xe6: {  	[hbm4b:s14+s15] =	stream.strided.scatter [tilespmem:s23], [sflag:$0x6], $0x2000, s16, s15, $0x38;
	[tilespmem:$0x10000] =	vst v63  }
.Ltmp8:
0xe7: {  	(pc) =	sbr.rel .LBB2_13-.Ltmp8, $4  }
0xe8: {  	_ = 	snop  }
0xe9: {  	_ =	swait.ge [sflag:s24], $0x2000  }
0xea: {  	[sflag:s24] =	ssyncset.done $0x0  }
0xeb: {  	[sflag:s24] =	ssyncadd.s32 $0xFFFFE000  }
.LBB2_12:
0xec: {  	s10 =	sadd.s32 $0x5, s8  }
0xed: {  	s14 =	sshll.u32 s10, $0x5  }
0xee: {  	s10 =	sshll.u32 s10, $0x12;
	s14 =	sand.u32 $0x1C00, s14  }
0xef: {  	s10 =	sand.u32 $0x740000, s10;
	s14 =	sadd.s32 s5, s14  }
0xf0: {  	s10 =	sor.u32 s10, s14  }
0xf1: {  	s10 =	sor.u32 s4, s10  }
0xf2: {  	s10 =	sshrl.u32 s10, $0x3  }
.Ltmp9:
0xf3: {  	s10 =	sadd.s32 s2, s10;
	(pc) =	sbr.rel @p0 .LBB2_14-.Ltmp9, $4  }
0xf4: {  	[tilespmem:s17], [sflag:$0x2] =	stream.strided.gather [hbm4b:s10+s15], $0x2000, s16, s15, $0x38;
	[tilespmem:$0x10000] =	vst v63  }
0xf5: {  	_ =	swait.ge [sflag:s24], $0x2000  }
0xf6: {  	[sflag:s24] =	ssyncset.done $0x0  }
0xf7: {  	[sflag:s24] =	ssyncadd.s32 $0xFFFFE000  }
.LBB2_13:
0xf8: {  	_ =	swait.ge [sflag:s25], $0x2000  }
0xf9: {  	[sflag:s25] =	ssyncset.done $0x0  }
0xfa: {  	[sflag:s25] =	ssyncadd.s32 $0xFFFFE000  }
.LBB2_14:
0xfb: {  	s10 =	simm.s32 $0x0  }
.LBB2_15:
0xfc: {  	s14 =	sshra.s32 s10, $0x2  }
0xfd: {  	v8 =	vld [tilespmem:s14+$0x4000]  }
0xfe: {  	v9 =	vld [tilespmem:s14+$0x4010]  }
0xff: {  	v10 =	vld [tilespmem:s14+$0x4020]  }
0x100: {  	v11 =	vld [tilespmem:s14+$0x4030]  }
0x101: {  	v12 =	vld [tilespmem:s14+$0x4040]  }
0x102: {  	v17 =	vld [tilespmem:s14+$0x4060]  }
0x103: {  	v18 =	vld [tilespmem:s14+$0x4070]  }
0x104: {  	v19 =	vld [tilespmem:s14+$0x4080];
	v5 =	vadd.f32 v8, v5  }
0x105: {  	v20 =	vld [tilespmem:s14+$0x4090];
	v7 =	vadd.f32 v9, v7  }
0x106: {  	v21 =	vld [tilespmem:s14+$0x40B0];
	v6 =	vadd.f32 v10, v6;
	[tilespmem:s14+$0xC000] =	vst v5  }
0x107: {  	v8 =	vld [tilespmem:s14+$0x4050];
	v4 =	vadd.f32 v11, v4;
	[tilespmem:s14+$0xC010] =	vst v7  }
0x108: {  	v22 =	vld [tilespmem:s14+$0x40C0];
	v3 =	vadd.f32 v12, v3;
	[tilespmem:s14+$0xC020] =	vst v6  }
0x109: {  	v24 =	vld [tilespmem:s14+$0x40E0];
	v1 =	vadd.f32 v17, v1;
	[tilespmem:s14+$0xC030] =	vst v4  }
0x10a: {  	v25 =	vld [tilespmem:s14+$0x4100];
	v0 =	vadd.f32 v18, v0;
	[tilespmem:s14+$0xC040] =	vst v3  }
0x10b: {  	v26 =	vld [tilespmem:s14+$0x4110];
	[tilespmem:s14+$0xC060] =	vst v1;
	v5 =	vadd.f32 v19, v5  }
0x10c: {  	[tilespmem:s14+$0xC070] =	vst v0;
	v7 =	vadd.f32 v20, v7;
	v2 =	vadd.f32 v8, v2;
	v8 =	vld [tilespmem:s14+$0x40A0]  }
0x10d: {  	v28 =	vld [tilespmem:s14+$0x4130];
	v4 =	vadd.f32 v21, v4;
	[tilespmem:s14+$0xC080] =	vst v5  }
0x10e: {  	v30 =	vld [tilespmem:s14+$0x4160];
	v3 =	vadd.f32 v22, v3;
	[tilespmem:s14+$0xC090] =	vst v7  }
0x10f: {  	v32 =	vld [tilespmem:s14+$0x4180];
	v1 =	vadd.f32 v24, v1;
	[tilespmem:s14+$0xC0B0] =	vst v4  }
0x110: {  	v34 =	vld [tilespmem:s14+$0x41B0];
	[tilespmem:s14+$0xC0C0] =	vst v3;
	v5 =	vadd.f32 v25, v5  }
0x111: {  	[tilespmem:s14+$0xC0E0] =	vst v1;
	v7 =	vadd.f32 v26, v7;
	v6 =	vadd.f32 v8, v6;
	v8 =	vld [tilespmem:s14+$0x40F0]  }
0x112: {  	v23 =	vld [tilespmem:s14+$0x40D0];
	v4 =	vadd.f32 v28, v4;
	[tilespmem:s14+$0xC100] =	vst v5  }
0x113: {  	v38 =	vld [tilespmem:s14+$0x4200];
	v1 =	vadd.f32 v30, v1;
	[tilespmem:s14+$0xC110] =	vst v7  }
0x114: {  	v29 =	vld [tilespmem:s14+$0x4150];
	[tilespmem:s14+$0xC130] =	vst v4  }
0x115: {  	v36 =	vld [tilespmem:s14+$0x41D0];
	[tilespmem:s14+$0xC160] =	vst v1;
	v5 =	vadd.f32 v32, v5  }
0x116: {  	v4 =	vadd.f32 v34, v4;
	[tilespmem:s14+$0xC050] =	vst v2;
	v0 =	vadd.f32 v8, v0;
	v8 =	vld [tilespmem:s14+$0x4140]  }
0x117: {  	v27 =	vld [tilespmem:s14+$0x4120];
	v2 =	vadd.f32 v23, v2;
	[tilespmem:s14+$0xC180] =	vst v5  }
0x118: {  	v42 =	vld [tilespmem:s14+$0x4250];
	[tilespmem:s14+$0xC1B0] =	vst v4;
	v5 =	vadd.f32 v38, v5  }
0x119: {  	v33 =	vld [tilespmem:s14+$0x41A0];
	[tilespmem:s14+$0xC0D0] =	vst v2;
	v2 =	vadd.f32 v29, v2  }
0x11a: {  	v40 =	vld [tilespmem:s14+$0x4220];
	[tilespmem:s14+$0xC200] =	vst v5  }
0x11b: {  	[tilespmem:s14+$0xC150] =	vst v2;
	v2 =	vadd.f32 v36, v2;
	v3 =	vadd.f32 v8, v3;
	v8 =	vld [tilespmem:s14+$0x4190]  }
0x11c: {  	v31 =	vld [tilespmem:s14+$0x4170];
	[tilespmem:s14+$0xC0A0] =	vst v6;
	v6 =	vadd.f32 v27, v6  }
0x11d: {  	v46 =	vld [tilespmem:s14+$0x42A0];
	[tilespmem:s14+$0xC1D0] =	vst v2;
	v2 =	vadd.f32 v42, v2  }
0x11e: {  	v37 =	vld [tilespmem:s14+$0x41F0];
	[tilespmem:s14+$0xC120] =	vst v6;
	v6 =	vadd.f32 v33, v6  }
0x11f: {  	v44 =	vld [tilespmem:s14+$0x4270];
	[tilespmem:s14+$0xC250] =	vst v2  }
0x120: {  	[tilespmem:s14+$0xC1A0] =	vst v6;
	v6 =	vadd.f32 v40, v6;
	v7 =	vadd.f32 v8, v7;
	v8 =	vld [tilespmem:s14+$0x41E0]  }
0x121: {  	v35 =	vld [tilespmem:s14+$0x41C0];
	[tilespmem:s14+$0xC0F0] =	vst v0;
	v0 =	vadd.f32 v31, v0  }
0x122: {  	v50 =	vld [tilespmem:s14+$0x42F0];
	[tilespmem:s14+$0xC220] =	vst v6;
	v6 =	vadd.f32 v46, v6  }
0x123: {  	v41 =	vld [tilespmem:s14+$0x4240];
	[tilespmem:s14+$0xC170] =	vst v0;
	v0 =	vadd.f32 v37, v0  }
0x124: {  	v48 =	vld [tilespmem:s14+$0x42C0];
	[tilespmem:s14+$0xC2A0] =	vst v6  }
0x125: {  	[tilespmem:s14+$0xC1F0] =	vst v0;
	v0 =	vadd.f32 v44, v0;
	v1 =	vadd.f32 v8, v1;
	v8 =	vld [tilespmem:s14+$0x4230]  }
0x126: {  	v39 =	vld [tilespmem:s14+$0x4210];
	[tilespmem:s14+$0xC140] =	vst v3;
	v3 =	vadd.f32 v35, v3  }
0x127: {  	v54 =	vld [tilespmem:s14+$0x4340];
	[tilespmem:s14+$0xC270] =	vst v0;
	v0 =	vadd.f32 v50, v0  }
0x128: {  	v45 =	vld [tilespmem:s14+$0x4290];
	[tilespmem:s14+$0xC1C0] =	vst v3;
	v3 =	vadd.f32 v41, v3  }
0x129: {  	v52 =	vld [tilespmem:s14+$0x4310];
	[tilespmem:s14+$0xC2F0] =	vst v0  }
0x12a: {  	[tilespmem:s14+$0xC240] =	vst v3;
	v3 =	vadd.f32 v48, v3;
	v4 =	vadd.f32 v8, v4;
	v8 =	vld [tilespmem:s14+$0x4280]  }
0x12b: {  	v43 =	vld [tilespmem:s14+$0x4260];
	[tilespmem:s14+$0xC190] =	vst v7;
	v7 =	vadd.f32 v39, v7  }
0x12c: {  	v58 =	vld [tilespmem:s14+$0x4390];
	[tilespmem:s14+$0xC2C0] =	vst v3;
	v3 =	vadd.f32 v54, v3  }
0x12d: {  	v49 =	vld [tilespmem:s14+$0x42E0];
	[tilespmem:s14+$0xC210] =	vst v7;
	v7 =	vadd.f32 v45, v7  }
0x12e: {  	v56 =	vld [tilespmem:s14+$0x4360];
	[tilespmem:s14+$0xC340] =	vst v3  }
0x12f: {  	[tilespmem:s14+$0xC290] =	vst v7;
	v7 =	vadd.f32 v52, v7;
	v5 =	vadd.f32 v8, v5;
	v8 =	vld [tilespmem:s14+$0x42D0]  }
0x130: {  	v47 =	vld [tilespmem:s14+$0x42B0];
	[tilespmem:s14+$0xC1E0] =	vst v1;
	v1 =	vadd.f32 v43, v1  }
0x131: {  	v62 =	vld [tilespmem:s14+$0x43E0];
	[tilespmem:s14+$0xC310] =	vst v7;
	v7 =	vadd.f32 v58, v7  }
0x132: {  	v53 =	vld [tilespmem:s14+$0x4330];
	[tilespmem:s14+$0xC260] =	vst v1;
	v1 =	vadd.f32 v49, v1  }
0x133: {  	v60 =	vld [tilespmem:s14+$0x43B0];
	[tilespmem:s14+$0xC390] =	vst v7  }
0x134: {  	[tilespmem:s14+$0xC2E0] =	vst v1;
	v1 =	vadd.f32 v56, v1;
	v2 =	vadd.f32 v8, v2;
	v8 =	vld [tilespmem:s14+$0x4320]  }
0x135: {  	v51 =	vld [tilespmem:s14+$0x4300];
	[tilespmem:s14+$0xC230] =	vst v4;
	v4 =	vadd.f32 v47, v4  }
0x136: {  	v55 =	vld [tilespmem:s14+$0x4350];
	[tilespmem:s14+$0xC360] =	vst v1;
	v1 =	vadd.f32 v62, v1  }
0x137: {  	v57 =	vld [tilespmem:s14+$0x4380];
	[tilespmem:s14+$0xC2B0] =	vst v4;
	v4 =	vadd.f32 v53, v4  }
0x138: {  	v61 =	vld [tilespmem:s14+$0x43D0];
	[tilespmem:s14+$0xC3E0] =	vst v1  }
0x139: {  	[tilespmem:s14+$0xC330] =	vst v4;
	v4 =	vadd.f32 v60, v4;
	v6 =	vadd.f32 v8, v6;
	v8 =	vld [tilespmem:s14+$0x4370]  }
0x13a: {  	[tilespmem:s14+$0xC280] =	vst v5  }
0x13b: {  	v5 =	vadd.f32 v51, v5;
	[tilespmem:s14+$0xC3B0] =	vst v4  }
0x13c: {  	v59 =	vld [tilespmem:s14+$0x43A0];
	[tilespmem:s14+$0xC2D0] =	vst v2;
	v2 =	vadd.f32 v55, v2  }
0x13d: {  	v63 =	vld [tilespmem:s14+$0x43F0];
	[tilespmem:s14+$0xC300] =	vst v5;
	v5 =	vadd.f32 v57, v5  }
0x13e: {  	[tilespmem:s14+$0xC350] =	vst v2;
	v2 =	vadd.f32 v61, v2;
	v0 =	vadd.f32 v8, v0;
	v8 =	vld [tilespmem:s14+$0x43C0]  }
0x13f: {  	[tilespmem:s14+$0xC380] =	vst v5  }
0x140: {  	p2 =	sne.s32 s10, $0x7000;
	[tilespmem:s14+$0xC3D0] =	vst v2  }
.Ltmp10:
0x141: {  	[tilespmem:s14+$0xC320] =	vst v6;
	v6 =	vadd.f32 v59, v6;
	(pc) =	sbr.rel @p2 .LBB2_15-.Ltmp10, $4  }
0x142: {  	[tilespmem:s14+$0xC370] =	vst v0;
	v0 =	vadd.f32 v63, v0  }
0x143: {  	[tilespmem:s14+$0xC3A0] =	vst v6;
	v3 =	vadd.f32 v8, v3  }
0x144: {  	[tilespmem:s14+$0xC3F0] =	vst v0  }
0x145: {  	s10 =	sadd.s32 $0x1000, s10;
	[tilespmem:s14+$0xC3C0] =	vst v3  }
.Ltmp11:
0x146: {  	(pc) =	sbr.rel @p1 .LBB2_18-.Ltmp11, $3  }
0x147: {  	_ =	sdelay $0x1  }
0x148: {  	s10 =	sadd.s32 s9, s12  }
0x149: {  	[hbm4b:s10+s15] =	stream.strided.scatter [tilespmem:s26], [sflag:$0x7], $0x2000, s16, s15, $0x38;
	[tilespmem:$0x10000] =	vst v63  }
.Ltmp12:
0x14a: {  	(pc) =	sbr.rel .LBB2_19-.Ltmp12, $4  }
0x14b: {  	_ = 	snop  }
0x14c: {  	_ =	swait.ge [sflag:s28], $0x2000  }
0x14d: {  	[sflag:s28] =	ssyncset.done $0x0  }
0x14e: {  	[sflag:s28] =	ssyncadd.s32 $0xFFFFE000  }
.LBB2_18:
0x14f: {  	s10 =	sadd.s32 $0x6, s8  }
0x150: {  	s14 =	sshll.u32 s10, $0x5  }
0x151: {  	s10 =	sshll.u32 s10, $0x12;
	s14 =	sand.u32 $0x1C00, s14  }
0x152: {  	s10 =	sand.u32 $0x780000, s10;
	s14 =	sadd.s32 s5, s14  }
0x153: {  	s10 =	sor.u32 s10, s14  }
0x154: {  	s10 =	sor.u32 s4, s10  }
0x155: {  	s10 =	sshrl.u32 s10, $0x3  }
.Ltmp13:
0x156: {  	s10 =	sadd.s32 s2, s10;
	(pc) =	sbr.rel @p0 .LBB2_20-.Ltmp13, $4  }
0x157: {  	[tilespmem:s18], [sflag:$0x3] =	stream.strided.gather [hbm4b:s10+s15], $0x2000, s16, s15, $0x38;
	[tilespmem:$0x10000] =	vst v63  }
0x158: {  	_ =	swait.ge [sflag:s28], $0x2000  }
0x159: {  	[sflag:s28] =	ssyncset.done $0x0  }
0x15a: {  	[sflag:s28] =	ssyncadd.s32 $0xFFFFE000  }
.LBB2_19:
0x15b: {  	_ =	swait.ge [sflag:s29], $0x2000  }
0x15c: {  	[sflag:s29] =	ssyncset.done $0x0  }
0x15d: {  	[sflag:s29] =	ssyncadd.s32 $0xFFFFE000  }
.LBB2_20:
0x15e: {  	s10 =	simm.s32 $0x0  }
.LBB2_21:
0x15f: {  	s14 =	sshra.s32 s10, $0x2  }
0x160: {  	v8 =	vld [tilespmem:s14+$0x6000]  }
0x161: {  	v9 =	vld [tilespmem:s14+$0x6010]  }
0x162: {  	v10 =	vld [tilespmem:s14+$0x6020]  }
0x163: {  	v11 =	vld [tilespmem:s14+$0x6030]  }
0x164: {  	v12 =	vld [tilespmem:s14+$0x6040]  }
0x165: {  	v17 =	vld [tilespmem:s14+$0x6060]  }
0x166: {  	v18 =	vld [tilespmem:s14+$0x6070]  }
0x167: {  	v19 =	vld [tilespmem:s14+$0x6080];
	v5 =	vadd.f32 v8, v5  }
0x168: {  	v20 =	vld [tilespmem:s14+$0x6090];
	v7 =	vadd.f32 v9, v7  }
0x169: {  	v21 =	vld [tilespmem:s14+$0x60B0];
	v6 =	vadd.f32 v10, v6;
	[tilespmem:s14+$0xE000] =	vst v5  }
0x16a: {  	v8 =	vld [tilespmem:s14+$0x6050];
	v4 =	vadd.f32 v11, v4;
	[tilespmem:s14+$0xE010] =	vst v7  }
0x16b: {  	v22 =	vld [tilespmem:s14+$0x60C0];
	v3 =	vadd.f32 v12, v3;
	[tilespmem:s14+$0xE020] =	vst v6  }
0x16c: {  	v24 =	vld [tilespmem:s14+$0x60E0];
	v1 =	vadd.f32 v17, v1;
	[tilespmem:s14+$0xE030] =	vst v4  }
0x16d: {  	v25 =	vld [tilespmem:s14+$0x6100];
	v0 =	vadd.f32 v18, v0;
	[tilespmem:s14+$0xE040] =	vst v3  }
0x16e: {  	v26 =	vld [tilespmem:s14+$0x6110];
	[tilespmem:s14+$0xE060] =	vst v1;
	v5 =	vadd.f32 v19, v5  }
0x16f: {  	[tilespmem:s14+$0xE070] =	vst v0;
	v7 =	vadd.f32 v20, v7;
	v2 =	vadd.f32 v8, v2;
	v8 =	vld [tilespmem:s14+$0x60A0]  }
0x170: {  	v28 =	vld [tilespmem:s14+$0x6130];
	v4 =	vadd.f32 v21, v4;
	[tilespmem:s14+$0xE080] =	vst v5  }
0x171: {  	v30 =	vld [tilespmem:s14+$0x6160];
	v3 =	vadd.f32 v22, v3;
	[tilespmem:s14+$0xE090] =	vst v7  }
0x172: {  	v32 =	vld [tilespmem:s14+$0x6180];
	v1 =	vadd.f32 v24, v1;
	[tilespmem:s14+$0xE0B0] =	vst v4  }
0x173: {  	v34 =	vld [tilespmem:s14+$0x61B0];
	[tilespmem:s14+$0xE0C0] =	vst v3;
	v5 =	vadd.f32 v25, v5  }
0x174: {  	[tilespmem:s14+$0xE0E0] =	vst v1;
	v7 =	vadd.f32 v26, v7;
	v6 =	vadd.f32 v8, v6;
	v8 =	vld [tilespmem:s14+$0x60F0]  }
0x175: {  	v23 =	vld [tilespmem:s14+$0x60D0];
	v4 =	vadd.f32 v28, v4;
	[tilespmem:s14+$0xE100] =	vst v5  }
0x176: {  	v38 =	vld [tilespmem:s14+$0x6200];
	v1 =	vadd.f32 v30, v1;
	[tilespmem:s14+$0xE110] =	vst v7  }
0x177: {  	v29 =	vld [tilespmem:s14+$0x6150];
	[tilespmem:s14+$0xE130] =	vst v4  }
0x178: {  	v36 =	vld [tilespmem:s14+$0x61D0];
	[tilespmem:s14+$0xE160] =	vst v1;
	v5 =	vadd.f32 v32, v5  }
0x179: {  	v4 =	vadd.f32 v34, v4;
	[tilespmem:s14+$0xE050] =	vst v2;
	v0 =	vadd.f32 v8, v0;
	v8 =	vld [tilespmem:s14+$0x6140]  }
0x17a: {  	v27 =	vld [tilespmem:s14+$0x6120];
	v2 =	vadd.f32 v23, v2;
	[tilespmem:s14+$0xE180] =	vst v5  }
0x17b: {  	v42 =	vld [tilespmem:s14+$0x6250];
	[tilespmem:s14+$0xE1B0] =	vst v4;
	v5 =	vadd.f32 v38, v5  }
0x17c: {  	v33 =	vld [tilespmem:s14+$0x61A0];
	[tilespmem:s14+$0xE0D0] =	vst v2;
	v2 =	vadd.f32 v29, v2  }
0x17d: {  	v40 =	vld [tilespmem:s14+$0x6220];
	[tilespmem:s14+$0xE200] =	vst v5  }
0x17e: {  	[tilespmem:s14+$0xE150] =	vst v2;
	v2 =	vadd.f32 v36, v2;
	v3 =	vadd.f32 v8, v3;
	v8 =	vld [tilespmem:s14+$0x6190]  }
0x17f: {  	v31 =	vld [tilespmem:s14+$0x6170];
	[tilespmem:s14+$0xE0A0] =	vst v6;
	v6 =	vadd.f32 v27, v6  }
0x180: {  	v46 =	vld [tilespmem:s14+$0x62A0];
	[tilespmem:s14+$0xE1D0] =	vst v2;
	v2 =	vadd.f32 v42, v2  }
0x181: {  	v37 =	vld [tilespmem:s14+$0x61F0];
	[tilespmem:s14+$0xE120] =	vst v6;
	v6 =	vadd.f32 v33, v6  }
0x182: {  	v44 =	vld [tilespmem:s14+$0x6270];
	[tilespmem:s14+$0xE250] =	vst v2  }
0x183: {  	[tilespmem:s14+$0xE1A0] =	vst v6;
	v6 =	vadd.f32 v40, v6;
	v7 =	vadd.f32 v8, v7;
	v8 =	vld [tilespmem:s14+$0x61E0]  }
0x184: {  	v35 =	vld [tilespmem:s14+$0x61C0];
	[tilespmem:s14+$0xE0F0] =	vst v0;
	v0 =	vadd.f32 v31, v0  }
0x185: {  	v50 =	vld [tilespmem:s14+$0x62F0];
	[tilespmem:s14+$0xE220] =	vst v6;
	v6 =	vadd.f32 v46, v6  }
0x186: {  	v41 =	vld [tilespmem:s14+$0x6240];
	[tilespmem:s14+$0xE170] =	vst v0;
	v0 =	vadd.f32 v37, v0  }
0x187: {  	v48 =	vld [tilespmem:s14+$0x62C0];
	[tilespmem:s14+$0xE2A0] =	vst v6  }
0x188: {  	[tilespmem:s14+$0xE1F0] =	vst v0;
	v0 =	vadd.f32 v44, v0;
	v1 =	vadd.f32 v8, v1;
	v8 =	vld [tilespmem:s14+$0x6230]  }
0x189: {  	v39 =	vld [tilespmem:s14+$0x6210];
	[tilespmem:s14+$0xE140] =	vst v3;
	v3 =	vadd.f32 v35, v3  }
0x18a: {  	v54 =	vld [tilespmem:s14+$0x6340];
	[tilespmem:s14+$0xE270] =	vst v0;
	v0 =	vadd.f32 v50, v0  }
0x18b: {  	v45 =	vld [tilespmem:s14+$0x6290];
	[tilespmem:s14+$0xE1C0] =	vst v3;
	v3 =	vadd.f32 v41, v3  }
0x18c: {  	v52 =	vld [tilespmem:s14+$0x6310];
	[tilespmem:s14+$0xE2F0] =	vst v0  }
0x18d: {  	[tilespmem:s14+$0xE240] =	vst v3;
	v3 =	vadd.f32 v48, v3;
	v4 =	vadd.f32 v8, v4;
	v8 =	vld [tilespmem:s14+$0x6280]  }
0x18e: {  	v43 =	vld [tilespmem:s14+$0x6260];
	[tilespmem:s14+$0xE190] =	vst v7;
	v7 =	vadd.f32 v39, v7  }
0x18f: {  	v58 =	vld [tilespmem:s14+$0x6390];
	[tilespmem:s14+$0xE2C0] =	vst v3;
	v3 =	vadd.f32 v54, v3  }
0x190: {  	v49 =	vld [tilespmem:s14+$0x62E0];
	[tilespmem:s14+$0xE210] =	vst v7;
	v7 =	vadd.f32 v45, v7  }
0x191: {  	v56 =	vld [tilespmem:s14+$0x6360];
	[tilespmem:s14+$0xE340] =	vst v3  }
0x192: {  	[tilespmem:s14+$0xE290] =	vst v7;
	v7 =	vadd.f32 v52, v7;
	v5 =	vadd.f32 v8, v5;
	v8 =	vld [tilespmem:s14+$0x62D0]  }
0x193: {  	v47 =	vld [tilespmem:s14+$0x62B0];
	[tilespmem:s14+$0xE1E0] =	vst v1;
	v1 =	vadd.f32 v43, v1  }
0x194: {  	v62 =	vld [tilespmem:s14+$0x63E0];
	[tilespmem:s14+$0xE310] =	vst v7;
	v7 =	vadd.f32 v58, v7  }
0x195: {  	v53 =	vld [tilespmem:s14+$0x6330];
	[tilespmem:s14+$0xE260] =	vst v1;
	v1 =	vadd.f32 v49, v1  }
0x196: {  	v60 =	vld [tilespmem:s14+$0x63B0];
	[tilespmem:s14+$0xE390] =	vst v7  }
0x197: {  	[tilespmem:s14+$0xE2E0] =	vst v1;
	v1 =	vadd.f32 v56, v1;
	v2 =	vadd.f32 v8, v2;
	v8 =	vld [tilespmem:s14+$0x6320]  }
0x198: {  	v51 =	vld [tilespmem:s14+$0x6300];
	[tilespmem:s14+$0xE230] =	vst v4;
	v4 =	vadd.f32 v47, v4  }
0x199: {  	v55 =	vld [tilespmem:s14+$0x6350];
	[tilespmem:s14+$0xE360] =	vst v1;
	v1 =	vadd.f32 v62, v1  }
0x19a: {  	v57 =	vld [tilespmem:s14+$0x6380];
	[tilespmem:s14+$0xE2B0] =	vst v4;
	v4 =	vadd.f32 v53, v4  }
0x19b: {  	v61 =	vld [tilespmem:s14+$0x63D0];
	[tilespmem:s14+$0xE3E0] =	vst v1  }
0x19c: {  	[tilespmem:s14+$0xE330] =	vst v4;
	v4 =	vadd.f32 v60, v4;
	v6 =	vadd.f32 v8, v6;
	v8 =	vld [tilespmem:s14+$0x6370]  }
0x19d: {  	[tilespmem:s14+$0xE280] =	vst v5  }
0x19e: {  	v5 =	vadd.f32 v51, v5;
	[tilespmem:s14+$0xE3B0] =	vst v4  }
0x19f: {  	v59 =	vld [tilespmem:s14+$0x63A0];
	[tilespmem:s14+$0xE2D0] =	vst v2;
	v2 =	vadd.f32 v55, v2  }
0x1a0: {  	v63 =	vld [tilespmem:s14+$0x63F0];
	[tilespmem:s14+$0xE300] =	vst v5;
	v5 =	vadd.f32 v57, v5  }
0x1a1: {  	[tilespmem:s14+$0xE350] =	vst v2;
	v2 =	vadd.f32 v61, v2;
	v0 =	vadd.f32 v8, v0;
	v8 =	vld [tilespmem:s14+$0x63C0]  }
0x1a2: {  	[tilespmem:s14+$0xE380] =	vst v5  }
0x1a3: {  	p0 =	sne.s32 s10, $0x7000;
	[tilespmem:s14+$0xE3D0] =	vst v2  }
.Ltmp14:
0x1a4: {  	[tilespmem:s14+$0xE320] =	vst v6;
	v6 =	vadd.f32 v59, v6;
	(pc) =	sbr.rel @p0 .LBB2_21-.Ltmp14, $4  }
0x1a5: {  	[tilespmem:s14+$0xE370] =	vst v0;
	v0 =	vadd.f32 v63, v0  }
0x1a6: {  	[tilespmem:s14+$0xE3A0] =	vst v6;
	v3 =	vadd.f32 v8, v3  }
0x1a7: {  	[tilespmem:s14+$0xE3F0] =	vst v0  }
0x1a8: {  	s10 =	sadd.s32 $0x1000, s10;
	[tilespmem:s14+$0xE3C0] =	vst v3  }
0x1a9: {  	p0 =	seq.s32 s0, $0x1F  }
.Ltmp15:
0x1aa: {  	_ = 	snop;
	(pc) =	sbr.rel @p0 .LBB2_24-.Ltmp15, $3  }
0x1ab: {  	_ =	sdelay $0x1  }
0x1ac: {  	s9 =	sadd.s32 s9, s13  }
0x1ad: {  	[hbm4b:s9+s15] =	stream.strided.scatter [tilespmem:s30], [sflag:$0x8], $0x2000, s16, s15, $0x38;
	[tilespmem:$0x10000] =	vst v63  }
0x1ae: {  	s8 =	sadd.s32 $0x7, s8  }
0x1af: {  	s9 =	sshll.u32 s8, $0x5  }
0x1b0: {  	s8 =	sshll.u32 s8, $0x12;
	s9 =	sand.u32 $0x1C00, s9  }
0x1b1: {  	s8 =	sand.u32 $0x7C0000, s8;
	s9 =	sadd.s32 s5, s9  }
.Ltmp16:
0x1b2: {  	s8 =	sor.u32 s8, s9;
	(pc) =	sbr.rel .LBB2_2-.Ltmp16, $4  }
0x1b3: {  	s8 =	sor.u32 s4, s8  }
0x1b4: {  	s8 =	sshrl.u32 s8, $0x3  }
0x1b5: {  	s0 =	sadd.s32 $0x1, s0;
	s8 =	sadd.s32 s2, s8  }
0x1b6: {  	[tilespmem:s19], [sflag:$0x4] =	stream.strided.gather [hbm4b:s8+s15], $0x2000, s16, s15, $0x38;
	[tilespmem:$0x10000] =	vst v63  }
.LBB2_25:
0x1b7: {  	_ =	sfence.sel $0x180000  }
0x1b8: {  	[bflag:$0x0] =	sbarrier.arrive $0xFFFF  }
0x1b9: {  	_ =	strace $0x90000047  }
0x1ba: {  	s0 =	stileid.u32;
	[bflag:$0x2] =	sbarrier.arrive $0xFFFF  }
0x1bb: {  	p0 =	sne.s32 s0, $0x0;
	s0 =	rddreg [dreg:$0x2]  }
0x1bc: {  	s0 =	sadd.s32 @!p0 $0x100000, s0  }
0x1bd: {  	[sflag:s0] =	ssyncadd.tile.s32 @!p0 $0x1;
	_ =	shalt  }
.Lfunc_end2:
_tile_overlayer_lowered:
.L_overlay_start_2:
0x1be: {  	(tag) =	ssettag $0x2  }
0x1bf: {  	s0 =	rddreg [dreg:$0x0];
	s2 =	stileid.u32  }
0x1c0: {  	s1 =	rddreg [dreg:$0x1];
	p0 =	sne.s32 s2, $0x0  }
0x1c1: {  	s3 =	rddreg [dreg:$0x2];
	[bflag:$0x3] =	sbarrier.arrive $0xFFFF;
	s2 =	simm.s32 @!p0 $0x1C09  }
0x1c2: {  	[timem:s3], [sflag:s2] =	dma.local @!p0 [hbm:s0], s1  }
0x1c3: {  	s0 =	simm.s32 @!p0 $0x9  }
0x1c4: {  	_ =	swait.ge @!p0 [sflag:s0], s1  }
0x1c5: {  	s1 =	ssub.s32 @!p0 $0x0, s1;
	[sflag:s0] =	ssyncset.done @!p0 $0x0  }
0x1c6: {  	[sflag:s0] =	ssyncadd.s32 @!p0 s1  }
0x1c7: {  	[bflag:$0x3] =	sbarrier.arrive $0xFFFF  }
0x1c8: {  	_ =	shalt  }

</sc_bundles>
